<compile_context>
chip_gen: v7x
topology: tpu7x:2x2x1
jax: 0.10.2.dev20260603
libtpu: 0.0.44.dev20260713+nightly
codegen_flags: <defaults>
</compile_context>

<pallas_src>
import functools

import jax
import jax.numpy as jnp
from jax import lax
from jax.experimental import pallas as pl
from jax.experimental.pallas import tpu as pltpu, tpu_sc as plsc

OUT_H = 7
OUT_W = 7
SPATIAL_SCALE = 0.25
SAMPLING = 2

NUM_WORKERS = 32
CELLS_PER_CHUNK = 8
CONTRIB = 16
ROWS_PER_CHUNK = CELLS_PER_CHUNK * CONTRIB
LANES = 16


def _axis_terms(start, bin_sz, extent, p, g, d):
    s = start + (p + (g + 0.5) * (1.0 / SAMPLING)) * bin_sz
    valid = (s >= -1.0) & (s <= extent)
    sc = jnp.clip(s, 0.0, extent - 1.0)
    i0 = jnp.clip(jnp.floor(sc).astype(jnp.int32), 0, extent - 1)
    frac = sc - i0.astype(jnp.float32)
    idx = jnp.minimum(i0 + d, extent - 1)
    w = jnp.where(d == 0, 1.0 - frac, frac)
    return idx, jnp.where(valid, w, 0.0)


def _build_indices_weights(rois, N, H, W):
    R = rois.shape[0]
    T = OUT_H * OUT_W * CONTRIB
    bidx = rois[:, 0:1].astype(jnp.int32)
    sx = rois[:, 1:2] * SPATIAL_SCALE - 0.5
    sy = rois[:, 2:3] * SPATIAL_SCALE - 0.5
    ex = rois[:, 3:4] * SPATIAL_SCALE - 0.5
    ey = rois[:, 4:5] * SPATIAL_SCALE - 0.5
    bw = (ex - sx) * (1.0 / OUT_W)
    bh = (ey - sy) * (1.0 / OUT_H)
    t = lax.broadcasted_iota(jnp.int32, (R, T), 1)
    ph = t // 112
    pw = (t // 16) % 7
    gy = (t // 8) % 2
    dy = (t // 4) % 2
    gx = (t // 2) % 2
    dx = t % 2
    yi, yw = _axis_terms(sy, bh, H, ph.astype(jnp.float32),
                         gy.astype(jnp.float32), dy)
    xi, xw = _axis_terms(sx, bw, W, pw.astype(jnp.float32),
                         gx.astype(jnp.float32), dx)
    idx = bidx * (H * W) + yi * W + xi
    wgt = yw * xw * (1.0 / (SAMPLING * SAMPLING))
    return idx.reshape(-1), wgt.astype(jnp.float32).reshape(-1)


def _sc_pool(table, idx, wgt, num_cells, C):
    chunks_total = num_cells // CELLS_PER_CHUNK
    chunks_per_worker = chunks_total // NUM_WORKERS
    mesh = plsc.VectorSubcoreMesh(core_axis_name="c", subcore_axis_name="s")
    rows_per_worker = chunks_per_worker * ROWS_PER_CHUNK

    @functools.partial(
        pl.kernel,
        out_type=jax.ShapeDtypeStruct((num_cells, C), jnp.float32),
        mesh=mesh,
        scratch_types=[
            pltpu.VMEM((chunks_per_worker * ROWS_PER_CHUNK,), jnp.int32),
            pltpu.VMEM((chunks_per_worker * ROWS_PER_CHUNK,), jnp.float32),
            pltpu.VMEM((ROWS_PER_CHUNK, C), jnp.float32),
            pltpu.VMEM((ROWS_PER_CHUNK, C), jnp.float32),
            pltpu.VMEM((CELLS_PER_CHUNK, C), jnp.float32),
            pltpu.VMEM((CELLS_PER_CHUNK, C), jnp.float32),
            pltpu.SemaphoreType.DMA,
            pltpu.SemaphoreType.DMA,
            pltpu.SemaphoreType.DMA,
            pltpu.SemaphoreType.DMA,
        ],
    )
    def run(table_hbm, idx_hbm, wgt_hbm, out_hbm,
            idx_all, wgt_all, rows_v0, rows_v1, out_v0, out_v1,
            gsem0, gsem1, osem0, osem1):
        wid = lax.axis_index("s") * 2 + lax.axis_index("c")
        chunk0 = wid * chunks_per_worker
        row0 = chunk0 * ROWS_PER_CHUNK
        pltpu.sync_copy(idx_hbm.at[pl.ds(row0, rows_per_worker)], idx_all)
        pltpu.sync_copy(wgt_hbm.at[pl.ds(row0, rows_per_worker)], wgt_all)
        slots = ((rows_v0, out_v0, gsem0, osem0),
                 (rows_v1, out_v1, gsem1, osem1))

        def out_copy(g, slot):
            _, out_v, _, osem = slot
            cell_off = (chunk0 + g) * CELLS_PER_CHUNK
            return pltpu.make_async_copy(
                out_v, out_hbm.at[pl.ds(cell_off, CELLS_PER_CHUNK)], osem)

        def start(g, slot):
            rows_v, _, gsem, _ = slot
            pltpu.make_async_copy(table_hbm.at[idx_all.at[pl.ds(g * ROWS_PER_CHUNK, ROWS_PER_CHUNK)]], rows_v, gsem).start()

        def finish(g, slot):
            rows_v, out_v, gsem, _ = slot
            pltpu.make_async_copy(table_hbm.at[idx_all.at[pl.ds(g * ROWS_PER_CHUNK, ROWS_PER_CHUNK)]], rows_v, gsem).wait()

            @pl.when(g >= 2)
            def _():
                out_copy(g - 2, slot).wait()

            def cell_body(c, carry):
                cb = c * CONTRIB
                wv = wgt_all[pl.ds(g * ROWS_PER_CHUNK + cb, CONTRIB)]
                accs = [jnp.zeros((LANES,), jnp.float32)] * (C // LANES)
                dnums = lax.GatherDimensionNumbers(
                    offset_dims=(), collapsed_slice_dims=(0,),
                    start_index_map=(0,))
                for k in range(CONTRIB):
                    w = lax.gather(
                        wv, jnp.full((LANES, 1), k, dtype=jnp.int32), dnums,
                        slice_sizes=(1,),
                        mode=lax.GatherScatterMode.PROMISE_IN_BOUNDS)
                    for v in range(C // LANES):
                        accs[v] = accs[v] + w * rows_v[cb + k, pl.ds(v * LANES, LANES)]
                for v in range(C // LANES):
                    out_v[c, pl.ds(v * LANES, LANES)] = accs[v]
                return carry

            lax.fori_loop(0, CELLS_PER_CHUNK, cell_body, 0)
            out_copy(g, slot).start()

        start(0, slots[0])

        def outer(gp, carry):
            g = gp * 2

            @pl.when(g + 1 < chunks_per_worker)
            def _():
                start(g + 1, slots[1])

            finish(g, slots[0])

            @pl.when(g + 2 < chunks_per_worker)
            def _():
                start(g + 2, slots[0])

            @pl.when(g + 1 < chunks_per_worker)
            def _():
                finish(g + 1, slots[1])

            return carry

        lax.fori_loop(0, (chunks_per_worker + 1) // 2, outer, 0)
        out_copy(chunks_per_worker - 2, slots[0]).wait()
        out_copy(chunks_per_worker - 1, slots[1]).wait()

    return run(table, idx, wgt)


def kernel(input, rois):
    N, C, H, W = input.shape
    R = rois.shape[0]
    table = jnp.transpose(input, (0, 2, 3, 1)).reshape(N * H * W, C)
    idx, wgt = _build_indices_weights(rois, N, H, W)
    num_cells = R * OUT_H * OUT_W
    out = _sc_pool(table, idx, wgt, num_cells, C)
    return out.reshape(R, OUT_H * OUT_W, C).transpose(0, 2, 1).reshape(R, C, OUT_H, OUT_W)

# --- scband reference (transcript-rebuilt; emitter-appended) ---
"""Pipeline reference for scband-ro-ialign-71373766525293 (READ-ONLY COPY).

The authoritative reference and input builder live on the scoring server;
editing this copy changes nothing except your own understanding.
"""

import jax, jax.numpy as jnp
import numpy as np

OUT_H, OUT_W = 7, 7
SPATIAL_SCALE = 0.25
SAMPLING = 2
ALIGNED = True


def setup_inputs(seed: int = 0) -> dict:
    key = jax.random.key(seed)
    k1, k2, k3 = jax.random.split(key, 3)
    N, C, H, W = 4, 256, 128, 128
    x = jax.random.normal(k1, (N, C, H, W), dtype=jnp.float32)
    R = 512
    img = H / SPATIAL_SCALE  # 512.0 image size at stride-4 feature level
    bidx = jax.random.randint(k2, (R,), 0, N).astype(jnp.float32)
    xy = jax.random.uniform(k3, (R, 4), dtype=jnp.float32) * (img - 1.0)
    x1 = jnp.minimum(xy[:, 0], xy[:, 2])
    x2 = jnp.maximum(xy[:, 0], xy[:, 2]) + 1.0
    y1 = jnp.minimum(xy[:, 1], xy[:, 3])
    y2 = jnp.maximum(xy[:, 1], xy[:, 3]) + 1.0
    rois = jnp.stack([bidx, x1, y1, x2, y2], axis=1)
    return {"input": x, "rois": rois}


def _roi_align(feat, rois):
    N, C, H, W = feat.shape
    R = rois.shape[0]
    offset = 0.5 if ALIGNED else 0.0
    bidx = rois[:, 0].astype(jnp.int32)
    sx = rois[:, 1] * SPATIAL_SCALE - offset
    sy = rois[:, 2] * SPATIAL_SCALE - offset
    ex = rois[:, 3] * SPATIAL_SCALE - offset
    ey = rois[:, 4] * SPATIAL_SCALE - offset
    rw = ex - sx
    rh = ey - sy
    if not ALIGNED:
        rw = jnp.maximum(rw, 1.0)
        rh = jnp.maximum(rh, 1.0)
    bh = rh / OUT_H
    bw = rw / OUT_W
    gh = SAMPLING
    gw = SAMPLING
    iy = (jnp.arange(gh, dtype=jnp.float32) + 0.5) / gh
    ix = (jnp.arange(gw, dtype=jnp.float32) + 0.5) / gw
    ph = jnp.arange(OUT_H, dtype=jnp.float32)
    pw = jnp.arange(OUT_W, dtype=jnp.float32)
    # sample y coords: [R, OUT_H, gh]; x coords: [R, OUT_W, gw]
    ys = sy[:, None, None] + (ph[None, :, None] + iy[None, None, :]) * bh[:, None, None]
    xs = sx[:, None, None] + (pw[None, :, None] + ix[None, None, :]) * bw[:, None, None]
    y = jnp.broadcast_to(ys[:, :, :, None, None], (R, OUT_H, gh, OUT_W, gw)).reshape(R, -1)
    x = jnp.broadcast_to(xs[:, None, None, :, :], (R, OUT_H, gh, OUT_W, gw)).reshape(R, -1)
    P = OUT_H * gh * OUT_W * gw
    valid = (y >= -1.0) & (y <= H) & (x >= -1.0) & (x <= W)
    yc = jnp.clip(y, 0.0, H - 1.0)
    xc = jnp.clip(x, 0.0, W - 1.0)
    y0 = jnp.clip(jnp.floor(yc).astype(jnp.int32), 0, H - 1)
    x0 = jnp.clip(jnp.floor(xc).astype(jnp.int32), 0, W - 1)
    y1i = jnp.minimum(y0 + 1, H - 1)
    x1i = jnp.minimum(x0 + 1, W - 1)
    ly = yc - y0.astype(jnp.float32)
    lx = xc - x0.astype(jnp.float32)
    hy = 1.0 - ly
    hx = 1.0 - lx
    b = jnp.broadcast_to(bidx[:, None], (R, P))
    # gathers of the 4 bilinear corners -> [R, P, C]
    v1 = feat[b, :, y0, x0]
    v2 = feat[b, :, y0, x1i]
    v3 = feat[b, :, y1i, x0]
    v4 = feat[b, :, y1i, x1i]
    w1 = (hy * hx)[:, :, None]
    w2 = (hy * lx)[:, :, None]
    w3 = (ly * hx)[:, :, None]
    w4 = (ly * lx)[:, :, None]
    val = w1 * v1 + w2 * v2 + w3 * v3 + w4 * v4
    val = jnp.where(valid[:, :, None], val, 0.0)
    val = val.reshape(R, OUT_H, gh, OUT_W, gw, C)
    out = val.mean(axis=(2, 4))  # avg pool over sampling grid -> [R, OUT_H, OUT_W, C]
    return jnp.transpose(out, (0, 3, 1, 2))


def reference(input, rois):
    return _roi_align(input, rois)

if __name__ == "__main__":
    import jax
    _d = setup_inputs()
    print(jax.jit(kernel)(*tuple(_d.values())))

</pallas_src>

<mosaic_0001>
#map = affine_map<(d0, d1) -> (0, 0)>
#map1 = affine_map<(d0, d1) -> (0)>
module attributes {stable_mosaic.version = 14 : i64} {
  func.func @run(%arg0: i32, %arg1: i32, %arg2: memref<65536x256xf32, #tpu.memory_space<hbm>>, %arg3: memref<401408xi32, #tpu.memory_space<hbm>>, %arg4: memref<401408xf32, #tpu.memory_space<hbm>>, %arg5: memref<25088x256xf32, #tpu.memory_space<hbm>>, %arg6: memref<12544xi32, #tpu.memory_space<vmem>>, %arg7: memref<12544xf32, #tpu.memory_space<vmem>>, %arg8: memref<128x256xf32, #tpu.memory_space<vmem>>, %arg9: memref<128x256xf32, #tpu.memory_space<vmem>>, %arg10: memref<8x256xf32, #tpu.memory_space<vmem>>, %arg11: memref<8x256xf32, #tpu.memory_space<vmem>>, %arg12: memref<!tpu.dma_semaphore, #tpu.memory_space<semaphore_mem>>, %arg13: memref<!tpu.dma_semaphore, #tpu.memory_space<semaphore_mem>>, %arg14: memref<!tpu.dma_semaphore, #tpu.memory_space<semaphore_mem>>, %arg15: memref<!tpu.dma_semaphore, #tpu.memory_space<semaphore_mem>>) attributes {dimension_semantics = [#tpu.dimension_semantics<core_parallel>, #tpu.dimension_semantics<subcore_parallel>], iteration_bounds = array<i64: 2, 16>, scalar_prefetch = 0 : i64, scratch_operands = 10 : i64, tpu.core_type = #tpu.core_type<sc_vector_subcore>, window_params = [{transform_indices = #map}, {transform_indices = #map1}, {transform_indices = #map1}, {transform_indices = #map}]} {
    %mul3A = arith.constant 2 : i32
    %mul3A_0 = arith.muli %arg1, %mul3A : i32
    %add3A = arith.addi %mul3A_0, %arg0 : i32
    %mul3A_1 = arith.constant 98 : i32
    %mul3A_2 = arith.muli %add3A, %mul3A_1 : i32
    %mul3A_3 = arith.constant 128 : i32
    %mul3A_4 = arith.muli %mul3A_2, %mul3A_3 : i32
    "tpu.region"() ({
      %run_scoped3A = tpu.sem_alloc : memref<!tpu.dma_semaphore, #tpu.memory_space<semaphore_mem>>
      %dma_start3A_29 = tpu.memref_slice %arg3[%mul3A_4] : memref<401408xi32, #tpu.memory_space<hbm>> -> memref<12544xi32, #tpu.memory_space<hbm>>
      %dma_start3A_30 = tpu.memref_slice %arg3[%mul3A_4] : memref<401408xi32, #tpu.memory_space<hbm>> -> memref<12544xi32, #tpu.memory_space<hbm>>
      tpu.enqueue_dma source(%dma_start3A_30 : memref<12544xi32, #tpu.memory_space<hbm>>) target(%arg6 : memref<12544xi32, #tpu.memory_space<vmem>>) target_semaphore(%run_scoped3A : memref<!tpu.dma_semaphore, #tpu.memory_space<semaphore_mem>>)
      %dma_wait3A_31 = tpu.memref_slice %arg3[%mul3A_4] : memref<401408xi32, #tpu.memory_space<hbm>> -> memref<12544xi32, #tpu.memory_space<hbm>>
      %dma_wait3A_32 = tpu.memref_slice %arg3[%mul3A_4] : memref<401408xi32, #tpu.memory_space<hbm>> -> memref<12544xi32, #tpu.memory_space<hbm>>
      tpu.wait_dma2 semaphore(%run_scoped3A : memref<!tpu.dma_semaphore, #tpu.memory_space<semaphore_mem>>) src(%dma_wait3A_32 : memref<12544xi32, #tpu.memory_space<hbm>>) dst(%arg6 : memref<12544xi32, #tpu.memory_space<vmem>>)
      tpu.yield
    }) : () -> ()
    "tpu.region"() ({
      %run_scoped3A = tpu.sem_alloc : memref<!tpu.dma_semaphore, #tpu.memory_space<semaphore_mem>>
      %dma_start3A_29 = tpu.memref_slice %arg4[%mul3A_4] : memref<401408xf32, #tpu.memory_space<hbm>> -> memref<12544xf32, #tpu.memory_space<hbm>>
      %dma_start3A_30 = tpu.memref_slice %arg4[%mul3A_4] : memref<401408xf32, #tpu.memory_space<hbm>> -> memref<12544xf32, #tpu.memory_space<hbm>>
      tpu.enqueue_dma source(%dma_start3A_30 : memref<12544xf32, #tpu.memory_space<hbm>>) target(%arg7 : memref<12544xf32, #tpu.memory_space<vmem>>) target_semaphore(%run_scoped3A : memref<!tpu.dma_semaphore, #tpu.memory_space<semaphore_mem>>)
      %dma_wait3A_31 = tpu.memref_slice %arg4[%mul3A_4] : memref<401408xf32, #tpu.memory_space<hbm>> -> memref<12544xf32, #tpu.memory_space<hbm>>
      %dma_wait3A_32 = tpu.memref_slice %arg4[%mul3A_4] : memref<401408xf32, #tpu.memory_space<hbm>> -> memref<12544xf32, #tpu.memory_space<hbm>>
      tpu.wait_dma2 semaphore(%run_scoped3A : memref<!tpu.dma_semaphore, #tpu.memory_space<semaphore_mem>>) src(%dma_wait3A_32 : memref<12544xf32, #tpu.memory_space<hbm>>) dst(%arg7 : memref<12544xf32, #tpu.memory_space<vmem>>)
      tpu.yield
    }) : () -> ()
    %dma_start3A = arith.constant 0 : i32
    %dma_start3A_5 = tpu.memref_slice %arg6[%dma_start3A] : memref<12544xi32, #tpu.memory_space<vmem>> -> memref<128xi32, #tpu.memory_space<vmem>>
    %dma_start3A_6 = arith.constant 0 : i32
    %dma_start3A_7 = arith.constant 0 : i32
    %dma_start3A_8 = tpu.memref_slice %arg2[%dma_start3A_6, %dma_start3A_7] : memref<65536x256xf32, #tpu.memory_space<hbm>> -> memref<65536x256xf32, #tpu.memory_space<hbm>>
    tpu.enqueue_indirect_dma source(%dma_start3A_8 : memref<65536x256xf32, #tpu.memory_space<hbm>>) target(%arg8 : memref<128x256xf32, #tpu.memory_space<vmem>>) offsets(%dma_start3A_5 : memref<128xi32, #tpu.memory_space<vmem>>) semaphore(%arg12 : memref<!tpu.dma_semaphore, #tpu.memory_space<semaphore_mem>>)
    %scan3A = arith.constant 0 : i32
    %scan3A_9 = arith.constant 0 : i32
    %scan3A_10 = arith.constant 49 : i32
    %scan3A_11 = arith.addi %scan3A_9, %scan3A_10 : i32
    %scan3A_12 = arith.constant 1 : i32
    scf.for %scan3A_29 = %scan3A_9 to %scan3A_11 step %scan3A_12  : i32 {
      %mul3A_30 = arith.constant 2 : i32
      %mul3A_31 = arith.muli %scan3A_29, %mul3A_30 : i32
      %add3A_32 = arith.constant 1 : i32
      %add3A_33 = arith.addi %mul3A_31, %add3A_32 : i32
      %lt3A = arith.constant 98 : i32
      %lt3A_34 = arith.cmpi slt, %add3A_33, %lt3A : i32
      %convert_element_type3A = arith.extui %lt3A_34 : i1 to i32
      %cond3A = arith.constant 0 : i32
      %cond3A_35 = arith.cmpi ne, %convert_element_type3A, %cond3A : i32
      scf.if %cond3A_35 {
        %add3A_73 = arith.constant 1 : i32
        %add3A_74 = arith.addi %mul3A_31, %add3A_73 : i32
        %mul3A_75 = arith.constant 128 : i32
        %mul3A_76 = arith.muli %add3A_74, %mul3A_75 : i32
        %dma_start3A_77 = tpu.memref_slice %arg6[%mul3A_76] : memref<12544xi32, #tpu.memory_space<vmem>> -> memref<128xi32, #tpu.memory_space<vmem>>
        %dma_start3A_78 = arith.constant 0 : i32
        %dma_start3A_79 = arith.constant 0 : i32
        %dma_start3A_80 = tpu.memref_slice %arg2[%dma_start3A_78, %dma_start3A_79] : memref<65536x256xf32, #tpu.memory_space<hbm>> -> memref<65536x256xf32, #tpu.memory_space<hbm>>
        tpu.enqueue_indirect_dma source(%dma_start3A_80 : memref<65536x256xf32, #tpu.memory_space<hbm>>) target(%arg9 : memref<128x256xf32, #tpu.memory_space<vmem>>) offsets(%dma_start3A_77 : memref<128xi32, #tpu.memory_space<vmem>>) semaphore(%arg13 : memref<!tpu.dma_semaphore, #tpu.memory_space<semaphore_mem>>)
      } else {
      }
      %mul3A_36 = arith.constant 128 : i32
      %mul3A_37 = arith.muli %mul3A_31, %mul3A_36 : i32
      %dma_wait3A_38 = tpu.memref_slice %arg6[%mul3A_37] : memref<12544xi32, #tpu.memory_space<vmem>> -> memref<128xi32, #tpu.memory_space<vmem>>
      %dma_wait3A_39 = arith.constant 0 : i32
      %dma_wait3A_40 = arith.constant 0 : i32
      %dma_wait3A_41 = tpu.memref_slice %arg2[%dma_wait3A_39, %dma_wait3A_40] : memref<65536x256xf32, #tpu.memory_space<hbm>> -> memref<65536x256xf32, #tpu.memory_space<hbm>>
      tpu.wait_indirect_dma semaphore(%arg12 : memref<!tpu.dma_semaphore, #tpu.memory_space<semaphore_mem>>) src(%dma_wait3A_41 : memref<65536x256xf32, #tpu.memory_space<hbm>>) dst(%arg8 : memref<128x256xf32, #tpu.memory_space<vmem>>)
      %ge3A = arith.constant 2 : i32
      %ge3A_42 = arith.cmpi sge, %mul3A_31, %ge3A : i32
      %convert_element_type3A_43 = arith.extui %ge3A_42 : i1 to i32
      %cond3A_44 = arith.constant 0 : i32
      %cond3A_45 = arith.cmpi ne, %convert_element_type3A_43, %cond3A_44 : i32
      scf.if %cond3A_45 {
        %sub3A = arith.constant 2 : i32
        %sub3A_73 = arith.subi %mul3A_31, %sub3A : i32
        %add3A_74 = arith.addi %mul3A_2, %sub3A_73 : i32
        %mul3A_75 = arith.constant 8 : i32
        %mul3A_76 = arith.muli %add3A_74, %mul3A_75 : i32
        %dma_wait3A_77 = arith.constant 0 : i32
        %dma_wait3A_78 = tpu.memref_slice %arg5[%mul3A_76, %dma_wait3A_77] : memref<25088x256xf32, #tpu.memory_space<hbm>> -> memref<8x256xf32, #tpu.memory_space<hbm>>
        %dma_wait3A_79 = arith.constant 0 : i32
        %dma_wait3A_80 = tpu.memref_slice %arg5[%mul3A_76, %dma_wait3A_79] : memref<25088x256xf32, #tpu.memory_space<hbm>> -> memref<8x256xf32, #tpu.memory_space<hbm>>
        tpu.wait_dma2 semaphore(%arg14 : memref<!tpu.dma_semaphore, #tpu.memory_space<semaphore_mem>>) src(%arg10 : memref<8x256xf32, #tpu.memory_space<vmem>>) dst(%dma_wait3A_80 : memref<8x256xf32, #tpu.memory_space<hbm>>)
      } else {
      }
      %scan3A_46 = arith.constant 0 : i32
      %scan3A_47 = arith.constant 0 : i32
      %scan3A_48 = arith.constant 8 : i32
      %scan3A_49 = arith.addi %scan3A_47, %scan3A_48 : i32
      %scan3A_50 = arith.constant 1 : i32
      scf.for %scan3A_73 = %scan3A_47 to %scan3A_49 step %scan3A_50  : i32 {
        %mul3A_74 = arith.constant 16 : i32
        %mul3A_75 = arith.muli %scan3A_73, %mul3A_74 : i32
        %mul3A_76 = arith.constant 128 : i32
        %mul3A_77 = arith.muli %mul3A_31, %mul3A_76 : i32
        %add3A_78 = arith.addi %mul3A_77, %mul3A_75 : i32
        %get3A = arith.index_cast %add3A_78 : i32 to index
        %get3A_79 = tpu.vector_load %arg7[%get3A] {strides = array<i32>} : memref<12544xf32, #tpu.memory_space<vmem>>, vector<16xf32>,
        %get3A_80 = vector.shape_cast %get3A_79 : vector<16xf32> to vector<16xf32>
        %broadcast_in_dim3A = arith.constant 0.000000e+00 : f32
        %broadcast_in_dim3A_81 = vector.broadcast %broadcast_in_dim3A : f32 to vector<16xf32>
        %broadcast_in_dim3A_82 = arith.constant 0 : i32
        %broadcast_in_dim3A_83 = vector.broadcast %broadcast_in_dim3A_82 : i32 to vector<16x1xi32>
        %gather3A = vector.shape_cast %broadcast_in_dim3A_83 : vector<16x1xi32> to vector<16xi32>
        %gather3A_84 = tpu.dynamic_gather %get3A_80[%gather3A] in [0] : vector<16xf32>, vector<16xi32> -> vector<16xf32>
        %add3A_85 = arith.constant 0 : i32
        %add3A_86 = arith.addi %mul3A_75, %add3A_85 : i32
        %get3A_87 = arith.index_cast %add3A_86 : i32 to index
        %get3A_88 = arith.constant 0 : index
        %get3A_89 = tpu.vector_load %arg8[%get3A_87, %get3A_88] {strides = array<i32>} : memref<128x256xf32, #tpu.memory_space<vmem>>, vector<1x16xf32>,
        %get3A_90 = vector.shape_cast %get3A_89 : vector<1x16xf32> to vector<16xf32>
        %mul3A_91 = arith.mulf %gather3A_84, %get3A_90 : vector<16xf32>
        %add3A_92 = arith.addf %broadcast_in_dim3A_81, %mul3A_91 : vector<16xf32>
        %add3A_93 = arith.constant 0 : i32
        %add3A_94 = arith.addi %mul3A_75, %add3A_93 : i32
        %get3A_95 = arith.index_cast %add3A_94 : i32 to index
        %get3A_96 = arith.constant 16 : index
        %get3A_97 = tpu.vector_load %arg8[%get3A_95, %get3A_96] {strides = array<i32>} : memref<128x256xf32, #tpu.memory_space<vmem>>, vector<1x16xf32>,
        %get3A_98 = vector.shape_cast %get3A_97 : vector<1x16xf32> to vector<16xf32>
        %mul3A_99 = arith.mulf %gather3A_84, %get3A_98 : vector<16xf32>
        %add3A_100 = arith.addf %broadcast_in_dim3A_81, %mul3A_99 : vector<16xf32>
        %add3A_101 = arith.constant 0 : i32
        %add3A_102 = arith.addi %mul3A_75, %add3A_101 : i32
        %get3A_103 = arith.index_cast %add3A_102 : i32 to index
        %get3A_104 = arith.constant 32 : index
        %get3A_105 = tpu.vector_load %arg8[%get3A_103, %get3A_104] {strides = array<i32>} : memref<128x256xf32, #tpu.memory_space<vmem>>, vector<1x16xf32>,
        %get3A_106 = vector.shape_cast %get3A_105 : vector<1x16xf32> to vector<16xf32>
        %mul3A_107 = arith.mulf %gather3A_84, %get3A_106 : vector<16xf32>
        %add3A_108 = arith.addf %broadcast_in_dim3A_81, %mul3A_107 : vector<16xf32>
        %add3A_109 = arith.constant 0 : i32
        %add3A_110 = arith.addi %mul3A_75, %add3A_109 : i32
        %get3A_111 = arith.index_cast %add3A_110 : i32 to index
        %get3A_112 = arith.constant 48 : index
        %get3A_113 = tpu.vector_load %arg8[%get3A_111, %get3A_112] {strides = array<i32>} : memref<128x256xf32, #tpu.memory_space<vmem>>, vector<1x16xf32>,
        %get3A_114 = vector.shape_cast %get3A_113 : vector<1x16xf32> to vector<16xf32>
        %mul3A_115 = arith.mulf %gather3A_84, %get3A_114 : vector<16xf32>
        %add3A_116 = arith.addf %broadcast_in_dim3A_81, %mul3A_115 : vector<16xf32>
        %add3A_117 = arith.constant 0 : i32
        %add3A_118 = arith.addi %mul3A_75, %add3A_117 : i32
        %get3A_119 = arith.index_cast %add3A_118 : i32 to index
        %get3A_120 = arith.constant 64 : index
        %get3A_121 = tpu.vector_load %arg8[%get3A_119, %get3A_120] {strides = array<i32>} : memref<128x256xf32, #tpu.memory_space<vmem>>, vector<1x16xf32>,
        %get3A_122 = vector.shape_cast %get3A_121 : vector<1x16xf32> to vector<16xf32>
        %mul3A_123 = arith.mulf %gather3A_84, %get3A_122 : vector<16xf32>
        %add3A_124 = arith.addf %broadcast_in_dim3A_81, %mul3A_123 : vector<16xf32>
        %add3A_125 = arith.constant 0 : i32
        %add3A_126 = arith.addi %mul3A_75, %add3A_125 : i32
        %get3A_127 = arith.index_cast %add3A_126 : i32 to index
        %get3A_128 = arith.constant 80 : index
        %get3A_129 = tpu.vector_load %arg8[%get3A_127, %get3A_128] {strides = array<i32>} : memref<128x256xf32, #tpu.memory_space<vmem>>, vector<1x16xf32>,
        %get3A_130 = vector.shape_cast %get3A_129 : vector<1x16xf32> to vector<16xf32>
        %mul3A_131 = arith.mulf %gather3A_84, %get3A_130 : vector<16xf32>
        %add3A_132 = arith.addf %broadcast_in_dim3A_81, %mul3A_131 : vector<16xf32>
        %add3A_133 = arith.constant 0 : i32
        %add3A_134 = arith.addi %mul3A_75, %add3A_133 : i32
        %get3A_135 = arith.index_cast %add3A_134 : i32 to index
        %get3A_136 = arith.constant 96 : index
        %get3A_137 = tpu.vector_load %arg8[%get3A_135, %get3A_136] {strides = array<i32>} : memref<128x256xf32, #tpu.memory_space<vmem>>, vector<1x16xf32>,
        %get3A_138 = vector.shape_cast %get3A_137 : vector<1x16xf32> to vector<16xf32>
        %mul3A_139 = arith.mulf %gather3A_84, %get3A_138 : vector<16xf32>
        %add3A_140 = arith.addf %broadcast_in_dim3A_81, %mul3A_139 : vector<16xf32>
        %add3A_141 = arith.constant 0 : i32
        %add3A_142 = arith.addi %mul3A_75, %add3A_141 : i32
        %get3A_143 = arith.index_cast %add3A_142 : i32 to index
        %get3A_144 = arith.constant 112 : index
        %get3A_145 = tpu.vector_load %arg8[%get3A_143, %get3A_144] {strides = array<i32>} : memref<128x256xf32, #tpu.memory_space<vmem>>, vector<1x16xf32>,
        %get3A_146 = vector.shape_cast %get3A_145 : vector<1x16xf32> to vector<16xf32>
        %mul3A_147 = arith.mulf %gather3A_84, %get3A_146 : vector<16xf32>
        %add3A_148 = arith.addf %broadcast_in_dim3A_81, %mul3A_147 : vector<16xf32>
        %add3A_149 = arith.constant 0 : i32
        %add3A_150 = arith.addi %mul3A_75, %add3A_149 : i32
        %get3A_151 = arith.index_cast %add3A_150 : i32 to index
        %get3A_152 = arith.constant 128 : index
        %get3A_153 = tpu.vector_load %arg8[%get3A_151, %get3A_152] {strides = array<i32>} : memref<128x256xf32, #tpu.memory_space<vmem>>, vector<1x16xf32>,
        %get3A_154 = vector.shape_cast %get3A_153 : vector<1x16xf32> to vector<16xf32>
        %mul3A_155 = arith.mulf %gather3A_84, %get3A_154 : vector<16xf32>
        %add3A_156 = arith.addf %broadcast_in_dim3A_81, %mul3A_155 : vector<16xf32>
        %add3A_157 = arith.constant 0 : i32
        %add3A_158 = arith.addi %mul3A_75, %add3A_157 : i32
        %get3A_159 = arith.index_cast %add3A_158 : i32 to index
        %get3A_160 = arith.constant 144 : index
        %get3A_161 = tpu.vector_load %arg8[%get3A_159, %get3A_160] {strides = array<i32>} : memref<128x256xf32, #tpu.memory_space<vmem>>, vector<1x16xf32>,
        %get3A_162 = vector.shape_cast %get3A_161 : vector<1x16xf32> to vector<16xf32>
        %mul3A_163 = arith.mulf %gather3A_84, %get3A_162 : vector<16xf32>
        %add3A_164 = arith.addf %broadcast_in_dim3A_81, %mul3A_163 : vector<16xf32>
        %add3A_165 = arith.constant 0 : i32
        %add3A_166 = arith.addi %mul3A_75, %add3A_165 : i32
        %get3A_167 = arith.index_cast %add3A_166 : i32 to index
        %get3A_168 = arith.constant 160 : index
        %get3A_169 = tpu.vector_load %arg8[%get3A_167, %get3A_168] {strides = array<i32>} : memref<128x256xf32, #tpu.memory_space<vmem>>, vector<1x16xf32>,
        %get3A_170 = vector.shape_cast %get3A_169 : vector<1x16xf32> to vector<16xf32>
        %mul3A_171 = arith.mulf %gather3A_84, %get3A_170 : vector<16xf32>
        %add3A_172 = arith.addf %broadcast_in_dim3A_81, %mul3A_171 : vector<16xf32>
        %add3A_173 = arith.constant 0 : i32
        %add3A_174 = arith.addi %mul3A_75, %add3A_173 : i32
        %get3A_175 = arith.index_cast %add3A_174 : i32 to index
        %get3A_176 = arith.constant 176 : index
        %get3A_177 = tpu.vector_load %arg8[%get3A_175, %get3A_176] {strides = array<i32>} : memref<128x256xf32, #tpu.memory_space<vmem>>, vector<1x16xf32>,
        %get3A_178 = vector.shape_cast %get3A_177 : vector<1x16xf32> to vector<16xf32>
        %mul3A_179 = arith.mulf %gather3A_84, %get3A_178 : vector<16xf32>
        %add3A_180 = arith.addf %broadcast_in_dim3A_81, %mul3A_179 : vector<16xf32>
        %add3A_181 = arith.constant 0 : i32
        %add3A_182 = arith.addi %mul3A_75, %add3A_181 : i32
        %get3A_183 = arith.index_cast %add3A_182 : i32 to index
        %get3A_184 = arith.constant 192 : index
        %get3A_185 = tpu.vector_load %arg8[%get3A_183, %get3A_184] {strides = array<i32>} : memref<128x256xf32, #tpu.memory_space<vmem>>, vector<1x16xf32>,
        %get3A_186 = vector.shape_cast %get3A_185 : vector<1x16xf32> to vector<16xf32>
        %mul3A_187 = arith.mulf %gather3A_84, %get3A_186 : vector<16xf32>
        %add3A_188 = arith.addf %broadcast_in_dim3A_81, %mul3A_187 : vector<16xf32>
        %add3A_189 = arith.constant 0 : i32
        %add3A_190 = arith.addi %mul3A_75, %add3A_189 : i32
        %get3A_191 = arith.index_cast %add3A_190 : i32 to index
        %get3A_192 = arith.constant 208 : index
        %get3A_193 = tpu.vector_load %arg8[%get3A_191, %get3A_192] {strides = array<i32>} : memref<128x256xf32, #tpu.memory_space<vmem>>, vector<1x16xf32>,
        %get3A_194 = vector.shape_cast %get3A_193 : vector<1x16xf32> to vector<16xf32>
        %mul3A_195 = arith.mulf %gather3A_84, %get3A_194 : vector<16xf32>
        %add3A_196 = arith.addf %broadcast_in_dim3A_81, %mul3A_195 : vector<16xf32>
        %add3A_197 = arith.constant 0 : i32
        %add3A_198 = arith.addi %mul3A_75, %add3A_197 : i32
        %get3A_199 = arith.index_cast %add3A_198 : i32 to index
        %get3A_200 = arith.constant 224 : index
        %get3A_201 = tpu.vector_load %arg8[%get3A_199, %get3A_200] {strides = array<i32>} : memref<128x256xf32, #tpu.memory_space<vmem>>, vector<1x16xf32>,
        %get3A_202 = vector.shape_cast %get3A_201 : vector<1x16xf32> to vector<16xf32>
        %mul3A_203 = arith.mulf %gather3A_84, %get3A_202 : vector<16xf32>
        %add3A_204 = arith.addf %broadcast_in_dim3A_81, %mul3A_203 : vector<16xf32>
        %add3A_205 = arith.constant 0 : i32
        %add3A_206 = arith.addi %mul3A_75, %add3A_205 : i32
        %get3A_207 = arith.index_cast %add3A_206 : i32 to index
        %get3A_208 = arith.constant 240 : index
        %get3A_209 = tpu.vector_load %arg8[%get3A_207, %get3A_208] {strides = array<i32>} : memref<128x256xf32, #tpu.memory_space<vmem>>, vector<1x16xf32>,
        %get3A_210 = vector.shape_cast %get3A_209 : vector<1x16xf32> to vector<16xf32>
        %mul3A_211 = arith.mulf %gather3A_84, %get3A_210 : vector<16xf32>
        %add3A_212 = arith.addf %broadcast_in_dim3A_81, %mul3A_211 : vector<16xf32>
        %broadcast_in_dim3A_213 = arith.constant 1 : i32
        %broadcast_in_dim3A_214 = vector.broadcast %broadcast_in_dim3A_213 : i32 to vector<16x1xi32>
        %gather3A_215 = vector.shape_cast %broadcast_in_dim3A_214 : vector<16x1xi32> to vector<16xi32>
        %gather3A_216 = tpu.dynamic_gather %get3A_80[%gather3A_215] in [0] : vector<16xf32>, vector<16xi32> -> vector<16xf32>
        %add3A_217 = arith.constant 1 : i32
        %add3A_218 = arith.addi %mul3A_75, %add3A_217 : i32
        %get3A_219 = arith.index_cast %add3A_218 : i32 to index
        %get3A_220 = arith.constant 0 : index
        %get3A_221 = tpu.vector_load %arg8[%get3A_219, %get3A_220] {strides = array<i32>} : memref<128x256xf32, #tpu.memory_space<vmem>>, vector<1x16xf32>,
        %get3A_222 = vector.shape_cast %get3A_221 : vector<1x16xf32> to vector<16xf32>
        %mul3A_223 = arith.mulf %gather3A_216, %get3A_222 : vector<16xf32>
        %add3A_224 = arith.addf %add3A_92, %mul3A_223 : vector<16xf32>
        %add3A_225 = arith.constant 1 : i32
        %add3A_226 = arith.addi %mul3A_75, %add3A_225 : i32
        %get3A_227 = arith.index_cast %add3A_226 : i32 to index
        %get3A_228 = arith.constant 16 : index
        %get3A_229 = tpu.vector_load %arg8[%get3A_227, %get3A_228] {strides = array<i32>} : memref<128x256xf32, #tpu.memory_space<vmem>>, vector<1x16xf32>,
        %get3A_230 = vector.shape_cast %get3A_229 : vector<1x16xf32> to vector<16xf32>
        %mul3A_231 = arith.mulf %gather3A_216, %get3A_230 : vector<16xf32>
        %add3A_232 = arith.addf %add3A_100, %mul3A_231 : vector<16xf32>
        %add3A_233 = arith.constant 1 : i32
        %add3A_234 = arith.addi %mul3A_75, %add3A_233 : i32
        %get3A_235 = arith.index_cast %add3A_234 : i32 to index
        %get3A_236 = arith.constant 32 : index
        %get3A_237 = tpu.vector_load %arg8[%get3A_235, %get3A_236] {strides = array<i32>} : memref<128x256xf32, #tpu.memory_space<vmem>>, vector<1x16xf32>,
        %get3A_238 = vector.shape_cast %get3A_237 : vector<1x16xf32> to vector<16xf32>
        %mul3A_239 = arith.mulf %gather3A_216, %get3A_238 : vector<16xf32>
        %add3A_240 = arith.addf %add3A_108, %mul3A_239 : vector<16xf32>
        %add3A_241 = arith.constant 1 : i32
        %add3A_242 = arith.addi %mul3A_75, %add3A_241 : i32
        %get3A_243 = arith.index_cast %add3A_242 : i32 to index
        %get3A_244 = arith.constant 48 : index
        %get3A_245 = tpu.vector_load %arg8[%get3A_243, %get3A_244] {strides = array<i32>} : memref<128x256xf32, #tpu.memory_space<vmem>>, vector<1x16xf32>,
        %get3A_246 = vector.shape_cast %get3A_245 : vector<1x16xf32> to vector<16xf32>
        %mul3A_247 = arith.mulf %gather3A_216, %get3A_246 : vector<16xf32>
        %add3A_248 = arith.addf %add3A_116, %mul3A_247 : vector<16xf32>
        %add3A_249 = arith.constant 1 : i32
        %add3A_250 = arith.addi %mul3A_75, %add3A_249 : i32
        %get3A_251 = arith.index_cast %add3A_250 : i32 to index
        %get3A_252 = arith.constant 64 : index
        %get3A_253 = tpu.vector_load %arg8[%get3A_251, %get3A_252] {strides = array<i32>} : memref<128x256xf32, #tpu.memory_space<vmem>>, vector<1x16xf32>,
        %get3A_254 = vector.shape_cast %get3A_253 : vector<1x16xf32> to vector<16xf32>
        %mul3A_255 = arith.mulf %gather3A_216, %get3A_254 : vector<16xf32>
        %add3A_256 = arith.addf %add3A_124, %mul3A_255 : vector<16xf32>
        %add3A_257 = arith.constant 1 : i32
        %add3A_258 = arith.addi %mul3A_75, %add3A_257 : i32
        %get3A_259 = arith.index_cast %add3A_258 : i32 to index
        %get3A_260 = arith.constant 80 : index
        %get3A_261 = tpu.vector_load %arg8[%get3A_259, %get3A_260] {strides = array<i32>} : memref<128x256xf32, #tpu.memory_space<vmem>>, vector<1x16xf32>,
        %get3A_262 = vector.shape_cast %get3A_261 : vector<1x16xf32> to vector<16xf32>
        %mul3A_263 = arith.mulf %gather3A_216, %get3A_262 : vector<16xf32>
        %add3A_264 = arith.addf %add3A_132, %mul3A_263 : vector<16xf32>
        %add3A_265 = arith.constant 1 : i32
        %add3A_266 = arith.addi %mul3A_75, %add3A_265 : i32
        %get3A_267 = arith.index_cast %add3A_266 : i32 to index
        %get3A_268 = arith.constant 96 : index
        %get3A_269 = tpu.vector_load %arg8[%get3A_267, %get3A_268] {strides = array<i32>} : memref<128x256xf32, #tpu.memory_space<vmem>>, vector<1x16xf32>,
        %get3A_270 = vector.shape_cast %get3A_269 : vector<1x16xf32> to vector<16xf32>
        %mul3A_271 = arith.mulf %gather3A_216, %get3A_270 : vector<16xf32>
        %add3A_272 = arith.addf %add3A_140, %mul3A_271 : vector<16xf32>
        %add3A_273 = arith.constant 1 : i32
        %add3A_274 = arith.addi %mul3A_75, %add3A_273 : i32
        %get3A_275 = arith.index_cast %add3A_274 : i32 to index
        %get3A_276 = arith.constant 112 : index
        %get3A_277 = tpu.vector_load %arg8[%get3A_275, %get3A_276] {strides = array<i32>} : memref<128x256xf32, #tpu.memory_space<vmem>>, vector<1x16xf32>,
        %get3A_278 = vector.shape_cast %get3A_277 : vector<1x16xf32> to vector<16xf32>
        %mul3A_279 = arith.mulf %gather3A_216, %get3A_278 : vector<16xf32>
        %add3A_280 = arith.addf %add3A_148, %mul3A_279 : vector<16xf32>
        %add3A_281 = arith.constant 1 : i32
        %add3A_282 = arith.addi %mul3A_75, %add3A_281 : i32
        %get3A_283 = arith.index_cast %add3A_282 : i32 to index
        %get3A_284 = arith.constant 128 : index
        %get3A_285 = tpu.vector_load %arg8[%get3A_283, %get3A_284] {strides = array<i32>} : memref<128x256xf32, #tpu.memory_space<vmem>>, vector<1x16xf32>,
        %get3A_286 = vector.shape_cast %get3A_285 : vector<1x16xf32> to vector<16xf32>
        %mul3A_287 = arith.mulf %gather3A_216, %get3A_286 : vector<16xf32>
        %add3A_288 = arith.addf %add3A_156, %mul3A_287 : vector<16xf32>
        %add3A_289 = arith.constant 1 : i32
        %add3A_290 = arith.addi %mul3A_75, %add3A_289 : i32
        %get3A_291 = arith.index_cast %add3A_290 : i32 to index
        %get3A_292 = arith.constant 144 : index
        %get3A_293 = tpu.vector_load %arg8[%get3A_291, %get3A_292] {strides = array<i32>} : memref<128x256xf32, #tpu.memory_space<vmem>>, vector<1x16xf32>,
        %get3A_294 = vector.shape_cast %get3A_293 : vector<1x16xf32> to vector<16xf32>
        %mul3A_295 = arith.mulf %gather3A_216, %get3A_294 : vector<16xf32>
        %add3A_296 = arith.addf %add3A_164, %mul3A_295 : vector<16xf32>
        %add3A_297 = arith.constant 1 : i32
        %add3A_298 = arith.addi %mul3A_75, %add3A_297 : i32
        %get3A_299 = arith.index_cast %add3A_298 : i32 to index
        %get3A_300 = arith.constant 160 : index
        %get3A_301 = tpu.vector_load %arg8[%get3A_299, %get3A_300] {strides = array<i32>} : memref<128x256xf32, #tpu.memory_space<vmem>>, vector<1x16xf32>,
        %get3A_302 = vector.shape_cast %get3A_301 : vector<1x16xf32> to vector<16xf32>
        %mul3A_303 = arith.mulf %gather3A_216, %get3A_302 : vector<16xf32>
        %add3A_304 = arith.addf %add3A_172, %mul3A_303 : vector<16xf32>
        %add3A_305 = arith.constant 1 : i32
        %add3A_306 = arith.addi %mul3A_75, %add3A_305 : i32
        %get3A_307 = arith.index_cast %add3A_306 : i32 to index
        %get3A_308 = arith.constant 176 : index
        %get3A_309 = tpu.vector_load %arg8[%get3A_307, %get3A_308] {strides = array<i32>} : memref<128x256xf32, #tpu.memory_space<vmem>>, vector<1x16xf32>,
        %get3A_310 = vector.shape_cast %get3A_309 : vector<1x16xf32> to vector<16xf32>
        %mul3A_311 = arith.mulf %gather3A_216, %get3A_310 : vector<16xf32>
        %add3A_312 = arith.addf %add3A_180, %mul3A_311 : vector<16xf32>
        %add3A_313 = arith.constant 1 : i32
        %add3A_314 = arith.addi %mul3A_75, %add3A_313 : i32
        %get3A_315 = arith.index_cast %add3A_314 : i32 to index
        %get3A_316 = arith.constant 192 : index
        %get3A_317 = tpu.vector_load %arg8[%get3A_315, %get3A_316] {strides = array<i32>} : memref<128x256xf32, #tpu.memory_space<vmem>>, vector<1x16xf32>,
        %get3A_318 = vector.shape_cast %get3A_317 : vector<1x16xf32> to vector<16xf32>
        %mul3A_319 = arith.mulf %gather3A_216, %get3A_318 : vector<16xf32>
        %add3A_320 = arith.addf %add3A_188, %mul3A_319 : vector<16xf32>
        %add3A_321 = arith.constant 1 : i32
        %add3A_322 = arith.addi %mul3A_75, %add3A_321 : i32
        %get3A_323 = arith.index_cast %add3A_322 : i32 to index
        %get3A_324 = arith.constant 208 : index
        %get3A_325 = tpu.vector_load %arg8[%get3A_323, %get3A_324] {strides = array<i32>} : memref<128x256xf32, #tpu.memory_space<vmem>>, vector<1x16xf32>,
        %get3A_326 = vector.shape_cast %get3A_325 : vector<1x16xf32> to vector<16xf32>
        %mul3A_327 = arith.mulf %gather3A_216, %get3A_326 : vector<16xf32>
        %add3A_328 = arith.addf %add3A_196, %mul3A_327 : vector<16xf32>
        %add3A_329 = arith.constant 1 : i32
        %add3A_330 = arith.addi %mul3A_75, %add3A_329 : i32
        %get3A_331 = arith.index_cast %add3A_330 : i32 to index
        %get3A_332 = arith.constant 224 : index
        %get3A_333 = tpu.vector_load %arg8[%get3A_331, %get3A_332] {strides = array<i32>} : memref<128x256xf32, #tpu.memory_space<vmem>>, vector<1x16xf32>,
        %get3A_334 = vector.shape_cast %get3A_333 : vector<1x16xf32> to vector<16xf32>
        %mul3A_335 = arith.mulf %gather3A_216, %get3A_334 : vector<16xf32>
        %add3A_336 = arith.addf %add3A_204, %mul3A_335 : vector<16xf32>
        %add3A_337 = arith.constant 1 : i32
        %add3A_338 = arith.addi %mul3A_75, %add3A_337 : i32
        %get3A_339 = arith.index_cast %add3A_338 : i32 to index
        %get3A_340 = arith.constant 240 : index
        %get3A_341 = tpu.vector_load %arg8[%get3A_339, %get3A_340] {strides = array<i32>} : memref<128x256xf32, #tpu.memory_space<vmem>>, vector<1x16xf32>,
        %get3A_342 = vector.shape_cast %get3A_341 : vector<1x16xf32> to vector<16xf32>
        %mul3A_343 = arith.mulf %gather3A_216, %get3A_342 : vector<16xf32>
        %add3A_344 = arith.addf %add3A_212, %mul3A_343 : vector<16xf32>
        %broadcast_in_dim3A_345 = arith.constant 2 : i32
        %broadcast_in_dim3A_346 = vector.broadcast %broadcast_in_dim3A_345 : i32 to vector<16x1xi32>
        %gather3A_347 = vector.shape_cast %broadcast_in_dim3A_346 : vector<16x1xi32> to vector<16xi32>
        %gather3A_348 = tpu.dynamic_gather %get3A_80[%gather3A_347] in [0] : vector<16xf32>, vector<16xi32> -> vector<16xf32>
        %add3A_349 = arith.constant 2 : i32
        %add3A_350 = arith.addi %mul3A_75, %add3A_349 : i32
        %get3A_351 = arith.index_cast %add3A_350 : i32 to index
        %get3A_352 = arith.constant 0 : index
        %get3A_353 = tpu.vector_load %arg8[%get3A_351, %get3A_352] {strides = array<i32>} : memref<128x256xf32, #tpu.memory_space<vmem>>, vector<1x16xf32>,
        %get3A_354 = vector.shape_cast %get3A_353 : vector<1x16xf32> to vector<16xf32>
        %mul3A_355 = arith.mulf %gather3A_348, %get3A_354 : vector<16xf32>
        %add3A_356 = arith.addf %add3A_224, %mul3A_355 : vector<16xf32>
        %add3A_357 = arith.constant 2 : i32
        %add3A_358 = arith.addi %mul3A_75, %add3A_357 : i32
        %get3A_359 = arith.index_cast %add3A_358 : i32 to index
        %get3A_360 = arith.constant 16 : index
        %get3A_361 = tpu.vector_load %arg8[%get3A_359, %get3A_360] {strides = array<i32>} : memref<128x256xf32, #tpu.memory_space<vmem>>, vector<1x16xf32>,
        %get3A_362 = vector.shape_cast %get3A_361 : vector<1x16xf32> to vector<16xf32>
        %mul3A_363 = arith.mulf %gather3A_348, %get3A_362 : vector<16xf32>
        %add3A_364 = arith.addf %add3A_232, %mul3A_363 : vector<16xf32>
        %add3A_365 = arith.constant 2 : i32
        %add3A_366 = arith.addi %mul3A_75, %add3A_365 : i32
        %get3A_367 = arith.index_cast %add3A_366 : i32 to index
        %get3A_368 = arith.constant 32 : index
        %get3A_369 = tpu.vector_load %arg8[%get3A_367, %get3A_368] {strides = array<i32>} : memref<128x256xf32, #tpu.memory_space<vmem>>, vector<1x16xf32>,
        %get3A_370 = vector.shape_cast %get3A_369 : vector<1x16xf32> to vector<16xf32>
        %mul3A_371 = arith.mulf %gather3A_348, %get3A_370 : vector<16xf32>
        %add3A_372 = arith.addf %add3A_240, %mul3A_371 : vector<16xf32>
        %add3A_373 = arith.constant 2 : i32
        %add3A_374 = arith.addi %mul3A_75, %add3A_373 : i32
        %get3A_375 = arith.index_cast %add3A_374 : i32 to index
        %get3A_376 = arith.constant 48 : index
        %get3A_377 = tpu.vector_load %arg8[%get3A_375, %get3A_376] {strides = array<i32>} : memref<128x256xf32, #tpu.memory_space<vmem>>, vector<1x16xf32>,
        %get3A_378 = vector.shape_cast %get3A_377 : vector<1x16xf32> to vector<16xf32>
        %mul3A_379 = arith.mulf %gather3A_348, %get3A_378 : vector<16xf32>
        %add3A_380 = arith.addf %add3A_248, %mul3A_379 : vector<16xf32>
        %add3A_381 = arith.constant 2 : i32
        %add3A_382 = arith.addi %mul3A_75, %add3A_381 : i32
        %get3A_383 = arith.index_cast %add3A_382 : i32 to index
        %get3A_384 = arith.constant 64 : index
        %get3A_385 = tpu.vector_load %arg8[%get3A_383, %get3A_384] {strides = array<i32>} : memref<128x256xf32, #tpu.memory_space<vmem>>, vector<1x16xf32>,
        %get3A_386 = vector.shape_cast %get3A_385 : vector<1x16xf32> to vector<16xf32>
        %mul3A_387 = arith.mulf %gather3A_348, %get3A_386 : vector<16xf32>
        %add3A_388 = arith.addf %add3A_256, %mul3A_387 : vector<16xf32>
        %add3A_389 = arith.constant 2 : i32
        %add3A_390 = arith.addi %mul3A_75, %add3A_389 : i32
        %get3A_391 = arith.index_cast %add3A_390 : i32 to index
        %get3A_392 = arith.constant 80 : index
        %get3A_393 = tpu.vector_load %arg8[%get3A_391, %get3A_392] {strides = array<i32>} : memref<128x256xf32, #tpu.memory_space<vmem>>, vector<1x16xf32>,
        %get3A_394 = vector.shape_cast %get3A_393 : vector<1x16xf32> to vector<16xf32>
        %mul3A_395 = arith.mulf %gather3A_348, %get3A_394 : vector<16xf32>
        %add3A_396 = arith.addf %add3A_264, %mul3A_395 : vector<16xf32>
        %add3A_397 = arith.constant 2 : i32
        %add3A_398 = arith.addi %mul3A_75, %add3A_397 : i32
        %get3A_399 = arith.index_cast %add3A_398 : i32 to index
        %get3A_400 = arith.constant 96 : index
        %get3A_401 = tpu.vector_load %arg8[%get3A_399, %get3A_400] {strides = array<i32>} : memref<128x256xf32, #tpu.memory_space<vmem>>, vector<1x16xf32>,
        %get3A_402 = vector.shape_cast %get3A_401 : vector<1x16xf32> to vector<16xf32>
        %mul3A_403 = arith.mulf %gather3A_348, %get3A_402 : vector<16xf32>
        %add3A_404 = arith.addf %add3A_272, %mul3A_403 : vector<16xf32>
        %add3A_405 = arith.constant 2 : i32
        %add3A_406 = arith.addi %mul3A_75, %add3A_405 : i32
        %get3A_407 = arith.index_cast %add3A_406 : i32 to index
        %get3A_408 = arith.constant 112 : index
        %get3A_409 = tpu.vector_load %arg8[%get3A_407, %get3A_408] {strides = array<i32>} : memref<128x256xf32, #tpu.memory_space<vmem>>, vector<1x16xf32>,
        %get3A_410 = vector.shape_cast %get3A_409 : vector<1x16xf32> to vector<16xf32>
        %mul3A_411 = arith.mulf %gather3A_348, %get3A_410 : vector<16xf32>
        %add3A_412 = arith.addf %add3A_280, %mul3A_411 : vector<16xf32>
        %add3A_413 = arith.constant 2 : i32
        %add3A_414 = arith.addi %mul3A_75, %add3A_413 : i32
        %get3A_415 = arith.index_cast %add3A_414 : i32 to index
        %get3A_416 = arith.constant 128 : index
        %get3A_417 = tpu.vector_load %arg8[%get3A_415, %get3A_416] {strides = array<i32>} : memref<128x256xf32, #tpu.memory_space<vmem>>, vector<1x16xf32>,
        %get3A_418 = vector.shape_cast %get3A_417 : vector<1x16xf32> to vector<16xf32>
        %mul3A_419 = arith.mulf %gather3A_348, %get3A_418 : vector<16xf32>
        %add3A_420 = arith.addf %add3A_288, %mul3A_419 : vector<16xf32>
        %add3A_421 = arith.constant 2 : i32
        %add3A_422 = arith.addi %mul3A_75, %add3A_421 : i32
        %get3A_423 = arith.index_cast %add3A_422 : i32 to index
        %get3A_424 = arith.constant 144 : index
        %get3A_425 = tpu.vector_load %arg8[%get3A_423, %get3A_424] {strides = array<i32>} : memref<128x256xf32, #tpu.memory_space<vmem>>, vector<1x16xf32>,
        %get3A_426 = vector.shape_cast %get3A_425 : vector<1x16xf32> to vector<16xf32>
        %mul3A_427 = arith.mulf %gather3A_348, %get3A_426 : vector<16xf32>
        %add3A_428 = arith.addf %add3A_296, %mul3A_427 : vector<16xf32>
        %add3A_429 = arith.constant 2 : i32
        %add3A_430 = arith.addi %mul3A_75, %add3A_429 : i32
        %get3A_431 = arith.index_cast %add3A_430 : i32 to index
        %get3A_432 = arith.constant 160 : index
        %get3A_433 = tpu.vector_load %arg8[%get3A_431, %get3A_432] {strides = array<i32>} : memref<128x256xf32, #tpu.memory_space<vmem>>, vector<1x16xf32>,
        %get3A_434 = vector.shape_cast %get3A_433 : vector<1x16xf32> to vector<16xf32>
        %mul3A_435 = arith.mulf %gather3A_348, %get3A_434 : vector<16xf32>
        %add3A_436 = arith.addf %add3A_304, %mul3A_435 : vector<16xf32>
        %add3A_437 = arith.constant 2 : i32
        %add3A_438 = arith.addi %mul3A_75, %add3A_437 : i32
        %get3A_439 = arith.index_cast %add3A_438 : i32 to index
        %get3A_440 = arith.constant 176 : index
        %get3A_441 = tpu.vector_load %arg8[%get3A_439, %get3A_440] {strides = array<i32>} : memref<128x256xf32, #tpu.memory_space<vmem>>, vector<1x16xf32>,
        %get3A_442 = vector.shape_cast %get3A_441 : vector<1x16xf32> to vector<16xf32>
        %mul3A_443 = arith.mulf %gather3A_348, %get3A_442 : vector<16xf32>
        %add3A_444 = arith.addf %add3A_312, %mul3A_443 : vector<16xf32>
        %add3A_445 = arith.constant 2 : i32
        %add3A_446 = arith.addi %mul3A_75, %add3A_445 : i32
        %get3A_447 = arith.index_cast %add3A_446 : i32 to index
        %get3A_448 = arith.constant 192 : index
        %get3A_449 = tpu.vector_load %arg8[%get3A_447, %get3A_448] {strides = array<i32>} : memref<128x256xf32, #tpu.memory_space<vmem>>, vector<1x16xf32>,
        %get3A_450 = vector.shape_cast %get3A_449 : vector<1x16xf32> to vector<16xf32>
        %mul3A_451 = arith.mulf %gather3A_348, %get3A_450 : vector<16xf32>
        %add3A_452 = arith.addf %add3A_320, %mul3A_451 : vector<16xf32>
        %add3A_453 = arith.constant 2 : i32
        %add3A_454 = arith.addi %mul3A_75, %add3A_453 : i32
        %get3A_455 = arith.index_cast %add3A_454 : i32 to index
        %get3A_456 = arith.constant 208 : index
        %get3A_457 = tpu.vector_load %arg8[%get3A_455, %get3A_456] {strides = array<i32>} : memref<128x256xf32, #tpu.memory_space<vmem>>, vector<1x16xf32>,
        %get3A_458 = vector.shape_cast %get3A_457 : vector<1x16xf32> to vector<16xf32>
        %mul3A_459 = arith.mulf %gather3A_348, %get3A_458 : vector<16xf32>
        %add3A_460 = arith.addf %add3A_328, %mul3A_459 : vector<16xf32>
        %add3A_461 = arith.constant 2 : i32
        %add3A_462 = arith.addi %mul3A_75, %add3A_461 : i32
        %get3A_463 = arith.index_cast %add3A_462 : i32 to index
        %get3A_464 = arith.constant 224 : index
        %get3A_465 = tpu.vector_load %arg8[%get3A_463, %get3A_464] {strides = array<i32>} : memref<128x256xf32, #tpu.memory_space<vmem>>, vector<1x16xf32>,
        %get3A_466 = vector.shape_cast %get3A_465 : vector<1x16xf32> to vector<16xf32>
        %mul3A_467 = arith.mulf %gather3A_348, %get3A_466 : vector<16xf32>
        %add3A_468 = arith.addf %add3A_336, %mul3A_467 : vector<16xf32>
        %add3A_469 = arith.constant 2 : i32
        %add3A_470 = arith.addi %mul3A_75, %add3A_469 : i32
        %get3A_471 = arith.index_cast %add3A_470 : i32 to index
        %get3A_472 = arith.constant 240 : index
        %get3A_473 = tpu.vector_load %arg8[%get3A_471, %get3A_472] {strides = array<i32>} : memref<128x256xf32, #tpu.memory_space<vmem>>, vector<1x16xf32>,
        %get3A_474 = vector.shape_cast %get3A_473 : vector<1x16xf32> to vector<16xf32>
        %mul3A_475 = arith.mulf %gather3A_348, %get3A_474 : vector<16xf32>
        %add3A_476 = arith.addf %add3A_344, %mul3A_475 : vector<16xf32>
        %broadcast_in_dim3A_477 = arith.constant 3 : i32
        %broadcast_in_dim3A_478 = vector.broadcast %broadcast_in_dim3A_477 : i32 to vector<16x1xi32>
        %gather3A_479 = vector.shape_cast %broadcast_in_dim3A_478 : vector<16x1xi32> to vector<16xi32>
        %gather3A_480 = tpu.dynamic_gather %get3A_80[%gather3A_479] in [0] : vector<16xf32>, vector<16xi32> -> vector<16xf32>
        %add3A_481 = arith.constant 3 : i32
        %add3A_482 = arith.addi %mul3A_75, %add3A_481 : i32
        %get3A_483 = arith.index_cast %add3A_482 : i32 to index
        %get3A_484 = arith.constant 0 : index
        %get3A_485 = tpu.vector_load %arg8[%get3A_483, %get3A_484] {strides = array<i32>} : memref<128x256xf32, #tpu.memory_space<vmem>>, vector<1x16xf32>,
        %get3A_486 = vector.shape_cast %get3A_485 : vector<1x16xf32> to vector<16xf32>
        %mul3A_487 = arith.mulf %gather3A_480, %get3A_486 : vector<16xf32>
        %add3A_488 = arith.addf %add3A_356, %mul3A_487 : vector<16xf32>
        %add3A_489 = arith.constant 3 : i32
        %add3A_490 = arith.addi %mul3A_75, %add3A_489 : i32
        %get3A_491 = arith.index_cast %add3A_490 : i32 to index
        %get3A_492 = arith.constant 16 : index
        %get3A_493 = tpu.vector_load %arg8[%get3A_491, %get3A_492] {strides = array<i32>} : memref<128x256xf32, #tpu.memory_space<vmem>>, vector<1x16xf32>,
        %get3A_494 = vector.shape_cast %get3A_493 : vector<1x16xf32> to vector<16xf32>
        %mul3A_495 = arith.mulf %gather3A_480, %get3A_494 : vector<16xf32>
        %add3A_496 = arith.addf %add3A_364, %mul3A_495 : vector<16xf32>
        %add3A_497 = arith.constant 3 : i32
        %add3A_498 = arith.addi %mul3A_75, %add3A_497 : i32
        %get3A_499 = arith.index_cast %add3A_498 : i32 to index
        %get3A_500 = arith.constant 32 : index
        %get3A_501 = tpu.vector_load %arg8[%get3A_499, %get3A_500] {strides = array<i32>} : memref<128x256xf32, #tpu.memory_space<vmem>>, vector<1x16xf32>,
        %get3A_502 = vector.shape_cast %get3A_501 : vector<1x16xf32> to vector<16xf32>
        %mul3A_503 = arith.mulf %gather3A_480, %get3A_502 : vector<16xf32>
        %add3A_504 = arith.addf %add3A_372, %mul3A_503 : vector<16xf32>
        %add3A_505 = arith.constant 3 : i32
        %add3A_506 = arith.addi %mul3A_75, %add3A_505 : i32
        %get3A_507 = arith.index_cast %add3A_506 : i32 to index
        %get3A_508 = arith.constant 48 : index
        %get3A_509 = tpu.vector_load %arg8[%get3A_507, %get3A_508] {strides = array<i32>} : memref<128x256xf32, #tpu.memory_space<vmem>>, vector<1x16xf32>,
        %get3A_510 = vector.shape_cast %get3A_509 : vector<1x16xf32> to vector<16xf32>
        %mul3A_511 = arith.mulf %gather3A_480, %get3A_510 : vector<16xf32>
        %add3A_512 = arith.addf %add3A_380, %mul3A_511 : vector<16xf32>
        %add3A_513 = arith.constant 3 : i32
        %add3A_514 = arith.addi %mul3A_75, %add3A_513 : i32
        %get3A_515 = arith.index_cast %add3A_514 : i32 to index
        %get3A_516 = arith.constant 64 : index
        %get3A_517 = tpu.vector_load %arg8[%get3A_515, %get3A_516] {strides = array<i32>} : memref<128x256xf32, #tpu.memory_space<vmem>>, vector<1x16xf32>,
        %get3A_518 = vector.shape_cast %get3A_517 : vector<1x16xf32> to vector<16xf32>
        %mul3A_519 = arith.mulf %gather3A_480, %get3A_518 : vector<16xf32>
        %add3A_520 = arith.addf %add3A_388, %mul3A_519 : vector<16xf32>
        %add3A_521 = arith.constant 3 : i32
        %add3A_522 = arith.addi %mul3A_75, %add3A_521 : i32
        %get3A_523 = arith.index_cast %add3A_522 : i32 to index
        %get3A_524 = arith.constant 80 : index
        %get3A_525 = tpu.vector_load %arg8[%get3A_523, %get3A_524] {strides = array<i32>} : memref<128x256xf32, #tpu.memory_space<vmem>>, vector<1x16xf32>,
        %get3A_526 = vector.shape_cast %get3A_525 : vector<1x16xf32> to vector<16xf32>
        %mul3A_527 = arith.mulf %gather3A_480, %get3A_526 : vector<16xf32>
        %add3A_528 = arith.addf %add3A_396, %mul3A_527 : vector<16xf32>
        %add3A_529 = arith.constant 3 : i32
        %add3A_530 = arith.addi %mul3A_75, %add3A_529 : i32
        %get3A_531 = arith.index_cast %add3A_530 : i32 to index
        %get3A_532 = arith.constant 96 : index
        %get3A_533 = tpu.vector_load %arg8[%get3A_531, %get3A_532] {strides = array<i32>} : memref<128x256xf32, #tpu.memory_space<vmem>>, vector<1x16xf32>,
        %get3A_534 = vector.shape_cast %get3A_533 : vector<1x16xf32> to vector<16xf32>
        %mul3A_535 = arith.mulf %gather3A_480, %get3A_534 : vector<16xf32>
        %add3A_536 = arith.addf %add3A_404, %mul3A_535 : vector<16xf32>
        %add3A_537 = arith.constant 3 : i32
        %add3A_538 = arith.addi %mul3A_75, %add3A_537 : i32
        %get3A_539 = arith.index_cast %add3A_538 : i32 to index
        %get3A_540 = arith.constant 112 : index
        %get3A_541 = tpu.vector_load %arg8[%get3A_539, %get3A_540] {strides = array<i32>} : memref<128x256xf32, #tpu.memory_space<vmem>>, vector<1x16xf32>,
        %get3A_542 = vector.shape_cast %get3A_541 : vector<1x16xf32> to vector<16xf32>
        %mul3A_543 = arith.mulf %gather3A_480, %get3A_542 : vector<16xf32>
        %add3A_544 = arith.addf %add3A_412, %mul3A_543 : vector<16xf32>
        %add3A_545 = arith.constant 3 : i32
        %add3A_546 = arith.addi %mul3A_75, %add3A_545 : i32
        %get3A_547 = arith.index_cast %add3A_546 : i32 to index
        %get3A_548 = arith.constant 128 : index
        %get3A_549 = tpu.vector_load %arg8[%get3A_547, %get3A_548] {strides = array<i32>} : memref<128x256xf32, #tpu.memory_space<vmem>>, vector<1x16xf32>,
        %get3A_550 = vector.shape_cast %get3A_549 : vector<1x16xf32> to vector<16xf32>
        %mul3A_551 = arith.mulf %gather3A_480, %get3A_550 : vector<16xf32>
        %add3A_552 = arith.addf %add3A_420, %mul3A_551 : vector<16xf32>
        %add3A_553 = arith.constant 3 : i32
        %add3A_554 = arith.addi %mul3A_75, %add3A_553 : i32
        %get3A_555 = arith.index_cast %add3A_554 : i32 to index
        %get3A_556 = arith.constant 144 : index
        %get3A_557 = tpu.vector_load %arg8[%get3A_555, %get3A_556] {strides = array<i32>} : memref<128x256xf32, #tpu.memory_space<vmem>>, vector<1x16xf32>,
        %get3A_558 = vector.shape_cast %get3A_557 : vector<1x16xf32> to vector<16xf32>
        %mul3A_559 = arith.mulf %gather3A_480, %get3A_558 : vector<16xf32>
        %add3A_560 = arith.addf %add3A_428, %mul3A_559 : vector<16xf32>
        %add3A_561 = arith.constant 3 : i32
        %add3A_562 = arith.addi %mul3A_75, %add3A_561 : i32
        %get3A_563 = arith.index_cast %add3A_562 : i32 to index
        %get3A_564 = arith.constant 160 : index
        %get3A_565 = tpu.vector_load %arg8[%get3A_563, %get3A_564] {strides = array<i32>} : memref<128x256xf32, #tpu.memory_space<vmem>>, vector<1x16xf32>,
        %get3A_566 = vector.shape_cast %get3A_565 : vector<1x16xf32> to vector<16xf32>
        %mul3A_567 = arith.mulf %gather3A_480, %get3A_566 : vector<16xf32>
        %add3A_568 = arith.addf %add3A_436, %mul3A_567 : vector<16xf32>
        %add3A_569 = arith.constant 3 : i32
        %add3A_570 = arith.addi %mul3A_75, %add3A_569 : i32
        %get3A_571 = arith.index_cast %add3A_570 : i32 to index
        %get3A_572 = arith.constant 176 : index
        %get3A_573 = tpu.vector_load %arg8[%get3A_571, %get3A_572] {strides = array<i32>} : memref<128x256xf32, #tpu.memory_space<vmem>>, vector<1x16xf32>,
        %get3A_574 = vector.shape_cast %get3A_573 : vector<1x16xf32> to vector<16xf32>
        %mul3A_575 = arith.mulf %gather3A_480, %get3A_574 : vector<16xf32>
        %add3A_576 = arith.addf %add3A_444, %mul3A_575 : vector<16xf32>
        %add3A_577 = arith.constant 3 : i32
        %add3A_578 = arith.addi %mul3A_75, %add3A_577 : i32
        %get3A_579 = arith.index_cast %add3A_578 : i32 to index
        %get3A_580 = arith.constant 192 : index
        %get3A_581 = tpu.vector_load %arg8[%get3A_579, %get3A_580] {strides = array<i32>} : memref<128x256xf32, #tpu.memory_space<vmem>>, vector<1x16xf32>,
        %get3A_582 = vector.shape_cast %get3A_581 : vector<1x16xf32> to vector<16xf32>
        %mul3A_583 = arith.mulf %gather3A_480, %get3A_582 : vector<16xf32>
        %add3A_584 = arith.addf %add3A_452, %mul3A_583 : vector<16xf32>
        %add3A_585 = arith.constant 3 : i32
        %add3A_586 = arith.addi %mul3A_75, %add3A_585 : i32
        %get3A_587 = arith.index_cast %add3A_586 : i32 to index
        %get3A_588 = arith.constant 208 : index
        %get3A_589 = tpu.vector_load %arg8[%get3A_587, %get3A_588] {strides = array<i32>} : memref<128x256xf32, #tpu.memory_space<vmem>>, vector<1x16xf32>,
        %get3A_590 = vector.shape_cast %get3A_589 : vector<1x16xf32> to vector<16xf32>
        %mul3A_591 = arith.mulf %gather3A_480, %get3A_590 : vector<16xf32>
        %add3A_592 = arith.addf %add3A_460, %mul3A_591 : vector<16xf32>
        %add3A_593 = arith.constant 3 : i32
        %add3A_594 = arith.addi %mul3A_75, %add3A_593 : i32
        %get3A_595 = arith.index_cast %add3A_594 : i32 to index
        %get3A_596 = arith.constant 224 : index
        %get3A_597 = tpu.vector_load %arg8[%get3A_595, %get3A_596] {strides = array<i32>} : memref<128x256xf32, #tpu.memory_space<vmem>>, vector<1x16xf32>,
        %get3A_598 = vector.shape_cast %get3A_597 : vector<1x16xf32> to vector<16xf32>
        %mul3A_599 = arith.mulf %gather3A_480, %get3A_598 : vector<16xf32>
        %add3A_600 = arith.addf %add3A_468, %mul3A_599 : vector<16xf32>
        %add3A_601 = arith.constant 3 : i32
        %add3A_602 = arith.addi %mul3A_75, %add3A_601 : i32
        %get3A_603 = arith.index_cast %add3A_602 : i32 to index
        %get3A_604 = arith.constant 240 : index
        %get3A_605 = tpu.vector_load %arg8[%get3A_603, %get3A_604] {strides = array<i32>} : memref<128x256xf32, #tpu.memory_space<vmem>>, vector<1x16xf32>,
        %get3A_606 = vector.shape_cast %get3A_605 : vector<1x16xf32> to vector<16xf32>
        %mul3A_607 = arith.mulf %gather3A_480, %get3A_606 : vector<16xf32>
        %add3A_608 = arith.addf %add3A_476, %mul3A_607 : vector<16xf32>
        %broadcast_in_dim3A_609 = arith.constant 4 : i32
        %broadcast_in_dim3A_610 = vector.broadcast %broadcast_in_dim3A_609 : i32 to vector<16x1xi32>
        %gather3A_611 = vector.shape_cast %broadcast_in_dim3A_610 : vector<16x1xi32> to vector<16xi32>
        %gather3A_612 = tpu.dynamic_gather %get3A_80[%gather3A_611] in [0] : vector<16xf32>, vector<16xi32> -> vector<16xf32>
        %add3A_613 = arith.constant 4 : i32
        %add3A_614 = arith.addi %mul3A_75, %add3A_613 : i32
        %get3A_615 = arith.index_cast %add3A_614 : i32 to index
        %get3A_616 = arith.constant 0 : index
        %get3A_617 = tpu.vector_load %arg8[%get3A_615, %get3A_616] {strides = array<i32>} : memref<128x256xf32, #tpu.memory_space<vmem>>, vector<1x16xf32>,
        %get3A_618 = vector.shape_cast %get3A_617 : vector<1x16xf32> to vector<16xf32>
        %mul3A_619 = arith.mulf %gather3A_612, %get3A_618 : vector<16xf32>
        %add3A_620 = arith.addf %add3A_488, %mul3A_619 : vector<16xf32>
        %add3A_621 = arith.constant 4 : i32
        %add3A_622 = arith.addi %mul3A_75, %add3A_621 : i32
        %get3A_623 = arith.index_cast %add3A_622 : i32 to index
        %get3A_624 = arith.constant 16 : index
        %get3A_625 = tpu.vector_load %arg8[%get3A_623, %get3A_624] {strides = array<i32>} : memref<128x256xf32, #tpu.memory_space<vmem>>, vector<1x16xf32>,
        %get3A_626 = vector.shape_cast %get3A_625 : vector<1x16xf32> to vector<16xf32>
        %mul3A_627 = arith.mulf %gather3A_612, %get3A_626 : vector<16xf32>
        %add3A_628 = arith.addf %add3A_496, %mul3A_627 : vector<16xf32>
        %add3A_629 = arith.constant 4 : i32
        %add3A_630 = arith.addi %mul3A_75, %add3A_629 : i32
        %get3A_631 = arith.index_cast %add3A_630 : i32 to index
        %get3A_632 = arith.constant 32 : index
        %get3A_633 = tpu.vector_load %arg8[%get3A_631, %get3A_632] {strides = array<i32>} : memref<128x256xf32, #tpu.memory_space<vmem>>, vector<1x16xf32>,
        %get3A_634 = vector.shape_cast %get3A_633 : vector<1x16xf32> to vector<16xf32>
        %mul3A_635 = arith.mulf %gather3A_612, %get3A_634 : vector<16xf32>
        %add3A_636 = arith.addf %add3A_504, %mul3A_635 : vector<16xf32>
        %add3A_637 = arith.constant 4 : i32
        %add3A_638 = arith.addi %mul3A_75, %add3A_637 : i32
        %get3A_639 = arith.index_cast %add3A_638 : i32 to index
        %get3A_640 = arith.constant 48 : index
        %get3A_641 = tpu.vector_load %arg8[%get3A_639, %get3A_640] {strides = array<i32>} : memref<128x256xf32, #tpu.memory_space<vmem>>, vector<1x16xf32>,
        %get3A_642 = vector.shape_cast %get3A_641 : vector<1x16xf32> to vector<16xf32>
        %mul3A_643 = arith.mulf %gather3A_612, %get3A_642 : vector<16xf32>
        %add3A_644 = arith.addf %add3A_512, %mul3A_643 : vector<16xf32>
        %add3A_645 = arith.constant 4 : i32
        %add3A_646 = arith.addi %mul3A_75, %add3A_645 : i32
        %get3A_647 = arith.index_cast %add3A_646 : i32 to index
        %get3A_648 = arith.constant 64 : index
        %get3A_649 = tpu.vector_load %arg8[%get3A_647, %get3A_648] {strides = array<i32>} : memref<128x256xf32, #tpu.memory_space<vmem>>, vector<1x16xf32>,
        %get3A_650 = vector.shape_cast %get3A_649 : vector<1x16xf32> to vector<16xf32>
        %mul3A_651 = arith.mulf %gather3A_612, %get3A_650 : vector<16xf32>
        %add3A_652 = arith.addf %add3A_520, %mul3A_651 : vector<16xf32>
        %add3A_653 = arith.constant 4 : i32
        %add3A_654 = arith.addi %mul3A_75, %add3A_653 : i32
        %get3A_655 = arith.index_cast %add3A_654 : i32 to index
        %get3A_656 = arith.constant 80 : index
        %get3A_657 = tpu.vector_load %arg8[%get3A_655, %get3A_656] {strides = array<i32>} : memref<128x256xf32, #tpu.memory_space<vmem>>, vector<1x16xf32>,
        %get3A_658 = vector.shape_cast %get3A_657 : vector<1x16xf32> to vector<16xf32>
        %mul3A_659 = arith.mulf %gather3A_612, %get3A_658 : vector<16xf32>
        %add3A_660 = arith.addf %add3A_528, %mul3A_659 : vector<16xf32>
        %add3A_661 = arith.constant 4 : i32
        %add3A_662 = arith.addi %mul3A_75, %add3A_661 : i32
        %get3A_663 = arith.index_cast %add3A_662 : i32 to index
        %get3A_664 = arith.constant 96 : index
        %get3A_665 = tpu.vector_load %arg8[%get3A_663, %get3A_664] {strides = array<i32>} : memref<128x256xf32, #tpu.memory_space<vmem>>, vector<1x16xf32>,
        %get3A_666 = vector.shape_cast %get3A_665 : vector<1x16xf32> to vector<16xf32>
        %mul3A_667 = arith.mulf %gather3A_612, %get3A_666 : vector<16xf32>
        %add3A_668 = arith.addf %add3A_536, %mul3A_667 : vector<16xf32>
        %add3A_669 = arith.constant 4 : i32
        %add3A_670 = arith.addi %mul3A_75, %add3A_669 : i32
        %get3A_671 = arith.index_cast %add3A_670 : i32 to index
        %get3A_672 = arith.constant 112 : index
        %get3A_673 = tpu.vector_load %arg8[%get3A_671, %get3A_672] {strides = array<i32>} : memref<128x256xf32, #tpu.memory_space<vmem>>, vector<1x16xf32>,
        %get3A_674 = vector.shape_cast %get3A_673 : vector<1x16xf32> to vector<16xf32>
        %mul3A_675 = arith.mulf %gather3A_612, %get3A_674 : vector<16xf32>
        %add3A_676 = arith.addf %add3A_544, %mul3A_675 : vector<16xf32>
        %add3A_677 = arith.constant 4 : i32
        %add3A_678 = arith.addi %mul3A_75, %add3A_677 : i32
        %get3A_679 = arith.index_cast %add3A_678 : i32 to index
        %get3A_680 = arith.constant 128 : index
        %get3A_681 = tpu.vector_load %arg8[%get3A_679, %get3A_680] {strides = array<i32>} : memref<128x256xf32, #tpu.memory_space<vmem>>, vector<1x16xf32>,
        %get3A_682 = vector.shape_cast %get3A_681 : vector<1x16xf32> to vector<16xf32>
        %mul3A_683 = arith.mulf %gather3A_612, %get3A_682 : vector<16xf32>
        %add3A_684 = arith.addf %add3A_552, %mul3A_683 : vector<16xf32>
        %add3A_685 = arith.constant 4 : i32
        %add3A_686 = arith.addi %mul3A_75, %add3A_685 : i32
        %get3A_687 = arith.index_cast %add3A_686 : i32 to index
        %get3A_688 = arith.constant 144 : index
        %get3A_689 = tpu.vector_load %arg8[%get3A_687, %get3A_688] {strides = array<i32>} : memref<128x256xf32, #tpu.memory_space<vmem>>, vector<1x16xf32>,
        %get3A_690 = vector.shape_cast %get3A_689 : vector<1x16xf32> to vector<16xf32>
        %mul3A_691 = arith.mulf %gather3A_612, %get3A_690 : vector<16xf32>
        %add3A_692 = arith.addf %add3A_560, %mul3A_691 : vector<16xf32>
        %add3A_693 = arith.constant 4 : i32
        %add3A_694 = arith.addi %mul3A_75, %add3A_693 : i32
        %get3A_695 = arith.index_cast %add3A_694 : i32 to index
        %get3A_696 = arith.constant 160 : index
        %get3A_697 = tpu.vector_load %arg8[%get3A_695, %get3A_696] {strides = array<i32>} : memref<128x256xf32, #tpu.memory_space<vmem>>, vector<1x16xf32>,
        %get3A_698 = vector.shape_cast %get3A_697 : vector<1x16xf32> to vector<16xf32>
        %mul3A_699 = arith.mulf %gather3A_612, %get3A_698 : vector<16xf32>
        %add3A_700 = arith.addf %add3A_568, %mul3A_699 : vector<16xf32>
        %add3A_701 = arith.constant 4 : i32
        %add3A_702 = arith.addi %mul3A_75, %add3A_701 : i32
        %get3A_703 = arith.index_cast %add3A_702 : i32 to index
        %get3A_704 = arith.constant 176 : index
        %get3A_705 = tpu.vector_load %arg8[%get3A_703, %get3A_704] {strides = array<i32>} : memref<128x256xf32, #tpu.memory_space<vmem>>, vector<1x16xf32>,
        %get3A_706 = vector.shape_cast %get3A_705 : vector<1x16xf32> to vector<16xf32>
        %mul3A_707 = arith.mulf %gather3A_612, %get3A_706 : vector<16xf32>
        %add3A_708 = arith.addf %add3A_576, %mul3A_707 : vector<16xf32>
        %add3A_709 = arith.constant 4 : i32
        %add3A_710 = arith.addi %mul3A_75, %add3A_709 : i32
        %get3A_711 = arith.index_cast %add3A_710 : i32 to index
        %get3A_712 = arith.constant 192 : index
        %get3A_713 = tpu.vector_load %arg8[%get3A_711, %get3A_712] {strides = array<i32>} : memref<128x256xf32, #tpu.memory_space<vmem>>, vector<1x16xf32>,
        %get3A_714 = vector.shape_cast %get3A_713 : vector<1x16xf32> to vector<16xf32>
        %mul3A_715 = arith.mulf %gather3A_612, %get3A_714 : vector<16xf32>
        %add3A_716 = arith.addf %add3A_584, %mul3A_715 : vector<16xf32>
        %add3A_717 = arith.constant 4 : i32
        %add3A_718 = arith.addi %mul3A_75, %add3A_717 : i32
        %get3A_719 = arith.index_cast %add3A_718 : i32 to index
        %get3A_720 = arith.constant 208 : index
        %get3A_721 = tpu.vector_load %arg8[%get3A_719, %get3A_720] {strides = array<i32>} : memref<128x256xf32, #tpu.memory_space<vmem>>, vector<1x16xf32>,
        %get3A_722 = vector.shape_cast %get3A_721 : vector<1x16xf32> to vector<16xf32>
        %mul3A_723 = arith.mulf %gather3A_612, %get3A_722 : vector<16xf32>
        %add3A_724 = arith.addf %add3A_592, %mul3A_723 : vector<16xf32>
        %add3A_725 = arith.constant 4 : i32
        %add3A_726 = arith.addi %mul3A_75, %add3A_725 : i32
        %get3A_727 = arith.index_cast %add3A_726 : i32 to index
        %get3A_728 = arith.constant 224 : index
        %get3A_729 = tpu.vector_load %arg8[%get3A_727, %get3A_728] {strides = array<i32>} : memref<128x256xf32, #tpu.memory_space<vmem>>, vector<1x16xf32>,
        %get3A_730 = vector.shape_cast %get3A_729 : vector<1x16xf32> to vector<16xf32>
        %mul3A_731 = arith.mulf %gather3A_612, %get3A_730 : vector<16xf32>
        %add3A_732 = arith.addf %add3A_600, %mul3A_731 : vector<16xf32>
        %add3A_733 = arith.constant 4 : i32
        %add3A_734 = arith.addi %mul3A_75, %add3A_733 : i32
        %get3A_735 = arith.index_cast %add3A_734 : i32 to index
        %get3A_736 = arith.constant 240 : index
        %get3A_737 = tpu.vector_load %arg8[%get3A_735, %get3A_736] {strides = array<i32>} : memref<128x256xf32, #tpu.memory_space<vmem>>, vector<1x16xf32>,
        %get3A_738 = vector.shape_cast %get3A_737 : vector<1x16xf32> to vector<16xf32>
        %mul3A_739 = arith.mulf %gather3A_612, %get3A_738 : vector<16xf32>
        %add3A_740 = arith.addf %add3A_608, %mul3A_739 : vector<16xf32>
        %broadcast_in_dim3A_741 = arith.constant 5 : i32
        %broadcast_in_dim3A_742 = vector.broadcast %broadcast_in_dim3A_741 : i32 to vector<16x1xi32>
        %gather3A_743 = vector.shape_cast %broadcast_in_dim3A_742 : vector<16x1xi32> to vector<16xi32>
        %gather3A_744 = tpu.dynamic_gather %get3A_80[%gather3A_743] in [0] : vector<16xf32>, vector<16xi32> -> vector<16xf32>
        %add3A_745 = arith.constant 5 : i32
        %add3A_746 = arith.addi %mul3A_75, %add3A_745 : i32
        %get3A_747 = arith.index_cast %add3A_746 : i32 to index
        %get3A_748 = arith.constant 0 : index
        %get3A_749 = tpu.vector_load %arg8[%get3A_747, %get3A_748] {strides = array<i32>} : memref<128x256xf32, #tpu.memory_space<vmem>>, vector<1x16xf32>,
        %get3A_750 = vector.shape_cast %get3A_749 : vector<1x16xf32> to vector<16xf32>
        %mul3A_751 = arith.mulf %gather3A_744, %get3A_750 : vector<16xf32>
        %add3A_752 = arith.addf %add3A_620, %mul3A_751 : vector<16xf32>
        %add3A_753 = arith.constant 5 : i32
        %add3A_754 = arith.addi %mul3A_75, %add3A_753 : i32
        %get3A_755 = arith.index_cast %add3A_754 : i32 to index
        %get3A_756 = arith.constant 16 : index
        %get3A_757 = tpu.vector_load %arg8[%get3A_755, %get3A_756] {strides = array<i32>} : memref<128x256xf32, #tpu.memory_space<vmem>>, vector<1x16xf32>,
        %get3A_758 = vector.shape_cast %get3A_757 : vector<1x16xf32> to vector<16xf32>
        %mul3A_759 = arith.mulf %gather3A_744, %get3A_758 : vector<16xf32>
        %add3A_760 = arith.addf %add3A_628, %mul3A_759 : vector<16xf32>
        %add3A_761 = arith.constant 5 : i32
        %add3A_762 = arith.addi %mul3A_75, %add3A_761 : i32
        %get3A_763 = arith.index_cast %add3A_762 : i32 to index
        %get3A_764 = arith.constant 32 : index
        %get3A_765 = tpu.vector_load %arg8[%get3A_763, %get3A_764] {strides = array<i32>} : memref<128x256xf32, #tpu.memory_space<vmem>>, vector<1x16xf32>,
        %get3A_766 = vector.shape_cast %get3A_765 : vector<1x16xf32> to vector<16xf32>
        %mul3A_767 = arith.mulf %gather3A_744, %get3A_766 : vector<16xf32>
        %add3A_768 = arith.addf %add3A_636, %mul3A_767 : vector<16xf32>
        %add3A_769 = arith.constant 5 : i32
        %add3A_770 = arith.addi %mul3A_75, %add3A_769 : i32
        %get3A_771 = arith.index_cast %add3A_770 : i32 to index
        %get3A_772 = arith.constant 48 : index
        %get3A_773 = tpu.vector_load %arg8[%get3A_771, %get3A_772] {strides = array<i32>} : memref<128x256xf32, #tpu.memory_space<vmem>>, vector<1x16xf32>,
        %get3A_774 = vector.shape_cast %get3A_773 : vector<1x16xf32> to vector<16xf32>
        %mul3A_775 = arith.mulf %gather3A_744, %get3A_774 : vector<16xf32>
        %add3A_776 = arith.addf %add3A_644, %mul3A_775 : vector<16xf32>
        %add3A_777 = arith.constant 5 : i32
        %add3A_778 = arith.addi %mul3A_75, %add3A_777 : i32
        %get3A_779 = arith.index_cast %add3A_778 : i32 to index
        %get3A_780 = arith.constant 64 : index
        %get3A_781 = tpu.vector_load %arg8[%get3A_779, %get3A_780] {strides = array<i32>} : memref<128x256xf32, #tpu.memory_space<vmem>>, vector<1x16xf32>,
        %get3A_782 = vector.shape_cast %get3A_781 : vector<1x16xf32> to vector<16xf32>
        %mul3A_783 = arith.mulf %gather3A_744, %get3A_782 : vector<16xf32>
        %add3A_784 = arith.addf %add3A_652, %mul3A_783 : vector<16xf32>
        %add3A_785 = arith.constant 5 : i32
        %add3A_786 = arith.addi %mul3A_75, %add3A_785 : i32
        %get3A_787 = arith.index_cast %add3A_786 : i32 to index
        %get3A_788 = arith.constant 80 : index
        %get3A_789 = tpu.vector_load %arg8[%get3A_787, %get3A_788] {strides = array<i32>} : memref<128x256xf32, #tpu.memory_space<vmem>>, vector<1x16xf32>,
        %get3A_790 = vector.shape_cast %get3A_789 : vector<1x16xf32> to vector<16xf32>
        %mul3A_791 = arith.mulf %gather3A_744, %get3A_790 : vector<16xf32>
        %add3A_792 = arith.addf %add3A_660, %mul3A_791 : vector<16xf32>
        %add3A_793 = arith.constant 5 : i32
        %add3A_794 = arith.addi %mul3A_75, %add3A_793 : i32
        %get3A_795 = arith.index_cast %add3A_794 : i32 to index
        %get3A_796 = arith.constant 96 : index
        %get3A_797 = tpu.vector_load %arg8[%get3A_795, %get3A_796] {strides = array<i32>} : memref<128x256xf32, #tpu.memory_space<vmem>>, vector<1x16xf32>,
        %get3A_798 = vector.shape_cast %get3A_797 : vector<1x16xf32> to vector<16xf32>
        %mul3A_799 = arith.mulf %gather3A_744, %get3A_798 : vector<16xf32>
        %add3A_800 = arith.addf %add3A_668, %mul3A_799 : vector<16xf32>
        %add3A_801 = arith.constant 5 : i32
        %add3A_802 = arith.addi %mul3A_75, %add3A_801 : i32
        %get3A_803 = arith.index_cast %add3A_802 : i32 to index
        %get3A_804 = arith.constant 112 : index
        %get3A_805 = tpu.vector_load %arg8[%get3A_803, %get3A_804] {strides = array<i32>} : memref<128x256xf32, #tpu.memory_space<vmem>>, vector<1x16xf32>,
        %get3A_806 = vector.shape_cast %get3A_805 : vector<1x16xf32> to vector<16xf32>
        %mul3A_807 = arith.mulf %gather3A_744, %get3A_806 : vector<16xf32>
        %add3A_808 = arith.addf %add3A_676, %mul3A_807 : vector<16xf32>
        %add3A_809 = arith.constant 5 : i32
        %add3A_810 = arith.addi %mul3A_75, %add3A_809 : i32
        %get3A_811 = arith.index_cast %add3A_810 : i32 to index
        %get3A_812 = arith.constant 128 : index
        %get3A_813 = tpu.vector_load %arg8[%get3A_811, %get3A_812] {strides = array<i32>} : memref<128x256xf32, #tpu.memory_space<vmem>>, vector<1x16xf32>,
        %get3A_814 = vector.shape_cast %get3A_813 : vector<1x16xf32> to vector<16xf32>
        %mul3A_815 = arith.mulf %gather3A_744, %get3A_814 : vector<16xf32>
        %add3A_816 = arith.addf %add3A_684, %mul3A_815 : vector<16xf32>
        %add3A_817 = arith.constant 5 : i32
        %add3A_818 = arith.addi %mul3A_75, %add3A_817 : i32
        %get3A_819 = arith.index_cast %add3A_818 : i32 to index
        %get3A_820 = arith.constant 144 : index
        %get3A_821 = tpu.vector_load %arg8[%get3A_819, %get3A_820] {strides = array<i32>} : memref<128x256xf32, #tpu.memory_space<vmem>>, vector<1x16xf32>,
        %get3A_822 = vector.shape_cast %get3A_821 : vector<1x16xf32> to vector<16xf32>
        %mul3A_823 = arith.mulf %gather3A_744, %get3A_822 : vector<16xf32>
        %add3A_824 = arith.addf %add3A_692, %mul3A_823 : vector<16xf32>
        %add3A_825 = arith.constant 5 : i32
        %add3A_826 = arith.addi %mul3A_75, %add3A_825 : i32
        %get3A_827 = arith.index_cast %add3A_826 : i32 to index
        %get3A_828 = arith.constant 160 : index
        %get3A_829 = tpu.vector_load %arg8[%get3A_827, %get3A_828] {strides = array<i32>} : memref<128x256xf32, #tpu.memory_space<vmem>>, vector<1x16xf32>,
        %get3A_830 = vector.shape_cast %get3A_829 : vector<1x16xf32> to vector<16xf32>
        %mul3A_831 = arith.mulf %gather3A_744, %get3A_830 : vector<16xf32>
        %add3A_832 = arith.addf %add3A_700, %mul3A_831 : vector<16xf32>
        %add3A_833 = arith.constant 5 : i32
        %add3A_834 = arith.addi %mul3A_75, %add3A_833 : i32
        %get3A_835 = arith.index_cast %add3A_834 : i32 to index
        %get3A_836 = arith.constant 176 : index
        %get3A_837 = tpu.vector_load %arg8[%get3A_835, %get3A_836] {strides = array<i32>} : memref<128x256xf32, #tpu.memory_space<vmem>>, vector<1x16xf32>,
        %get3A_838 = vector.shape_cast %get3A_837 : vector<1x16xf32> to vector<16xf32>
        %mul3A_839 = arith.mulf %gather3A_744, %get3A_838 : vector<16xf32>
        %add3A_840 = arith.addf %add3A_708, %mul3A_839 : vector<16xf32>
        %add3A_841 = arith.constant 5 : i32
        %add3A_842 = arith.addi %mul3A_75, %add3A_841 : i32
        %get3A_843 = arith.index_cast %add3A_842 : i32 to index
        %get3A_844 = arith.constant 192 : index
        %get3A_845 = tpu.vector_load %arg8[%get3A_843, %get3A_844] {strides = array<i32>} : memref<128x256xf32, #tpu.memory_space<vmem>>, vector<1x16xf32>,
        %get3A_846 = vector.shape_cast %get3A_845 : vector<1x16xf32> to vector<16xf32>
        %mul3A_847 = arith.mulf %gather3A_744, %get3A_846 : vector<16xf32>
        %add3A_848 = arith.addf %add3A_716, %mul3A_847 : vector<16xf32>
        %add3A_849 = arith.constant 5 : i32
        %add3A_850 = arith.addi %mul3A_75, %add3A_849 : i32
        %get3A_851 = arith.index_cast %add3A_850 : i32 to index
        %get3A_852 = arith.constant 208 : index
        %get3A_853 = tpu.vector_load %arg8[%get3A_851, %get3A_852] {strides = array<i32>} : memref<128x256xf32, #tpu.memory_space<vmem>>, vector<1x16xf32>,
        %get3A_854 = vector.shape_cast %get3A_853 : vector<1x16xf32> to vector<16xf32>
        %mul3A_855 = arith.mulf %gather3A_744, %get3A_854 : vector<16xf32>
        %add3A_856 = arith.addf %add3A_724, %mul3A_855 : vector<16xf32>
        %add3A_857 = arith.constant 5 : i32
        %add3A_858 = arith.addi %mul3A_75, %add3A_857 : i32
        %get3A_859 = arith.index_cast %add3A_858 : i32 to index
        %get3A_860 = arith.constant 224 : index
        %get3A_861 = tpu.vector_load %arg8[%get3A_859, %get3A_860] {strides = array<i32>} : memref<128x256xf32, #tpu.memory_space<vmem>>, vector<1x16xf32>,
        %get3A_862 = vector.shape_cast %get3A_861 : vector<1x16xf32> to vector<16xf32>
        %mul3A_863 = arith.mulf %gather3A_744, %get3A_862 : vector<16xf32>
        %add3A_864 = arith.addf %add3A_732, %mul3A_863 : vector<16xf32>
        %add3A_865 = arith.constant 5 : i32
        %add3A_866 = arith.addi %mul3A_75, %add3A_865 : i32
        %get3A_867 = arith.index_cast %add3A_866 : i32 to index
        %get3A_868 = arith.constant 240 : index
        %get3A_869 = tpu.vector_load %arg8[%get3A_867, %get3A_868] {strides = array<i32>} : memref<128x256xf32, #tpu.memory_space<vmem>>, vector<1x16xf32>,
        %get3A_870 = vector.shape_cast %get3A_869 : vector<1x16xf32> to vector<16xf32>
        %mul3A_871 = arith.mulf %gather3A_744, %get3A_870 : vector<16xf32>
        %add3A_872 = arith.addf %add3A_740, %mul3A_871 : vector<16xf32>
        %broadcast_in_dim3A_873 = arith.constant 6 : i32
        %broadcast_in_dim3A_874 = vector.broadcast %broadcast_in_dim3A_873 : i32 to vector<16x1xi32>
        %gather3A_875 = vector.shape_cast %broadcast_in_dim3A_874 : vector<16x1xi32> to vector<16xi32>
        %gather3A_876 = tpu.dynamic_gather %get3A_80[%gather3A_875] in [0] : vector<16xf32>, vector<16xi32> -> vector<16xf32>
        %add3A_877 = arith.constant 6 : i32
        %add3A_878 = arith.addi %mul3A_75, %add3A_877 : i32
        %get3A_879 = arith.index_cast %add3A_878 : i32 to index
        %get3A_880 = arith.constant 0 : index
        %get3A_881 = tpu.vector_load %arg8[%get3A_879, %get3A_880] {strides = array<i32>} : memref<128x256xf32, #tpu.memory_space<vmem>>, vector<1x16xf32>,
        %get3A_882 = vector.shape_cast %get3A_881 : vector<1x16xf32> to vector<16xf32>
        %mul3A_883 = arith.mulf %gather3A_876, %get3A_882 : vector<16xf32>
        %add3A_884 = arith.addf %add3A_752, %mul3A_883 : vector<16xf32>
        %add3A_885 = arith.constant 6 : i32
        %add3A_886 = arith.addi %mul3A_75, %add3A_885 : i32
        %get3A_887 = arith.index_cast %add3A_886 : i32 to index
        %get3A_888 = arith.constant 16 : index
        %get3A_889 = tpu.vector_load %arg8[%get3A_887, %get3A_888] {strides = array<i32>} : memref<128x256xf32, #tpu.memory_space<vmem>>, vector<1x16xf32>,
        %get3A_890 = vector.shape_cast %get3A_889 : vector<1x16xf32> to vector<16xf32>
        %mul3A_891 = arith.mulf %gather3A_876, %get3A_890 : vector<16xf32>
        %add3A_892 = arith.addf %add3A_760, %mul3A_891 : vector<16xf32>
        %add3A_893 = arith.constant 6 : i32
        %add3A_894 = arith.addi %mul3A_75, %add3A_893 : i32
        %get3A_895 = arith.index_cast %add3A_894 : i32 to index
        %get3A_896 = arith.constant 32 : index
        %get3A_897 = tpu.vector_load %arg8[%get3A_895, %get3A_896] {strides = array<i32>} : memref<128x256xf32, #tpu.memory_space<vmem>>, vector<1x16xf32>,
        %get3A_898 = vector.shape_cast %get3A_897 : vector<1x16xf32> to vector<16xf32>
        %mul3A_899 = arith.mulf %gather3A_876, %get3A_898 : vector<16xf32>
        %add3A_900 = arith.addf %add3A_768, %mul3A_899 : vector<16xf32>
        %add3A_901 = arith.constant 6 : i32
        %add3A_902 = arith.addi %mul3A_75, %add3A_901 : i32
        %get3A_903 = arith.index_cast %add3A_902 : i32 to index
        %get3A_904 = arith.constant 48 : index
        %get3A_905 = tpu.vector_load %arg8[%get3A_903, %get3A_904] {strides = array<i32>} : memref<128x256xf32, #tpu.memory_space<vmem>>, vector<1x16xf32>,
        %get3A_906 = vector.shape_cast %get3A_905 : vector<1x16xf32> to vector<16xf32>
        %mul3A_907 = arith.mulf %gather3A_876, %get3A_906 : vector<16xf32>
        %add3A_908 = arith.addf %add3A_776, %mul3A_907 : vector<16xf32>
        %add3A_909 = arith.constant 6 : i32
        %add3A_910 = arith.addi %mul3A_75, %add3A_909 : i32
        %get3A_911 = arith.index_cast %add3A_910 : i32 to index
        %get3A_912 = arith.constant 64 : index
        %get3A_913 = tpu.vector_load %arg8[%get3A_911, %get3A_912] {strides = array<i32>} : memref<128x256xf32, #tpu.memory_space<vmem>>, vector<1x16xf32>,
        %get3A_914 = vector.shape_cast %get3A_913 : vector<1x16xf32> to vector<16xf32>
        %mul3A_915 = arith.mulf %gather3A_876, %get3A_914 : vector<16xf32>
        %add3A_916 = arith.addf %add3A_784, %mul3A_915 : vector<16xf32>
        %add3A_917 = arith.constant 6 : i32
        %add3A_918 = arith.addi %mul3A_75, %add3A_917 : i32
        %get3A_919 = arith.index_cast %add3A_918 : i32 to index
        %get3A_920 = arith.constant 80 : index
        %get3A_921 = tpu.vector_load %arg8[%get3A_919, %get3A_920] {strides = array<i32>} : memref<128x256xf32, #tpu.memory_space<vmem>>, vector<1x16xf32>,
        %get3A_922 = vector.shape_cast %get3A_921 : vector<1x16xf32> to vector<16xf32>
        %mul3A_923 = arith.mulf %gather3A_876, %get3A_922 : vector<16xf32>
        %add3A_924 = arith.addf %add3A_792, %mul3A_923 : vector<16xf32>
        %add3A_925 = arith.constant 6 : i32
        %add3A_926 = arith.addi %mul3A_75, %add3A_925 : i32
        %get3A_927 = arith.index_cast %add3A_926 : i32 to index
        %get3A_928 = arith.constant 96 : index
        %get3A_929 = tpu.vector_load %arg8[%get3A_927, %get3A_928] {strides = array<i32>} : memref<128x256xf32, #tpu.memory_space<vmem>>, vector<1x16xf32>,
        %get3A_930 = vector.shape_cast %get3A_929 : vector<1x16xf32> to vector<16xf32>
        %mul3A_931 = arith.mulf %gather3A_876, %get3A_930 : vector<16xf32>
        %add3A_932 = arith.addf %add3A_800, %mul3A_931 : vector<16xf32>
        %add3A_933 = arith.constant 6 : i32
        %add3A_934 = arith.addi %mul3A_75, %add3A_933 : i32
        %get3A_935 = arith.index_cast %add3A_934 : i32 to index
        %get3A_936 = arith.constant 112 : index
        %get3A_937 = tpu.vector_load %arg8[%get3A_935, %get3A_936] {strides = array<i32>} : memref<128x256xf32, #tpu.memory_space<vmem>>, vector<1x16xf32>,
        %get3A_938 = vector.shape_cast %get3A_937 : vector<1x16xf32> to vector<16xf32>
        %mul3A_939 = arith.mulf %gather3A_876, %get3A_938 : vector<16xf32>
        %add3A_940 = arith.addf %add3A_808, %mul3A_939 : vector<16xf32>
        %add3A_941 = arith.constant 6 : i32
        %add3A_942 = arith.addi %mul3A_75, %add3A_941 : i32
        %get3A_943 = arith.index_cast %add3A_942 : i32 to index
        %get3A_944 = arith.constant 128 : index
        %get3A_945 = tpu.vector_load %arg8[%get3A_943, %get3A_944] {strides = array<i32>} : memref<128x256xf32, #tpu.memory_space<vmem>>, vector<1x16xf32>,
        %get3A_946 = vector.shape_cast %get3A_945 : vector<1x16xf32> to vector<16xf32>
        %mul3A_947 = arith.mulf %gather3A_876, %get3A_946 : vector<16xf32>
        %add3A_948 = arith.addf %add3A_816, %mul3A_947 : vector<16xf32>
        %add3A_949 = arith.constant 6 : i32
        %add3A_950 = arith.addi %mul3A_75, %add3A_949 : i32
        %get3A_951 = arith.index_cast %add3A_950 : i32 to index
        %get3A_952 = arith.constant 144 : index
        %get3A_953 = tpu.vector_load %arg8[%get3A_951, %get3A_952] {strides = array<i32>} : memref<128x256xf32, #tpu.memory_space<vmem>>, vector<1x16xf32>,
        %get3A_954 = vector.shape_cast %get3A_953 : vector<1x16xf32> to vector<16xf32>
        %mul3A_955 = arith.mulf %gather3A_876, %get3A_954 : vector<16xf32>
        %add3A_956 = arith.addf %add3A_824, %mul3A_955 : vector<16xf32>
        %add3A_957 = arith.constant 6 : i32
        %add3A_958 = arith.addi %mul3A_75, %add3A_957 : i32
        %get3A_959 = arith.index_cast %add3A_958 : i32 to index
        %get3A_960 = arith.constant 160 : index
        %get3A_961 = tpu.vector_load %arg8[%get3A_959, %get3A_960] {strides = array<i32>} : memref<128x256xf32, #tpu.memory_space<vmem>>, vector<1x16xf32>,
        %get3A_962 = vector.shape_cast %get3A_961 : vector<1x16xf32> to vector<16xf32>
        %mul3A_963 = arith.mulf %gather3A_876, %get3A_962 : vector<16xf32>
        %add3A_964 = arith.addf %add3A_832, %mul3A_963 : vector<16xf32>
        %add3A_965 = arith.constant 6 : i32
        %add3A_966 = arith.addi %mul3A_75, %add3A_965 : i32
        %get3A_967 = arith.index_cast %add3A_966 : i32 to index
        %get3A_968 = arith.constant 176 : index
        %get3A_969 = tpu.vector_load %arg8[%get3A_967, %get3A_968] {strides = array<i32>} : memref<128x256xf32, #tpu.memory_space<vmem>>, vector<1x16xf32>,
        %get3A_970 = vector.shape_cast %get3A_969 : vector<1x16xf32> to vector<16xf32>
        %mul3A_971 = arith.mulf %gather3A_876, %get3A_970 : vector<16xf32>
        %add3A_972 = arith.addf %add3A_840, %mul3A_971 : vector<16xf32>
        %add3A_973 = arith.constant 6 : i32
        %add3A_974 = arith.addi %mul3A_75, %add3A_973 : i32
        %get3A_975 = arith.index_cast %add3A_974 : i32 to index
        %get3A_976 = arith.constant 192 : index
        %get3A_977 = tpu.vector_load %arg8[%get3A_975, %get3A_976] {strides = array<i32>} : memref<128x256xf32, #tpu.memory_space<vmem>>, vector<1x16xf32>,
        %get3A_978 = vector.shape_cast %get3A_977 : vector<1x16xf32> to vector<16xf32>
        %mul3A_979 = arith.mulf %gather3A_876, %get3A_978 : vector<16xf32>
        %add3A_980 = arith.addf %add3A_848, %mul3A_979 : vector<16xf32>
        %add3A_981 = arith.constant 6 : i32
        %add3A_982 = arith.addi %mul3A_75, %add3A_981 : i32
        %get3A_983 = arith.index_cast %add3A_982 : i32 to index
        %get3A_984 = arith.constant 208 : index
        %get3A_985 = tpu.vector_load %arg8[%get3A_983, %get3A_984] {strides = array<i32>} : memref<128x256xf32, #tpu.memory_space<vmem>>, vector<1x16xf32>,
        %get3A_986 = vector.shape_cast %get3A_985 : vector<1x16xf32> to vector<16xf32>
        %mul3A_987 = arith.mulf %gather3A_876, %get3A_986 : vector<16xf32>
        %add3A_988 = arith.addf %add3A_856, %mul3A_987 : vector<16xf32>
        %add3A_989 = arith.constant 6 : i32
        %add3A_990 = arith.addi %mul3A_75, %add3A_989 : i32
        %get3A_991 = arith.index_cast %add3A_990 : i32 to index
        %get3A_992 = arith.constant 224 : index
        %get3A_993 = tpu.vector_load %arg8[%get3A_991, %get3A_992] {strides = array<i32>} : memref<128x256xf32, #tpu.memory_space<vmem>>, vector<1x16xf32>,
        %get3A_994 = vector.shape_cast %get3A_993 : vector<1x16xf32> to vector<16xf32>
        %mul3A_995 = arith.mulf %gather3A_876, %get3A_994 : vector<16xf32>
        %add3A_996 = arith.addf %add3A_864, %mul3A_995 : vector<16xf32>
        %add3A_997 = arith.constant 6 : i32
        %add3A_998 = arith.addi %mul3A_75, %add3A_997 : i32
        %get3A_999 = arith.index_cast %add3A_998 : i32 to index
        %get3A_1000 = arith.constant 240 : index
        %get3A_1001 = tpu.vector_load %arg8[%get3A_999, %get3A_1000] {strides = array<i32>} : memref<128x256xf32, #tpu.memory_space<vmem>>, vector<1x16xf32>,
        %get3A_1002 = vector.shape_cast %get3A_1001 : vector<1x16xf32> to vector<16xf32>
        %mul3A_1003 = arith.mulf %gather3A_876, %get3A_1002 : vector<16xf32>
        %add3A_1004 = arith.addf %add3A_872, %mul3A_1003 : vector<16xf32>
        %broadcast_in_dim3A_1005 = arith.constant 7 : i32
        %broadcast_in_dim3A_1006 = vector.broadcast %broadcast_in_dim3A_1005 : i32 to vector<16x1xi32>
        %gather3A_1007 = vector.shape_cast %broadcast_in_dim3A_1006 : vector<16x1xi32> to vector<16xi32>
        %gather3A_1008 = tpu.dynamic_gather %get3A_80[%gather3A_1007] in [0] : vector<16xf32>, vector<16xi32> -> vector<16xf32>
        %add3A_1009 = arith.constant 7 : i32
        %add3A_1010 = arith.addi %mul3A_75, %add3A_1009 : i32
        %get3A_1011 = arith.index_cast %add3A_1010 : i32 to index
        %get3A_1012 = arith.constant 0 : index
        %get3A_1013 = tpu.vector_load %arg8[%get3A_1011, %get3A_1012] {strides = array<i32>} : memref<128x256xf32, #tpu.memory_space<vmem>>, vector<1x16xf32>,
        %get3A_1014 = vector.shape_cast %get3A_1013 : vector<1x16xf32> to vector<16xf32>
        %mul3A_1015 = arith.mulf %gather3A_1008, %get3A_1014 : vector<16xf32>
        %add3A_1016 = arith.addf %add3A_884, %mul3A_1015 : vector<16xf32>
        %add3A_1017 = arith.constant 7 : i32
        %add3A_1018 = arith.addi %mul3A_75, %add3A_1017 : i32
        %get3A_1019 = arith.index_cast %add3A_1018 : i32 to index
        %get3A_1020 = arith.constant 16 : index
        %get3A_1021 = tpu.vector_load %arg8[%get3A_1019, %get3A_1020] {strides = array<i32>} : memref<128x256xf32, #tpu.memory_space<vmem>>, vector<1x16xf32>,
        %get3A_1022 = vector.shape_cast %get3A_1021 : vector<1x16xf32> to vector<16xf32>
        %mul3A_1023 = arith.mulf %gather3A_1008, %get3A_1022 : vector<16xf32>
        %add3A_1024 = arith.addf %add3A_892, %mul3A_1023 : vector<16xf32>
        %add3A_1025 = arith.constant 7 : i32
        %add3A_1026 = arith.addi %mul3A_75, %add3A_1025 : i32
        %get3A_1027 = arith.index_cast %add3A_1026 : i32 to index
        %get3A_1028 = arith.constant 32 : index
        %get3A_1029 = tpu.vector_load %arg8[%get3A_1027, %get3A_1028] {strides = array<i32>} : memref<128x256xf32, #tpu.memory_space<vmem>>, vector<1x16xf32>,
        %get3A_1030 = vector.shape_cast %get3A_1029 : vector<1x16xf32> to vector<16xf32>
        %mul3A_1031 = arith.mulf %gather3A_1008, %get3A_1030 : vector<16xf32>
        %add3A_1032 = arith.addf %add3A_900, %mul3A_1031 : vector<16xf32>
        %add3A_1033 = arith.constant 7 : i32
        %add3A_1034 = arith.addi %mul3A_75, %add3A_1033 : i32
        %get3A_1035 = arith.index_cast %add3A_1034 : i32 to index
        %get3A_1036 = arith.constant 48 : index
        %get3A_1037 = tpu.vector_load %arg8[%get3A_1035, %get3A_1036] {strides = array<i32>} : memref<128x256xf32, #tpu.memory_space<vmem>>, vector<1x16xf32>,
        %get3A_1038 = vector.shape_cast %get3A_1037 : vector<1x16xf32> to vector<16xf32>
        %mul3A_1039 = arith.mulf %gather3A_1008, %get3A_1038 : vector<16xf32>
        %add3A_1040 = arith.addf %add3A_908, %mul3A_1039 : vector<16xf32>
        %add3A_1041 = arith.constant 7 : i32
        %add3A_1042 = arith.addi %mul3A_75, %add3A_1041 : i32
        %get3A_1043 = arith.index_cast %add3A_1042 : i32 to index
        %get3A_1044 = arith.constant 64 : index
        %get3A_1045 = tpu.vector_load %arg8[%get3A_1043, %get3A_1044] {strides = array<i32>} : memref<128x256xf32, #tpu.memory_space<vmem>>, vector<1x16xf32>,
        %get3A_1046 = vector.shape_cast %get3A_1045 : vector<1x16xf32> to vector<16xf32>
        %mul3A_1047 = arith.mulf %gather3A_1008, %get3A_1046 : vector<16xf32>
        %add3A_1048 = arith.addf %add3A_916, %mul3A_1047 : vector<16xf32>
        %add3A_1049 = arith.constant 7 : i32
        %add3A_1050 = arith.addi %mul3A_75, %add3A_1049 : i32
        %get3A_1051 = arith.index_cast %add3A_1050 : i32 to index
        %get3A_1052 = arith.constant 80 : index
        %get3A_1053 = tpu.vector_load %arg8[%get3A_1051, %get3A_1052] {strides = array<i32>} : memref<128x256xf32, #tpu.memory_space<vmem>>, vector<1x16xf32>,
        %get3A_1054 = vector.shape_cast %get3A_1053 : vector<1x16xf32> to vector<16xf32>
        %mul3A_1055 = arith.mulf %gather3A_1008, %get3A_1054 : vector<16xf32>
        %add3A_1056 = arith.addf %add3A_924, %mul3A_1055 : vector<16xf32>
        %add3A_1057 = arith.constant 7 : i32
        %add3A_1058 = arith.addi %mul3A_75, %add3A_1057 : i32
        %get3A_1059 = arith.index_cast %add3A_1058 : i32 to index
        %get3A_1060 = arith.constant 96 : index
        %get3A_1061 = tpu.vector_load %arg8[%get3A_1059, %get3A_1060] {strides = array<i32>} : memref<128x256xf32, #tpu.memory_space<vmem>>, vector<1x16xf32>,
        %get3A_1062 = vector.shape_cast %get3A_1061 : vector<1x16xf32> to vector<16xf32>
        %mul3A_1063 = arith.mulf %gather3A_1008, %get3A_1062 : vector<16xf32>
        %add3A_1064 = arith.addf %add3A_932, %mul3A_1063 : vector<16xf32>
        %add3A_1065 = arith.constant 7 : i32
        %add3A_1066 = arith.addi %mul3A_75, %add3A_1065 : i32
        %get3A_1067 = arith.index_cast %add3A_1066 : i32 to index
        %get3A_1068 = arith.constant 112 : index
        %get3A_1069 = tpu.vector_load %arg8[%get3A_1067, %get3A_1068] {strides = array<i32>} : memref<128x256xf32, #tpu.memory_space<vmem>>, vector<1x16xf32>,
        %get3A_1070 = vector.shape_cast %get3A_1069 : vector<1x16xf32> to vector<16xf32>
        %mul3A_1071 = arith.mulf %gather3A_1008, %get3A_1070 : vector<16xf32>
        %add3A_1072 = arith.addf %add3A_940, %mul3A_1071 : vector<16xf32>
        %add3A_1073 = arith.constant 7 : i32
        %add3A_1074 = arith.addi %mul3A_75, %add3A_1073 : i32
        %get3A_1075 = arith.index_cast %add3A_1074 : i32 to index
        %get3A_1076 = arith.constant 128 : index
        %get3A_1077 = tpu.vector_load %arg8[%get3A_1075, %get3A_1076] {strides = array<i32>} : memref<128x256xf32, #tpu.memory_space<vmem>>, vector<1x16xf32>,
        %get3A_1078 = vector.shape_cast %get3A_1077 : vector<1x16xf32> to vector<16xf32>
        %mul3A_1079 = arith.mulf %gather3A_1008, %get3A_1078 : vector<16xf32>
        %add3A_1080 = arith.addf %add3A_948, %mul3A_1079 : vector<16xf32>
        %add3A_1081 = arith.constant 7 : i32
        %add3A_1082 = arith.addi %mul3A_75, %add3A_1081 : i32
        %get3A_1083 = arith.index_cast %add3A_1082 : i32 to index
        %get3A_1084 = arith.constant 144 : index
        %get3A_1085 = tpu.vector_load %arg8[%get3A_1083, %get3A_1084] {strides = array<i32>} : memref<128x256xf32, #tpu.memory_space<vmem>>, vector<1x16xf32>,
        %get3A_1086 = vector.shape_cast %get3A_1085 : vector<1x16xf32> to vector<16xf32>
        %mul3A_1087 = arith.mulf %gather3A_1008, %get3A_1086 : vector<16xf32>
        %add3A_1088 = arith.addf %add3A_956, %mul3A_1087 : vector<16xf32>
        %add3A_1089 = arith.constant 7 : i32
        %add3A_1090 = arith.addi %mul3A_75, %add3A_1089 : i32
        %get3A_1091 = arith.index_cast %add3A_1090 : i32 to index
        %get3A_1092 = arith.constant 160 : index
        %get3A_1093 = tpu.vector_load %arg8[%get3A_1091, %get3A_1092] {strides = array<i32>} : memref<128x256xf32, #tpu.memory_space<vmem>>, vector<1x16xf32>,
        %get3A_1094 = vector.shape_cast %get3A_1093 : vector<1x16xf32> to vector<16xf32>
        %mul3A_1095 = arith.mulf %gather3A_1008, %get3A_1094 : vector<16xf32>
        %add3A_1096 = arith.addf %add3A_964, %mul3A_1095 : vector<16xf32>
        %add3A_1097 = arith.constant 7 : i32
        %add3A_1098 = arith.addi %mul3A_75, %add3A_1097 : i32
        %get3A_1099 = arith.index_cast %add3A_1098 : i32 to index
        %get3A_1100 = arith.constant 176 : index
        %get3A_1101 = tpu.vector_load %arg8[%get3A_1099, %get3A_1100] {strides = array<i32>} : memref<128x256xf32, #tpu.memory_space<vmem>>, vector<1x16xf32>,
        %get3A_1102 = vector.shape_cast %get3A_1101 : vector<1x16xf32> to vector<16xf32>
        %mul3A_1103 = arith.mulf %gather3A_1008, %get3A_1102 : vector<16xf32>
        %add3A_1104 = arith.addf %add3A_972, %mul3A_1103 : vector<16xf32>
        %add3A_1105 = arith.constant 7 : i32
        %add3A_1106 = arith.addi %mul3A_75, %add3A_1105 : i32
        %get3A_1107 = arith.index_cast %add3A_1106 : i32 to index
        %get3A_1108 = arith.constant 192 : index
        %get3A_1109 = tpu.vector_load %arg8[%get3A_1107, %get3A_1108] {strides = array<i32>} : memref<128x256xf32, #tpu.memory_space<vmem>>, vector<1x16xf32>,
        %get3A_1110 = vector.shape_cast %get3A_1109 : vector<1x16xf32> to vector<16xf32>
        %mul3A_1111 = arith.mulf %gather3A_1008, %get3A_1110 : vector<16xf32>
        %add3A_1112 = arith.addf %add3A_980, %mul3A_1111 : vector<16xf32>
        %add3A_1113 = arith.constant 7 : i32
        %add3A_1114 = arith.addi %mul3A_75, %add3A_1113 : i32
        %get3A_1115 = arith.index_cast %add3A_1114 : i32 to index
        %get3A_1116 = arith.constant 208 : index
        %get3A_1117 = tpu.vector_load %arg8[%get3A_1115, %get3A_1116] {strides = array<i32>} : memref<128x256xf32, #tpu.memory_space<vmem>>, vector<1x16xf32>,
        %get3A_1118 = vector.shape_cast %get3A_1117 : vector<1x16xf32> to vector<16xf32>
        %mul3A_1119 = arith.mulf %gather3A_1008, %get3A_1118 : vector<16xf32>
        %add3A_1120 = arith.addf %add3A_988, %mul3A_1119 : vector<16xf32>
        %add3A_1121 = arith.constant 7 : i32
        %add3A_1122 = arith.addi %mul3A_75, %add3A_1121 : i32
        %get3A_1123 = arith.index_cast %add3A_1122 : i32 to index
        %get3A_1124 = arith.constant 224 : index
        %get3A_1125 = tpu.vector_load %arg8[%get3A_1123, %get3A_1124] {strides = array<i32>} : memref<128x256xf32, #tpu.memory_space<vmem>>, vector<1x16xf32>,
        %get3A_1126 = vector.shape_cast %get3A_1125 : vector<1x16xf32> to vector<16xf32>
        %mul3A_1127 = arith.mulf %gather3A_1008, %get3A_1126 : vector<16xf32>
        %add3A_1128 = arith.addf %add3A_996, %mul3A_1127 : vector<16xf32>
        %add3A_1129 = arith.constant 7 : i32
        %add3A_1130 = arith.addi %mul3A_75, %add3A_1129 : i32
        %get3A_1131 = arith.index_cast %add3A_1130 : i32 to index
        %get3A_1132 = arith.constant 240 : index
        %get3A_1133 = tpu.vector_load %arg8[%get3A_1131, %get3A_1132] {strides = array<i32>} : memref<128x256xf32, #tpu.memory_space<vmem>>, vector<1x16xf32>,
        %get3A_1134 = vector.shape_cast %get3A_1133 : vector<1x16xf32> to vector<16xf32>
        %mul3A_1135 = arith.mulf %gather3A_1008, %get3A_1134 : vector<16xf32>
        %add3A_1136 = arith.addf %add3A_1004, %mul3A_1135 : vector<16xf32>
        %broadcast_in_dim3A_1137 = arith.constant 8 : i32
        %broadcast_in_dim3A_1138 = vector.broadcast %broadcast_in_dim3A_1137 : i32 to vector<16x1xi32>
        %gather3A_1139 = vector.shape_cast %broadcast_in_dim3A_1138 : vector<16x1xi32> to vector<16xi32>
        %gather3A_1140 = tpu.dynamic_gather %get3A_80[%gather3A_1139] in [0] : vector<16xf32>, vector<16xi32> -> vector<16xf32>
        %add3A_1141 = arith.constant 8 : i32
        %add3A_1142 = arith.addi %mul3A_75, %add3A_1141 : i32
        %get3A_1143 = arith.index_cast %add3A_1142 : i32 to index
        %get3A_1144 = arith.constant 0 : index
        %get3A_1145 = tpu.vector_load %arg8[%get3A_1143, %get3A_1144] {strides = array<i32>} : memref<128x256xf32, #tpu.memory_space<vmem>>, vector<1x16xf32>,
        %get3A_1146 = vector.shape_cast %get3A_1145 : vector<1x16xf32> to vector<16xf32>
        %mul3A_1147 = arith.mulf %gather3A_1140, %get3A_1146 : vector<16xf32>
        %add3A_1148 = arith.addf %add3A_1016, %mul3A_1147 : vector<16xf32>
        %add3A_1149 = arith.constant 8 : i32
        %add3A_1150 = arith.addi %mul3A_75, %add3A_1149 : i32
        %get3A_1151 = arith.index_cast %add3A_1150 : i32 to index
        %get3A_1152 = arith.constant 16 : index
        %get3A_1153 = tpu.vector_load %arg8[%get3A_1151, %get3A_1152] {strides = array<i32>} : memref<128x256xf32, #tpu.memory_space<vmem>>, vector<1x16xf32>,
        %get3A_1154 = vector.shape_cast %get3A_1153 : vector<1x16xf32> to vector<16xf32>
        %mul3A_1155 = arith.mulf %gather3A_1140, %get3A_1154 : vector<16xf32>
        %add3A_1156 = arith.addf %add3A_1024, %mul3A_1155 : vector<16xf32>
        %add3A_1157 = arith.constant 8 : i32
        %add3A_1158 = arith.addi %mul3A_75, %add3A_1157 : i32
        %get3A_1159 = arith.index_cast %add3A_1158 : i32 to index
        %get3A_1160 = arith.constant 32 : index
        %get3A_1161 = tpu.vector_load %arg8[%get3A_1159, %get3A_1160] {strides = array<i32>} : memref<128x256xf32, #tpu.memory_space<vmem>>, vector<1x16xf32>,
        %get3A_1162 = vector.shape_cast %get3A_1161 : vector<1x16xf32> to vector<16xf32>
        %mul3A_1163 = arith.mulf %gather3A_1140, %get3A_1162 : vector<16xf32>
        %add3A_1164 = arith.addf %add3A_1032, %mul3A_1163 : vector<16xf32>
        %add3A_1165 = arith.constant 8 : i32
        %add3A_1166 = arith.addi %mul3A_75, %add3A_1165 : i32
        %get3A_1167 = arith.index_cast %add3A_1166 : i32 to index
        %get3A_1168 = arith.constant 48 : index
        %get3A_1169 = tpu.vector_load %arg8[%get3A_1167, %get3A_1168] {strides = array<i32>} : memref<128x256xf32, #tpu.memory_space<vmem>>, vector<1x16xf32>,
        %get3A_1170 = vector.shape_cast %get3A_1169 : vector<1x16xf32> to vector<16xf32>
        %mul3A_1171 = arith.mulf %gather3A_1140, %get3A_1170 : vector<16xf32>
        %add3A_1172 = arith.addf %add3A_1040, %mul3A_1171 : vector<16xf32>
        %add3A_1173 = arith.constant 8 : i32
        %add3A_1174 = arith.addi %mul3A_75, %add3A_1173 : i32
        %get3A_1175 = arith.index_cast %add3A_1174 : i32 to index
        %get3A_1176 = arith.constant 64 : index
        %get3A_1177 = tpu.vector_load %arg8[%get3A_1175, %get3A_1176] {strides = array<i32>} : memref<128x256xf32, #tpu.memory_space<vmem>>, vector<1x16xf32>,
        %get3A_1178 = vector.shape_cast %get3A_1177 : vector<1x16xf32> to vector<16xf32>
        %mul3A_1179 = arith.mulf %gather3A_1140, %get3A_1178 : vector<16xf32>
        %add3A_1180 = arith.addf %add3A_1048, %mul3A_1179 : vector<16xf32>
        %add3A_1181 = arith.constant 8 : i32
        %add3A_1182 = arith.addi %mul3A_75, %add3A_1181 : i32
        %get3A_1183 = arith.index_cast %add3A_1182 : i32 to index
        %get3A_1184 = arith.constant 80 : index
        %get3A_1185 = tpu.vector_load %arg8[%get3A_1183, %get3A_1184] {strides = array<i32>} : memref<128x256xf32, #tpu.memory_space<vmem>>, vector<1x16xf32>,
        %get3A_1186 = vector.shape_cast %get3A_1185 : vector<1x16xf32> to vector<16xf32>
        %mul3A_1187 = arith.mulf %gather3A_1140, %get3A_1186 : vector<16xf32>
        %add3A_1188 = arith.addf %add3A_1056, %mul3A_1187 : vector<16xf32>
        %add3A_1189 = arith.constant 8 : i32
        %add3A_1190 = arith.addi %mul3A_75, %add3A_1189 : i32
        %get3A_1191 = arith.index_cast %add3A_1190 : i32 to index
        %get3A_1192 = arith.constant 96 : index
        %get3A_1193 = tpu.vector_load %arg8[%get3A_1191, %get3A_1192] {strides = array<i32>} : memref<128x256xf32, #tpu.memory_space<vmem>>, vector<1x16xf32>,
        %get3A_1194 = vector.shape_cast %get3A_1193 : vector<1x16xf32> to vector<16xf32>
        %mul3A_1195 = arith.mulf %gather3A_1140, %get3A_1194 : vector<16xf32>
        %add3A_1196 = arith.addf %add3A_1064, %mul3A_1195 : vector<16xf32>
        %add3A_1197 = arith.constant 8 : i32
        %add3A_1198 = arith.addi %mul3A_75, %add3A_1197 : i32
        %get3A_1199 = arith.index_cast %add3A_1198 : i32 to index
        %get3A_1200 = arith.constant 112 : index
        %get3A_1201 = tpu.vector_load %arg8[%get3A_1199, %get3A_1200] {strides = array<i32>} : memref<128x256xf32, #tpu.memory_space<vmem>>, vector<1x16xf32>,
        %get3A_1202 = vector.shape_cast %get3A_1201 : vector<1x16xf32> to vector<16xf32>
        %mul3A_1203 = arith.mulf %gather3A_1140, %get3A_1202 : vector<16xf32>
        %add3A_1204 = arith.addf %add3A_1072, %mul3A_1203 : vector<16xf32>
        %add3A_1205 = arith.constant 8 : i32
        %add3A_1206 = arith.addi %mul3A_75, %add3A_1205 : i32
        %get3A_1207 = arith.index_cast %add3A_1206 : i32 to index
        %get3A_1208 = arith.constant 128 : index
        %get3A_1209 = tpu.vector_load %arg8[%get3A_1207, %get3A_1208] {strides = array<i32>} : memref<128x256xf32, #tpu.memory_space<vmem>>, vector<1x16xf32>,
        %get3A_1210 = vector.shape_cast %get3A_1209 : vector<1x16xf32> to vector<16xf32>
        %mul3A_1211 = arith.mulf %gather3A_1140, %get3A_1210 : vector<16xf32>
        %add3A_1212 = arith.addf %add3A_1080, %mul3A_1211 : vector<16xf32>
        %add3A_1213 = arith.constant 8 : i32
        %add3A_1214 = arith.addi %mul3A_75, %add3A_1213 : i32
        %get3A_1215 = arith.index_cast %add3A_1214 : i32 to index
        %get3A_1216 = arith.constant 144 : index
        %get3A_1217 = tpu.vector_load %arg8[%get3A_1215, %get3A_1216] {strides = array<i32>} : memref<128x256xf32, #tpu.memory_space<vmem>>, vector<1x16xf32>,
        %get3A_1218 = vector.shape_cast %get3A_1217 : vector<1x16xf32> to vector<16xf32>
        %mul3A_1219 = arith.mulf %gather3A_1140, %get3A_1218 : vector<16xf32>
        %add3A_1220 = arith.addf %add3A_1088, %mul3A_1219 : vector<16xf32>
        %add3A_1221 = arith.constant 8 : i32
        %add3A_1222 = arith.addi %mul3A_75, %add3A_1221 : i32
        %get3A_1223 = arith.index_cast %add3A_1222 : i32 to index
        %get3A_1224 = arith.constant 160 : index
        %get3A_1225 = tpu.vector_load %arg8[%get3A_1223, %get3A_1224] {strides = array<i32>} : memref<128x256xf32, #tpu.memory_space<vmem>>, vector<1x16xf32>,
        %get3A_1226 = vector.shape_cast %get3A_1225 : vector<1x16xf32> to vector<16xf32>
        %mul3A_1227 = arith.mulf %gather3A_1140, %get3A_1226 : vector<16xf32>
        %add3A_1228 = arith.addf %add3A_1096, %mul3A_1227 : vector<16xf32>
        %add3A_1229 = arith.constant 8 : i32
        %add3A_1230 = arith.addi %mul3A_75, %add3A_1229 : i32
        %get3A_1231 = arith.index_cast %add3A_1230 : i32 to index
        %get3A_1232 = arith.constant 176 : index
        %get3A_1233 = tpu.vector_load %arg8[%get3A_1231, %get3A_1232] {strides = array<i32>} : memref<128x256xf32, #tpu.memory_space<vmem>>, vector<1x16xf32>,
        %get3A_1234 = vector.shape_cast %get3A_1233 : vector<1x16xf32> to vector<16xf32>
        %mul3A_1235 = arith.mulf %gather3A_1140, %get3A_1234 : vector<16xf32>
        %add3A_1236 = arith.addf %add3A_1104, %mul3A_1235 : vector<16xf32>
        %add3A_1237 = arith.constant 8 : i32
        %add3A_1238 = arith.addi %mul3A_75, %add3A_1237 : i32
        %get3A_1239 = arith.index_cast %add3A_1238 : i32 to index
        %get3A_1240 = arith.constant 192 : index
        %get3A_1241 = tpu.vector_load %arg8[%get3A_1239, %get3A_1240] {strides = array<i32>} : memref<128x256xf32, #tpu.memory_space<vmem>>, vector<1x16xf32>,
        %get3A_1242 = vector.shape_cast %get3A_1241 : vector<1x16xf32> to vector<16xf32>
        %mul3A_1243 = arith.mulf %gather3A_1140, %get3A_1242 : vector<16xf32>
        %add3A_1244 = arith.addf %add3A_1112, %mul3A_1243 : vector<16xf32>
        %add3A_1245 = arith.constant 8 : i32
        %add3A_1246 = arith.addi %mul3A_75, %add3A_1245 : i32
        %get3A_1247 = arith.index_cast %add3A_1246 : i32 to index
        %get3A_1248 = arith.constant 208 : index
        %get3A_1249 = tpu.vector_load %arg8[%get3A_1247, %get3A_1248] {strides = array<i32>} : memref<128x256xf32, #tpu.memory_space<vmem>>, vector<1x16xf32>,
        %get3A_1250 = vector.shape_cast %get3A_1249 : vector<1x16xf32> to vector<16xf32>
        %mul3A_1251 = arith.mulf %gather3A_1140, %get3A_1250 : vector<16xf32>
        %add3A_1252 = arith.addf %add3A_1120, %mul3A_1251 : vector<16xf32>
        %add3A_1253 = arith.constant 8 : i32
        %add3A_1254 = arith.addi %mul3A_75, %add3A_1253 : i32
        %get3A_1255 = arith.index_cast %add3A_1254 : i32 to index
        %get3A_1256 = arith.constant 224 : index
        %get3A_1257 = tpu.vector_load %arg8[%get3A_1255, %get3A_1256] {strides = array<i32>} : memref<128x256xf32, #tpu.memory_space<vmem>>, vector<1x16xf32>,
        %get3A_1258 = vector.shape_cast %get3A_1257 : vector<1x16xf32> to vector<16xf32>
        %mul3A_1259 = arith.mulf %gather3A_1140, %get3A_1258 : vector<16xf32>
        %add3A_1260 = arith.addf %add3A_1128, %mul3A_1259 : vector<16xf32>
        %add3A_1261 = arith.constant 8 : i32
        %add3A_1262 = arith.addi %mul3A_75, %add3A_1261 : i32
        %get3A_1263 = arith.index_cast %add3A_1262 : i32 to index
        %get3A_1264 = arith.constant 240 : index
        %get3A_1265 = tpu.vector_load %arg8[%get3A_1263, %get3A_1264] {strides = array<i32>} : memref<128x256xf32, #tpu.memory_space<vmem>>, vector<1x16xf32>,
        %get3A_1266 = vector.shape_cast %get3A_1265 : vector<1x16xf32> to vector<16xf32>
        %mul3A_1267 = arith.mulf %gather3A_1140, %get3A_1266 : vector<16xf32>
        %add3A_1268 = arith.addf %add3A_1136, %mul3A_1267 : vector<16xf32>
        %broadcast_in_dim3A_1269 = arith.constant 9 : i32
        %broadcast_in_dim3A_1270 = vector.broadcast %broadcast_in_dim3A_1269 : i32 to vector<16x1xi32>
        %gather3A_1271 = vector.shape_cast %broadcast_in_dim3A_1270 : vector<16x1xi32> to vector<16xi32>
        %gather3A_1272 = tpu.dynamic_gather %get3A_80[%gather3A_1271] in [0] : vector<16xf32>, vector<16xi32> -> vector<16xf32>
        %add3A_1273 = arith.constant 9 : i32
        %add3A_1274 = arith.addi %mul3A_75, %add3A_1273 : i32
        %get3A_1275 = arith.index_cast %add3A_1274 : i32 to index
        %get3A_1276 = arith.constant 0 : index
        %get3A_1277 = tpu.vector_load %arg8[%get3A_1275, %get3A_1276] {strides = array<i32>} : memref<128x256xf32, #tpu.memory_space<vmem>>, vector<1x16xf32>,
        %get3A_1278 = vector.shape_cast %get3A_1277 : vector<1x16xf32> to vector<16xf32>
        %mul3A_1279 = arith.mulf %gather3A_1272, %get3A_1278 : vector<16xf32>
        %add3A_1280 = arith.addf %add3A_1148, %mul3A_1279 : vector<16xf32>
        %add3A_1281 = arith.constant 9 : i32
        %add3A_1282 = arith.addi %mul3A_75, %add3A_1281 : i32
        %get3A_1283 = arith.index_cast %add3A_1282 : i32 to index
        %get3A_1284 = arith.constant 16 : index
        %get3A_1285 = tpu.vector_load %arg8[%get3A_1283, %get3A_1284] {strides = array<i32>} : memref<128x256xf32, #tpu.memory_space<vmem>>, vector<1x16xf32>,
        %get3A_1286 = vector.shape_cast %get3A_1285 : vector<1x16xf32> to vector<16xf32>
        %mul3A_1287 = arith.mulf %gather3A_1272, %get3A_1286 : vector<16xf32>
        %add3A_1288 = arith.addf %add3A_1156, %mul3A_1287 : vector<16xf32>
        %add3A_1289 = arith.constant 9 : i32
        %add3A_1290 = arith.addi %mul3A_75, %add3A_1289 : i32
        %get3A_1291 = arith.index_cast %add3A_1290 : i32 to index
        %get3A_1292 = arith.constant 32 : index
        %get3A_1293 = tpu.vector_load %arg8[%get3A_1291, %get3A_1292] {strides = array<i32>} : memref<128x256xf32, #tpu.memory_space<vmem>>, vector<1x16xf32>,
        %get3A_1294 = vector.shape_cast %get3A_1293 : vector<1x16xf32> to vector<16xf32>
        %mul3A_1295 = arith.mulf %gather3A_1272, %get3A_1294 : vector<16xf32>
        %add3A_1296 = arith.addf %add3A_1164, %mul3A_1295 : vector<16xf32>
        %add3A_1297 = arith.constant 9 : i32
        %add3A_1298 = arith.addi %mul3A_75, %add3A_1297 : i32
        %get3A_1299 = arith.index_cast %add3A_1298 : i32 to index
        %get3A_1300 = arith.constant 48 : index
        %get3A_1301 = tpu.vector_load %arg8[%get3A_1299, %get3A_1300] {strides = array<i32>} : memref<128x256xf32, #tpu.memory_space<vmem>>, vector<1x16xf32>,
        %get3A_1302 = vector.shape_cast %get3A_1301 : vector<1x16xf32> to vector<16xf32>
        %mul3A_1303 = arith.mulf %gather3A_1272, %get3A_1302 : vector<16xf32>
        %add3A_1304 = arith.addf %add3A_1172, %mul3A_1303 : vector<16xf32>
        %add3A_1305 = arith.constant 9 : i32
        %add3A_1306 = arith.addi %mul3A_75, %add3A_1305 : i32
        %get3A_1307 = arith.index_cast %add3A_1306 : i32 to index
        %get3A_1308 = arith.constant 64 : index
        %get3A_1309 = tpu.vector_load %arg8[%get3A_1307, %get3A_1308] {strides = array<i32>} : memref<128x256xf32, #tpu.memory_space<vmem>>, vector<1x16xf32>,
        %get3A_1310 = vector.shape_cast %get3A_1309 : vector<1x16xf32> to vector<16xf32>
        %mul3A_1311 = arith.mulf %gather3A_1272, %get3A_1310 : vector<16xf32>
        %add3A_1312 = arith.addf %add3A_1180, %mul3A_1311 : vector<16xf32>
        %add3A_1313 = arith.constant 9 : i32
        %add3A_1314 = arith.addi %mul3A_75, %add3A_1313 : i32
        %get3A_1315 = arith.index_cast %add3A_1314 : i32 to index
        %get3A_1316 = arith.constant 80 : index
        %get3A_1317 = tpu.vector_load %arg8[%get3A_1315, %get3A_1316] {strides = array<i32>} : memref<128x256xf32, #tpu.memory_space<vmem>>, vector<1x16xf32>,
        %get3A_1318 = vector.shape_cast %get3A_1317 : vector<1x16xf32> to vector<16xf32>
        %mul3A_1319 = arith.mulf %gather3A_1272, %get3A_1318 : vector<16xf32>
        %add3A_1320 = arith.addf %add3A_1188, %mul3A_1319 : vector<16xf32>
        %add3A_1321 = arith.constant 9 : i32
        %add3A_1322 = arith.addi %mul3A_75, %add3A_1321 : i32
        %get3A_1323 = arith.index_cast %add3A_1322 : i32 to index
        %get3A_1324 = arith.constant 96 : index
        %get3A_1325 = tpu.vector_load %arg8[%get3A_1323, %get3A_1324] {strides = array<i32>} : memref<128x256xf32, #tpu.memory_space<vmem>>, vector<1x16xf32>,
        %get3A_1326 = vector.shape_cast %get3A_1325 : vector<1x16xf32> to vector<16xf32>
        %mul3A_1327 = arith.mulf %gather3A_1272, %get3A_1326 : vector<16xf32>
        %add3A_1328 = arith.addf %add3A_1196, %mul3A_1327 : vector<16xf32>
        %add3A_1329 = arith.constant 9 : i32
        %add3A_1330 = arith.addi %mul3A_75, %add3A_1329 : i32
        %get3A_1331 = arith.index_cast %add3A_1330 : i32 to index
        %get3A_1332 = arith.constant 112 : index
        %get3A_1333 = tpu.vector_load %arg8[%get3A_1331, %get3A_1332] {strides = array<i32>} : memref<128x256xf32, #tpu.memory_space<vmem>>, vector<1x16xf32>,
        %get3A_1334 = vector.shape_cast %get3A_1333 : vector<1x16xf32> to vector<16xf32>
        %mul3A_1335 = arith.mulf %gather3A_1272, %get3A_1334 : vector<16xf32>
        %add3A_1336 = arith.addf %add3A_1204, %mul3A_1335 : vector<16xf32>
        %add3A_1337 = arith.constant 9 : i32
        %add3A_1338 = arith.addi %mul3A_75, %add3A_1337 : i32
        %get3A_1339 = arith.index_cast %add3A_1338 : i32 to index
        %get3A_1340 = arith.constant 128 : index
        %get3A_1341 = tpu.vector_load %arg8[%get3A_1339, %get3A_1340] {strides = array<i32>} : memref<128x256xf32, #tpu.memory_space<vmem>>, vector<1x16xf32>,
        %get3A_1342 = vector.shape_cast %get3A_1341 : vector<1x16xf32> to vector<16xf32>
        %mul3A_1343 = arith.mulf %gather3A_1272, %get3A_1342 : vector<16xf32>
        %add3A_1344 = arith.addf %add3A_1212, %mul3A_1343 : vector<16xf32>
        %add3A_1345 = arith.constant 9 : i32
        %add3A_1346 = arith.addi %mul3A_75, %add3A_1345 : i32
        %get3A_1347 = arith.index_cast %add3A_1346 : i32 to index
        %get3A_1348 = arith.constant 144 : index
        %get3A_1349 = tpu.vector_load %arg8[%get3A_1347, %get3A_1348] {strides = array<i32>} : memref<128x256xf32, #tpu.memory_space<vmem>>, vector<1x16xf32>,
        %get3A_1350 = vector.shape_cast %get3A_1349 : vector<1x16xf32> to vector<16xf32>
        %mul3A_1351 = arith.mulf %gather3A_1272, %get3A_1350 : vector<16xf32>
        %add3A_1352 = arith.addf %add3A_1220, %mul3A_1351 : vector<16xf32>
        %add3A_1353 = arith.constant 9 : i32
        %add3A_1354 = arith.addi %mul3A_75, %add3A_1353 : i32
        %get3A_1355 = arith.index_cast %add3A_1354 : i32 to index
        %get3A_1356 = arith.constant 160 : index
        %get3A_1357 = tpu.vector_load %arg8[%get3A_1355, %get3A_1356] {strides = array<i32>} : memref<128x256xf32, #tpu.memory_space<vmem>>, vector<1x16xf32>,
        %get3A_1358 = vector.shape_cast %get3A_1357 : vector<1x16xf32> to vector<16xf32>
        %mul3A_1359 = arith.mulf %gather3A_1272, %get3A_1358 : vector<16xf32>
        %add3A_1360 = arith.addf %add3A_1228, %mul3A_1359 : vector<16xf32>
        %add3A_1361 = arith.constant 9 : i32
        %add3A_1362 = arith.addi %mul3A_75, %add3A_1361 : i32
        %get3A_1363 = arith.index_cast %add3A_1362 : i32 to index
        %get3A_1364 = arith.constant 176 : index
        %get3A_1365 = tpu.vector_load %arg8[%get3A_1363, %get3A_1364] {strides = array<i32>} : memref<128x256xf32, #tpu.memory_space<vmem>>, vector<1x16xf32>,
        %get3A_1366 = vector.shape_cast %get3A_1365 : vector<1x16xf32> to vector<16xf32>
        %mul3A_1367 = arith.mulf %gather3A_1272, %get3A_1366 : vector<16xf32>
        %add3A_1368 = arith.addf %add3A_1236, %mul3A_1367 : vector<16xf32>
        %add3A_1369 = arith.constant 9 : i32
        %add3A_1370 = arith.addi %mul3A_75, %add3A_1369 : i32
        %get3A_1371 = arith.index_cast %add3A_1370 : i32 to index
        %get3A_1372 = arith.constant 192 : index
        %get3A_1373 = tpu.vector_load %arg8[%get3A_1371, %get3A_1372] {strides = array<i32>} : memref<128x256xf32, #tpu.memory_space<vmem>>, vector<1x16xf32>,
        %get3A_1374 = vector.shape_cast %get3A_1373 : vector<1x16xf32> to vector<16xf32>
        %mul3A_1375 = arith.mulf %gather3A_1272, %get3A_1374 : vector<16xf32>
        %add3A_1376 = arith.addf %add3A_1244, %mul3A_1375 : vector<16xf32>
        %add3A_1377 = arith.constant 9 : i32
        %add3A_1378 = arith.addi %mul3A_75, %add3A_1377 : i32
        %get3A_1379 = arith.index_cast %add3A_1378 : i32 to index
        %get3A_1380 = arith.constant 208 : index
        %get3A_1381 = tpu.vector_load %arg8[%get3A_1379, %get3A_1380] {strides = array<i32>} : memref<128x256xf32, #tpu.memory_space<vmem>>, vector<1x16xf32>,
        %get3A_1382 = vector.shape_cast %get3A_1381 : vector<1x16xf32> to vector<16xf32>
        %mul3A_1383 = arith.mulf %gather3A_1272, %get3A_1382 : vector<16xf32>
        %add3A_1384 = arith.addf %add3A_1252, %mul3A_1383 : vector<16xf32>
        %add3A_1385 = arith.constant 9 : i32
        %add3A_1386 = arith.addi %mul3A_75, %add3A_1385 : i32
        %get3A_1387 = arith.index_cast %add3A_1386 : i32 to index
        %get3A_1388 = arith.constant 224 : index
        %get3A_1389 = tpu.vector_load %arg8[%get3A_1387, %get3A_1388] {strides = array<i32>} : memref<128x256xf32, #tpu.memory_space<vmem>>, vector<1x16xf32>,
        %get3A_1390 = vector.shape_cast %get3A_1389 : vector<1x16xf32> to vector<16xf32>
        %mul3A_1391 = arith.mulf %gather3A_1272, %get3A_1390 : vector<16xf32>
        %add3A_1392 = arith.addf %add3A_1260, %mul3A_1391 : vector<16xf32>
        %add3A_1393 = arith.constant 9 : i32
        %add3A_1394 = arith.addi %mul3A_75, %add3A_1393 : i32
        %get3A_1395 = arith.index_cast %add3A_1394 : i32 to index
        %get3A_1396 = arith.constant 240 : index
        %get3A_1397 = tpu.vector_load %arg8[%get3A_1395, %get3A_1396] {strides = array<i32>} : memref<128x256xf32, #tpu.memory_space<vmem>>, vector<1x16xf32>,
        %get3A_1398 = vector.shape_cast %get3A_1397 : vector<1x16xf32> to vector<16xf32>
        %mul3A_1399 = arith.mulf %gather3A_1272, %get3A_1398 : vector<16xf32>
        %add3A_1400 = arith.addf %add3A_1268, %mul3A_1399 : vector<16xf32>
        %broadcast_in_dim3A_1401 = arith.constant 10 : i32
        %broadcast_in_dim3A_1402 = vector.broadcast %broadcast_in_dim3A_1401 : i32 to vector<16x1xi32>
        %gather3A_1403 = vector.shape_cast %broadcast_in_dim3A_1402 : vector<16x1xi32> to vector<16xi32>
        %gather3A_1404 = tpu.dynamic_gather %get3A_80[%gather3A_1403] in [0] : vector<16xf32>, vector<16xi32> -> vector<16xf32>
        %add3A_1405 = arith.constant 10 : i32
        %add3A_1406 = arith.addi %mul3A_75, %add3A_1405 : i32
        %get3A_1407 = arith.index_cast %add3A_1406 : i32 to index
        %get3A_1408 = arith.constant 0 : index
        %get3A_1409 = tpu.vector_load %arg8[%get3A_1407, %get3A_1408] {strides = array<i32>} : memref<128x256xf32, #tpu.memory_space<vmem>>, vector<1x16xf32>,
        %get3A_1410 = vector.shape_cast %get3A_1409 : vector<1x16xf32> to vector<16xf32>
        %mul3A_1411 = arith.mulf %gather3A_1404, %get3A_1410 : vector<16xf32>
        %add3A_1412 = arith.addf %add3A_1280, %mul3A_1411 : vector<16xf32>
        %add3A_1413 = arith.constant 10 : i32
        %add3A_1414 = arith.addi %mul3A_75, %add3A_1413 : i32
        %get3A_1415 = arith.index_cast %add3A_1414 : i32 to index
        %get3A_1416 = arith.constant 16 : index
        %get3A_1417 = tpu.vector_load %arg8[%get3A_1415, %get3A_1416] {strides = array<i32>} : memref<128x256xf32, #tpu.memory_space<vmem>>, vector<1x16xf32>,
        %get3A_1418 = vector.shape_cast %get3A_1417 : vector<1x16xf32> to vector<16xf32>
        %mul3A_1419 = arith.mulf %gather3A_1404, %get3A_1418 : vector<16xf32>
        %add3A_1420 = arith.addf %add3A_1288, %mul3A_1419 : vector<16xf32>
        %add3A_1421 = arith.constant 10 : i32
        %add3A_1422 = arith.addi %mul3A_75, %add3A_1421 : i32
        %get3A_1423 = arith.index_cast %add3A_1422 : i32 to index
        %get3A_1424 = arith.constant 32 : index
        %get3A_1425 = tpu.vector_load %arg8[%get3A_1423, %get3A_1424] {strides = array<i32>} : memref<128x256xf32, #tpu.memory_space<vmem>>, vector<1x16xf32>,
        %get3A_1426 = vector.shape_cast %get3A_1425 : vector<1x16xf32> to vector<16xf32>
        %mul3A_1427 = arith.mulf %gather3A_1404, %get3A_1426 : vector<16xf32>
        %add3A_1428 = arith.addf %add3A_1296, %mul3A_1427 : vector<16xf32>
        %add3A_1429 = arith.constant 10 : i32
        %add3A_1430 = arith.addi %mul3A_75, %add3A_1429 : i32
        %get3A_1431 = arith.index_cast %add3A_1430 : i32 to index
        %get3A_1432 = arith.constant 48 : index
        %get3A_1433 = tpu.vector_load %arg8[%get3A_1431, %get3A_1432] {strides = array<i32>} : memref<128x256xf32, #tpu.memory_space<vmem>>, vector<1x16xf32>,
        %get3A_1434 = vector.shape_cast %get3A_1433 : vector<1x16xf32> to vector<16xf32>
        %mul3A_1435 = arith.mulf %gather3A_1404, %get3A_1434 : vector<16xf32>
        %add3A_1436 = arith.addf %add3A_1304, %mul3A_1435 : vector<16xf32>
        %add3A_1437 = arith.constant 10 : i32
        %add3A_1438 = arith.addi %mul3A_75, %add3A_1437 : i32
        %get3A_1439 = arith.index_cast %add3A_1438 : i32 to index
        %get3A_1440 = arith.constant 64 : index
        %get3A_1441 = tpu.vector_load %arg8[%get3A_1439, %get3A_1440] {strides = array<i32>} : memref<128x256xf32, #tpu.memory_space<vmem>>, vector<1x16xf32>,
        %get3A_1442 = vector.shape_cast %get3A_1441 : vector<1x16xf32> to vector<16xf32>
        %mul3A_1443 = arith.mulf %gather3A_1404, %get3A_1442 : vector<16xf32>
        %add3A_1444 = arith.addf %add3A_1312, %mul3A_1443 : vector<16xf32>
        %add3A_1445 = arith.constant 10 : i32
        %add3A_1446 = arith.addi %mul3A_75, %add3A_1445 : i32
        %get3A_1447 = arith.index_cast %add3A_1446 : i32 to index
        %get3A_1448 = arith.constant 80 : index
        %get3A_1449 = tpu.vector_load %arg8[%get3A_1447, %get3A_1448] {strides = array<i32>} : memref<128x256xf32, #tpu.memory_space<vmem>>, vector<1x16xf32>,
        %get3A_1450 = vector.shape_cast %get3A_1449 : vector<1x16xf32> to vector<16xf32>
        %mul3A_1451 = arith.mulf %gather3A_1404, %get3A_1450 : vector<16xf32>
        %add3A_1452 = arith.addf %add3A_1320, %mul3A_1451 : vector<16xf32>
        %add3A_1453 = arith.constant 10 : i32
        %add3A_1454 = arith.addi %mul3A_75, %add3A_1453 : i32
        %get3A_1455 = arith.index_cast %add3A_1454 : i32 to index
        %get3A_1456 = arith.constant 96 : index
        %get3A_1457 = tpu.vector_load %arg8[%get3A_1455, %get3A_1456] {strides = array<i32>} : memref<128x256xf32, #tpu.memory_space<vmem>>, vector<1x16xf32>,
        %get3A_1458 = vector.shape_cast %get3A_1457 : vector<1x16xf32> to vector<16xf32>
        %mul3A_1459 = arith.mulf %gather3A_1404, %get3A_1458 : vector<16xf32>
        %add3A_1460 = arith.addf %add3A_1328, %mul3A_1459 : vector<16xf32>
        %add3A_1461 = arith.constant 10 : i32
        %add3A_1462 = arith.addi %mul3A_75, %add3A_1461 : i32
        %get3A_1463 = arith.index_cast %add3A_1462 : i32 to index
        %get3A_1464 = arith.constant 112 : index
        %get3A_1465 = tpu.vector_load %arg8[%get3A_1463, %get3A_1464] {strides = array<i32>} : memref<128x256xf32, #tpu.memory_space<vmem>>, vector<1x16xf32>,
        %get3A_1466 = vector.shape_cast %get3A_1465 : vector<1x16xf32> to vector<16xf32>
        %mul3A_1467 = arith.mulf %gather3A_1404, %get3A_1466 : vector<16xf32>
        %add3A_1468 = arith.addf %add3A_1336, %mul3A_1467 : vector<16xf32>
        %add3A_1469 = arith.constant 10 : i32
        %add3A_1470 = arith.addi %mul3A_75, %add3A_1469 : i32
        %get3A_1471 = arith.index_cast %add3A_1470 : i32 to index
        %get3A_1472 = arith.constant 128 : index
        %get3A_1473 = tpu.vector_load %arg8[%get3A_1471, %get3A_1472] {strides = array<i32>} : memref<128x256xf32, #tpu.memory_space<vmem>>, vector<1x16xf32>,
        %get3A_1474 = vector.shape_cast %get3A_1473 : vector<1x16xf32> to vector<16xf32>
        %mul3A_1475 = arith.mulf %gather3A_1404, %get3A_1474 : vector<16xf32>
        %add3A_1476 = arith.addf %add3A_1344, %mul3A_1475 : vector<16xf32>
        %add3A_1477 = arith.constant 10 : i32
        %add3A_1478 = arith.addi %mul3A_75, %add3A_1477 : i32
        %get3A_1479 = arith.index_cast %add3A_1478 : i32 to index
        %get3A_1480 = arith.constant 144 : index
        %get3A_1481 = tpu.vector_load %arg8[%get3A_1479, %get3A_1480] {strides = array<i32>} : memref<128x256xf32, #tpu.memory_space<vmem>>, vector<1x16xf32>,
        %get3A_1482 = vector.shape_cast %get3A_1481 : vector<1x16xf32> to vector<16xf32>
        %mul3A_1483 = arith.mulf %gather3A_1404, %get3A_1482 : vector<16xf32>
        %add3A_1484 = arith.addf %add3A_1352, %mul3A_1483 : vector<16xf32>
        %add3A_1485 = arith.constant 10 : i32
        %add3A_1486 = arith.addi %mul3A_75, %add3A_1485 : i32
        %get3A_1487 = arith.index_cast %add3A_1486 : i32 to index
        %get3A_1488 = arith.constant 160 : index
        %get3A_1489 = tpu.vector_load %arg8[%get3A_1487, %get3A_1488] {strides = array<i32>} : memref<128x256xf32, #tpu.memory_space<vmem>>, vector<1x16xf32>,
        %get3A_1490 = vector.shape_cast %get3A_1489 : vector<1x16xf32> to vector<16xf32>
        %mul3A_1491 = arith.mulf %gather3A_1404, %get3A_1490 : vector<16xf32>
        %add3A_1492 = arith.addf %add3A_1360, %mul3A_1491 : vector<16xf32>
        %add3A_1493 = arith.constant 10 : i32
        %add3A_1494 = arith.addi %mul3A_75, %add3A_1493 : i32
        %get3A_1495 = arith.index_cast %add3A_1494 : i32 to index
        %get3A_1496 = arith.constant 176 : index
        %get3A_1497 = tpu.vector_load %arg8[%get3A_1495, %get3A_1496] {strides = array<i32>} : memref<128x256xf32, #tpu.memory_space<vmem>>, vector<1x16xf32>,
        %get3A_1498 = vector.shape_cast %get3A_1497 : vector<1x16xf32> to vector<16xf32>
        %mul3A_1499 = arith.mulf %gather3A_1404, %get3A_1498 : vector<16xf32>
        %add3A_1500 = arith.addf %add3A_1368, %mul3A_1499 : vector<16xf32>
        %add3A_1501 = arith.constant 10 : i32
        %add3A_1502 = arith.addi %mul3A_75, %add3A_1501 : i32
        %get3A_1503 = arith.index_cast %add3A_1502 : i32 to index
        %get3A_1504 = arith.constant 192 : index
        %get3A_1505 = tpu.vector_load %arg8[%get3A_1503, %get3A_1504] {strides = array<i32>} : memref<128x256xf32, #tpu.memory_space<vmem>>, vector<1x16xf32>,
        %get3A_1506 = vector.shape_cast %get3A_1505 : vector<1x16xf32> to vector<16xf32>
        %mul3A_1507 = arith.mulf %gather3A_1404, %get3A_1506 : vector<16xf32>
        %add3A_1508 = arith.addf %add3A_1376, %mul3A_1507 : vector<16xf32>
        %add3A_1509 = arith.constant 10 : i32
        %add3A_1510 = arith.addi %mul3A_75, %add3A_1509 : i32
        %get3A_1511 = arith.index_cast %add3A_1510 : i32 to index
        %get3A_1512 = arith.constant 208 : index
        %get3A_1513 = tpu.vector_load %arg8[%get3A_1511, %get3A_1512] {strides = array<i32>} : memref<128x256xf32, #tpu.memory_space<vmem>>, vector<1x16xf32>,
        %get3A_1514 = vector.shape_cast %get3A_1513 : vector<1x16xf32> to vector<16xf32>
        %mul3A_1515 = arith.mulf %gather3A_1404, %get3A_1514 : vector<16xf32>
        %add3A_1516 = arith.addf %add3A_1384, %mul3A_1515 : vector<16xf32>
        %add3A_1517 = arith.constant 10 : i32
        %add3A_1518 = arith.addi %mul3A_75, %add3A_1517 : i32
        %get3A_1519 = arith.index_cast %add3A_1518 : i32 to index
        %get3A_1520 = arith.constant 224 : index
        %get3A_1521 = tpu.vector_load %arg8[%get3A_1519, %get3A_1520] {strides = array<i32>} : memref<128x256xf32, #tpu.memory_space<vmem>>, vector<1x16xf32>,
        %get3A_1522 = vector.shape_cast %get3A_1521 : vector<1x16xf32> to vector<16xf32>
        %mul3A_1523 = arith.mulf %gather3A_1404, %get3A_1522 : vector<16xf32>
        %add3A_1524 = arith.addf %add3A_1392, %mul3A_1523 : vector<16xf32>
        %add3A_1525 = arith.constant 10 : i32
        %add3A_1526 = arith.addi %mul3A_75, %add3A_1525 : i32
        %get3A_1527 = arith.index_cast %add3A_1526 : i32 to index
        %get3A_1528 = arith.constant 240 : index
        %get3A_1529 = tpu.vector_load %arg8[%get3A_1527, %get3A_1528] {strides = array<i32>} : memref<128x256xf32, #tpu.memory_space<vmem>>, vector<1x16xf32>,
        %get3A_1530 = vector.shape_cast %get3A_1529 : vector<1x16xf32> to vector<16xf32>
        %mul3A_1531 = arith.mulf %gather3A_1404, %get3A_1530 : vector<16xf32>
        %add3A_1532 = arith.addf %add3A_1400, %mul3A_1531 : vector<16xf32>
        %broadcast_in_dim3A_1533 = arith.constant 11 : i32
        %broadcast_in_dim3A_1534 = vector.broadcast %broadcast_in_dim3A_1533 : i32 to vector<16x1xi32>
        %gather3A_1535 = vector.shape_cast %broadcast_in_dim3A_1534 : vector<16x1xi32> to vector<16xi32>
        %gather3A_1536 = tpu.dynamic_gather %get3A_80[%gather3A_1535] in [0] : vector<16xf32>, vector<16xi32> -> vector<16xf32>
        %add3A_1537 = arith.constant 11 : i32
        %add3A_1538 = arith.addi %mul3A_75, %add3A_1537 : i32
        %get3A_1539 = arith.index_cast %add3A_1538 : i32 to index
        %get3A_1540 = arith.constant 0 : index
        %get3A_1541 = tpu.vector_load %arg8[%get3A_1539, %get3A_1540] {strides = array<i32>} : memref<128x256xf32, #tpu.memory_space<vmem>>, vector<1x16xf32>,
        %get3A_1542 = vector.shape_cast %get3A_1541 : vector<1x16xf32> to vector<16xf32>
        %mul3A_1543 = arith.mulf %gather3A_1536, %get3A_1542 : vector<16xf32>
        %add3A_1544 = arith.addf %add3A_1412, %mul3A_1543 : vector<16xf32>
        %add3A_1545 = arith.constant 11 : i32
        %add3A_1546 = arith.addi %mul3A_75, %add3A_1545 : i32
        %get3A_1547 = arith.index_cast %add3A_1546 : i32 to index
        %get3A_1548 = arith.constant 16 : index
        %get3A_1549 = tpu.vector_load %arg8[%get3A_1547, %get3A_1548] {strides = array<i32>} : memref<128x256xf32, #tpu.memory_space<vmem>>, vector<1x16xf32>,
        %get3A_1550 = vector.shape_cast %get3A_1549 : vector<1x16xf32> to vector<16xf32>
        %mul3A_1551 = arith.mulf %gather3A_1536, %get3A_1550 : vector<16xf32>
        %add3A_1552 = arith.addf %add3A_1420, %mul3A_1551 : vector<16xf32>
        %add3A_1553 = arith.constant 11 : i32
        %add3A_1554 = arith.addi %mul3A_75, %add3A_1553 : i32
        %get3A_1555 = arith.index_cast %add3A_1554 : i32 to index
        %get3A_1556 = arith.constant 32 : index
        %get3A_1557 = tpu.vector_load %arg8[%get3A_1555, %get3A_1556] {strides = array<i32>} : memref<128x256xf32, #tpu.memory_space<vmem>>, vector<1x16xf32>,
        %get3A_1558 = vector.shape_cast %get3A_1557 : vector<1x16xf32> to vector<16xf32>
        %mul3A_1559 = arith.mulf %gather3A_1536, %get3A_1558 : vector<16xf32>
        %add3A_1560 = arith.addf %add3A_1428, %mul3A_1559 : vector<16xf32>
        %add3A_1561 = arith.constant 11 : i32
        %add3A_1562 = arith.addi %mul3A_75, %add3A_1561 : i32
        %get3A_1563 = arith.index_cast %add3A_1562 : i32 to index
        %get3A_1564 = arith.constant 48 : index
        %get3A_1565 = tpu.vector_load %arg8[%get3A_1563, %get3A_1564] {strides = array<i32>} : memref<128x256xf32, #tpu.memory_space<vmem>>, vector<1x16xf32>,
        %get3A_1566 = vector.shape_cast %get3A_1565 : vector<1x16xf32> to vector<16xf32>
        %mul3A_1567 = arith.mulf %gather3A_1536, %get3A_1566 : vector<16xf32>
        %add3A_1568 = arith.addf %add3A_1436, %mul3A_1567 : vector<16xf32>
        %add3A_1569 = arith.constant 11 : i32
        %add3A_1570 = arith.addi %mul3A_75, %add3A_1569 : i32
        %get3A_1571 = arith.index_cast %add3A_1570 : i32 to index
        %get3A_1572 = arith.constant 64 : index
        %get3A_1573 = tpu.vector_load %arg8[%get3A_1571, %get3A_1572] {strides = array<i32>} : memref<128x256xf32, #tpu.memory_space<vmem>>, vector<1x16xf32>,
        %get3A_1574 = vector.shape_cast %get3A_1573 : vector<1x16xf32> to vector<16xf32>
        %mul3A_1575 = arith.mulf %gather3A_1536, %get3A_1574 : vector<16xf32>
        %add3A_1576 = arith.addf %add3A_1444, %mul3A_1575 : vector<16xf32>
        %add3A_1577 = arith.constant 11 : i32
        %add3A_1578 = arith.addi %mul3A_75, %add3A_1577 : i32
        %get3A_1579 = arith.index_cast %add3A_1578 : i32 to index
        %get3A_1580 = arith.constant 80 : index
        %get3A_1581 = tpu.vector_load %arg8[%get3A_1579, %get3A_1580] {strides = array<i32>} : memref<128x256xf32, #tpu.memory_space<vmem>>, vector<1x16xf32>,
        %get3A_1582 = vector.shape_cast %get3A_1581 : vector<1x16xf32> to vector<16xf32>
        %mul3A_1583 = arith.mulf %gather3A_1536, %get3A_1582 : vector<16xf32>
        %add3A_1584 = arith.addf %add3A_1452, %mul3A_1583 : vector<16xf32>
        %add3A_1585 = arith.constant 11 : i32
        %add3A_1586 = arith.addi %mul3A_75, %add3A_1585 : i32
        %get3A_1587 = arith.index_cast %add3A_1586 : i32 to index
        %get3A_1588 = arith.constant 96 : index
        %get3A_1589 = tpu.vector_load %arg8[%get3A_1587, %get3A_1588] {strides = array<i32>} : memref<128x256xf32, #tpu.memory_space<vmem>>, vector<1x16xf32>,
        %get3A_1590 = vector.shape_cast %get3A_1589 : vector<1x16xf32> to vector<16xf32>
        %mul3A_1591 = arith.mulf %gather3A_1536, %get3A_1590 : vector<16xf32>
        %add3A_1592 = arith.addf %add3A_1460, %mul3A_1591 : vector<16xf32>
        %add3A_1593 = arith.constant 11 : i32
        %add3A_1594 = arith.addi %mul3A_75, %add3A_1593 : i32
        %get3A_1595 = arith.index_cast %add3A_1594 : i32 to index
        %get3A_1596 = arith.constant 112 : index
        %get3A_1597 = tpu.vector_load %arg8[%get3A_1595, %get3A_1596] {strides = array<i32>} : memref<128x256xf32, #tpu.memory_space<vmem>>, vector<1x16xf32>,
        %get3A_1598 = vector.shape_cast %get3A_1597 : vector<1x16xf32> to vector<16xf32>
        %mul3A_1599 = arith.mulf %gather3A_1536, %get3A_1598 : vector<16xf32>
        %add3A_1600 = arith.addf %add3A_1468, %mul3A_1599 : vector<16xf32>
        %add3A_1601 = arith.constant 11 : i32
        %add3A_1602 = arith.addi %mul3A_75, %add3A_1601 : i32
        %get3A_1603 = arith.index_cast %add3A_1602 : i32 to index
        %get3A_1604 = arith.constant 128 : index
        %get3A_1605 = tpu.vector_load %arg8[%get3A_1603, %get3A_1604] {strides = array<i32>} : memref<128x256xf32, #tpu.memory_space<vmem>>, vector<1x16xf32>,
        %get3A_1606 = vector.shape_cast %get3A_1605 : vector<1x16xf32> to vector<16xf32>
        %mul3A_1607 = arith.mulf %gather3A_1536, %get3A_1606 : vector<16xf32>
        %add3A_1608 = arith.addf %add3A_1476, %mul3A_1607 : vector<16xf32>
        %add3A_1609 = arith.constant 11 : i32
        %add3A_1610 = arith.addi %mul3A_75, %add3A_1609 : i32
        %get3A_1611 = arith.index_cast %add3A_1610 : i32 to index
        %get3A_1612 = arith.constant 144 : index
        %get3A_1613 = tpu.vector_load %arg8[%get3A_1611, %get3A_1612] {strides = array<i32>} : memref<128x256xf32, #tpu.memory_space<vmem>>, vector<1x16xf32>,
        %get3A_1614 = vector.shape_cast %get3A_1613 : vector<1x16xf32> to vector<16xf32>
        %mul3A_1615 = arith.mulf %gather3A_1536, %get3A_1614 : vector<16xf32>
        %add3A_1616 = arith.addf %add3A_1484, %mul3A_1615 : vector<16xf32>
        %add3A_1617 = arith.constant 11 : i32
        %add3A_1618 = arith.addi %mul3A_75, %add3A_1617 : i32
        %get3A_1619 = arith.index_cast %add3A_1618 : i32 to index
        %get3A_1620 = arith.constant 160 : index
        %get3A_1621 = tpu.vector_load %arg8[%get3A_1619, %get3A_1620] {strides = array<i32>} : memref<128x256xf32, #tpu.memory_space<vmem>>, vector<1x16xf32>,
        %get3A_1622 = vector.shape_cast %get3A_1621 : vector<1x16xf32> to vector<16xf32>
        %mul3A_1623 = arith.mulf %gather3A_1536, %get3A_1622 : vector<16xf32>
        %add3A_1624 = arith.addf %add3A_1492, %mul3A_1623 : vector<16xf32>
        %add3A_1625 = arith.constant 11 : i32
        %add3A_1626 = arith.addi %mul3A_75, %add3A_1625 : i32
        %get3A_1627 = arith.index_cast %add3A_1626 : i32 to index
        %get3A_1628 = arith.constant 176 : index
        %get3A_1629 = tpu.vector_load %arg8[%get3A_1627, %get3A_1628] {strides = array<i32>} : memref<128x256xf32, #tpu.memory_space<vmem>>, vector<1x16xf32>,
        %get3A_1630 = vector.shape_cast %get3A_1629 : vector<1x16xf32> to vector<16xf32>
        %mul3A_1631 = arith.mulf %gather3A_1536, %get3A_1630 : vector<16xf32>
        %add3A_1632 = arith.addf %add3A_1500, %mul3A_1631 : vector<16xf32>
        %add3A_1633 = arith.constant 11 : i32
        %add3A_1634 = arith.addi %mul3A_75, %add3A_1633 : i32
        %get3A_1635 = arith.index_cast %add3A_1634 : i32 to index
        %get3A_1636 = arith.constant 192 : index
        %get3A_1637 = tpu.vector_load %arg8[%get3A_1635, %get3A_1636] {strides = array<i32>} : memref<128x256xf32, #tpu.memory_space<vmem>>, vector<1x16xf32>,
        %get3A_1638 = vector.shape_cast %get3A_1637 : vector<1x16xf32> to vector<16xf32>
        %mul3A_1639 = arith.mulf %gather3A_1536, %get3A_1638 : vector<16xf32>
        %add3A_1640 = arith.addf %add3A_1508, %mul3A_1639 : vector<16xf32>
        %add3A_1641 = arith.constant 11 : i32
        %add3A_1642 = arith.addi %mul3A_75, %add3A_1641 : i32
        %get3A_1643 = arith.index_cast %add3A_1642 : i32 to index
        %get3A_1644 = arith.constant 208 : index
        %get3A_1645 = tpu.vector_load %arg8[%get3A_1643, %get3A_1644] {strides = array<i32>} : memref<128x256xf32, #tpu.memory_space<vmem>>, vector<1x16xf32>,
        %get3A_1646 = vector.shape_cast %get3A_1645 : vector<1x16xf32> to vector<16xf32>
        %mul3A_1647 = arith.mulf %gather3A_1536, %get3A_1646 : vector<16xf32>
        %add3A_1648 = arith.addf %add3A_1516, %mul3A_1647 : vector<16xf32>
        %add3A_1649 = arith.constant 11 : i32
        %add3A_1650 = arith.addi %mul3A_75, %add3A_1649 : i32
        %get3A_1651 = arith.index_cast %add3A_1650 : i32 to index
        %get3A_1652 = arith.constant 224 : index
        %get3A_1653 = tpu.vector_load %arg8[%get3A_1651, %get3A_1652] {strides = array<i32>} : memref<128x256xf32, #tpu.memory_space<vmem>>, vector<1x16xf32>,
        %get3A_1654 = vector.shape_cast %get3A_1653 : vector<1x16xf32> to vector<16xf32>
        %mul3A_1655 = arith.mulf %gather3A_1536, %get3A_1654 : vector<16xf32>
        %add3A_1656 = arith.addf %add3A_1524, %mul3A_1655 : vector<16xf32>
        %add3A_1657 = arith.constant 11 : i32
        %add3A_1658 = arith.addi %mul3A_75, %add3A_1657 : i32
        %get3A_1659 = arith.index_cast %add3A_1658 : i32 to index
        %get3A_1660 = arith.constant 240 : index
        %get3A_1661 = tpu.vector_load %arg8[%get3A_1659, %get3A_1660] {strides = array<i32>} : memref<128x256xf32, #tpu.memory_space<vmem>>, vector<1x16xf32>,
        %get3A_1662 = vector.shape_cast %get3A_1661 : vector<1x16xf32> to vector<16xf32>
        %mul3A_1663 = arith.mulf %gather3A_1536, %get3A_1662 : vector<16xf32>
        %add3A_1664 = arith.addf %add3A_1532, %mul3A_1663 : vector<16xf32>
        %broadcast_in_dim3A_1665 = arith.constant 12 : i32
        %broadcast_in_dim3A_1666 = vector.broadcast %broadcast_in_dim3A_1665 : i32 to vector<16x1xi32>
        %gather3A_1667 = vector.shape_cast %broadcast_in_dim3A_1666 : vector<16x1xi32> to vector<16xi32>
        %gather3A_1668 = tpu.dynamic_gather %get3A_80[%gather3A_1667] in [0] : vector<16xf32>, vector<16xi32> -> vector<16xf32>
        %add3A_1669 = arith.constant 12 : i32
        %add3A_1670 = arith.addi %mul3A_75, %add3A_1669 : i32
        %get3A_1671 = arith.index_cast %add3A_1670 : i32 to index
        %get3A_1672 = arith.constant 0 : index
        %get3A_1673 = tpu.vector_load %arg8[%get3A_1671, %get3A_1672] {strides = array<i32>} : memref<128x256xf32, #tpu.memory_space<vmem>>, vector<1x16xf32>,
        %get3A_1674 = vector.shape_cast %get3A_1673 : vector<1x16xf32> to vector<16xf32>
        %mul3A_1675 = arith.mulf %gather3A_1668, %get3A_1674 : vector<16xf32>
        %add3A_1676 = arith.addf %add3A_1544, %mul3A_1675 : vector<16xf32>
        %add3A_1677 = arith.constant 12 : i32
        %add3A_1678 = arith.addi %mul3A_75, %add3A_1677 : i32
        %get3A_1679 = arith.index_cast %add3A_1678 : i32 to index
        %get3A_1680 = arith.constant 16 : index
        %get3A_1681 = tpu.vector_load %arg8[%get3A_1679, %get3A_1680] {strides = array<i32>} : memref<128x256xf32, #tpu.memory_space<vmem>>, vector<1x16xf32>,
        %get3A_1682 = vector.shape_cast %get3A_1681 : vector<1x16xf32> to vector<16xf32>
        %mul3A_1683 = arith.mulf %gather3A_1668, %get3A_1682 : vector<16xf32>
        %add3A_1684 = arith.addf %add3A_1552, %mul3A_1683 : vector<16xf32>
        %add3A_1685 = arith.constant 12 : i32
        %add3A_1686 = arith.addi %mul3A_75, %add3A_1685 : i32
        %get3A_1687 = arith.index_cast %add3A_1686 : i32 to index
        %get3A_1688 = arith.constant 32 : index
        %get3A_1689 = tpu.vector_load %arg8[%get3A_1687, %get3A_1688] {strides = array<i32>} : memref<128x256xf32, #tpu.memory_space<vmem>>, vector<1x16xf32>,
        %get3A_1690 = vector.shape_cast %get3A_1689 : vector<1x16xf32> to vector<16xf32>
        %mul3A_1691 = arith.mulf %gather3A_1668, %get3A_1690 : vector<16xf32>
        %add3A_1692 = arith.addf %add3A_1560, %mul3A_1691 : vector<16xf32>
        %add3A_1693 = arith.constant 12 : i32
        %add3A_1694 = arith.addi %mul3A_75, %add3A_1693 : i32
        %get3A_1695 = arith.index_cast %add3A_1694 : i32 to index
        %get3A_1696 = arith.constant 48 : index
        %get3A_1697 = tpu.vector_load %arg8[%get3A_1695, %get3A_1696] {strides = array<i32>} : memref<128x256xf32, #tpu.memory_space<vmem>>, vector<1x16xf32>,
        %get3A_1698 = vector.shape_cast %get3A_1697 : vector<1x16xf32> to vector<16xf32>
        %mul3A_1699 = arith.mulf %gather3A_1668, %get3A_1698 : vector<16xf32>
        %add3A_1700 = arith.addf %add3A_1568, %mul3A_1699 : vector<16xf32>
        %add3A_1701 = arith.constant 12 : i32
        %add3A_1702 = arith.addi %mul3A_75, %add3A_1701 : i32
        %get3A_1703 = arith.index_cast %add3A_1702 : i32 to index
        %get3A_1704 = arith.constant 64 : index
        %get3A_1705 = tpu.vector_load %arg8[%get3A_1703, %get3A_1704] {strides = array<i32>} : memref<128x256xf32, #tpu.memory_space<vmem>>, vector<1x16xf32>,
        %get3A_1706 = vector.shape_cast %get3A_1705 : vector<1x16xf32> to vector<16xf32>
        %mul3A_1707 = arith.mulf %gather3A_1668, %get3A_1706 : vector<16xf32>
        %add3A_1708 = arith.addf %add3A_1576, %mul3A_1707 : vector<16xf32>
        %add3A_1709 = arith.constant 12 : i32
        %add3A_1710 = arith.addi %mul3A_75, %add3A_1709 : i32
        %get3A_1711 = arith.index_cast %add3A_1710 : i32 to index
        %get3A_1712 = arith.constant 80 : index
        %get3A_1713 = tpu.vector_load %arg8[%get3A_1711, %get3A_1712] {strides = array<i32>} : memref<128x256xf32, #tpu.memory_space<vmem>>, vector<1x16xf32>,
        %get3A_1714 = vector.shape_cast %get3A_1713 : vector<1x16xf32> to vector<16xf32>
        %mul3A_1715 = arith.mulf %gather3A_1668, %get3A_1714 : vector<16xf32>
        %add3A_1716 = arith.addf %add3A_1584, %mul3A_1715 : vector<16xf32>
        %add3A_1717 = arith.constant 12 : i32
        %add3A_1718 = arith.addi %mul3A_75, %add3A_1717 : i32
        %get3A_1719 = arith.index_cast %add3A_1718 : i32 to index
        %get3A_1720 = arith.constant 96 : index
        %get3A_1721 = tpu.vector_load %arg8[%get3A_1719, %get3A_1720] {strides = array<i32>} : memref<128x256xf32, #tpu.memory_space<vmem>>, vector<1x16xf32>,
        %get3A_1722 = vector.shape_cast %get3A_1721 : vector<1x16xf32> to vector<16xf32>
        %mul3A_1723 = arith.mulf %gather3A_1668, %get3A_1722 : vector<16xf32>
        %add3A_1724 = arith.addf %add3A_1592, %mul3A_1723 : vector<16xf32>
        %add3A_1725 = arith.constant 12 : i32
        %add3A_1726 = arith.addi %mul3A_75, %add3A_1725 : i32
        %get3A_1727 = arith.index_cast %add3A_1726 : i32 to index
        %get3A_1728 = arith.constant 112 : index
        %get3A_1729 = tpu.vector_load %arg8[%get3A_1727, %get3A_1728] {strides = array<i32>} : memref<128x256xf32, #tpu.memory_space<vmem>>, vector<1x16xf32>,
        %get3A_1730 = vector.shape_cast %get3A_1729 : vector<1x16xf32> to vector<16xf32>
        %mul3A_1731 = arith.mulf %gather3A_1668, %get3A_1730 : vector<16xf32>
        %add3A_1732 = arith.addf %add3A_1600, %mul3A_1731 : vector<16xf32>
        %add3A_1733 = arith.constant 12 : i32
        %add3A_1734 = arith.addi %mul3A_75, %add3A_1733 : i32
        %get3A_1735 = arith.index_cast %add3A_1734 : i32 to index
        %get3A_1736 = arith.constant 128 : index
        %get3A_1737 = tpu.vector_load %arg8[%get3A_1735, %get3A_1736] {strides = array<i32>} : memref<128x256xf32, #tpu.memory_space<vmem>>, vector<1x16xf32>,
        %get3A_1738 = vector.shape_cast %get3A_1737 : vector<1x16xf32> to vector<16xf32>
        %mul3A_1739 = arith.mulf %gather3A_1668, %get3A_1738 : vector<16xf32>
        %add3A_1740 = arith.addf %add3A_1608, %mul3A_1739 : vector<16xf32>
        %add3A_1741 = arith.constant 12 : i32
        %add3A_1742 = arith.addi %mul3A_75, %add3A_1741 : i32
        %get3A_1743 = arith.index_cast %add3A_1742 : i32 to index
        %get3A_1744 = arith.constant 144 : index
        %get3A_1745 = tpu.vector_load %arg8[%get3A_1743, %get3A_1744] {strides = array<i32>} : memref<128x256xf32, #tpu.memory_space<vmem>>, vector<1x16xf32>,
        %get3A_1746 = vector.shape_cast %get3A_1745 : vector<1x16xf32> to vector<16xf32>
        %mul3A_1747 = arith.mulf %gather3A_1668, %get3A_1746 : vector<16xf32>
        %add3A_1748 = arith.addf %add3A_1616, %mul3A_1747 : vector<16xf32>
        %add3A_1749 = arith.constant 12 : i32
        %add3A_1750 = arith.addi %mul3A_75, %add3A_1749 : i32
        %get3A_1751 = arith.index_cast %add3A_1750 : i32 to index
        %get3A_1752 = arith.constant 160 : index
        %get3A_1753 = tpu.vector_load %arg8[%get3A_1751, %get3A_1752] {strides = array<i32>} : memref<128x256xf32, #tpu.memory_space<vmem>>, vector<1x16xf32>,
        %get3A_1754 = vector.shape_cast %get3A_1753 : vector<1x16xf32> to vector<16xf32>
        %mul3A_1755 = arith.mulf %gather3A_1668, %get3A_1754 : vector<16xf32>
        %add3A_1756 = arith.addf %add3A_1624, %mul3A_1755 : vector<16xf32>
        %add3A_1757 = arith.constant 12 : i32
        %add3A_1758 = arith.addi %mul3A_75, %add3A_1757 : i32
        %get3A_1759 = arith.index_cast %add3A_1758 : i32 to index
        %get3A_1760 = arith.constant 176 : index
        %get3A_1761 = tpu.vector_load %arg8[%get3A_1759, %get3A_1760] {strides = array<i32>} : memref<128x256xf32, #tpu.memory_space<vmem>>, vector<1x16xf32>,
        %get3A_1762 = vector.shape_cast %get3A_1761 : vector<1x16xf32> to vector<16xf32>
        %mul3A_1763 = arith.mulf %gather3A_1668, %get3A_1762 : vector<16xf32>
        %add3A_1764 = arith.addf %add3A_1632, %mul3A_1763 : vector<16xf32>
        %add3A_1765 = arith.constant 12 : i32
        %add3A_1766 = arith.addi %mul3A_75, %add3A_1765 : i32
        %get3A_1767 = arith.index_cast %add3A_1766 : i32 to index
        %get3A_1768 = arith.constant 192 : index
        %get3A_1769 = tpu.vector_load %arg8[%get3A_1767, %get3A_1768] {strides = array<i32>} : memref<128x256xf32, #tpu.memory_space<vmem>>, vector<1x16xf32>,
        %get3A_1770 = vector.shape_cast %get3A_1769 : vector<1x16xf32> to vector<16xf32>
        %mul3A_1771 = arith.mulf %gather3A_1668, %get3A_1770 : vector<16xf32>
        %add3A_1772 = arith.addf %add3A_1640, %mul3A_1771 : vector<16xf32>
        %add3A_1773 = arith.constant 12 : i32
        %add3A_1774 = arith.addi %mul3A_75, %add3A_1773 : i32
        %get3A_1775 = arith.index_cast %add3A_1774 : i32 to index
        %get3A_1776 = arith.constant 208 : index
        %get3A_1777 = tpu.vector_load %arg8[%get3A_1775, %get3A_1776] {strides = array<i32>} : memref<128x256xf32, #tpu.memory_space<vmem>>, vector<1x16xf32>,
        %get3A_1778 = vector.shape_cast %get3A_1777 : vector<1x16xf32> to vector<16xf32>
        %mul3A_1779 = arith.mulf %gather3A_1668, %get3A_1778 : vector<16xf32>
        %add3A_1780 = arith.addf %add3A_1648, %mul3A_1779 : vector<16xf32>
        %add3A_1781 = arith.constant 12 : i32
        %add3A_1782 = arith.addi %mul3A_75, %add3A_1781 : i32
        %get3A_1783 = arith.index_cast %add3A_1782 : i32 to index
        %get3A_1784 = arith.constant 224 : index
        %get3A_1785 = tpu.vector_load %arg8[%get3A_1783, %get3A_1784] {strides = array<i32>} : memref<128x256xf32, #tpu.memory_space<vmem>>, vector<1x16xf32>,
        %get3A_1786 = vector.shape_cast %get3A_1785 : vector<1x16xf32> to vector<16xf32>
        %mul3A_1787 = arith.mulf %gather3A_1668, %get3A_1786 : vector<16xf32>
        %add3A_1788 = arith.addf %add3A_1656, %mul3A_1787 : vector<16xf32>
        %add3A_1789 = arith.constant 12 : i32
        %add3A_1790 = arith.addi %mul3A_75, %add3A_1789 : i32
        %get3A_1791 = arith.index_cast %add3A_1790 : i32 to index
        %get3A_1792 = arith.constant 240 : index
        %get3A_1793 = tpu.vector_load %arg8[%get3A_1791, %get3A_1792] {strides = array<i32>} : memref<128x256xf32, #tpu.memory_space<vmem>>, vector<1x16xf32>,
        %get3A_1794 = vector.shape_cast %get3A_1793 : vector<1x16xf32> to vector<16xf32>
        %mul3A_1795 = arith.mulf %gather3A_1668, %get3A_1794 : vector<16xf32>
        %add3A_1796 = arith.addf %add3A_1664, %mul3A_1795 : vector<16xf32>
        %broadcast_in_dim3A_1797 = arith.constant 13 : i32
        %broadcast_in_dim3A_1798 = vector.broadcast %broadcast_in_dim3A_1797 : i32 to vector<16x1xi32>
        %gather3A_1799 = vector.shape_cast %broadcast_in_dim3A_1798 : vector<16x1xi32> to vector<16xi32>
        %gather3A_1800 = tpu.dynamic_gather %get3A_80[%gather3A_1799] in [0] : vector<16xf32>, vector<16xi32> -> vector<16xf32>
        %add3A_1801 = arith.constant 13 : i32
        %add3A_1802 = arith.addi %mul3A_75, %add3A_1801 : i32
        %get3A_1803 = arith.index_cast %add3A_1802 : i32 to index
        %get3A_1804 = arith.constant 0 : index
        %get3A_1805 = tpu.vector_load %arg8[%get3A_1803, %get3A_1804] {strides = array<i32>} : memref<128x256xf32, #tpu.memory_space<vmem>>, vector<1x16xf32>,
        %get3A_1806 = vector.shape_cast %get3A_1805 : vector<1x16xf32> to vector<16xf32>
        %mul3A_1807 = arith.mulf %gather3A_1800, %get3A_1806 : vector<16xf32>
        %add3A_1808 = arith.addf %add3A_1676, %mul3A_1807 : vector<16xf32>
        %add3A_1809 = arith.constant 13 : i32
        %add3A_1810 = arith.addi %mul3A_75, %add3A_1809 : i32
        %get3A_1811 = arith.index_cast %add3A_1810 : i32 to index
        %get3A_1812 = arith.constant 16 : index
        %get3A_1813 = tpu.vector_load %arg8[%get3A_1811, %get3A_1812] {strides = array<i32>} : memref<128x256xf32, #tpu.memory_space<vmem>>, vector<1x16xf32>,
        %get3A_1814 = vector.shape_cast %get3A_1813 : vector<1x16xf32> to vector<16xf32>
        %mul3A_1815 = arith.mulf %gather3A_1800, %get3A_1814 : vector<16xf32>
        %add3A_1816 = arith.addf %add3A_1684, %mul3A_1815 : vector<16xf32>
        %add3A_1817 = arith.constant 13 : i32
        %add3A_1818 = arith.addi %mul3A_75, %add3A_1817 : i32
        %get3A_1819 = arith.index_cast %add3A_1818 : i32 to index
        %get3A_1820 = arith.constant 32 : index
        %get3A_1821 = tpu.vector_load %arg8[%get3A_1819, %get3A_1820] {strides = array<i32>} : memref<128x256xf32, #tpu.memory_space<vmem>>, vector<1x16xf32>,
        %get3A_1822 = vector.shape_cast %get3A_1821 : vector<1x16xf32> to vector<16xf32>
        %mul3A_1823 = arith.mulf %gather3A_1800, %get3A_1822 : vector<16xf32>
        %add3A_1824 = arith.addf %add3A_1692, %mul3A_1823 : vector<16xf32>
        %add3A_1825 = arith.constant 13 : i32
        %add3A_1826 = arith.addi %mul3A_75, %add3A_1825 : i32
        %get3A_1827 = arith.index_cast %add3A_1826 : i32 to index
        %get3A_1828 = arith.constant 48 : index
        %get3A_1829 = tpu.vector_load %arg8[%get3A_1827, %get3A_1828] {strides = array<i32>} : memref<128x256xf32, #tpu.memory_space<vmem>>, vector<1x16xf32>,
        %get3A_1830 = vector.shape_cast %get3A_1829 : vector<1x16xf32> to vector<16xf32>
        %mul3A_1831 = arith.mulf %gather3A_1800, %get3A_1830 : vector<16xf32>
        %add3A_1832 = arith.addf %add3A_1700, %mul3A_1831 : vector<16xf32>
        %add3A_1833 = arith.constant 13 : i32
        %add3A_1834 = arith.addi %mul3A_75, %add3A_1833 : i32
        %get3A_1835 = arith.index_cast %add3A_1834 : i32 to index
        %get3A_1836 = arith.constant 64 : index
        %get3A_1837 = tpu.vector_load %arg8[%get3A_1835, %get3A_1836] {strides = array<i32>} : memref<128x256xf32, #tpu.memory_space<vmem>>, vector<1x16xf32>,
        %get3A_1838 = vector.shape_cast %get3A_1837 : vector<1x16xf32> to vector<16xf32>
        %mul3A_1839 = arith.mulf %gather3A_1800, %get3A_1838 : vector<16xf32>
        %add3A_1840 = arith.addf %add3A_1708, %mul3A_1839 : vector<16xf32>
        %add3A_1841 = arith.constant 13 : i32
        %add3A_1842 = arith.addi %mul3A_75, %add3A_1841 : i32
        %get3A_1843 = arith.index_cast %add3A_1842 : i32 to index
        %get3A_1844 = arith.constant 80 : index
        %get3A_1845 = tpu.vector_load %arg8[%get3A_1843, %get3A_1844] {strides = array<i32>} : memref<128x256xf32, #tpu.memory_space<vmem>>, vector<1x16xf32>,
        %get3A_1846 = vector.shape_cast %get3A_1845 : vector<1x16xf32> to vector<16xf32>
        %mul3A_1847 = arith.mulf %gather3A_1800, %get3A_1846 : vector<16xf32>
        %add3A_1848 = arith.addf %add3A_1716, %mul3A_1847 : vector<16xf32>
        %add3A_1849 = arith.constant 13 : i32
        %add3A_1850 = arith.addi %mul3A_75, %add3A_1849 : i32
        %get3A_1851 = arith.index_cast %add3A_1850 : i32 to index
        %get3A_1852 = arith.constant 96 : index
        %get3A_1853 = tpu.vector_load %arg8[%get3A_1851, %get3A_1852] {strides = array<i32>} : memref<128x256xf32, #tpu.memory_space<vmem>>, vector<1x16xf32>,
        %get3A_1854 = vector.shape_cast %get3A_1853 : vector<1x16xf32> to vector<16xf32>
        %mul3A_1855 = arith.mulf %gather3A_1800, %get3A_1854 : vector<16xf32>
        %add3A_1856 = arith.addf %add3A_1724, %mul3A_1855 : vector<16xf32>
        %add3A_1857 = arith.constant 13 : i32
        %add3A_1858 = arith.addi %mul3A_75, %add3A_1857 : i32
        %get3A_1859 = arith.index_cast %add3A_1858 : i32 to index
        %get3A_1860 = arith.constant 112 : index
        %get3A_1861 = tpu.vector_load %arg8[%get3A_1859, %get3A_1860] {strides = array<i32>} : memref<128x256xf32, #tpu.memory_space<vmem>>, vector<1x16xf32>,
        %get3A_1862 = vector.shape_cast %get3A_1861 : vector<1x16xf32> to vector<16xf32>
        %mul3A_1863 = arith.mulf %gather3A_1800, %get3A_1862 : vector<16xf32>
        %add3A_1864 = arith.addf %add3A_1732, %mul3A_1863 : vector<16xf32>
        %add3A_1865 = arith.constant 13 : i32
        %add3A_1866 = arith.addi %mul3A_75, %add3A_1865 : i32
        %get3A_1867 = arith.index_cast %add3A_1866 : i32 to index
        %get3A_1868 = arith.constant 128 : index
        %get3A_1869 = tpu.vector_load %arg8[%get3A_1867, %get3A_1868] {strides = array<i32>} : memref<128x256xf32, #tpu.memory_space<vmem>>, vector<1x16xf32>,
        %get3A_1870 = vector.shape_cast %get3A_1869 : vector<1x16xf32> to vector<16xf32>
        %mul3A_1871 = arith.mulf %gather3A_1800, %get3A_1870 : vector<16xf32>
        %add3A_1872 = arith.addf %add3A_1740, %mul3A_1871 : vector<16xf32>
        %add3A_1873 = arith.constant 13 : i32
        %add3A_1874 = arith.addi %mul3A_75, %add3A_1873 : i32
        %get3A_1875 = arith.index_cast %add3A_1874 : i32 to index
        %get3A_1876 = arith.constant 144 : index
        %get3A_1877 = tpu.vector_load %arg8[%get3A_1875, %get3A_1876] {strides = array<i32>} : memref<128x256xf32, #tpu.memory_space<vmem>>, vector<1x16xf32>,
        %get3A_1878 = vector.shape_cast %get3A_1877 : vector<1x16xf32> to vector<16xf32>
        %mul3A_1879 = arith.mulf %gather3A_1800, %get3A_1878 : vector<16xf32>
        %add3A_1880 = arith.addf %add3A_1748, %mul3A_1879 : vector<16xf32>
        %add3A_1881 = arith.constant 13 : i32
        %add3A_1882 = arith.addi %mul3A_75, %add3A_1881 : i32
        %get3A_1883 = arith.index_cast %add3A_1882 : i32 to index
        %get3A_1884 = arith.constant 160 : index
        %get3A_1885 = tpu.vector_load %arg8[%get3A_1883, %get3A_1884] {strides = array<i32>} : memref<128x256xf32, #tpu.memory_space<vmem>>, vector<1x16xf32>,
        %get3A_1886 = vector.shape_cast %get3A_1885 : vector<1x16xf32> to vector<16xf32>
        %mul3A_1887 = arith.mulf %gather3A_1800, %get3A_1886 : vector<16xf32>
        %add3A_1888 = arith.addf %add3A_1756, %mul3A_1887 : vector<16xf32>
        %add3A_1889 = arith.constant 13 : i32
        %add3A_1890 = arith.addi %mul3A_75, %add3A_1889 : i32
        %get3A_1891 = arith.index_cast %add3A_1890 : i32 to index
        %get3A_1892 = arith.constant 176 : index
        %get3A_1893 = tpu.vector_load %arg8[%get3A_1891, %get3A_1892] {strides = array<i32>} : memref<128x256xf32, #tpu.memory_space<vmem>>, vector<1x16xf32>,
        %get3A_1894 = vector.shape_cast %get3A_1893 : vector<1x16xf32> to vector<16xf32>
        %mul3A_1895 = arith.mulf %gather3A_1800, %get3A_1894 : vector<16xf32>
        %add3A_1896 = arith.addf %add3A_1764, %mul3A_1895 : vector<16xf32>
        %add3A_1897 = arith.constant 13 : i32
        %add3A_1898 = arith.addi %mul3A_75, %add3A_1897 : i32
        %get3A_1899 = arith.index_cast %add3A_1898 : i32 to index
        %get3A_1900 = arith.constant 192 : index
        %get3A_1901 = tpu.vector_load %arg8[%get3A_1899, %get3A_1900] {strides = array<i32>} : memref<128x256xf32, #tpu.memory_space<vmem>>, vector<1x16xf32>,
        %get3A_1902 = vector.shape_cast %get3A_1901 : vector<1x16xf32> to vector<16xf32>
        %mul3A_1903 = arith.mulf %gather3A_1800, %get3A_1902 : vector<16xf32>
        %add3A_1904 = arith.addf %add3A_1772, %mul3A_1903 : vector<16xf32>
        %add3A_1905 = arith.constant 13 : i32
        %add3A_1906 = arith.addi %mul3A_75, %add3A_1905 : i32
        %get3A_1907 = arith.index_cast %add3A_1906 : i32 to index
        %get3A_1908 = arith.constant 208 : index
        %get3A_1909 = tpu.vector_load %arg8[%get3A_1907, %get3A_1908] {strides = array<i32>} : memref<128x256xf32, #tpu.memory_space<vmem>>, vector<1x16xf32>,
        %get3A_1910 = vector.shape_cast %get3A_1909 : vector<1x16xf32> to vector<16xf32>
        %mul3A_1911 = arith.mulf %gather3A_1800, %get3A_1910 : vector<16xf32>
        %add3A_1912 = arith.addf %add3A_1780, %mul3A_1911 : vector<16xf32>
        %add3A_1913 = arith.constant 13 : i32
        %add3A_1914 = arith.addi %mul3A_75, %add3A_1913 : i32
        %get3A_1915 = arith.index_cast %add3A_1914 : i32 to index
        %get3A_1916 = arith.constant 224 : index
        %get3A_1917 = tpu.vector_load %arg8[%get3A_1915, %get3A_1916] {strides = array<i32>} : memref<128x256xf32, #tpu.memory_space<vmem>>, vector<1x16xf32>,
        %get3A_1918 = vector.shape_cast %get3A_1917 : vector<1x16xf32> to vector<16xf32>
        %mul3A_1919 = arith.mulf %gather3A_1800, %get3A_1918 : vector<16xf32>
        %add3A_1920 = arith.addf %add3A_1788, %mul3A_1919 : vector<16xf32>
        %add3A_1921 = arith.constant 13 : i32
        %add3A_1922 = arith.addi %mul3A_75, %add3A_1921 : i32
        %get3A_1923 = arith.index_cast %add3A_1922 : i32 to index
        %get3A_1924 = arith.constant 240 : index
        %get3A_1925 = tpu.vector_load %arg8[%get3A_1923, %get3A_1924] {strides = array<i32>} : memref<128x256xf32, #tpu.memory_space<vmem>>, vector<1x16xf32>,
        %get3A_1926 = vector.shape_cast %get3A_1925 : vector<1x16xf32> to vector<16xf32>
        %mul3A_1927 = arith.mulf %gather3A_1800, %get3A_1926 : vector<16xf32>
        %add3A_1928 = arith.addf %add3A_1796, %mul3A_1927 : vector<16xf32>
        %broadcast_in_dim3A_1929 = arith.constant 14 : i32
        %broadcast_in_dim3A_1930 = vector.broadcast %broadcast_in_dim3A_1929 : i32 to vector<16x1xi32>
        %gather3A_1931 = vector.shape_cast %broadcast_in_dim3A_1930 : vector<16x1xi32> to vector<16xi32>
        %gather3A_1932 = tpu.dynamic_gather %get3A_80[%gather3A_1931] in [0] : vector<16xf32>, vector<16xi32> -> vector<16xf32>
        %add3A_1933 = arith.constant 14 : i32
        %add3A_1934 = arith.addi %mul3A_75, %add3A_1933 : i32
        %get3A_1935 = arith.index_cast %add3A_1934 : i32 to index
        %get3A_1936 = arith.constant 0 : index
        %get3A_1937 = tpu.vector_load %arg8[%get3A_1935, %get3A_1936] {strides = array<i32>} : memref<128x256xf32, #tpu.memory_space<vmem>>, vector<1x16xf32>,
        %get3A_1938 = vector.shape_cast %get3A_1937 : vector<1x16xf32> to vector<16xf32>
        %mul3A_1939 = arith.mulf %gather3A_1932, %get3A_1938 : vector<16xf32>
        %add3A_1940 = arith.addf %add3A_1808, %mul3A_1939 : vector<16xf32>
        %add3A_1941 = arith.constant 14 : i32
        %add3A_1942 = arith.addi %mul3A_75, %add3A_1941 : i32
        %get3A_1943 = arith.index_cast %add3A_1942 : i32 to index
        %get3A_1944 = arith.constant 16 : index
        %get3A_1945 = tpu.vector_load %arg8[%get3A_1943, %get3A_1944] {strides = array<i32>} : memref<128x256xf32, #tpu.memory_space<vmem>>, vector<1x16xf32>,
        %get3A_1946 = vector.shape_cast %get3A_1945 : vector<1x16xf32> to vector<16xf32>
        %mul3A_1947 = arith.mulf %gather3A_1932, %get3A_1946 : vector<16xf32>
        %add3A_1948 = arith.addf %add3A_1816, %mul3A_1947 : vector<16xf32>
        %add3A_1949 = arith.constant 14 : i32
        %add3A_1950 = arith.addi %mul3A_75, %add3A_1949 : i32
        %get3A_1951 = arith.index_cast %add3A_1950 : i32 to index
        %get3A_1952 = arith.constant 32 : index
        %get3A_1953 = tpu.vector_load %arg8[%get3A_1951, %get3A_1952] {strides = array<i32>} : memref<128x256xf32, #tpu.memory_space<vmem>>, vector<1x16xf32>,
        %get3A_1954 = vector.shape_cast %get3A_1953 : vector<1x16xf32> to vector<16xf32>
        %mul3A_1955 = arith.mulf %gather3A_1932, %get3A_1954 : vector<16xf32>
        %add3A_1956 = arith.addf %add3A_1824, %mul3A_1955 : vector<16xf32>
        %add3A_1957 = arith.constant 14 : i32
        %add3A_1958 = arith.addi %mul3A_75, %add3A_1957 : i32
        %get3A_1959 = arith.index_cast %add3A_1958 : i32 to index
        %get3A_1960 = arith.constant 48 : index
        %get3A_1961 = tpu.vector_load %arg8[%get3A_1959, %get3A_1960] {strides = array<i32>} : memref<128x256xf32, #tpu.memory_space<vmem>>, vector<1x16xf32>,
        %get3A_1962 = vector.shape_cast %get3A_1961 : vector<1x16xf32> to vector<16xf32>
        %mul3A_1963 = arith.mulf %gather3A_1932, %get3A_1962 : vector<16xf32>
        %add3A_1964 = arith.addf %add3A_1832, %mul3A_1963 : vector<16xf32>
        %add3A_1965 = arith.constant 14 : i32
        %add3A_1966 = arith.addi %mul3A_75, %add3A_1965 : i32
        %get3A_1967 = arith.index_cast %add3A_1966 : i32 to index
        %get3A_1968 = arith.constant 64 : index
        %get3A_1969 = tpu.vector_load %arg8[%get3A_1967, %get3A_1968] {strides = array<i32>} : memref<128x256xf32, #tpu.memory_space<vmem>>, vector<1x16xf32>,
        %get3A_1970 = vector.shape_cast %get3A_1969 : vector<1x16xf32> to vector<16xf32>
        %mul3A_1971 = arith.mulf %gather3A_1932, %get3A_1970 : vector<16xf32>
        %add3A_1972 = arith.addf %add3A_1840, %mul3A_1971 : vector<16xf32>
        %add3A_1973 = arith.constant 14 : i32
        %add3A_1974 = arith.addi %mul3A_75, %add3A_1973 : i32
        %get3A_1975 = arith.index_cast %add3A_1974 : i32 to index
        %get3A_1976 = arith.constant 80 : index
        %get3A_1977 = tpu.vector_load %arg8[%get3A_1975, %get3A_1976] {strides = array<i32>} : memref<128x256xf32, #tpu.memory_space<vmem>>, vector<1x16xf32>,
        %get3A_1978 = vector.shape_cast %get3A_1977 : vector<1x16xf32> to vector<16xf32>
        %mul3A_1979 = arith.mulf %gather3A_1932, %get3A_1978 : vector<16xf32>
        %add3A_1980 = arith.addf %add3A_1848, %mul3A_1979 : vector<16xf32>
        %add3A_1981 = arith.constant 14 : i32
        %add3A_1982 = arith.addi %mul3A_75, %add3A_1981 : i32
        %get3A_1983 = arith.index_cast %add3A_1982 : i32 to index
        %get3A_1984 = arith.constant 96 : index
        %get3A_1985 = tpu.vector_load %arg8[%get3A_1983, %get3A_1984] {strides = array<i32>} : memref<128x256xf32, #tpu.memory_space<vmem>>, vector<1x16xf32>,
        %get3A_1986 = vector.shape_cast %get3A_1985 : vector<1x16xf32> to vector<16xf32>
        %mul3A_1987 = arith.mulf %gather3A_1932, %get3A_1986 : vector<16xf32>
        %add3A_1988 = arith.addf %add3A_1856, %mul3A_1987 : vector<16xf32>
        %add3A_1989 = arith.constant 14 : i32
        %add3A_1990 = arith.addi %mul3A_75, %add3A_1989 : i32
        %get3A_1991 = arith.index_cast %add3A_1990 : i32 to index
        %get3A_1992 = arith.constant 112 : index
        %get3A_1993 = tpu.vector_load %arg8[%get3A_1991, %get3A_1992] {strides = array<i32>} : memref<128x256xf32, #tpu.memory_space<vmem>>, vector<1x16xf32>,
        %get3A_1994 = vector.shape_cast %get3A_1993 : vector<1x16xf32> to vector<16xf32>
        %mul3A_1995 = arith.mulf %gather3A_1932, %get3A_1994 : vector<16xf32>
        %add3A_1996 = arith.addf %add3A_1864, %mul3A_1995 : vector<16xf32>
        %add3A_1997 = arith.constant 14 : i32
        %add3A_1998 = arith.addi %mul3A_75, %add3A_1997 : i32
        %get3A_1999 = arith.index_cast %add3A_1998 : i32 to index
        %get3A_2000 = arith.constant 128 : index
        %get3A_2001 = tpu.vector_load %arg8[%get3A_1999, %get3A_2000] {strides = array<i32>} : memref<128x256xf32, #tpu.memory_space<vmem>>, vector<1x16xf32>,
        %get3A_2002 = vector.shape_cast %get3A_2001 : vector<1x16xf32> to vector<16xf32>
        %mul3A_2003 = arith.mulf %gather3A_1932, %get3A_2002 : vector<16xf32>
        %add3A_2004 = arith.addf %add3A_1872, %mul3A_2003 : vector<16xf32>
        %add3A_2005 = arith.constant 14 : i32
        %add3A_2006 = arith.addi %mul3A_75, %add3A_2005 : i32
        %get3A_2007 = arith.index_cast %add3A_2006 : i32 to index
        %get3A_2008 = arith.constant 144 : index
        %get3A_2009 = tpu.vector_load %arg8[%get3A_2007, %get3A_2008] {strides = array<i32>} : memref<128x256xf32, #tpu.memory_space<vmem>>, vector<1x16xf32>,
        %get3A_2010 = vector.shape_cast %get3A_2009 : vector<1x16xf32> to vector<16xf32>
        %mul3A_2011 = arith.mulf %gather3A_1932, %get3A_2010 : vector<16xf32>
        %add3A_2012 = arith.addf %add3A_1880, %mul3A_2011 : vector<16xf32>
        %add3A_2013 = arith.constant 14 : i32
        %add3A_2014 = arith.addi %mul3A_75, %add3A_2013 : i32
        %get3A_2015 = arith.index_cast %add3A_2014 : i32 to index
        %get3A_2016 = arith.constant 160 : index
        %get3A_2017 = tpu.vector_load %arg8[%get3A_2015, %get3A_2016] {strides = array<i32>} : memref<128x256xf32, #tpu.memory_space<vmem>>, vector<1x16xf32>,
        %get3A_2018 = vector.shape_cast %get3A_2017 : vector<1x16xf32> to vector<16xf32>
        %mul3A_2019 = arith.mulf %gather3A_1932, %get3A_2018 : vector<16xf32>
        %add3A_2020 = arith.addf %add3A_1888, %mul3A_2019 : vector<16xf32>
        %add3A_2021 = arith.constant 14 : i32
        %add3A_2022 = arith.addi %mul3A_75, %add3A_2021 : i32
        %get3A_2023 = arith.index_cast %add3A_2022 : i32 to index
        %get3A_2024 = arith.constant 176 : index
        %get3A_2025 = tpu.vector_load %arg8[%get3A_2023, %get3A_2024] {strides = array<i32>} : memref<128x256xf32, #tpu.memory_space<vmem>>, vector<1x16xf32>,
        %get3A_2026 = vector.shape_cast %get3A_2025 : vector<1x16xf32> to vector<16xf32>
        %mul3A_2027 = arith.mulf %gather3A_1932, %get3A_2026 : vector<16xf32>
        %add3A_2028 = arith.addf %add3A_1896, %mul3A_2027 : vector<16xf32>
        %add3A_2029 = arith.constant 14 : i32
        %add3A_2030 = arith.addi %mul3A_75, %add3A_2029 : i32
        %get3A_2031 = arith.index_cast %add3A_2030 : i32 to index
        %get3A_2032 = arith.constant 192 : index
        %get3A_2033 = tpu.vector_load %arg8[%get3A_2031, %get3A_2032] {strides = array<i32>} : memref<128x256xf32, #tpu.memory_space<vmem>>, vector<1x16xf32>,
        %get3A_2034 = vector.shape_cast %get3A_2033 : vector<1x16xf32> to vector<16xf32>
        %mul3A_2035 = arith.mulf %gather3A_1932, %get3A_2034 : vector<16xf32>
        %add3A_2036 = arith.addf %add3A_1904, %mul3A_2035 : vector<16xf32>
        %add3A_2037 = arith.constant 14 : i32
        %add3A_2038 = arith.addi %mul3A_75, %add3A_2037 : i32
        %get3A_2039 = arith.index_cast %add3A_2038 : i32 to index
        %get3A_2040 = arith.constant 208 : index
        %get3A_2041 = tpu.vector_load %arg8[%get3A_2039, %get3A_2040] {strides = array<i32>} : memref<128x256xf32, #tpu.memory_space<vmem>>, vector<1x16xf32>,
        %get3A_2042 = vector.shape_cast %get3A_2041 : vector<1x16xf32> to vector<16xf32>
        %mul3A_2043 = arith.mulf %gather3A_1932, %get3A_2042 : vector<16xf32>
        %add3A_2044 = arith.addf %add3A_1912, %mul3A_2043 : vector<16xf32>
        %add3A_2045 = arith.constant 14 : i32
        %add3A_2046 = arith.addi %mul3A_75, %add3A_2045 : i32
        %get3A_2047 = arith.index_cast %add3A_2046 : i32 to index
        %get3A_2048 = arith.constant 224 : index
        %get3A_2049 = tpu.vector_load %arg8[%get3A_2047, %get3A_2048] {strides = array<i32>} : memref<128x256xf32, #tpu.memory_space<vmem>>, vector<1x16xf32>,
        %get3A_2050 = vector.shape_cast %get3A_2049 : vector<1x16xf32> to vector<16xf32>
        %mul3A_2051 = arith.mulf %gather3A_1932, %get3A_2050 : vector<16xf32>
        %add3A_2052 = arith.addf %add3A_1920, %mul3A_2051 : vector<16xf32>
        %add3A_2053 = arith.constant 14 : i32
        %add3A_2054 = arith.addi %mul3A_75, %add3A_2053 : i32
        %get3A_2055 = arith.index_cast %add3A_2054 : i32 to index
        %get3A_2056 = arith.constant 240 : index
        %get3A_2057 = tpu.vector_load %arg8[%get3A_2055, %get3A_2056] {strides = array<i32>} : memref<128x256xf32, #tpu.memory_space<vmem>>, vector<1x16xf32>,
        %get3A_2058 = vector.shape_cast %get3A_2057 : vector<1x16xf32> to vector<16xf32>
        %mul3A_2059 = arith.mulf %gather3A_1932, %get3A_2058 : vector<16xf32>
        %add3A_2060 = arith.addf %add3A_1928, %mul3A_2059 : vector<16xf32>
        %broadcast_in_dim3A_2061 = arith.constant 15 : i32
        %broadcast_in_dim3A_2062 = vector.broadcast %broadcast_in_dim3A_2061 : i32 to vector<16x1xi32>
        %gather3A_2063 = vector.shape_cast %broadcast_in_dim3A_2062 : vector<16x1xi32> to vector<16xi32>
        %gather3A_2064 = tpu.dynamic_gather %get3A_80[%gather3A_2063] in [0] : vector<16xf32>, vector<16xi32> -> vector<16xf32>
        %add3A_2065 = arith.constant 15 : i32
        %add3A_2066 = arith.addi %mul3A_75, %add3A_2065 : i32
        %get3A_2067 = arith.index_cast %add3A_2066 : i32 to index
        %get3A_2068 = arith.constant 0 : index
        %get3A_2069 = tpu.vector_load %arg8[%get3A_2067, %get3A_2068] {strides = array<i32>} : memref<128x256xf32, #tpu.memory_space<vmem>>, vector<1x16xf32>,
        %get3A_2070 = vector.shape_cast %get3A_2069 : vector<1x16xf32> to vector<16xf32>
        %mul3A_2071 = arith.mulf %gather3A_2064, %get3A_2070 : vector<16xf32>
        %add3A_2072 = arith.addf %add3A_1940, %mul3A_2071 : vector<16xf32>
        %add3A_2073 = arith.constant 15 : i32
        %add3A_2074 = arith.addi %mul3A_75, %add3A_2073 : i32
        %get3A_2075 = arith.index_cast %add3A_2074 : i32 to index
        %get3A_2076 = arith.constant 16 : index
        %get3A_2077 = tpu.vector_load %arg8[%get3A_2075, %get3A_2076] {strides = array<i32>} : memref<128x256xf32, #tpu.memory_space<vmem>>, vector<1x16xf32>,
        %get3A_2078 = vector.shape_cast %get3A_2077 : vector<1x16xf32> to vector<16xf32>
        %mul3A_2079 = arith.mulf %gather3A_2064, %get3A_2078 : vector<16xf32>
        %add3A_2080 = arith.addf %add3A_1948, %mul3A_2079 : vector<16xf32>
        %add3A_2081 = arith.constant 15 : i32
        %add3A_2082 = arith.addi %mul3A_75, %add3A_2081 : i32
        %get3A_2083 = arith.index_cast %add3A_2082 : i32 to index
        %get3A_2084 = arith.constant 32 : index
        %get3A_2085 = tpu.vector_load %arg8[%get3A_2083, %get3A_2084] {strides = array<i32>} : memref<128x256xf32, #tpu.memory_space<vmem>>, vector<1x16xf32>,
        %get3A_2086 = vector.shape_cast %get3A_2085 : vector<1x16xf32> to vector<16xf32>
        %mul3A_2087 = arith.mulf %gather3A_2064, %get3A_2086 : vector<16xf32>
        %add3A_2088 = arith.addf %add3A_1956, %mul3A_2087 : vector<16xf32>
        %add3A_2089 = arith.constant 15 : i32
        %add3A_2090 = arith.addi %mul3A_75, %add3A_2089 : i32
        %get3A_2091 = arith.index_cast %add3A_2090 : i32 to index
        %get3A_2092 = arith.constant 48 : index
        %get3A_2093 = tpu.vector_load %arg8[%get3A_2091, %get3A_2092] {strides = array<i32>} : memref<128x256xf32, #tpu.memory_space<vmem>>, vector<1x16xf32>,
        %get3A_2094 = vector.shape_cast %get3A_2093 : vector<1x16xf32> to vector<16xf32>
        %mul3A_2095 = arith.mulf %gather3A_2064, %get3A_2094 : vector<16xf32>
        %add3A_2096 = arith.addf %add3A_1964, %mul3A_2095 : vector<16xf32>
        %add3A_2097 = arith.constant 15 : i32
        %add3A_2098 = arith.addi %mul3A_75, %add3A_2097 : i32
        %get3A_2099 = arith.index_cast %add3A_2098 : i32 to index
        %get3A_2100 = arith.constant 64 : index
        %get3A_2101 = tpu.vector_load %arg8[%get3A_2099, %get3A_2100] {strides = array<i32>} : memref<128x256xf32, #tpu.memory_space<vmem>>, vector<1x16xf32>,
        %get3A_2102 = vector.shape_cast %get3A_2101 : vector<1x16xf32> to vector<16xf32>
        %mul3A_2103 = arith.mulf %gather3A_2064, %get3A_2102 : vector<16xf32>
        %add3A_2104 = arith.addf %add3A_1972, %mul3A_2103 : vector<16xf32>
        %add3A_2105 = arith.constant 15 : i32
        %add3A_2106 = arith.addi %mul3A_75, %add3A_2105 : i32
        %get3A_2107 = arith.index_cast %add3A_2106 : i32 to index
        %get3A_2108 = arith.constant 80 : index
        %get3A_2109 = tpu.vector_load %arg8[%get3A_2107, %get3A_2108] {strides = array<i32>} : memref<128x256xf32, #tpu.memory_space<vmem>>, vector<1x16xf32>,
        %get3A_2110 = vector.shape_cast %get3A_2109 : vector<1x16xf32> to vector<16xf32>
        %mul3A_2111 = arith.mulf %gather3A_2064, %get3A_2110 : vector<16xf32>
        %add3A_2112 = arith.addf %add3A_1980, %mul3A_2111 : vector<16xf32>
        %add3A_2113 = arith.constant 15 : i32
        %add3A_2114 = arith.addi %mul3A_75, %add3A_2113 : i32
        %get3A_2115 = arith.index_cast %add3A_2114 : i32 to index
        %get3A_2116 = arith.constant 96 : index
        %get3A_2117 = tpu.vector_load %arg8[%get3A_2115, %get3A_2116] {strides = array<i32>} : memref<128x256xf32, #tpu.memory_space<vmem>>, vector<1x16xf32>,
        %get3A_2118 = vector.shape_cast %get3A_2117 : vector<1x16xf32> to vector<16xf32>
        %mul3A_2119 = arith.mulf %gather3A_2064, %get3A_2118 : vector<16xf32>
        %add3A_2120 = arith.addf %add3A_1988, %mul3A_2119 : vector<16xf32>
        %add3A_2121 = arith.constant 15 : i32
        %add3A_2122 = arith.addi %mul3A_75, %add3A_2121 : i32
        %get3A_2123 = arith.index_cast %add3A_2122 : i32 to index
        %get3A_2124 = arith.constant 112 : index
        %get3A_2125 = tpu.vector_load %arg8[%get3A_2123, %get3A_2124] {strides = array<i32>} : memref<128x256xf32, #tpu.memory_space<vmem>>, vector<1x16xf32>,
        %get3A_2126 = vector.shape_cast %get3A_2125 : vector<1x16xf32> to vector<16xf32>
        %mul3A_2127 = arith.mulf %gather3A_2064, %get3A_2126 : vector<16xf32>
        %add3A_2128 = arith.addf %add3A_1996, %mul3A_2127 : vector<16xf32>
        %add3A_2129 = arith.constant 15 : i32
        %add3A_2130 = arith.addi %mul3A_75, %add3A_2129 : i32
        %get3A_2131 = arith.index_cast %add3A_2130 : i32 to index
        %get3A_2132 = arith.constant 128 : index
        %get3A_2133 = tpu.vector_load %arg8[%get3A_2131, %get3A_2132] {strides = array<i32>} : memref<128x256xf32, #tpu.memory_space<vmem>>, vector<1x16xf32>,
        %get3A_2134 = vector.shape_cast %get3A_2133 : vector<1x16xf32> to vector<16xf32>
        %mul3A_2135 = arith.mulf %gather3A_2064, %get3A_2134 : vector<16xf32>
        %add3A_2136 = arith.addf %add3A_2004, %mul3A_2135 : vector<16xf32>
        %add3A_2137 = arith.constant 15 : i32
        %add3A_2138 = arith.addi %mul3A_75, %add3A_2137 : i32
        %get3A_2139 = arith.index_cast %add3A_2138 : i32 to index
        %get3A_2140 = arith.constant 144 : index
        %get3A_2141 = tpu.vector_load %arg8[%get3A_2139, %get3A_2140] {strides = array<i32>} : memref<128x256xf32, #tpu.memory_space<vmem>>, vector<1x16xf32>,
        %get3A_2142 = vector.shape_cast %get3A_2141 : vector<1x16xf32> to vector<16xf32>
        %mul3A_2143 = arith.mulf %gather3A_2064, %get3A_2142 : vector<16xf32>
        %add3A_2144 = arith.addf %add3A_2012, %mul3A_2143 : vector<16xf32>
        %add3A_2145 = arith.constant 15 : i32
        %add3A_2146 = arith.addi %mul3A_75, %add3A_2145 : i32
        %get3A_2147 = arith.index_cast %add3A_2146 : i32 to index
        %get3A_2148 = arith.constant 160 : index
        %get3A_2149 = tpu.vector_load %arg8[%get3A_2147, %get3A_2148] {strides = array<i32>} : memref<128x256xf32, #tpu.memory_space<vmem>>, vector<1x16xf32>,
        %get3A_2150 = vector.shape_cast %get3A_2149 : vector<1x16xf32> to vector<16xf32>
        %mul3A_2151 = arith.mulf %gather3A_2064, %get3A_2150 : vector<16xf32>
        %add3A_2152 = arith.addf %add3A_2020, %mul3A_2151 : vector<16xf32>
        %add3A_2153 = arith.constant 15 : i32
        %add3A_2154 = arith.addi %mul3A_75, %add3A_2153 : i32
        %get3A_2155 = arith.index_cast %add3A_2154 : i32 to index
        %get3A_2156 = arith.constant 176 : index
        %get3A_2157 = tpu.vector_load %arg8[%get3A_2155, %get3A_2156] {strides = array<i32>} : memref<128x256xf32, #tpu.memory_space<vmem>>, vector<1x16xf32>,
        %get3A_2158 = vector.shape_cast %get3A_2157 : vector<1x16xf32> to vector<16xf32>
        %mul3A_2159 = arith.mulf %gather3A_2064, %get3A_2158 : vector<16xf32>
        %add3A_2160 = arith.addf %add3A_2028, %mul3A_2159 : vector<16xf32>
        %add3A_2161 = arith.constant 15 : i32
        %add3A_2162 = arith.addi %mul3A_75, %add3A_2161 : i32
        %get3A_2163 = arith.index_cast %add3A_2162 : i32 to index
        %get3A_2164 = arith.constant 192 : index
        %get3A_2165 = tpu.vector_load %arg8[%get3A_2163, %get3A_2164] {strides = array<i32>} : memref<128x256xf32, #tpu.memory_space<vmem>>, vector<1x16xf32>,
        %get3A_2166 = vector.shape_cast %get3A_2165 : vector<1x16xf32> to vector<16xf32>
        %mul3A_2167 = arith.mulf %gather3A_2064, %get3A_2166 : vector<16xf32>
        %add3A_2168 = arith.addf %add3A_2036, %mul3A_2167 : vector<16xf32>
        %add3A_2169 = arith.constant 15 : i32
        %add3A_2170 = arith.addi %mul3A_75, %add3A_2169 : i32
        %get3A_2171 = arith.index_cast %add3A_2170 : i32 to index
        %get3A_2172 = arith.constant 208 : index
        %get3A_2173 = tpu.vector_load %arg8[%get3A_2171, %get3A_2172] {strides = array<i32>} : memref<128x256xf32, #tpu.memory_space<vmem>>, vector<1x16xf32>,
        %get3A_2174 = vector.shape_cast %get3A_2173 : vector<1x16xf32> to vector<16xf32>
        %mul3A_2175 = arith.mulf %gather3A_2064, %get3A_2174 : vector<16xf32>
        %add3A_2176 = arith.addf %add3A_2044, %mul3A_2175 : vector<16xf32>
        %add3A_2177 = arith.constant 15 : i32
        %add3A_2178 = arith.addi %mul3A_75, %add3A_2177 : i32
        %get3A_2179 = arith.index_cast %add3A_2178 : i32 to index
        %get3A_2180 = arith.constant 224 : index
        %get3A_2181 = tpu.vector_load %arg8[%get3A_2179, %get3A_2180] {strides = array<i32>} : memref<128x256xf32, #tpu.memory_space<vmem>>, vector<1x16xf32>,
        %get3A_2182 = vector.shape_cast %get3A_2181 : vector<1x16xf32> to vector<16xf32>
        %mul3A_2183 = arith.mulf %gather3A_2064, %get3A_2182 : vector<16xf32>
        %add3A_2184 = arith.addf %add3A_2052, %mul3A_2183 : vector<16xf32>
        %add3A_2185 = arith.constant 15 : i32
        %add3A_2186 = arith.addi %mul3A_75, %add3A_2185 : i32
        %get3A_2187 = arith.index_cast %add3A_2186 : i32 to index
        %get3A_2188 = arith.constant 240 : index
        %get3A_2189 = tpu.vector_load %arg8[%get3A_2187, %get3A_2188] {strides = array<i32>} : memref<128x256xf32, #tpu.memory_space<vmem>>, vector<1x16xf32>,
        %get3A_2190 = vector.shape_cast %get3A_2189 : vector<1x16xf32> to vector<16xf32>
        %mul3A_2191 = arith.mulf %gather3A_2064, %get3A_2190 : vector<16xf32>
        %add3A_2192 = arith.addf %add3A_2060, %mul3A_2191 : vector<16xf32>
        %swap3A = arith.index_cast %scan3A_73 : i32 to index
        %swap3A_2193 = arith.constant 0 : index
        %swap3A_2194 = tpu.vector_load %arg10[%swap3A, %swap3A_2193] {strides = array<i32>} : memref<8x256xf32, #tpu.memory_space<vmem>>, vector<1x16xf32>,
        %swap3A_2195 = vector.shape_cast %swap3A_2194 : vector<1x16xf32> to vector<16xf32>
        %swap3A_2196 = vector.shape_cast %add3A_2072 : vector<16xf32> to vector<1x16xf32>
        tpu.vector_store %arg10[%swap3A, %swap3A_2193], %swap3A_2196 {strides = array<i32>} : memref<8x256xf32, #tpu.memory_space<vmem>>, vector<1x16xf32>,
        %swap3A_2197 = arith.index_cast %scan3A_73 : i32 to index
        %swap3A_2198 = arith.constant 16 : index
        %swap3A_2199 = tpu.vector_load %arg10[%swap3A_2197, %swap3A_2198] {strides = array<i32>} : memref<8x256xf32, #tpu.memory_space<vmem>>, vector<1x16xf32>,
        %swap3A_2200 = vector.shape_cast %swap3A_2199 : vector<1x16xf32> to vector<16xf32>
        %swap3A_2201 = vector.shape_cast %add3A_2080 : vector<16xf32> to vector<1x16xf32>
        tpu.vector_store %arg10[%swap3A_2197, %swap3A_2198], %swap3A_2201 {strides = array<i32>} : memref<8x256xf32, #tpu.memory_space<vmem>>, vector<1x16xf32>,
        %swap3A_2202 = arith.index_cast %scan3A_73 : i32 to index
        %swap3A_2203 = arith.constant 32 : index
        %swap3A_2204 = tpu.vector_load %arg10[%swap3A_2202, %swap3A_2203] {strides = array<i32>} : memref<8x256xf32, #tpu.memory_space<vmem>>, vector<1x16xf32>,
        %swap3A_2205 = vector.shape_cast %swap3A_2204 : vector<1x16xf32> to vector<16xf32>
        %swap3A_2206 = vector.shape_cast %add3A_2088 : vector<16xf32> to vector<1x16xf32>
        tpu.vector_store %arg10[%swap3A_2202, %swap3A_2203], %swap3A_2206 {strides = array<i32>} : memref<8x256xf32, #tpu.memory_space<vmem>>, vector<1x16xf32>,
        %swap3A_2207 = arith.index_cast %scan3A_73 : i32 to index
        %swap3A_2208 = arith.constant 48 : index
        %swap3A_2209 = tpu.vector_load %arg10[%swap3A_2207, %swap3A_2208] {strides = array<i32>} : memref<8x256xf32, #tpu.memory_space<vmem>>, vector<1x16xf32>,
        %swap3A_2210 = vector.shape_cast %swap3A_2209 : vector<1x16xf32> to vector<16xf32>
        %swap3A_2211 = vector.shape_cast %add3A_2096 : vector<16xf32> to vector<1x16xf32>
        tpu.vector_store %arg10[%swap3A_2207, %swap3A_2208], %swap3A_2211 {strides = array<i32>} : memref<8x256xf32, #tpu.memory_space<vmem>>, vector<1x16xf32>,
        %swap3A_2212 = arith.index_cast %scan3A_73 : i32 to index
        %swap3A_2213 = arith.constant 64 : index
        %swap3A_2214 = tpu.vector_load %arg10[%swap3A_2212, %swap3A_2213] {strides = array<i32>} : memref<8x256xf32, #tpu.memory_space<vmem>>, vector<1x16xf32>,
        %swap3A_2215 = vector.shape_cast %swap3A_2214 : vector<1x16xf32> to vector<16xf32>
        %swap3A_2216 = vector.shape_cast %add3A_2104 : vector<16xf32> to vector<1x16xf32>
        tpu.vector_store %arg10[%swap3A_2212, %swap3A_2213], %swap3A_2216 {strides = array<i32>} : memref<8x256xf32, #tpu.memory_space<vmem>>, vector<1x16xf32>,
        %swap3A_2217 = arith.index_cast %scan3A_73 : i32 to index
        %swap3A_2218 = arith.constant 80 : index
        %swap3A_2219 = tpu.vector_load %arg10[%swap3A_2217, %swap3A_2218] {strides = array<i32>} : memref<8x256xf32, #tpu.memory_space<vmem>>, vector<1x16xf32>,
        %swap3A_2220 = vector.shape_cast %swap3A_2219 : vector<1x16xf32> to vector<16xf32>
        %swap3A_2221 = vector.shape_cast %add3A_2112 : vector<16xf32> to vector<1x16xf32>
        tpu.vector_store %arg10[%swap3A_2217, %swap3A_2218], %swap3A_2221 {strides = array<i32>} : memref<8x256xf32, #tpu.memory_space<vmem>>, vector<1x16xf32>,
        %swap3A_2222 = arith.index_cast %scan3A_73 : i32 to index
        %swap3A_2223 = arith.constant 96 : index
        %swap3A_2224 = tpu.vector_load %arg10[%swap3A_2222, %swap3A_2223] {strides = array<i32>} : memref<8x256xf32, #tpu.memory_space<vmem>>, vector<1x16xf32>,
        %swap3A_2225 = vector.shape_cast %swap3A_2224 : vector<1x16xf32> to vector<16xf32>
        %swap3A_2226 = vector.shape_cast %add3A_2120 : vector<16xf32> to vector<1x16xf32>
        tpu.vector_store %arg10[%swap3A_2222, %swap3A_2223], %swap3A_2226 {strides = array<i32>} : memref<8x256xf32, #tpu.memory_space<vmem>>, vector<1x16xf32>,
        %swap3A_2227 = arith.index_cast %scan3A_73 : i32 to index
        %swap3A_2228 = arith.constant 112 : index
        %swap3A_2229 = tpu.vector_load %arg10[%swap3A_2227, %swap3A_2228] {strides = array<i32>} : memref<8x256xf32, #tpu.memory_space<vmem>>, vector<1x16xf32>,
        %swap3A_2230 = vector.shape_cast %swap3A_2229 : vector<1x16xf32> to vector<16xf32>
        %swap3A_2231 = vector.shape_cast %add3A_2128 : vector<16xf32> to vector<1x16xf32>
        tpu.vector_store %arg10[%swap3A_2227, %swap3A_2228], %swap3A_2231 {strides = array<i32>} : memref<8x256xf32, #tpu.memory_space<vmem>>, vector<1x16xf32>,
        %swap3A_2232 = arith.index_cast %scan3A_73 : i32 to index
        %swap3A_2233 = arith.constant 128 : index
        %swap3A_2234 = tpu.vector_load %arg10[%swap3A_2232, %swap3A_2233] {strides = array<i32>} : memref<8x256xf32, #tpu.memory_space<vmem>>, vector<1x16xf32>,
        %swap3A_2235 = vector.shape_cast %swap3A_2234 : vector<1x16xf32> to vector<16xf32>
        %swap3A_2236 = vector.shape_cast %add3A_2136 : vector<16xf32> to vector<1x16xf32>
        tpu.vector_store %arg10[%swap3A_2232, %swap3A_2233], %swap3A_2236 {strides = array<i32>} : memref<8x256xf32, #tpu.memory_space<vmem>>, vector<1x16xf32>,
        %swap3A_2237 = arith.index_cast %scan3A_73 : i32 to index
        %swap3A_2238 = arith.constant 144 : index
        %swap3A_2239 = tpu.vector_load %arg10[%swap3A_2237, %swap3A_2238] {strides = array<i32>} : memref<8x256xf32, #tpu.memory_space<vmem>>, vector<1x16xf32>,
        %swap3A_2240 = vector.shape_cast %swap3A_2239 : vector<1x16xf32> to vector<16xf32>
        %swap3A_2241 = vector.shape_cast %add3A_2144 : vector<16xf32> to vector<1x16xf32>
        tpu.vector_store %arg10[%swap3A_2237, %swap3A_2238], %swap3A_2241 {strides = array<i32>} : memref<8x256xf32, #tpu.memory_space<vmem>>, vector<1x16xf32>,
        %swap3A_2242 = arith.index_cast %scan3A_73 : i32 to index
        %swap3A_2243 = arith.constant 160 : index
        %swap3A_2244 = tpu.vector_load %arg10[%swap3A_2242, %swap3A_2243] {strides = array<i32>} : memref<8x256xf32, #tpu.memory_space<vmem>>, vector<1x16xf32>,
        %swap3A_2245 = vector.shape_cast %swap3A_2244 : vector<1x16xf32> to vector<16xf32>
        %swap3A_2246 = vector.shape_cast %add3A_2152 : vector<16xf32> to vector<1x16xf32>
        tpu.vector_store %arg10[%swap3A_2242, %swap3A_2243], %swap3A_2246 {strides = array<i32>} : memref<8x256xf32, #tpu.memory_space<vmem>>, vector<1x16xf32>,
        %swap3A_2247 = arith.index_cast %scan3A_73 : i32 to index
        %swap3A_2248 = arith.constant 176 : index
        %swap3A_2249 = tpu.vector_load %arg10[%swap3A_2247, %swap3A_2248] {strides = array<i32>} : memref<8x256xf32, #tpu.memory_space<vmem>>, vector<1x16xf32>,
        %swap3A_2250 = vector.shape_cast %swap3A_2249 : vector<1x16xf32> to vector<16xf32>
        %swap3A_2251 = vector.shape_cast %add3A_2160 : vector<16xf32> to vector<1x16xf32>
        tpu.vector_store %arg10[%swap3A_2247, %swap3A_2248], %swap3A_2251 {strides = array<i32>} : memref<8x256xf32, #tpu.memory_space<vmem>>, vector<1x16xf32>,
        %swap3A_2252 = arith.index_cast %scan3A_73 : i32 to index
        %swap3A_2253 = arith.constant 192 : index
        %swap3A_2254 = tpu.vector_load %arg10[%swap3A_2252, %swap3A_2253] {strides = array<i32>} : memref<8x256xf32, #tpu.memory_space<vmem>>, vector<1x16xf32>,
        %swap3A_2255 = vector.shape_cast %swap3A_2254 : vector<1x16xf32> to vector<16xf32>
        %swap3A_2256 = vector.shape_cast %add3A_2168 : vector<16xf32> to vector<1x16xf32>
        tpu.vector_store %arg10[%swap3A_2252, %swap3A_2253], %swap3A_2256 {strides = array<i32>} : memref<8x256xf32, #tpu.memory_space<vmem>>, vector<1x16xf32>,
        %swap3A_2257 = arith.index_cast %scan3A_73 : i32 to index
        %swap3A_2258 = arith.constant 208 : index
        %swap3A_2259 = tpu.vector_load %arg10[%swap3A_2257, %swap3A_2258] {strides = array<i32>} : memref<8x256xf32, #tpu.memory_space<vmem>>, vector<1x16xf32>,
        %swap3A_2260 = vector.shape_cast %swap3A_2259 : vector<1x16xf32> to vector<16xf32>
        %swap3A_2261 = vector.shape_cast %add3A_2176 : vector<16xf32> to vector<1x16xf32>
        tpu.vector_store %arg10[%swap3A_2257, %swap3A_2258], %swap3A_2261 {strides = array<i32>} : memref<8x256xf32, #tpu.memory_space<vmem>>, vector<1x16xf32>,
        %swap3A_2262 = arith.index_cast %scan3A_73 : i32 to index
        %swap3A_2263 = arith.constant 224 : index
        %swap3A_2264 = tpu.vector_load %arg10[%swap3A_2262, %swap3A_2263] {strides = array<i32>} : memref<8x256xf32, #tpu.memory_space<vmem>>, vector<1x16xf32>,
        %swap3A_2265 = vector.shape_cast %swap3A_2264 : vector<1x16xf32> to vector<16xf32>
        %swap3A_2266 = vector.shape_cast %add3A_2184 : vector<16xf32> to vector<1x16xf32>
        tpu.vector_store %arg10[%swap3A_2262, %swap3A_2263], %swap3A_2266 {strides = array<i32>} : memref<8x256xf32, #tpu.memory_space<vmem>>, vector<1x16xf32>,
        %swap3A_2267 = arith.index_cast %scan3A_73 : i32 to index
        %swap3A_2268 = arith.constant 240 : index
        %swap3A_2269 = tpu.vector_load %arg10[%swap3A_2267, %swap3A_2268] {strides = array<i32>} : memref<8x256xf32, #tpu.memory_space<vmem>>, vector<1x16xf32>,
        %swap3A_2270 = vector.shape_cast %swap3A_2269 : vector<1x16xf32> to vector<16xf32>
        %swap3A_2271 = vector.shape_cast %add3A_2192 : vector<16xf32> to vector<1x16xf32>
        tpu.vector_store %arg10[%swap3A_2267, %swap3A_2268], %swap3A_2271 {strides = array<i32>} : memref<8x256xf32, #tpu.memory_space<vmem>>, vector<1x16xf32>,
      }
      %scan3A_51 = arith.constant 8 : i32
      %add3A_52 = arith.addi %mul3A_2, %mul3A_31 : i32
      %mul3A_53 = arith.constant 8 : i32
      %mul3A_54 = arith.muli %add3A_52, %mul3A_53 : i32
      %dma_start3A_55 = arith.constant 0 : i32
      %dma_start3A_56 = tpu.memref_slice %arg5[%mul3A_54, %dma_start3A_55] : memref<25088x256xf32, #tpu.memory_space<hbm>> -> memref<8x256xf32, #tpu.memory_space<hbm>>
      %dma_start3A_57 = arith.constant 0 : i32
      %dma_start3A_58 = tpu.memref_slice %arg5[%mul3A_54, %dma_start3A_57] : memref<25088x256xf32, #tpu.memory_space<hbm>> -> memref<8x256xf32, #tpu.memory_space<hbm>>
      tpu.enqueue_dma source(%arg10 : memref<8x256xf32, #tpu.memory_space<vmem>>) target(%dma_start3A_58 : memref<8x256xf32, #tpu.memory_space<hbm>>) target_semaphore(%arg14 : memref<!tpu.dma_semaphore, #tpu.memory_space<semaphore_mem>>)
      %add3A_59 = arith.constant 2 : i32
      %add3A_60 = arith.addi %mul3A_31, %add3A_59 : i32
      %lt3A_61 = arith.constant 98 : i32
      %lt3A_62 = arith.cmpi slt, %add3A_60, %lt3A_61 : i32
      %convert_element_type3A_63 = arith.extui %lt3A_62 : i1 to i32
      %cond3A_64 = arith.constant 0 : i32
      %cond3A_65 = arith.cmpi ne, %convert_element_type3A_63, %cond3A_64 : i32
      scf.if %cond3A_65 {
        %add3A_73 = arith.constant 2 : i32
        %add3A_74 = arith.addi %mul3A_31, %add3A_73 : i32
        %mul3A_75 = arith.constant 128 : i32
        %mul3A_76 = arith.muli %add3A_74, %mul3A_75 : i32
        %dma_start3A_77 = tpu.memref_slice %arg6[%mul3A_76] : memref<12544xi32, #tpu.memory_space<vmem>> -> memref<128xi32, #tpu.memory_space<vmem>>
        %dma_start3A_78 = arith.constant 0 : i32
        %dma_start3A_79 = arith.constant 0 : i32
        %dma_start3A_80 = tpu.memref_slice %arg2[%dma_start3A_78, %dma_start3A_79] : memref<65536x256xf32, #tpu.memory_space<hbm>> -> memref<65536x256xf32, #tpu.memory_space<hbm>>
        tpu.enqueue_indirect_dma source(%dma_start3A_80 : memref<65536x256xf32, #tpu.memory_space<hbm>>) target(%arg8 : memref<128x256xf32, #tpu.memory_space<vmem>>) offsets(%dma_start3A_77 : memref<128xi32, #tpu.memory_space<vmem>>) semaphore(%arg12 : memref<!tpu.dma_semaphore, #tpu.memory_space<semaphore_mem>>)
      } else {
      }
      %add3A_66 = arith.constant 1 : i32
      %add3A_67 = arith.addi %mul3A_31, %add3A_66 : i32
      %lt3A_68 = arith.constant 98 : i32
      %lt3A_69 = arith.cmpi slt, %add3A_67, %lt3A_68 : i32
      %convert_element_type3A_70 = arith.extui %lt3A_69 : i1 to i32
      %cond3A_71 = arith.constant 0 : i32
      %cond3A_72 = arith.cmpi ne, %convert_element_type3A_70, %cond3A_71 : i32
      scf.if %cond3A_72 {
        %add3A_73 = arith.constant 1 : i32
        %add3A_74 = arith.addi %mul3A_31, %add3A_73 : i32
        %mul3A_75 = arith.constant 128 : i32
        %mul3A_76 = arith.muli %add3A_74, %mul3A_75 : i32
        %dma_wait3A_77 = tpu.memref_slice %arg6[%mul3A_76] : memref<12544xi32, #tpu.memory_space<vmem>> -> memref<128xi32, #tpu.memory_space<vmem>>
        %dma_wait3A_78 = arith.constant 0 : i32
        %dma_wait3A_79 = arith.constant 0 : i32
        %dma_wait3A_80 = tpu.memref_slice %arg2[%dma_wait3A_78, %dma_wait3A_79] : memref<65536x256xf32, #tpu.memory_space<hbm>> -> memref<65536x256xf32, #tpu.memory_space<hbm>>
        tpu.wait_indirect_dma semaphore(%arg13 : memref<!tpu.dma_semaphore, #tpu.memory_space<semaphore_mem>>) src(%dma_wait3A_80 : memref<65536x256xf32, #tpu.memory_space<hbm>>) dst(%arg9 : memref<128x256xf32, #tpu.memory_space<vmem>>)
        %ge3A_81 = arith.constant 2 : i32
        %ge3A_82 = arith.cmpi sge, %add3A_74, %ge3A_81 : i32
        %convert_element_type3A_83 = arith.extui %ge3A_82 : i1 to i32
        %cond3A_84 = arith.constant 0 : i32
        %cond3A_85 = arith.cmpi ne, %convert_element_type3A_83, %cond3A_84 : i32
        scf.if %cond3A_85 {
          %sub3A = arith.constant 2 : i32
          %sub3A_99 = arith.subi %add3A_74, %sub3A : i32
          %add3A_100 = arith.addi %mul3A_2, %sub3A_99 : i32
          %mul3A_101 = arith.constant 8 : i32
          %mul3A_102 = arith.muli %add3A_100, %mul3A_101 : i32
          %dma_wait3A_103 = arith.constant 0 : i32
          %dma_wait3A_104 = tpu.memref_slice %arg5[%mul3A_102, %dma_wait3A_103] : memref<25088x256xf32, #tpu.memory_space<hbm>> -> memref<8x256xf32, #tpu.memory_space<hbm>>
          %dma_wait3A_105 = arith.constant 0 : i32
          %dma_wait3A_106 = tpu.memref_slice %arg5[%mul3A_102, %dma_wait3A_105] : memref<25088x256xf32, #tpu.memory_space<hbm>> -> memref<8x256xf32, #tpu.memory_space<hbm>>
          tpu.wait_dma2 semaphore(%arg15 : memref<!tpu.dma_semaphore, #tpu.memory_space<semaphore_mem>>) src(%arg11 : memref<8x256xf32, #tpu.memory_space<vmem>>) dst(%dma_wait3A_106 : memref<8x256xf32, #tpu.memory_space<hbm>>)
        } else {
        }
        %scan3A_86 = arith.constant 0 : i32
        %scan3A_87 = arith.constant 0 : i32
        %scan3A_88 = arith.constant 8 : i32
        %scan3A_89 = arith.addi %scan3A_87, %scan3A_88 : i32
        %scan3A_90 = arith.constant 1 : i32
        scf.for %scan3A_99 = %scan3A_87 to %scan3A_89 step %scan3A_90  : i32 {
          %mul3A_100 = arith.constant 16 : i32
          %mul3A_101 = arith.muli %scan3A_99, %mul3A_100 : i32
          %mul3A_102 = arith.constant 128 : i32
          %mul3A_103 = arith.muli %add3A_74, %mul3A_102 : i32
          %add3A_104 = arith.addi %mul3A_103, %mul3A_101 : i32
          %get3A = arith.index_cast %add3A_104 : i32 to index
          %get3A_105 = tpu.vector_load %arg7[%get3A] {strides = array<i32>} : memref<12544xf32, #tpu.memory_space<vmem>>, vector<16xf32>,
          %get3A_106 = vector.shape_cast %get3A_105 : vector<16xf32> to vector<16xf32>
          %broadcast_in_dim3A = arith.constant 0.000000e+00 : f32
          %broadcast_in_dim3A_107 = vector.broadcast %broadcast_in_dim3A : f32 to vector<16xf32>
          %broadcast_in_dim3A_108 = arith.constant 0 : i32
          %broadcast_in_dim3A_109 = vector.broadcast %broadcast_in_dim3A_108 : i32 to vector<16x1xi32>
          %gather3A = vector.shape_cast %broadcast_in_dim3A_109 : vector<16x1xi32> to vector<16xi32>
          %gather3A_110 = tpu.dynamic_gather %get3A_106[%gather3A] in [0] : vector<16xf32>, vector<16xi32> -> vector<16xf32>
          %add3A_111 = arith.constant 0 : i32
          %add3A_112 = arith.addi %mul3A_101, %add3A_111 : i32
          %get3A_113 = arith.index_cast %add3A_112 : i32 to index
          %get3A_114 = arith.constant 0 : index
          %get3A_115 = tpu.vector_load %arg9[%get3A_113, %get3A_114] {strides = array<i32>} : memref<128x256xf32, #tpu.memory_space<vmem>>, vector<1x16xf32>,
          %get3A_116 = vector.shape_cast %get3A_115 : vector<1x16xf32> to vector<16xf32>
          %mul3A_117 = arith.mulf %gather3A_110, %get3A_116 : vector<16xf32>
          %add3A_118 = arith.addf %broadcast_in_dim3A_107, %mul3A_117 : vector<16xf32>
          %add3A_119 = arith.constant 0 : i32
          %add3A_120 = arith.addi %mul3A_101, %add3A_119 : i32
          %get3A_121 = arith.index_cast %add3A_120 : i32 to index
          %get3A_122 = arith.constant 16 : index
          %get3A_123 = tpu.vector_load %arg9[%get3A_121, %get3A_122] {strides = array<i32>} : memref<128x256xf32, #tpu.memory_space<vmem>>, vector<1x16xf32>,
          %get3A_124 = vector.shape_cast %get3A_123 : vector<1x16xf32> to vector<16xf32>
          %mul3A_125 = arith.mulf %gather3A_110, %get3A_124 : vector<16xf32>
          %add3A_126 = arith.addf %broadcast_in_dim3A_107, %mul3A_125 : vector<16xf32>
          %add3A_127 = arith.constant 0 : i32
          %add3A_128 = arith.addi %mul3A_101, %add3A_127 : i32
          %get3A_129 = arith.index_cast %add3A_128 : i32 to index
          %get3A_130 = arith.constant 32 : index
          %get3A_131 = tpu.vector_load %arg9[%get3A_129, %get3A_130] {strides = array<i32>} : memref<128x256xf32, #tpu.memory_space<vmem>>, vector<1x16xf32>,
          %get3A_132 = vector.shape_cast %get3A_131 : vector<1x16xf32> to vector<16xf32>
          %mul3A_133 = arith.mulf %gather3A_110, %get3A_132 : vector<16xf32>
          %add3A_134 = arith.addf %broadcast_in_dim3A_107, %mul3A_133 : vector<16xf32>
          %add3A_135 = arith.constant 0 : i32
          %add3A_136 = arith.addi %mul3A_101, %add3A_135 : i32
          %get3A_137 = arith.index_cast %add3A_136 : i32 to index
          %get3A_138 = arith.constant 48 : index
          %get3A_139 = tpu.vector_load %arg9[%get3A_137, %get3A_138] {strides = array<i32>} : memref<128x256xf32, #tpu.memory_space<vmem>>, vector<1x16xf32>,
          %get3A_140 = vector.shape_cast %get3A_139 : vector<1x16xf32> to vector<16xf32>
          %mul3A_141 = arith.mulf %gather3A_110, %get3A_140 : vector<16xf32>
          %add3A_142 = arith.addf %broadcast_in_dim3A_107, %mul3A_141 : vector<16xf32>
          %add3A_143 = arith.constant 0 : i32
          %add3A_144 = arith.addi %mul3A_101, %add3A_143 : i32
          %get3A_145 = arith.index_cast %add3A_144 : i32 to index
          %get3A_146 = arith.constant 64 : index
          %get3A_147 = tpu.vector_load %arg9[%get3A_145, %get3A_146] {strides = array<i32>} : memref<128x256xf32, #tpu.memory_space<vmem>>, vector<1x16xf32>,
          %get3A_148 = vector.shape_cast %get3A_147 : vector<1x16xf32> to vector<16xf32>
          %mul3A_149 = arith.mulf %gather3A_110, %get3A_148 : vector<16xf32>
          %add3A_150 = arith.addf %broadcast_in_dim3A_107, %mul3A_149 : vector<16xf32>
          %add3A_151 = arith.constant 0 : i32
          %add3A_152 = arith.addi %mul3A_101, %add3A_151 : i32
          %get3A_153 = arith.index_cast %add3A_152 : i32 to index
          %get3A_154 = arith.constant 80 : index
          %get3A_155 = tpu.vector_load %arg9[%get3A_153, %get3A_154] {strides = array<i32>} : memref<128x256xf32, #tpu.memory_space<vmem>>, vector<1x16xf32>,
          %get3A_156 = vector.shape_cast %get3A_155 : vector<1x16xf32> to vector<16xf32>
          %mul3A_157 = arith.mulf %gather3A_110, %get3A_156 : vector<16xf32>
          %add3A_158 = arith.addf %broadcast_in_dim3A_107, %mul3A_157 : vector<16xf32>
          %add3A_159 = arith.constant 0 : i32
          %add3A_160 = arith.addi %mul3A_101, %add3A_159 : i32
          %get3A_161 = arith.index_cast %add3A_160 : i32 to index
          %get3A_162 = arith.constant 96 : index
          %get3A_163 = tpu.vector_load %arg9[%get3A_161, %get3A_162] {strides = array<i32>} : memref<128x256xf32, #tpu.memory_space<vmem>>, vector<1x16xf32>,
          %get3A_164 = vector.shape_cast %get3A_163 : vector<1x16xf32> to vector<16xf32>
          %mul3A_165 = arith.mulf %gather3A_110, %get3A_164 : vector<16xf32>
          %add3A_166 = arith.addf %broadcast_in_dim3A_107, %mul3A_165 : vector<16xf32>
          %add3A_167 = arith.constant 0 : i32
          %add3A_168 = arith.addi %mul3A_101, %add3A_167 : i32
          %get3A_169 = arith.index_cast %add3A_168 : i32 to index
          %get3A_170 = arith.constant 112 : index
          %get3A_171 = tpu.vector_load %arg9[%get3A_169, %get3A_170] {strides = array<i32>} : memref<128x256xf32, #tpu.memory_space<vmem>>, vector<1x16xf32>,
          %get3A_172 = vector.shape_cast %get3A_171 : vector<1x16xf32> to vector<16xf32>
          %mul3A_173 = arith.mulf %gather3A_110, %get3A_172 : vector<16xf32>
          %add3A_174 = arith.addf %broadcast_in_dim3A_107, %mul3A_173 : vector<16xf32>
          %add3A_175 = arith.constant 0 : i32
          %add3A_176 = arith.addi %mul3A_101, %add3A_175 : i32
          %get3A_177 = arith.index_cast %add3A_176 : i32 to index
          %get3A_178 = arith.constant 128 : index
          %get3A_179 = tpu.vector_load %arg9[%get3A_177, %get3A_178] {strides = array<i32>} : memref<128x256xf32, #tpu.memory_space<vmem>>, vector<1x16xf32>,
          %get3A_180 = vector.shape_cast %get3A_179 : vector<1x16xf32> to vector<16xf32>
          %mul3A_181 = arith.mulf %gather3A_110, %get3A_180 : vector<16xf32>
          %add3A_182 = arith.addf %broadcast_in_dim3A_107, %mul3A_181 : vector<16xf32>
          %add3A_183 = arith.constant 0 : i32
          %add3A_184 = arith.addi %mul3A_101, %add3A_183 : i32
          %get3A_185 = arith.index_cast %add3A_184 : i32 to index
          %get3A_186 = arith.constant 144 : index
          %get3A_187 = tpu.vector_load %arg9[%get3A_185, %get3A_186] {strides = array<i32>} : memref<128x256xf32, #tpu.memory_space<vmem>>, vector<1x16xf32>,
          %get3A_188 = vector.shape_cast %get3A_187 : vector<1x16xf32> to vector<16xf32>
          %mul3A_189 = arith.mulf %gather3A_110, %get3A_188 : vector<16xf32>
          %add3A_190 = arith.addf %broadcast_in_dim3A_107, %mul3A_189 : vector<16xf32>
          %add3A_191 = arith.constant 0 : i32
          %add3A_192 = arith.addi %mul3A_101, %add3A_191 : i32
          %get3A_193 = arith.index_cast %add3A_192 : i32 to index
          %get3A_194 = arith.constant 160 : index
          %get3A_195 = tpu.vector_load %arg9[%get3A_193, %get3A_194] {strides = array<i32>} : memref<128x256xf32, #tpu.memory_space<vmem>>, vector<1x16xf32>,
          %get3A_196 = vector.shape_cast %get3A_195 : vector<1x16xf32> to vector<16xf32>
          %mul3A_197 = arith.mulf %gather3A_110, %get3A_196 : vector<16xf32>
          %add3A_198 = arith.addf %broadcast_in_dim3A_107, %mul3A_197 : vector<16xf32>
          %add3A_199 = arith.constant 0 : i32
          %add3A_200 = arith.addi %mul3A_101, %add3A_199 : i32
          %get3A_201 = arith.index_cast %add3A_200 : i32 to index
          %get3A_202 = arith.constant 176 : index
          %get3A_203 = tpu.vector_load %arg9[%get3A_201, %get3A_202] {strides = array<i32>} : memref<128x256xf32, #tpu.memory_space<vmem>>, vector<1x16xf32>,
          %get3A_204 = vector.shape_cast %get3A_203 : vector<1x16xf32> to vector<16xf32>
          %mul3A_205 = arith.mulf %gather3A_110, %get3A_204 : vector<16xf32>
          %add3A_206 = arith.addf %broadcast_in_dim3A_107, %mul3A_205 : vector<16xf32>
          %add3A_207 = arith.constant 0 : i32
          %add3A_208 = arith.addi %mul3A_101, %add3A_207 : i32
          %get3A_209 = arith.index_cast %add3A_208 : i32 to index
          %get3A_210 = arith.constant 192 : index
          %get3A_211 = tpu.vector_load %arg9[%get3A_209, %get3A_210] {strides = array<i32>} : memref<128x256xf32, #tpu.memory_space<vmem>>, vector<1x16xf32>,
          %get3A_212 = vector.shape_cast %get3A_211 : vector<1x16xf32> to vector<16xf32>
          %mul3A_213 = arith.mulf %gather3A_110, %get3A_212 : vector<16xf32>
          %add3A_214 = arith.addf %broadcast_in_dim3A_107, %mul3A_213 : vector<16xf32>
          %add3A_215 = arith.constant 0 : i32
          %add3A_216 = arith.addi %mul3A_101, %add3A_215 : i32
          %get3A_217 = arith.index_cast %add3A_216 : i32 to index
          %get3A_218 = arith.constant 208 : index
          %get3A_219 = tpu.vector_load %arg9[%get3A_217, %get3A_218] {strides = array<i32>} : memref<128x256xf32, #tpu.memory_space<vmem>>, vector<1x16xf32>,
          %get3A_220 = vector.shape_cast %get3A_219 : vector<1x16xf32> to vector<16xf32>
          %mul3A_221 = arith.mulf %gather3A_110, %get3A_220 : vector<16xf32>
          %add3A_222 = arith.addf %broadcast_in_dim3A_107, %mul3A_221 : vector<16xf32>
          %add3A_223 = arith.constant 0 : i32
          %add3A_224 = arith.addi %mul3A_101, %add3A_223 : i32
          %get3A_225 = arith.index_cast %add3A_224 : i32 to index
          %get3A_226 = arith.constant 224 : index
          %get3A_227 = tpu.vector_load %arg9[%get3A_225, %get3A_226] {strides = array<i32>} : memref<128x256xf32, #tpu.memory_space<vmem>>, vector<1x16xf32>,
          %get3A_228 = vector.shape_cast %get3A_227 : vector<1x16xf32> to vector<16xf32>
          %mul3A_229 = arith.mulf %gather3A_110, %get3A_228 : vector<16xf32>
          %add3A_230 = arith.addf %broadcast_in_dim3A_107, %mul3A_229 : vector<16xf32>
          %add3A_231 = arith.constant 0 : i32
          %add3A_232 = arith.addi %mul3A_101, %add3A_231 : i32
          %get3A_233 = arith.index_cast %add3A_232 : i32 to index
          %get3A_234 = arith.constant 240 : index
          %get3A_235 = tpu.vector_load %arg9[%get3A_233, %get3A_234] {strides = array<i32>} : memref<128x256xf32, #tpu.memory_space<vmem>>, vector<1x16xf32>,
          %get3A_236 = vector.shape_cast %get3A_235 : vector<1x16xf32> to vector<16xf32>
          %mul3A_237 = arith.mulf %gather3A_110, %get3A_236 : vector<16xf32>
          %add3A_238 = arith.addf %broadcast_in_dim3A_107, %mul3A_237 : vector<16xf32>
          %broadcast_in_dim3A_239 = arith.constant 1 : i32
          %broadcast_in_dim3A_240 = vector.broadcast %broadcast_in_dim3A_239 : i32 to vector<16x1xi32>
          %gather3A_241 = vector.shape_cast %broadcast_in_dim3A_240 : vector<16x1xi32> to vector<16xi32>
          %gather3A_242 = tpu.dynamic_gather %get3A_106[%gather3A_241] in [0] : vector<16xf32>, vector<16xi32> -> vector<16xf32>
          %add3A_243 = arith.constant 1 : i32
          %add3A_244 = arith.addi %mul3A_101, %add3A_243 : i32
          %get3A_245 = arith.index_cast %add3A_244 : i32 to index
          %get3A_246 = arith.constant 0 : index
          %get3A_247 = tpu.vector_load %arg9[%get3A_245, %get3A_246] {strides = array<i32>} : memref<128x256xf32, #tpu.memory_space<vmem>>, vector<1x16xf32>,
          %get3A_248 = vector.shape_cast %get3A_247 : vector<1x16xf32> to vector<16xf32>
          %mul3A_249 = arith.mulf %gather3A_242, %get3A_248 : vector<16xf32>
          %add3A_250 = arith.addf %add3A_118, %mul3A_249 : vector<16xf32>
          %add3A_251 = arith.constant 1 : i32
          %add3A_252 = arith.addi %mul3A_101, %add3A_251 : i32
          %get3A_253 = arith.index_cast %add3A_252 : i32 to index
          %get3A_254 = arith.constant 16 : index
          %get3A_255 = tpu.vector_load %arg9[%get3A_253, %get3A_254] {strides = array<i32>} : memref<128x256xf32, #tpu.memory_space<vmem>>, vector<1x16xf32>,
          %get3A_256 = vector.shape_cast %get3A_255 : vector<1x16xf32> to vector<16xf32>
          %mul3A_257 = arith.mulf %gather3A_242, %get3A_256 : vector<16xf32>
          %add3A_258 = arith.addf %add3A_126, %mul3A_257 : vector<16xf32>
          %add3A_259 = arith.constant 1 : i32
          %add3A_260 = arith.addi %mul3A_101, %add3A_259 : i32
          %get3A_261 = arith.index_cast %add3A_260 : i32 to index
          %get3A_262 = arith.constant 32 : index
          %get3A_263 = tpu.vector_load %arg9[%get3A_261, %get3A_262] {strides = array<i32>} : memref<128x256xf32, #tpu.memory_space<vmem>>, vector<1x16xf32>,
          %get3A_264 = vector.shape_cast %get3A_263 : vector<1x16xf32> to vector<16xf32>
          %mul3A_265 = arith.mulf %gather3A_242, %get3A_264 : vector<16xf32>
          %add3A_266 = arith.addf %add3A_134, %mul3A_265 : vector<16xf32>
          %add3A_267 = arith.constant 1 : i32
          %add3A_268 = arith.addi %mul3A_101, %add3A_267 : i32
          %get3A_269 = arith.index_cast %add3A_268 : i32 to index
          %get3A_270 = arith.constant 48 : index
          %get3A_271 = tpu.vector_load %arg9[%get3A_269, %get3A_270] {strides = array<i32>} : memref<128x256xf32, #tpu.memory_space<vmem>>, vector<1x16xf32>,
          %get3A_272 = vector.shape_cast %get3A_271 : vector<1x16xf32> to vector<16xf32>
          %mul3A_273 = arith.mulf %gather3A_242, %get3A_272 : vector<16xf32>
          %add3A_274 = arith.addf %add3A_142, %mul3A_273 : vector<16xf32>
          %add3A_275 = arith.constant 1 : i32
          %add3A_276 = arith.addi %mul3A_101, %add3A_275 : i32
          %get3A_277 = arith.index_cast %add3A_276 : i32 to index
          %get3A_278 = arith.constant 64 : index
          %get3A_279 = tpu.vector_load %arg9[%get3A_277, %get3A_278] {strides = array<i32>} : memref<128x256xf32, #tpu.memory_space<vmem>>, vector<1x16xf32>,
          %get3A_280 = vector.shape_cast %get3A_279 : vector<1x16xf32> to vector<16xf32>
          %mul3A_281 = arith.mulf %gather3A_242, %get3A_280 : vector<16xf32>
          %add3A_282 = arith.addf %add3A_150, %mul3A_281 : vector<16xf32>
          %add3A_283 = arith.constant 1 : i32
          %add3A_284 = arith.addi %mul3A_101, %add3A_283 : i32
          %get3A_285 = arith.index_cast %add3A_284 : i32 to index
          %get3A_286 = arith.constant 80 : index
          %get3A_287 = tpu.vector_load %arg9[%get3A_285, %get3A_286] {strides = array<i32>} : memref<128x256xf32, #tpu.memory_space<vmem>>, vector<1x16xf32>,
          %get3A_288 = vector.shape_cast %get3A_287 : vector<1x16xf32> to vector<16xf32>
          %mul3A_289 = arith.mulf %gather3A_242, %get3A_288 : vector<16xf32>
          %add3A_290 = arith.addf %add3A_158, %mul3A_289 : vector<16xf32>
          %add3A_291 = arith.constant 1 : i32
          %add3A_292 = arith.addi %mul3A_101, %add3A_291 : i32
          %get3A_293 = arith.index_cast %add3A_292 : i32 to index
          %get3A_294 = arith.constant 96 : index
          %get3A_295 = tpu.vector_load %arg9[%get3A_293, %get3A_294] {strides = array<i32>} : memref<128x256xf32, #tpu.memory_space<vmem>>, vector<1x16xf32>,
          %get3A_296 = vector.shape_cast %get3A_295 : vector<1x16xf32> to vector<16xf32>
          %mul3A_297 = arith.mulf %gather3A_242, %get3A_296 : vector<16xf32>
          %add3A_298 = arith.addf %add3A_166, %mul3A_297 : vector<16xf32>
          %add3A_299 = arith.constant 1 : i32
          %add3A_300 = arith.addi %mul3A_101, %add3A_299 : i32
          %get3A_301 = arith.index_cast %add3A_300 : i32 to index
          %get3A_302 = arith.constant 112 : index
          %get3A_303 = tpu.vector_load %arg9[%get3A_301, %get3A_302] {strides = array<i32>} : memref<128x256xf32, #tpu.memory_space<vmem>>, vector<1x16xf32>,
          %get3A_304 = vector.shape_cast %get3A_303 : vector<1x16xf32> to vector<16xf32>
          %mul3A_305 = arith.mulf %gather3A_242, %get3A_304 : vector<16xf32>
          %add3A_306 = arith.addf %add3A_174, %mul3A_305 : vector<16xf32>
          %add3A_307 = arith.constant 1 : i32
          %add3A_308 = arith.addi %mul3A_101, %add3A_307 : i32
          %get3A_309 = arith.index_cast %add3A_308 : i32 to index
          %get3A_310 = arith.constant 128 : index
          %get3A_311 = tpu.vector_load %arg9[%get3A_309, %get3A_310] {strides = array<i32>} : memref<128x256xf32, #tpu.memory_space<vmem>>, vector<1x16xf32>,
          %get3A_312 = vector.shape_cast %get3A_311 : vector<1x16xf32> to vector<16xf32>
          %mul3A_313 = arith.mulf %gather3A_242, %get3A_312 : vector<16xf32>
          %add3A_314 = arith.addf %add3A_182, %mul3A_313 : vector<16xf32>
          %add3A_315 = arith.constant 1 : i32
          %add3A_316 = arith.addi %mul3A_101, %add3A_315 : i32
          %get3A_317 = arith.index_cast %add3A_316 : i32 to index
          %get3A_318 = arith.constant 144 : index
          %get3A_319 = tpu.vector_load %arg9[%get3A_317, %get3A_318] {strides = array<i32>} : memref<128x256xf32, #tpu.memory_space<vmem>>, vector<1x16xf32>,
          %get3A_320 = vector.shape_cast %get3A_319 : vector<1x16xf32> to vector<16xf32>
          %mul3A_321 = arith.mulf %gather3A_242, %get3A_320 : vector<16xf32>
          %add3A_322 = arith.addf %add3A_190, %mul3A_321 : vector<16xf32>
          %add3A_323 = arith.constant 1 : i32
          %add3A_324 = arith.addi %mul3A_101, %add3A_323 : i32
          %get3A_325 = arith.index_cast %add3A_324 : i32 to index
          %get3A_326 = arith.constant 160 : index
          %get3A_327 = tpu.vector_load %arg9[%get3A_325, %get3A_326] {strides = array<i32>} : memref<128x256xf32, #tpu.memory_space<vmem>>, vector<1x16xf32>,
          %get3A_328 = vector.shape_cast %get3A_327 : vector<1x16xf32> to vector<16xf32>
          %mul3A_329 = arith.mulf %gather3A_242, %get3A_328 : vector<16xf32>
          %add3A_330 = arith.addf %add3A_198, %mul3A_329 : vector<16xf32>
          %add3A_331 = arith.constant 1 : i32
          %add3A_332 = arith.addi %mul3A_101, %add3A_331 : i32
          %get3A_333 = arith.index_cast %add3A_332 : i32 to index
          %get3A_334 = arith.constant 176 : index
          %get3A_335 = tpu.vector_load %arg9[%get3A_333, %get3A_334] {strides = array<i32>} : memref<128x256xf32, #tpu.memory_space<vmem>>, vector<1x16xf32>,
          %get3A_336 = vector.shape_cast %get3A_335 : vector<1x16xf32> to vector<16xf32>
          %mul3A_337 = arith.mulf %gather3A_242, %get3A_336 : vector<16xf32>
          %add3A_338 = arith.addf %add3A_206, %mul3A_337 : vector<16xf32>
          %add3A_339 = arith.constant 1 : i32
          %add3A_340 = arith.addi %mul3A_101, %add3A_339 : i32
          %get3A_341 = arith.index_cast %add3A_340 : i32 to index
          %get3A_342 = arith.constant 192 : index
          %get3A_343 = tpu.vector_load %arg9[%get3A_341, %get3A_342] {strides = array<i32>} : memref<128x256xf32, #tpu.memory_space<vmem>>, vector<1x16xf32>,
          %get3A_344 = vector.shape_cast %get3A_343 : vector<1x16xf32> to vector<16xf32>
          %mul3A_345 = arith.mulf %gather3A_242, %get3A_344 : vector<16xf32>
          %add3A_346 = arith.addf %add3A_214, %mul3A_345 : vector<16xf32>
          %add3A_347 = arith.constant 1 : i32
          %add3A_348 = arith.addi %mul3A_101, %add3A_347 : i32
          %get3A_349 = arith.index_cast %add3A_348 : i32 to index
          %get3A_350 = arith.constant 208 : index
          %get3A_351 = tpu.vector_load %arg9[%get3A_349, %get3A_350] {strides = array<i32>} : memref<128x256xf32, #tpu.memory_space<vmem>>, vector<1x16xf32>,
          %get3A_352 = vector.shape_cast %get3A_351 : vector<1x16xf32> to vector<16xf32>
          %mul3A_353 = arith.mulf %gather3A_242, %get3A_352 : vector<16xf32>
          %add3A_354 = arith.addf %add3A_222, %mul3A_353 : vector<16xf32>
          %add3A_355 = arith.constant 1 : i32
          %add3A_356 = arith.addi %mul3A_101, %add3A_355 : i32
          %get3A_357 = arith.index_cast %add3A_356 : i32 to index
          %get3A_358 = arith.constant 224 : index
          %get3A_359 = tpu.vector_load %arg9[%get3A_357, %get3A_358] {strides = array<i32>} : memref<128x256xf32, #tpu.memory_space<vmem>>, vector<1x16xf32>,
          %get3A_360 = vector.shape_cast %get3A_359 : vector<1x16xf32> to vector<16xf32>
          %mul3A_361 = arith.mulf %gather3A_242, %get3A_360 : vector<16xf32>
          %add3A_362 = arith.addf %add3A_230, %mul3A_361 : vector<16xf32>
          %add3A_363 = arith.constant 1 : i32
          %add3A_364 = arith.addi %mul3A_101, %add3A_363 : i32
          %get3A_365 = arith.index_cast %add3A_364 : i32 to index
          %get3A_366 = arith.constant 240 : index
          %get3A_367 = tpu.vector_load %arg9[%get3A_365, %get3A_366] {strides = array<i32>} : memref<128x256xf32, #tpu.memory_space<vmem>>, vector<1x16xf32>,
          %get3A_368 = vector.shape_cast %get3A_367 : vector<1x16xf32> to vector<16xf32>
          %mul3A_369 = arith.mulf %gather3A_242, %get3A_368 : vector<16xf32>
          %add3A_370 = arith.addf %add3A_238, %mul3A_369 : vector<16xf32>
          %broadcast_in_dim3A_371 = arith.constant 2 : i32
          %broadcast_in_dim3A_372 = vector.broadcast %broadcast_in_dim3A_371 : i32 to vector<16x1xi32>
          %gather3A_373 = vector.shape_cast %broadcast_in_dim3A_372 : vector<16x1xi32> to vector<16xi32>
          %gather3A_374 = tpu.dynamic_gather %get3A_106[%gather3A_373] in [0] : vector<16xf32>, vector<16xi32> -> vector<16xf32>
          %add3A_375 = arith.constant 2 : i32
          %add3A_376 = arith.addi %mul3A_101, %add3A_375 : i32
          %get3A_377 = arith.index_cast %add3A_376 : i32 to index
          %get3A_378 = arith.constant 0 : index
          %get3A_379 = tpu.vector_load %arg9[%get3A_377, %get3A_378] {strides = array<i32>} : memref<128x256xf32, #tpu.memory_space<vmem>>, vector<1x16xf32>,
          %get3A_380 = vector.shape_cast %get3A_379 : vector<1x16xf32> to vector<16xf32>
          %mul3A_381 = arith.mulf %gather3A_374, %get3A_380 : vector<16xf32>
          %add3A_382 = arith.addf %add3A_250, %mul3A_381 : vector<16xf32>
          %add3A_383 = arith.constant 2 : i32
          %add3A_384 = arith.addi %mul3A_101, %add3A_383 : i32
          %get3A_385 = arith.index_cast %add3A_384 : i32 to index
          %get3A_386 = arith.constant 16 : index
          %get3A_387 = tpu.vector_load %arg9[%get3A_385, %get3A_386] {strides = array<i32>} : memref<128x256xf32, #tpu.memory_space<vmem>>, vector<1x16xf32>,
          %get3A_388 = vector.shape_cast %get3A_387 : vector<1x16xf32> to vector<16xf32>
          %mul3A_389 = arith.mulf %gather3A_374, %get3A_388 : vector<16xf32>
          %add3A_390 = arith.addf %add3A_258, %mul3A_389 : vector<16xf32>
          %add3A_391 = arith.constant 2 : i32
          %add3A_392 = arith.addi %mul3A_101, %add3A_391 : i32
          %get3A_393 = arith.index_cast %add3A_392 : i32 to index
          %get3A_394 = arith.constant 32 : index
          %get3A_395 = tpu.vector_load %arg9[%get3A_393, %get3A_394] {strides = array<i32>} : memref<128x256xf32, #tpu.memory_space<vmem>>, vector<1x16xf32>,
          %get3A_396 = vector.shape_cast %get3A_395 : vector<1x16xf32> to vector<16xf32>
          %mul3A_397 = arith.mulf %gather3A_374, %get3A_396 : vector<16xf32>
          %add3A_398 = arith.addf %add3A_266, %mul3A_397 : vector<16xf32>
          %add3A_399 = arith.constant 2 : i32
          %add3A_400 = arith.addi %mul3A_101, %add3A_399 : i32
          %get3A_401 = arith.index_cast %add3A_400 : i32 to index
          %get3A_402 = arith.constant 48 : index
          %get3A_403 = tpu.vector_load %arg9[%get3A_401, %get3A_402] {strides = array<i32>} : memref<128x256xf32, #tpu.memory_space<vmem>>, vector<1x16xf32>,
          %get3A_404 = vector.shape_cast %get3A_403 : vector<1x16xf32> to vector<16xf32>
          %mul3A_405 = arith.mulf %gather3A_374, %get3A_404 : vector<16xf32>
          %add3A_406 = arith.addf %add3A_274, %mul3A_405 : vector<16xf32>
          %add3A_407 = arith.constant 2 : i32
          %add3A_408 = arith.addi %mul3A_101, %add3A_407 : i32
          %get3A_409 = arith.index_cast %add3A_408 : i32 to index
          %get3A_410 = arith.constant 64 : index
          %get3A_411 = tpu.vector_load %arg9[%get3A_409, %get3A_410] {strides = array<i32>} : memref<128x256xf32, #tpu.memory_space<vmem>>, vector<1x16xf32>,
          %get3A_412 = vector.shape_cast %get3A_411 : vector<1x16xf32> to vector<16xf32>
          %mul3A_413 = arith.mulf %gather3A_374, %get3A_412 : vector<16xf32>
          %add3A_414 = arith.addf %add3A_282, %mul3A_413 : vector<16xf32>
          %add3A_415 = arith.constant 2 : i32
          %add3A_416 = arith.addi %mul3A_101, %add3A_415 : i32
          %get3A_417 = arith.index_cast %add3A_416 : i32 to index
          %get3A_418 = arith.constant 80 : index
          %get3A_419 = tpu.vector_load %arg9[%get3A_417, %get3A_418] {strides = array<i32>} : memref<128x256xf32, #tpu.memory_space<vmem>>, vector<1x16xf32>,
          %get3A_420 = vector.shape_cast %get3A_419 : vector<1x16xf32> to vector<16xf32>
          %mul3A_421 = arith.mulf %gather3A_374, %get3A_420 : vector<16xf32>
          %add3A_422 = arith.addf %add3A_290, %mul3A_421 : vector<16xf32>
          %add3A_423 = arith.constant 2 : i32
          %add3A_424 = arith.addi %mul3A_101, %add3A_423 : i32
          %get3A_425 = arith.index_cast %add3A_424 : i32 to index
          %get3A_426 = arith.constant 96 : index
          %get3A_427 = tpu.vector_load %arg9[%get3A_425, %get3A_426] {strides = array<i32>} : memref<128x256xf32, #tpu.memory_space<vmem>>, vector<1x16xf32>,
          %get3A_428 = vector.shape_cast %get3A_427 : vector<1x16xf32> to vector<16xf32>
          %mul3A_429 = arith.mulf %gather3A_374, %get3A_428 : vector<16xf32>
          %add3A_430 = arith.addf %add3A_298, %mul3A_429 : vector<16xf32>
          %add3A_431 = arith.constant 2 : i32
          %add3A_432 = arith.addi %mul3A_101, %add3A_431 : i32
          %get3A_433 = arith.index_cast %add3A_432 : i32 to index
          %get3A_434 = arith.constant 112 : index
          %get3A_435 = tpu.vector_load %arg9[%get3A_433, %get3A_434] {strides = array<i32>} : memref<128x256xf32, #tpu.memory_space<vmem>>, vector<1x16xf32>,
          %get3A_436 = vector.shape_cast %get3A_435 : vector<1x16xf32> to vector<16xf32>
          %mul3A_437 = arith.mulf %gather3A_374, %get3A_436 : vector<16xf32>
          %add3A_438 = arith.addf %add3A_306, %mul3A_437 : vector<16xf32>
          %add3A_439 = arith.constant 2 : i32
          %add3A_440 = arith.addi %mul3A_101, %add3A_439 : i32
          %get3A_441 = arith.index_cast %add3A_440 : i32 to index
          %get3A_442 = arith.constant 128 : index
          %get3A_443 = tpu.vector_load %arg9[%get3A_441, %get3A_442] {strides = array<i32>} : memref<128x256xf32, #tpu.memory_space<vmem>>, vector<1x16xf32>,
          %get3A_444 = vector.shape_cast %get3A_443 : vector<1x16xf32> to vector<16xf32>
          %mul3A_445 = arith.mulf %gather3A_374, %get3A_444 : vector<16xf32>
          %add3A_446 = arith.addf %add3A_314, %mul3A_445 : vector<16xf32>
          %add3A_447 = arith.constant 2 : i32
          %add3A_448 = arith.addi %mul3A_101, %add3A_447 : i32
          %get3A_449 = arith.index_cast %add3A_448 : i32 to index
          %get3A_450 = arith.constant 144 : index
          %get3A_451 = tpu.vector_load %arg9[%get3A_449, %get3A_450] {strides = array<i32>} : memref<128x256xf32, #tpu.memory_space<vmem>>, vector<1x16xf32>,
          %get3A_452 = vector.shape_cast %get3A_451 : vector<1x16xf32> to vector<16xf32>
          %mul3A_453 = arith.mulf %gather3A_374, %get3A_452 : vector<16xf32>
          %add3A_454 = arith.addf %add3A_322, %mul3A_453 : vector<16xf32>
          %add3A_455 = arith.constant 2 : i32
          %add3A_456 = arith.addi %mul3A_101, %add3A_455 : i32
          %get3A_457 = arith.index_cast %add3A_456 : i32 to index
          %get3A_458 = arith.constant 160 : index
          %get3A_459 = tpu.vector_load %arg9[%get3A_457, %get3A_458] {strides = array<i32>} : memref<128x256xf32, #tpu.memory_space<vmem>>, vector<1x16xf32>,
          %get3A_460 = vector.shape_cast %get3A_459 : vector<1x16xf32> to vector<16xf32>
          %mul3A_461 = arith.mulf %gather3A_374, %get3A_460 : vector<16xf32>
          %add3A_462 = arith.addf %add3A_330, %mul3A_461 : vector<16xf32>
          %add3A_463 = arith.constant 2 : i32
          %add3A_464 = arith.addi %mul3A_101, %add3A_463 : i32
          %get3A_465 = arith.index_cast %add3A_464 : i32 to index
          %get3A_466 = arith.constant 176 : index
          %get3A_467 = tpu.vector_load %arg9[%get3A_465, %get3A_466] {strides = array<i32>} : memref<128x256xf32, #tpu.memory_space<vmem>>, vector<1x16xf32>,
          %get3A_468 = vector.shape_cast %get3A_467 : vector<1x16xf32> to vector<16xf32>
          %mul3A_469 = arith.mulf %gather3A_374, %get3A_468 : vector<16xf32>
          %add3A_470 = arith.addf %add3A_338, %mul3A_469 : vector<16xf32>
          %add3A_471 = arith.constant 2 : i32
          %add3A_472 = arith.addi %mul3A_101, %add3A_471 : i32
          %get3A_473 = arith.index_cast %add3A_472 : i32 to index
          %get3A_474 = arith.constant 192 : index
          %get3A_475 = tpu.vector_load %arg9[%get3A_473, %get3A_474] {strides = array<i32>} : memref<128x256xf32, #tpu.memory_space<vmem>>, vector<1x16xf32>,
          %get3A_476 = vector.shape_cast %get3A_475 : vector<1x16xf32> to vector<16xf32>
          %mul3A_477 = arith.mulf %gather3A_374, %get3A_476 : vector<16xf32>
          %add3A_478 = arith.addf %add3A_346, %mul3A_477 : vector<16xf32>
          %add3A_479 = arith.constant 2 : i32
          %add3A_480 = arith.addi %mul3A_101, %add3A_479 : i32
          %get3A_481 = arith.index_cast %add3A_480 : i32 to index
          %get3A_482 = arith.constant 208 : index
          %get3A_483 = tpu.vector_load %arg9[%get3A_481, %get3A_482] {strides = array<i32>} : memref<128x256xf32, #tpu.memory_space<vmem>>, vector<1x16xf32>,
          %get3A_484 = vector.shape_cast %get3A_483 : vector<1x16xf32> to vector<16xf32>
          %mul3A_485 = arith.mulf %gather3A_374, %get3A_484 : vector<16xf32>
          %add3A_486 = arith.addf %add3A_354, %mul3A_485 : vector<16xf32>
          %add3A_487 = arith.constant 2 : i32
          %add3A_488 = arith.addi %mul3A_101, %add3A_487 : i32
          %get3A_489 = arith.index_cast %add3A_488 : i32 to index
          %get3A_490 = arith.constant 224 : index
          %get3A_491 = tpu.vector_load %arg9[%get3A_489, %get3A_490] {strides = array<i32>} : memref<128x256xf32, #tpu.memory_space<vmem>>, vector<1x16xf32>,
          %get3A_492 = vector.shape_cast %get3A_491 : vector<1x16xf32> to vector<16xf32>
          %mul3A_493 = arith.mulf %gather3A_374, %get3A_492 : vector<16xf32>
          %add3A_494 = arith.addf %add3A_362, %mul3A_493 : vector<16xf32>
          %add3A_495 = arith.constant 2 : i32
          %add3A_496 = arith.addi %mul3A_101, %add3A_495 : i32
          %get3A_497 = arith.index_cast %add3A_496 : i32 to index
          %get3A_498 = arith.constant 240 : index
          %get3A_499 = tpu.vector_load %arg9[%get3A_497, %get3A_498] {strides = array<i32>} : memref<128x256xf32, #tpu.memory_space<vmem>>, vector<1x16xf32>,
          %get3A_500 = vector.shape_cast %get3A_499 : vector<1x16xf32> to vector<16xf32>
          %mul3A_501 = arith.mulf %gather3A_374, %get3A_500 : vector<16xf32>
          %add3A_502 = arith.addf %add3A_370, %mul3A_501 : vector<16xf32>
          %broadcast_in_dim3A_503 = arith.constant 3 : i32
          %broadcast_in_dim3A_504 = vector.broadcast %broadcast_in_dim3A_503 : i32 to vector<16x1xi32>
          %gather3A_505 = vector.shape_cast %broadcast_in_dim3A_504 : vector<16x1xi32> to vector<16xi32>
          %gather3A_506 = tpu.dynamic_gather %get3A_106[%gather3A_505] in [0] : vector<16xf32>, vector<16xi32> -> vector<16xf32>
          %add3A_507 = arith.constant 3 : i32
          %add3A_508 = arith.addi %mul3A_101, %add3A_507 : i32
          %get3A_509 = arith.index_cast %add3A_508 : i32 to index
          %get3A_510 = arith.constant 0 : index
          %get3A_511 = tpu.vector_load %arg9[%get3A_509, %get3A_510] {strides = array<i32>} : memref<128x256xf32, #tpu.memory_space<vmem>>, vector<1x16xf32>,
          %get3A_512 = vector.shape_cast %get3A_511 : vector<1x16xf32> to vector<16xf32>
          %mul3A_513 = arith.mulf %gather3A_506, %get3A_512 : vector<16xf32>
          %add3A_514 = arith.addf %add3A_382, %mul3A_513 : vector<16xf32>
          %add3A_515 = arith.constant 3 : i32
          %add3A_516 = arith.addi %mul3A_101, %add3A_515 : i32
          %get3A_517 = arith.index_cast %add3A_516 : i32 to index
          %get3A_518 = arith.constant 16 : index
          %get3A_519 = tpu.vector_load %arg9[%get3A_517, %get3A_518] {strides = array<i32>} : memref<128x256xf32, #tpu.memory_space<vmem>>, vector<1x16xf32>,
          %get3A_520 = vector.shape_cast %get3A_519 : vector<1x16xf32> to vector<16xf32>
          %mul3A_521 = arith.mulf %gather3A_506, %get3A_520 : vector<16xf32>
          %add3A_522 = arith.addf %add3A_390, %mul3A_521 : vector<16xf32>
          %add3A_523 = arith.constant 3 : i32
          %add3A_524 = arith.addi %mul3A_101, %add3A_523 : i32
          %get3A_525 = arith.index_cast %add3A_524 : i32 to index
          %get3A_526 = arith.constant 32 : index
          %get3A_527 = tpu.vector_load %arg9[%get3A_525, %get3A_526] {strides = array<i32>} : memref<128x256xf32, #tpu.memory_space<vmem>>, vector<1x16xf32>,
          %get3A_528 = vector.shape_cast %get3A_527 : vector<1x16xf32> to vector<16xf32>
          %mul3A_529 = arith.mulf %gather3A_506, %get3A_528 : vector<16xf32>
          %add3A_530 = arith.addf %add3A_398, %mul3A_529 : vector<16xf32>
          %add3A_531 = arith.constant 3 : i32
          %add3A_532 = arith.addi %mul3A_101, %add3A_531 : i32
          %get3A_533 = arith.index_cast %add3A_532 : i32 to index
          %get3A_534 = arith.constant 48 : index
          %get3A_535 = tpu.vector_load %arg9[%get3A_533, %get3A_534] {strides = array<i32>} : memref<128x256xf32, #tpu.memory_space<vmem>>, vector<1x16xf32>,
          %get3A_536 = vector.shape_cast %get3A_535 : vector<1x16xf32> to vector<16xf32>
          %mul3A_537 = arith.mulf %gather3A_506, %get3A_536 : vector<16xf32>
          %add3A_538 = arith.addf %add3A_406, %mul3A_537 : vector<16xf32>
          %add3A_539 = arith.constant 3 : i32
          %add3A_540 = arith.addi %mul3A_101, %add3A_539 : i32
          %get3A_541 = arith.index_cast %add3A_540 : i32 to index
          %get3A_542 = arith.constant 64 : index
          %get3A_543 = tpu.vector_load %arg9[%get3A_541, %get3A_542] {strides = array<i32>} : memref<128x256xf32, #tpu.memory_space<vmem>>, vector<1x16xf32>,
          %get3A_544 = vector.shape_cast %get3A_543 : vector<1x16xf32> to vector<16xf32>
          %mul3A_545 = arith.mulf %gather3A_506, %get3A_544 : vector<16xf32>
          %add3A_546 = arith.addf %add3A_414, %mul3A_545 : vector<16xf32>
          %add3A_547 = arith.constant 3 : i32
          %add3A_548 = arith.addi %mul3A_101, %add3A_547 : i32
          %get3A_549 = arith.index_cast %add3A_548 : i32 to index
          %get3A_550 = arith.constant 80 : index
          %get3A_551 = tpu.vector_load %arg9[%get3A_549, %get3A_550] {strides = array<i32>} : memref<128x256xf32, #tpu.memory_space<vmem>>, vector<1x16xf32>,
          %get3A_552 = vector.shape_cast %get3A_551 : vector<1x16xf32> to vector<16xf32>
          %mul3A_553 = arith.mulf %gather3A_506, %get3A_552 : vector<16xf32>
          %add3A_554 = arith.addf %add3A_422, %mul3A_553 : vector<16xf32>
          %add3A_555 = arith.constant 3 : i32
          %add3A_556 = arith.addi %mul3A_101, %add3A_555 : i32
          %get3A_557 = arith.index_cast %add3A_556 : i32 to index
          %get3A_558 = arith.constant 96 : index
          %get3A_559 = tpu.vector_load %arg9[%get3A_557, %get3A_558] {strides = array<i32>} : memref<128x256xf32, #tpu.memory_space<vmem>>, vector<1x16xf32>,
          %get3A_560 = vector.shape_cast %get3A_559 : vector<1x16xf32> to vector<16xf32>
          %mul3A_561 = arith.mulf %gather3A_506, %get3A_560 : vector<16xf32>
          %add3A_562 = arith.addf %add3A_430, %mul3A_561 : vector<16xf32>
          %add3A_563 = arith.constant 3 : i32
          %add3A_564 = arith.addi %mul3A_101, %add3A_563 : i32
          %get3A_565 = arith.index_cast %add3A_564 : i32 to index
          %get3A_566 = arith.constant 112 : index
          %get3A_567 = tpu.vector_load %arg9[%get3A_565, %get3A_566] {strides = array<i32>} : memref<128x256xf32, #tpu.memory_space<vmem>>, vector<1x16xf32>,
          %get3A_568 = vector.shape_cast %get3A_567 : vector<1x16xf32> to vector<16xf32>
          %mul3A_569 = arith.mulf %gather3A_506, %get3A_568 : vector<16xf32>
          %add3A_570 = arith.addf %add3A_438, %mul3A_569 : vector<16xf32>
          %add3A_571 = arith.constant 3 : i32
          %add3A_572 = arith.addi %mul3A_101, %add3A_571 : i32
          %get3A_573 = arith.index_cast %add3A_572 : i32 to index
          %get3A_574 = arith.constant 128 : index
          %get3A_575 = tpu.vector_load %arg9[%get3A_573, %get3A_574] {strides = array<i32>} : memref<128x256xf32, #tpu.memory_space<vmem>>, vector<1x16xf32>,
          %get3A_576 = vector.shape_cast %get3A_575 : vector<1x16xf32> to vector<16xf32>
          %mul3A_577 = arith.mulf %gather3A_506, %get3A_576 : vector<16xf32>
          %add3A_578 = arith.addf %add3A_446, %mul3A_577 : vector<16xf32>
          %add3A_579 = arith.constant 3 : i32
          %add3A_580 = arith.addi %mul3A_101, %add3A_579 : i32
          %get3A_581 = arith.index_cast %add3A_580 : i32 to index
          %get3A_582 = arith.constant 144 : index
          %get3A_583 = tpu.vector_load %arg9[%get3A_581, %get3A_582] {strides = array<i32>} : memref<128x256xf32, #tpu.memory_space<vmem>>, vector<1x16xf32>,
          %get3A_584 = vector.shape_cast %get3A_583 : vector<1x16xf32> to vector<16xf32>
          %mul3A_585 = arith.mulf %gather3A_506, %get3A_584 : vector<16xf32>
          %add3A_586 = arith.addf %add3A_454, %mul3A_585 : vector<16xf32>
          %add3A_587 = arith.constant 3 : i32
          %add3A_588 = arith.addi %mul3A_101, %add3A_587 : i32
          %get3A_589 = arith.index_cast %add3A_588 : i32 to index
          %get3A_590 = arith.constant 160 : index
          %get3A_591 = tpu.vector_load %arg9[%get3A_589, %get3A_590] {strides = array<i32>} : memref<128x256xf32, #tpu.memory_space<vmem>>, vector<1x16xf32>,
          %get3A_592 = vector.shape_cast %get3A_591 : vector<1x16xf32> to vector<16xf32>
          %mul3A_593 = arith.mulf %gather3A_506, %get3A_592 : vector<16xf32>
          %add3A_594 = arith.addf %add3A_462, %mul3A_593 : vector<16xf32>
          %add3A_595 = arith.constant 3 : i32
          %add3A_596 = arith.addi %mul3A_101, %add3A_595 : i32
          %get3A_597 = arith.index_cast %add3A_596 : i32 to index
          %get3A_598 = arith.constant 176 : index
          %get3A_599 = tpu.vector_load %arg9[%get3A_597, %get3A_598] {strides = array<i32>} : memref<128x256xf32, #tpu.memory_space<vmem>>, vector<1x16xf32>,
          %get3A_600 = vector.shape_cast %get3A_599 : vector<1x16xf32> to vector<16xf32>
          %mul3A_601 = arith.mulf %gather3A_506, %get3A_600 : vector<16xf32>
          %add3A_602 = arith.addf %add3A_470, %mul3A_601 : vector<16xf32>
          %add3A_603 = arith.constant 3 : i32
          %add3A_604 = arith.addi %mul3A_101, %add3A_603 : i32
          %get3A_605 = arith.index_cast %add3A_604 : i32 to index
          %get3A_606 = arith.constant 192 : index
          %get3A_607 = tpu.vector_load %arg9[%get3A_605, %get3A_606] {strides = array<i32>} : memref<128x256xf32, #tpu.memory_space<vmem>>, vector<1x16xf32>,
          %get3A_608 = vector.shape_cast %get3A_607 : vector<1x16xf32> to vector<16xf32>
          %mul3A_609 = arith.mulf %gather3A_506, %get3A_608 : vector<16xf32>
          %add3A_610 = arith.addf %add3A_478, %mul3A_609 : vector<16xf32>
          %add3A_611 = arith.constant 3 : i32
          %add3A_612 = arith.addi %mul3A_101, %add3A_611 : i32
          %get3A_613 = arith.index_cast %add3A_612 : i32 to index
          %get3A_614 = arith.constant 208 : index
          %get3A_615 = tpu.vector_load %arg9[%get3A_613, %get3A_614] {strides = array<i32>} : memref<128x256xf32, #tpu.memory_space<vmem>>, vector<1x16xf32>,
          %get3A_616 = vector.shape_cast %get3A_615 : vector<1x16xf32> to vector<16xf32>
          %mul3A_617 = arith.mulf %gather3A_506, %get3A_616 : vector<16xf32>
          %add3A_618 = arith.addf %add3A_486, %mul3A_617 : vector<16xf32>
          %add3A_619 = arith.constant 3 : i32
          %add3A_620 = arith.addi %mul3A_101, %add3A_619 : i32
          %get3A_621 = arith.index_cast %add3A_620 : i32 to index
          %get3A_622 = arith.constant 224 : index
          %get3A_623 = tpu.vector_load %arg9[%get3A_621, %get3A_622] {strides = array<i32>} : memref<128x256xf32, #tpu.memory_space<vmem>>, vector<1x16xf32>,
          %get3A_624 = vector.shape_cast %get3A_623 : vector<1x16xf32> to vector<16xf32>
          %mul3A_625 = arith.mulf %gather3A_506, %get3A_624 : vector<16xf32>
          %add3A_626 = arith.addf %add3A_494, %mul3A_625 : vector<16xf32>
          %add3A_627 = arith.constant 3 : i32
          %add3A_628 = arith.addi %mul3A_101, %add3A_627 : i32
          %get3A_629 = arith.index_cast %add3A_628 : i32 to index
          %get3A_630 = arith.constant 240 : index
          %get3A_631 = tpu.vector_load %arg9[%get3A_629, %get3A_630] {strides = array<i32>} : memref<128x256xf32, #tpu.memory_space<vmem>>, vector<1x16xf32>,
          %get3A_632 = vector.shape_cast %get3A_631 : vector<1x16xf32> to vector<16xf32>
          %mul3A_633 = arith.mulf %gather3A_506, %get3A_632 : vector<16xf32>
          %add3A_634 = arith.addf %add3A_502, %mul3A_633 : vector<16xf32>
          %broadcast_in_dim3A_635 = arith.constant 4 : i32
          %broadcast_in_dim3A_636 = vector.broadcast %broadcast_in_dim3A_635 : i32 to vector<16x1xi32>
          %gather3A_637 = vector.shape_cast %broadcast_in_dim3A_636 : vector<16x1xi32> to vector<16xi32>
          %gather3A_638 = tpu.dynamic_gather %get3A_106[%gather3A_637] in [0] : vector<16xf32>, vector<16xi32> -> vector<16xf32>
          %add3A_639 = arith.constant 4 : i32
          %add3A_640 = arith.addi %mul3A_101, %add3A_639 : i32
          %get3A_641 = arith.index_cast %add3A_640 : i32 to index
          %get3A_642 = arith.constant 0 : index
          %get3A_643 = tpu.vector_load %arg9[%get3A_641, %get3A_642] {strides = array<i32>} : memref<128x256xf32, #tpu.memory_space<vmem>>, vector<1x16xf32>,
          %get3A_644 = vector.shape_cast %get3A_643 : vector<1x16xf32> to vector<16xf32>
          %mul3A_645 = arith.mulf %gather3A_638, %get3A_644 : vector<16xf32>
          %add3A_646 = arith.addf %add3A_514, %mul3A_645 : vector<16xf32>
          %add3A_647 = arith.constant 4 : i32
          %add3A_648 = arith.addi %mul3A_101, %add3A_647 : i32
          %get3A_649 = arith.index_cast %add3A_648 : i32 to index
          %get3A_650 = arith.constant 16 : index
          %get3A_651 = tpu.vector_load %arg9[%get3A_649, %get3A_650] {strides = array<i32>} : memref<128x256xf32, #tpu.memory_space<vmem>>, vector<1x16xf32>,
          %get3A_652 = vector.shape_cast %get3A_651 : vector<1x16xf32> to vector<16xf32>
          %mul3A_653 = arith.mulf %gather3A_638, %get3A_652 : vector<16xf32>
          %add3A_654 = arith.addf %add3A_522, %mul3A_653 : vector<16xf32>
          %add3A_655 = arith.constant 4 : i32
          %add3A_656 = arith.addi %mul3A_101, %add3A_655 : i32
          %get3A_657 = arith.index_cast %add3A_656 : i32 to index
          %get3A_658 = arith.constant 32 : index
          %get3A_659 = tpu.vector_load %arg9[%get3A_657, %get3A_658] {strides = array<i32>} : memref<128x256xf32, #tpu.memory_space<vmem>>, vector<1x16xf32>,
          %get3A_660 = vector.shape_cast %get3A_659 : vector<1x16xf32> to vector<16xf32>
          %mul3A_661 = arith.mulf %gather3A_638, %get3A_660 : vector<16xf32>
          %add3A_662 = arith.addf %add3A_530, %mul3A_661 : vector<16xf32>
          %add3A_663 = arith.constant 4 : i32
          %add3A_664 = arith.addi %mul3A_101, %add3A_663 : i32
          %get3A_665 = arith.index_cast %add3A_664 : i32 to index
          %get3A_666 = arith.constant 48 : index
          %get3A_667 = tpu.vector_load %arg9[%get3A_665, %get3A_666] {strides = array<i32>} : memref<128x256xf32, #tpu.memory_space<vmem>>, vector<1x16xf32>,
          %get3A_668 = vector.shape_cast %get3A_667 : vector<1x16xf32> to vector<16xf32>
          %mul3A_669 = arith.mulf %gather3A_638, %get3A_668 : vector<16xf32>
          %add3A_670 = arith.addf %add3A_538, %mul3A_669 : vector<16xf32>
          %add3A_671 = arith.constant 4 : i32
          %add3A_672 = arith.addi %mul3A_101, %add3A_671 : i32
          %get3A_673 = arith.index_cast %add3A_672 : i32 to index
          %get3A_674 = arith.constant 64 : index
          %get3A_675 = tpu.vector_load %arg9[%get3A_673, %get3A_674] {strides = array<i32>} : memref<128x256xf32, #tpu.memory_space<vmem>>, vector<1x16xf32>,
          %get3A_676 = vector.shape_cast %get3A_675 : vector<1x16xf32> to vector<16xf32>
          %mul3A_677 = arith.mulf %gather3A_638, %get3A_676 : vector<16xf32>
          %add3A_678 = arith.addf %add3A_546, %mul3A_677 : vector<16xf32>
          %add3A_679 = arith.constant 4 : i32
          %add3A_680 = arith.addi %mul3A_101, %add3A_679 : i32
          %get3A_681 = arith.index_cast %add3A_680 : i32 to index
          %get3A_682 = arith.constant 80 : index
          %get3A_683 = tpu.vector_load %arg9[%get3A_681, %get3A_682] {strides = array<i32>} : memref<128x256xf32, #tpu.memory_space<vmem>>, vector<1x16xf32>,
          %get3A_684 = vector.shape_cast %get3A_683 : vector<1x16xf32> to vector<16xf32>
          %mul3A_685 = arith.mulf %gather3A_638, %get3A_684 : vector<16xf32>
          %add3A_686 = arith.addf %add3A_554, %mul3A_685 : vector<16xf32>
          %add3A_687 = arith.constant 4 : i32
          %add3A_688 = arith.addi %mul3A_101, %add3A_687 : i32
          %get3A_689 = arith.index_cast %add3A_688 : i32 to index
          %get3A_690 = arith.constant 96 : index
          %get3A_691 = tpu.vector_load %arg9[%get3A_689, %get3A_690] {strides = array<i32>} : memref<128x256xf32, #tpu.memory_space<vmem>>, vector<1x16xf32>,
          %get3A_692 = vector.shape_cast %get3A_691 : vector<1x16xf32> to vector<16xf32>
          %mul3A_693 = arith.mulf %gather3A_638, %get3A_692 : vector<16xf32>
          %add3A_694 = arith.addf %add3A_562, %mul3A_693 : vector<16xf32>
          %add3A_695 = arith.constant 4 : i32
          %add3A_696 = arith.addi %mul3A_101, %add3A_695 : i32
          %get3A_697 = arith.index_cast %add3A_696 : i32 to index
          %get3A_698 = arith.constant 112 : index
          %get3A_699 = tpu.vector_load %arg9[%get3A_697, %get3A_698] {strides = array<i32>} : memref<128x256xf32, #tpu.memory_space<vmem>>, vector<1x16xf32>,
          %get3A_700 = vector.shape_cast %get3A_699 : vector<1x16xf32> to vector<16xf32>
          %mul3A_701 = arith.mulf %gather3A_638, %get3A_700 : vector<16xf32>
          %add3A_702 = arith.addf %add3A_570, %mul3A_701 : vector<16xf32>
          %add3A_703 = arith.constant 4 : i32
          %add3A_704 = arith.addi %mul3A_101, %add3A_703 : i32
          %get3A_705 = arith.index_cast %add3A_704 : i32 to index
          %get3A_706 = arith.constant 128 : index
          %get3A_707 = tpu.vector_load %arg9[%get3A_705, %get3A_706] {strides = array<i32>} : memref<128x256xf32, #tpu.memory_space<vmem>>, vector<1x16xf32>,
          %get3A_708 = vector.shape_cast %get3A_707 : vector<1x16xf32> to vector<16xf32>
          %mul3A_709 = arith.mulf %gather3A_638, %get3A_708 : vector<16xf32>
          %add3A_710 = arith.addf %add3A_578, %mul3A_709 : vector<16xf32>
          %add3A_711 = arith.constant 4 : i32
          %add3A_712 = arith.addi %mul3A_101, %add3A_711 : i32
          %get3A_713 = arith.index_cast %add3A_712 : i32 to index
          %get3A_714 = arith.constant 144 : index
          %get3A_715 = tpu.vector_load %arg9[%get3A_713, %get3A_714] {strides = array<i32>} : memref<128x256xf32, #tpu.memory_space<vmem>>, vector<1x16xf32>,
          %get3A_716 = vector.shape_cast %get3A_715 : vector<1x16xf32> to vector<16xf32>
          %mul3A_717 = arith.mulf %gather3A_638, %get3A_716 : vector<16xf32>
          %add3A_718 = arith.addf %add3A_586, %mul3A_717 : vector<16xf32>
          %add3A_719 = arith.constant 4 : i32
          %add3A_720 = arith.addi %mul3A_101, %add3A_719 : i32
          %get3A_721 = arith.index_cast %add3A_720 : i32 to index
          %get3A_722 = arith.constant 160 : index
          %get3A_723 = tpu.vector_load %arg9[%get3A_721, %get3A_722] {strides = array<i32>} : memref<128x256xf32, #tpu.memory_space<vmem>>, vector<1x16xf32>,
          %get3A_724 = vector.shape_cast %get3A_723 : vector<1x16xf32> to vector<16xf32>
          %mul3A_725 = arith.mulf %gather3A_638, %get3A_724 : vector<16xf32>
          %add3A_726 = arith.addf %add3A_594, %mul3A_725 : vector<16xf32>
          %add3A_727 = arith.constant 4 : i32
          %add3A_728 = arith.addi %mul3A_101, %add3A_727 : i32
          %get3A_729 = arith.index_cast %add3A_728 : i32 to index
          %get3A_730 = arith.constant 176 : index
          %get3A_731 = tpu.vector_load %arg9[%get3A_729, %get3A_730] {strides = array<i32>} : memref<128x256xf32, #tpu.memory_space<vmem>>, vector<1x16xf32>,
          %get3A_732 = vector.shape_cast %get3A_731 : vector<1x16xf32> to vector<16xf32>
          %mul3A_733 = arith.mulf %gather3A_638, %get3A_732 : vector<16xf32>
          %add3A_734 = arith.addf %add3A_602, %mul3A_733 : vector<16xf32>
          %add3A_735 = arith.constant 4 : i32
          %add3A_736 = arith.addi %mul3A_101, %add3A_735 : i32
          %get3A_737 = arith.index_cast %add3A_736 : i32 to index
          %get3A_738 = arith.constant 192 : index
          %get3A_739 = tpu.vector_load %arg9[%get3A_737, %get3A_738] {strides = array<i32>} : memref<128x256xf32, #tpu.memory_space<vmem>>, vector<1x16xf32>,
          %get3A_740 = vector.shape_cast %get3A_739 : vector<1x16xf32> to vector<16xf32>
          %mul3A_741 = arith.mulf %gather3A_638, %get3A_740 : vector<16xf32>
          %add3A_742 = arith.addf %add3A_610, %mul3A_741 : vector<16xf32>
          %add3A_743 = arith.constant 4 : i32
          %add3A_744 = arith.addi %mul3A_101, %add3A_743 : i32
          %get3A_745 = arith.index_cast %add3A_744 : i32 to index
          %get3A_746 = arith.constant 208 : index
          %get3A_747 = tpu.vector_load %arg9[%get3A_745, %get3A_746] {strides = array<i32>} : memref<128x256xf32, #tpu.memory_space<vmem>>, vector<1x16xf32>,
          %get3A_748 = vector.shape_cast %get3A_747 : vector<1x16xf32> to vector<16xf32>
          %mul3A_749 = arith.mulf %gather3A_638, %get3A_748 : vector<16xf32>
          %add3A_750 = arith.addf %add3A_618, %mul3A_749 : vector<16xf32>
          %add3A_751 = arith.constant 4 : i32
          %add3A_752 = arith.addi %mul3A_101, %add3A_751 : i32
          %get3A_753 = arith.index_cast %add3A_752 : i32 to index
          %get3A_754 = arith.constant 224 : index
          %get3A_755 = tpu.vector_load %arg9[%get3A_753, %get3A_754] {strides = array<i32>} : memref<128x256xf32, #tpu.memory_space<vmem>>, vector<1x16xf32>,
          %get3A_756 = vector.shape_cast %get3A_755 : vector<1x16xf32> to vector<16xf32>
          %mul3A_757 = arith.mulf %gather3A_638, %get3A_756 : vector<16xf32>
          %add3A_758 = arith.addf %add3A_626, %mul3A_757 : vector<16xf32>
          %add3A_759 = arith.constant 4 : i32
          %add3A_760 = arith.addi %mul3A_101, %add3A_759 : i32
          %get3A_761 = arith.index_cast %add3A_760 : i32 to index
          %get3A_762 = arith.constant 240 : index
          %get3A_763 = tpu.vector_load %arg9[%get3A_761, %get3A_762] {strides = array<i32>} : memref<128x256xf32, #tpu.memory_space<vmem>>, vector<1x16xf32>,
          %get3A_764 = vector.shape_cast %get3A_763 : vector<1x16xf32> to vector<16xf32>
          %mul3A_765 = arith.mulf %gather3A_638, %get3A_764 : vector<16xf32>
          %add3A_766 = arith.addf %add3A_634, %mul3A_765 : vector<16xf32>
          %broadcast_in_dim3A_767 = arith.constant 5 : i32
          %broadcast_in_dim3A_768 = vector.broadcast %broadcast_in_dim3A_767 : i32 to vector<16x1xi32>
          %gather3A_769 = vector.shape_cast %broadcast_in_dim3A_768 : vector<16x1xi32> to vector<16xi32>
          %gather3A_770 = tpu.dynamic_gather %get3A_106[%gather3A_769] in [0] : vector<16xf32>, vector<16xi32> -> vector<16xf32>
          %add3A_771 = arith.constant 5 : i32
          %add3A_772 = arith.addi %mul3A_101, %add3A_771 : i32
          %get3A_773 = arith.index_cast %add3A_772 : i32 to index
          %get3A_774 = arith.constant 0 : index
          %get3A_775 = tpu.vector_load %arg9[%get3A_773, %get3A_774] {strides = array<i32>} : memref<128x256xf32, #tpu.memory_space<vmem>>, vector<1x16xf32>,
          %get3A_776 = vector.shape_cast %get3A_775 : vector<1x16xf32> to vector<16xf32>
          %mul3A_777 = arith.mulf %gather3A_770, %get3A_776 : vector<16xf32>
          %add3A_778 = arith.addf %add3A_646, %mul3A_777 : vector<16xf32>
          %add3A_779 = arith.constant 5 : i32
          %add3A_780 = arith.addi %mul3A_101, %add3A_779 : i32
          %get3A_781 = arith.index_cast %add3A_780 : i32 to index
          %get3A_782 = arith.constant 16 : index
          %get3A_783 = tpu.vector_load %arg9[%get3A_781, %get3A_782] {strides = array<i32>} : memref<128x256xf32, #tpu.memory_space<vmem>>, vector<1x16xf32>,
          %get3A_784 = vector.shape_cast %get3A_783 : vector<1x16xf32> to vector<16xf32>
          %mul3A_785 = arith.mulf %gather3A_770, %get3A_784 : vector<16xf32>
          %add3A_786 = arith.addf %add3A_654, %mul3A_785 : vector<16xf32>
          %add3A_787 = arith.constant 5 : i32
          %add3A_788 = arith.addi %mul3A_101, %add3A_787 : i32
          %get3A_789 = arith.index_cast %add3A_788 : i32 to index
          %get3A_790 = arith.constant 32 : index
          %get3A_791 = tpu.vector_load %arg9[%get3A_789, %get3A_790] {strides = array<i32>} : memref<128x256xf32, #tpu.memory_space<vmem>>, vector<1x16xf32>,
          %get3A_792 = vector.shape_cast %get3A_791 : vector<1x16xf32> to vector<16xf32>
          %mul3A_793 = arith.mulf %gather3A_770, %get3A_792 : vector<16xf32>
          %add3A_794 = arith.addf %add3A_662, %mul3A_793 : vector<16xf32>
          %add3A_795 = arith.constant 5 : i32
          %add3A_796 = arith.addi %mul3A_101, %add3A_795 : i32
          %get3A_797 = arith.index_cast %add3A_796 : i32 to index
          %get3A_798 = arith.constant 48 : index
          %get3A_799 = tpu.vector_load %arg9[%get3A_797, %get3A_798] {strides = array<i32>} : memref<128x256xf32, #tpu.memory_space<vmem>>, vector<1x16xf32>,
          %get3A_800 = vector.shape_cast %get3A_799 : vector<1x16xf32> to vector<16xf32>
          %mul3A_801 = arith.mulf %gather3A_770, %get3A_800 : vector<16xf32>
          %add3A_802 = arith.addf %add3A_670, %mul3A_801 : vector<16xf32>
          %add3A_803 = arith.constant 5 : i32
          %add3A_804 = arith.addi %mul3A_101, %add3A_803 : i32
          %get3A_805 = arith.index_cast %add3A_804 : i32 to index
          %get3A_806 = arith.constant 64 : index
          %get3A_807 = tpu.vector_load %arg9[%get3A_805, %get3A_806] {strides = array<i32>} : memref<128x256xf32, #tpu.memory_space<vmem>>, vector<1x16xf32>,
          %get3A_808 = vector.shape_cast %get3A_807 : vector<1x16xf32> to vector<16xf32>
          %mul3A_809 = arith.mulf %gather3A_770, %get3A_808 : vector<16xf32>
          %add3A_810 = arith.addf %add3A_678, %mul3A_809 : vector<16xf32>
          %add3A_811 = arith.constant 5 : i32
          %add3A_812 = arith.addi %mul3A_101, %add3A_811 : i32
          %get3A_813 = arith.index_cast %add3A_812 : i32 to index
          %get3A_814 = arith.constant 80 : index
          %get3A_815 = tpu.vector_load %arg9[%get3A_813, %get3A_814] {strides = array<i32>} : memref<128x256xf32, #tpu.memory_space<vmem>>, vector<1x16xf32>,
          %get3A_816 = vector.shape_cast %get3A_815 : vector<1x16xf32> to vector<16xf32>
          %mul3A_817 = arith.mulf %gather3A_770, %get3A_816 : vector<16xf32>
          %add3A_818 = arith.addf %add3A_686, %mul3A_817 : vector<16xf32>
          %add3A_819 = arith.constant 5 : i32
          %add3A_820 = arith.addi %mul3A_101, %add3A_819 : i32
          %get3A_821 = arith.index_cast %add3A_820 : i32 to index
          %get3A_822 = arith.constant 96 : index
          %get3A_823 = tpu.vector_load %arg9[%get3A_821, %get3A_822] {strides = array<i32>} : memref<128x256xf32, #tpu.memory_space<vmem>>, vector<1x16xf32>,
          %get3A_824 = vector.shape_cast %get3A_823 : vector<1x16xf32> to vector<16xf32>
          %mul3A_825 = arith.mulf %gather3A_770, %get3A_824 : vector<16xf32>
          %add3A_826 = arith.addf %add3A_694, %mul3A_825 : vector<16xf32>
          %add3A_827 = arith.constant 5 : i32
          %add3A_828 = arith.addi %mul3A_101, %add3A_827 : i32
          %get3A_829 = arith.index_cast %add3A_828 : i32 to index
          %get3A_830 = arith.constant 112 : index
          %get3A_831 = tpu.vector_load %arg9[%get3A_829, %get3A_830] {strides = array<i32>} : memref<128x256xf32, #tpu.memory_space<vmem>>, vector<1x16xf32>,
          %get3A_832 = vector.shape_cast %get3A_831 : vector<1x16xf32> to vector<16xf32>
          %mul3A_833 = arith.mulf %gather3A_770, %get3A_832 : vector<16xf32>
          %add3A_834 = arith.addf %add3A_702, %mul3A_833 : vector<16xf32>
          %add3A_835 = arith.constant 5 : i32
          %add3A_836 = arith.addi %mul3A_101, %add3A_835 : i32
          %get3A_837 = arith.index_cast %add3A_836 : i32 to index
          %get3A_838 = arith.constant 128 : index
          %get3A_839 = tpu.vector_load %arg9[%get3A_837, %get3A_838] {strides = array<i32>} : memref<128x256xf32, #tpu.memory_space<vmem>>, vector<1x16xf32>,
          %get3A_840 = vector.shape_cast %get3A_839 : vector<1x16xf32> to vector<16xf32>
          %mul3A_841 = arith.mulf %gather3A_770, %get3A_840 : vector<16xf32>
          %add3A_842 = arith.addf %add3A_710, %mul3A_841 : vector<16xf32>
          %add3A_843 = arith.constant 5 : i32
          %add3A_844 = arith.addi %mul3A_101, %add3A_843 : i32
          %get3A_845 = arith.index_cast %add3A_844 : i32 to index
          %get3A_846 = arith.constant 144 : index
          %get3A_847 = tpu.vector_load %arg9[%get3A_845, %get3A_846] {strides = array<i32>} : memref<128x256xf32, #tpu.memory_space<vmem>>, vector<1x16xf32>,
          %get3A_848 = vector.shape_cast %get3A_847 : vector<1x16xf32> to vector<16xf32>
          %mul3A_849 = arith.mulf %gather3A_770, %get3A_848 : vector<16xf32>
          %add3A_850 = arith.addf %add3A_718, %mul3A_849 : vector<16xf32>
          %add3A_851 = arith.constant 5 : i32
          %add3A_852 = arith.addi %mul3A_101, %add3A_851 : i32
          %get3A_853 = arith.index_cast %add3A_852 : i32 to index
          %get3A_854 = arith.constant 160 : index
          %get3A_855 = tpu.vector_load %arg9[%get3A_853, %get3A_854] {strides = array<i32>} : memref<128x256xf32, #tpu.memory_space<vmem>>, vector<1x16xf32>,
          %get3A_856 = vector.shape_cast %get3A_855 : vector<1x16xf32> to vector<16xf32>
          %mul3A_857 = arith.mulf %gather3A_770, %get3A_856 : vector<16xf32>
          %add3A_858 = arith.addf %add3A_726, %mul3A_857 : vector<16xf32>
          %add3A_859 = arith.constant 5 : i32
          %add3A_860 = arith.addi %mul3A_101, %add3A_859 : i32
          %get3A_861 = arith.index_cast %add3A_860 : i32 to index
          %get3A_862 = arith.constant 176 : index
          %get3A_863 = tpu.vector_load %arg9[%get3A_861, %get3A_862] {strides = array<i32>} : memref<128x256xf32, #tpu.memory_space<vmem>>, vector<1x16xf32>,
          %get3A_864 = vector.shape_cast %get3A_863 : vector<1x16xf32> to vector<16xf32>
          %mul3A_865 = arith.mulf %gather3A_770, %get3A_864 : vector<16xf32>
          %add3A_866 = arith.addf %add3A_734, %mul3A_865 : vector<16xf32>
          %add3A_867 = arith.constant 5 : i32
          %add3A_868 = arith.addi %mul3A_101, %add3A_867 : i32
          %get3A_869 = arith.index_cast %add3A_868 : i32 to index
          %get3A_870 = arith.constant 192 : index
          %get3A_871 = tpu.vector_load %arg9[%get3A_869, %get3A_870] {strides = array<i32>} : memref<128x256xf32, #tpu.memory_space<vmem>>, vector<1x16xf32>,
          %get3A_872 = vector.shape_cast %get3A_871 : vector<1x16xf32> to vector<16xf32>
          %mul3A_873 = arith.mulf %gather3A_770, %get3A_872 : vector<16xf32>
          %add3A_874 = arith.addf %add3A_742, %mul3A_873 : vector<16xf32>
          %add3A_875 = arith.constant 5 : i32
          %add3A_876 = arith.addi %mul3A_101, %add3A_875 : i32
          %get3A_877 = arith.index_cast %add3A_876 : i32 to index
          %get3A_878 = arith.constant 208 : index
          %get3A_879 = tpu.vector_load %arg9[%get3A_877, %get3A_878] {strides = array<i32>} : memref<128x256xf32, #tpu.memory_space<vmem>>, vector<1x16xf32>,
          %get3A_880 = vector.shape_cast %get3A_879 : vector<1x16xf32> to vector<16xf32>
          %mul3A_881 = arith.mulf %gather3A_770, %get3A_880 : vector<16xf32>
          %add3A_882 = arith.addf %add3A_750, %mul3A_881 : vector<16xf32>
          %add3A_883 = arith.constant 5 : i32
          %add3A_884 = arith.addi %mul3A_101, %add3A_883 : i32
          %get3A_885 = arith.index_cast %add3A_884 : i32 to index
          %get3A_886 = arith.constant 224 : index
          %get3A_887 = tpu.vector_load %arg9[%get3A_885, %get3A_886] {strides = array<i32>} : memref<128x256xf32, #tpu.memory_space<vmem>>, vector<1x16xf32>,
          %get3A_888 = vector.shape_cast %get3A_887 : vector<1x16xf32> to vector<16xf32>
          %mul3A_889 = arith.mulf %gather3A_770, %get3A_888 : vector<16xf32>
          %add3A_890 = arith.addf %add3A_758, %mul3A_889 : vector<16xf32>
          %add3A_891 = arith.constant 5 : i32
          %add3A_892 = arith.addi %mul3A_101, %add3A_891 : i32
          %get3A_893 = arith.index_cast %add3A_892 : i32 to index
          %get3A_894 = arith.constant 240 : index
          %get3A_895 = tpu.vector_load %arg9[%get3A_893, %get3A_894] {strides = array<i32>} : memref<128x256xf32, #tpu.memory_space<vmem>>, vector<1x16xf32>,
          %get3A_896 = vector.shape_cast %get3A_895 : vector<1x16xf32> to vector<16xf32>
          %mul3A_897 = arith.mulf %gather3A_770, %get3A_896 : vector<16xf32>
          %add3A_898 = arith.addf %add3A_766, %mul3A_897 : vector<16xf32>
          %broadcast_in_dim3A_899 = arith.constant 6 : i32
          %broadcast_in_dim3A_900 = vector.broadcast %broadcast_in_dim3A_899 : i32 to vector<16x1xi32>
          %gather3A_901 = vector.shape_cast %broadcast_in_dim3A_900 : vector<16x1xi32> to vector<16xi32>
          %gather3A_902 = tpu.dynamic_gather %get3A_106[%gather3A_901] in [0] : vector<16xf32>, vector<16xi32> -> vector<16xf32>
          %add3A_903 = arith.constant 6 : i32
          %add3A_904 = arith.addi %mul3A_101, %add3A_903 : i32
          %get3A_905 = arith.index_cast %add3A_904 : i32 to index
          %get3A_906 = arith.constant 0 : index
          %get3A_907 = tpu.vector_load %arg9[%get3A_905, %get3A_906] {strides = array<i32>} : memref<128x256xf32, #tpu.memory_space<vmem>>, vector<1x16xf32>,
          %get3A_908 = vector.shape_cast %get3A_907 : vector<1x16xf32> to vector<16xf32>
          %mul3A_909 = arith.mulf %gather3A_902, %get3A_908 : vector<16xf32>
          %add3A_910 = arith.addf %add3A_778, %mul3A_909 : vector<16xf32>
          %add3A_911 = arith.constant 6 : i32
          %add3A_912 = arith.addi %mul3A_101, %add3A_911 : i32
          %get3A_913 = arith.index_cast %add3A_912 : i32 to index
          %get3A_914 = arith.constant 16 : index
          %get3A_915 = tpu.vector_load %arg9[%get3A_913, %get3A_914] {strides = array<i32>} : memref<128x256xf32, #tpu.memory_space<vmem>>, vector<1x16xf32>,
          %get3A_916 = vector.shape_cast %get3A_915 : vector<1x16xf32> to vector<16xf32>
          %mul3A_917 = arith.mulf %gather3A_902, %get3A_916 : vector<16xf32>
          %add3A_918 = arith.addf %add3A_786, %mul3A_917 : vector<16xf32>
          %add3A_919 = arith.constant 6 : i32
          %add3A_920 = arith.addi %mul3A_101, %add3A_919 : i32
          %get3A_921 = arith.index_cast %add3A_920 : i32 to index
          %get3A_922 = arith.constant 32 : index
          %get3A_923 = tpu.vector_load %arg9[%get3A_921, %get3A_922] {strides = array<i32>} : memref<128x256xf32, #tpu.memory_space<vmem>>, vector<1x16xf32>,
          %get3A_924 = vector.shape_cast %get3A_923 : vector<1x16xf32> to vector<16xf32>
          %mul3A_925 = arith.mulf %gather3A_902, %get3A_924 : vector<16xf32>
          %add3A_926 = arith.addf %add3A_794, %mul3A_925 : vector<16xf32>
          %add3A_927 = arith.constant 6 : i32
          %add3A_928 = arith.addi %mul3A_101, %add3A_927 : i32
          %get3A_929 = arith.index_cast %add3A_928 : i32 to index
          %get3A_930 = arith.constant 48 : index
          %get3A_931 = tpu.vector_load %arg9[%get3A_929, %get3A_930] {strides = array<i32>} : memref<128x256xf32, #tpu.memory_space<vmem>>, vector<1x16xf32>,
          %get3A_932 = vector.shape_cast %get3A_931 : vector<1x16xf32> to vector<16xf32>
          %mul3A_933 = arith.mulf %gather3A_902, %get3A_932 : vector<16xf32>
          %add3A_934 = arith.addf %add3A_802, %mul3A_933 : vector<16xf32>
          %add3A_935 = arith.constant 6 : i32
          %add3A_936 = arith.addi %mul3A_101, %add3A_935 : i32
          %get3A_937 = arith.index_cast %add3A_936 : i32 to index
          %get3A_938 = arith.constant 64 : index
          %get3A_939 = tpu.vector_load %arg9[%get3A_937, %get3A_938] {strides = array<i32>} : memref<128x256xf32, #tpu.memory_space<vmem>>, vector<1x16xf32>,
          %get3A_940 = vector.shape_cast %get3A_939 : vector<1x16xf32> to vector<16xf32>
          %mul3A_941 = arith.mulf %gather3A_902, %get3A_940 : vector<16xf32>
          %add3A_942 = arith.addf %add3A_810, %mul3A_941 : vector<16xf32>
          %add3A_943 = arith.constant 6 : i32
          %add3A_944 = arith.addi %mul3A_101, %add3A_943 : i32
          %get3A_945 = arith.index_cast %add3A_944 : i32 to index
          %get3A_946 = arith.constant 80 : index
          %get3A_947 = tpu.vector_load %arg9[%get3A_945, %get3A_946] {strides = array<i32>} : memref<128x256xf32, #tpu.memory_space<vmem>>, vector<1x16xf32>,
          %get3A_948 = vector.shape_cast %get3A_947 : vector<1x16xf32> to vector<16xf32>
          %mul3A_949 = arith.mulf %gather3A_902, %get3A_948 : vector<16xf32>
          %add3A_950 = arith.addf %add3A_818, %mul3A_949 : vector<16xf32>
          %add3A_951 = arith.constant 6 : i32
          %add3A_952 = arith.addi %mul3A_101, %add3A_951 : i32
          %get3A_953 = arith.index_cast %add3A_952 : i32 to index
          %get3A_954 = arith.constant 96 : index
          %get3A_955 = tpu.vector_load %arg9[%get3A_953, %get3A_954] {strides = array<i32>} : memref<128x256xf32, #tpu.memory_space<vmem>>, vector<1x16xf32>,
          %get3A_956 = vector.shape_cast %get3A_955 : vector<1x16xf32> to vector<16xf32>
          %mul3A_957 = arith.mulf %gather3A_902, %get3A_956 : vector<16xf32>
          %add3A_958 = arith.addf %add3A_826, %mul3A_957 : vector<16xf32>
          %add3A_959 = arith.constant 6 : i32
          %add3A_960 = arith.addi %mul3A_101, %add3A_959 : i32
          %get3A_961 = arith.index_cast %add3A_960 : i32 to index
          %get3A_962 = arith.constant 112 : index
          %get3A_963 = tpu.vector_load %arg9[%get3A_961, %get3A_962] {strides = array<i32>} : memref<128x256xf32, #tpu.memory_space<vmem>>, vector<1x16xf32>,
          %get3A_964 = vector.shape_cast %get3A_963 : vector<1x16xf32> to vector<16xf32>
          %mul3A_965 = arith.mulf %gather3A_902, %get3A_964 : vector<16xf32>
          %add3A_966 = arith.addf %add3A_834, %mul3A_965 : vector<16xf32>
          %add3A_967 = arith.constant 6 : i32
          %add3A_968 = arith.addi %mul3A_101, %add3A_967 : i32
          %get3A_969 = arith.index_cast %add3A_968 : i32 to index
          %get3A_970 = arith.constant 128 : index
          %get3A_971 = tpu.vector_load %arg9[%get3A_969, %get3A_970] {strides = array<i32>} : memref<128x256xf32, #tpu.memory_space<vmem>>, vector<1x16xf32>,
          %get3A_972 = vector.shape_cast %get3A_971 : vector<1x16xf32> to vector<16xf32>
          %mul3A_973 = arith.mulf %gather3A_902, %get3A_972 : vector<16xf32>
          %add3A_974 = arith.addf %add3A_842, %mul3A_973 : vector<16xf32>
          %add3A_975 = arith.constant 6 : i32
          %add3A_976 = arith.addi %mul3A_101, %add3A_975 : i32
          %get3A_977 = arith.index_cast %add3A_976 : i32 to index
          %get3A_978 = arith.constant 144 : index
          %get3A_979 = tpu.vector_load %arg9[%get3A_977, %get3A_978] {strides = array<i32>} : memref<128x256xf32, #tpu.memory_space<vmem>>, vector<1x16xf32>,
          %get3A_980 = vector.shape_cast %get3A_979 : vector<1x16xf32> to vector<16xf32>
          %mul3A_981 = arith.mulf %gather3A_902, %get3A_980 : vector<16xf32>
          %add3A_982 = arith.addf %add3A_850, %mul3A_981 : vector<16xf32>
          %add3A_983 = arith.constant 6 : i32
          %add3A_984 = arith.addi %mul3A_101, %add3A_983 : i32
          %get3A_985 = arith.index_cast %add3A_984 : i32 to index
          %get3A_986 = arith.constant 160 : index
          %get3A_987 = tpu.vector_load %arg9[%get3A_985, %get3A_986] {strides = array<i32>} : memref<128x256xf32, #tpu.memory_space<vmem>>, vector<1x16xf32>,
          %get3A_988 = vector.shape_cast %get3A_987 : vector<1x16xf32> to vector<16xf32>
          %mul3A_989 = arith.mulf %gather3A_902, %get3A_988 : vector<16xf32>
          %add3A_990 = arith.addf %add3A_858, %mul3A_989 : vector<16xf32>
          %add3A_991 = arith.constant 6 : i32
          %add3A_992 = arith.addi %mul3A_101, %add3A_991 : i32
          %get3A_993 = arith.index_cast %add3A_992 : i32 to index
          %get3A_994 = arith.constant 176 : index
          %get3A_995 = tpu.vector_load %arg9[%get3A_993, %get3A_994] {strides = array<i32>} : memref<128x256xf32, #tpu.memory_space<vmem>>, vector<1x16xf32>,
          %get3A_996 = vector.shape_cast %get3A_995 : vector<1x16xf32> to vector<16xf32>
          %mul3A_997 = arith.mulf %gather3A_902, %get3A_996 : vector<16xf32>
          %add3A_998 = arith.addf %add3A_866, %mul3A_997 : vector<16xf32>
          %add3A_999 = arith.constant 6 : i32
          %add3A_1000 = arith.addi %mul3A_101, %add3A_999 : i32
          %get3A_1001 = arith.index_cast %add3A_1000 : i32 to index
          %get3A_1002 = arith.constant 192 : index
          %get3A_1003 = tpu.vector_load %arg9[%get3A_1001, %get3A_1002] {strides = array<i32>} : memref<128x256xf32, #tpu.memory_space<vmem>>, vector<1x16xf32>,
          %get3A_1004 = vector.shape_cast %get3A_1003 : vector<1x16xf32> to vector<16xf32>
          %mul3A_1005 = arith.mulf %gather3A_902, %get3A_1004 : vector<16xf32>
          %add3A_1006 = arith.addf %add3A_874, %mul3A_1005 : vector<16xf32>
          %add3A_1007 = arith.constant 6 : i32
          %add3A_1008 = arith.addi %mul3A_101, %add3A_1007 : i32
          %get3A_1009 = arith.index_cast %add3A_1008 : i32 to index
          %get3A_1010 = arith.constant 208 : index
          %get3A_1011 = tpu.vector_load %arg9[%get3A_1009, %get3A_1010] {strides = array<i32>} : memref<128x256xf32, #tpu.memory_space<vmem>>, vector<1x16xf32>,
          %get3A_1012 = vector.shape_cast %get3A_1011 : vector<1x16xf32> to vector<16xf32>
          %mul3A_1013 = arith.mulf %gather3A_902, %get3A_1012 : vector<16xf32>
          %add3A_1014 = arith.addf %add3A_882, %mul3A_1013 : vector<16xf32>
          %add3A_1015 = arith.constant 6 : i32
          %add3A_1016 = arith.addi %mul3A_101, %add3A_1015 : i32
          %get3A_1017 = arith.index_cast %add3A_1016 : i32 to index
          %get3A_1018 = arith.constant 224 : index
          %get3A_1019 = tpu.vector_load %arg9[%get3A_1017, %get3A_1018] {strides = array<i32>} : memref<128x256xf32, #tpu.memory_space<vmem>>, vector<1x16xf32>,
          %get3A_1020 = vector.shape_cast %get3A_1019 : vector<1x16xf32> to vector<16xf32>
          %mul3A_1021 = arith.mulf %gather3A_902, %get3A_1020 : vector<16xf32>
          %add3A_1022 = arith.addf %add3A_890, %mul3A_1021 : vector<16xf32>
          %add3A_1023 = arith.constant 6 : i32
          %add3A_1024 = arith.addi %mul3A_101, %add3A_1023 : i32
          %get3A_1025 = arith.index_cast %add3A_1024 : i32 to index
          %get3A_1026 = arith.constant 240 : index
          %get3A_1027 = tpu.vector_load %arg9[%get3A_1025, %get3A_1026] {strides = array<i32>} : memref<128x256xf32, #tpu.memory_space<vmem>>, vector<1x16xf32>,
          %get3A_1028 = vector.shape_cast %get3A_1027 : vector<1x16xf32> to vector<16xf32>
          %mul3A_1029 = arith.mulf %gather3A_902, %get3A_1028 : vector<16xf32>
          %add3A_1030 = arith.addf %add3A_898, %mul3A_1029 : vector<16xf32>
          %broadcast_in_dim3A_1031 = arith.constant 7 : i32
          %broadcast_in_dim3A_1032 = vector.broadcast %broadcast_in_dim3A_1031 : i32 to vector<16x1xi32>
          %gather3A_1033 = vector.shape_cast %broadcast_in_dim3A_1032 : vector<16x1xi32> to vector<16xi32>
          %gather3A_1034 = tpu.dynamic_gather %get3A_106[%gather3A_1033] in [0] : vector<16xf32>, vector<16xi32> -> vector<16xf32>
          %add3A_1035 = arith.constant 7 : i32
          %add3A_1036 = arith.addi %mul3A_101, %add3A_1035 : i32
          %get3A_1037 = arith.index_cast %add3A_1036 : i32 to index
          %get3A_1038 = arith.constant 0 : index
          %get3A_1039 = tpu.vector_load %arg9[%get3A_1037, %get3A_1038] {strides = array<i32>} : memref<128x256xf32, #tpu.memory_space<vmem>>, vector<1x16xf32>,
          %get3A_1040 = vector.shape_cast %get3A_1039 : vector<1x16xf32> to vector<16xf32>
          %mul3A_1041 = arith.mulf %gather3A_1034, %get3A_1040 : vector<16xf32>
          %add3A_1042 = arith.addf %add3A_910, %mul3A_1041 : vector<16xf32>
          %add3A_1043 = arith.constant 7 : i32
          %add3A_1044 = arith.addi %mul3A_101, %add3A_1043 : i32
          %get3A_1045 = arith.index_cast %add3A_1044 : i32 to index
          %get3A_1046 = arith.constant 16 : index
          %get3A_1047 = tpu.vector_load %arg9[%get3A_1045, %get3A_1046] {strides = array<i32>} : memref<128x256xf32, #tpu.memory_space<vmem>>, vector<1x16xf32>,
          %get3A_1048 = vector.shape_cast %get3A_1047 : vector<1x16xf32> to vector<16xf32>
          %mul3A_1049 = arith.mulf %gather3A_1034, %get3A_1048 : vector<16xf32>
          %add3A_1050 = arith.addf %add3A_918, %mul3A_1049 : vector<16xf32>
          %add3A_1051 = arith.constant 7 : i32
          %add3A_1052 = arith.addi %mul3A_101, %add3A_1051 : i32
          %get3A_1053 = arith.index_cast %add3A_1052 : i32 to index
          %get3A_1054 = arith.constant 32 : index
          %get3A_1055 = tpu.vector_load %arg9[%get3A_1053, %get3A_1054] {strides = array<i32>} : memref<128x256xf32, #tpu.memory_space<vmem>>, vector<1x16xf32>,
          %get3A_1056 = vector.shape_cast %get3A_1055 : vector<1x16xf32> to vector<16xf32>
          %mul3A_1057 = arith.mulf %gather3A_1034, %get3A_1056 : vector<16xf32>
          %add3A_1058 = arith.addf %add3A_926, %mul3A_1057 : vector<16xf32>
          %add3A_1059 = arith.constant 7 : i32
          %add3A_1060 = arith.addi %mul3A_101, %add3A_1059 : i32
          %get3A_1061 = arith.index_cast %add3A_1060 : i32 to index
          %get3A_1062 = arith.constant 48 : index
          %get3A_1063 = tpu.vector_load %arg9[%get3A_1061, %get3A_1062] {strides = array<i32>} : memref<128x256xf32, #tpu.memory_space<vmem>>, vector<1x16xf32>,
          %get3A_1064 = vector.shape_cast %get3A_1063 : vector<1x16xf32> to vector<16xf32>
          %mul3A_1065 = arith.mulf %gather3A_1034, %get3A_1064 : vector<16xf32>
          %add3A_1066 = arith.addf %add3A_934, %mul3A_1065 : vector<16xf32>
          %add3A_1067 = arith.constant 7 : i32
          %add3A_1068 = arith.addi %mul3A_101, %add3A_1067 : i32
          %get3A_1069 = arith.index_cast %add3A_1068 : i32 to index
          %get3A_1070 = arith.constant 64 : index
          %get3A_1071 = tpu.vector_load %arg9[%get3A_1069, %get3A_1070] {strides = array<i32>} : memref<128x256xf32, #tpu.memory_space<vmem>>, vector<1x16xf32>,
          %get3A_1072 = vector.shape_cast %get3A_1071 : vector<1x16xf32> to vector<16xf32>
          %mul3A_1073 = arith.mulf %gather3A_1034, %get3A_1072 : vector<16xf32>
          %add3A_1074 = arith.addf %add3A_942, %mul3A_1073 : vector<16xf32>
          %add3A_1075 = arith.constant 7 : i32
          %add3A_1076 = arith.addi %mul3A_101, %add3A_1075 : i32
          %get3A_1077 = arith.index_cast %add3A_1076 : i32 to index
          %get3A_1078 = arith.constant 80 : index
          %get3A_1079 = tpu.vector_load %arg9[%get3A_1077, %get3A_1078] {strides = array<i32>} : memref<128x256xf32, #tpu.memory_space<vmem>>, vector<1x16xf32>,
          %get3A_1080 = vector.shape_cast %get3A_1079 : vector<1x16xf32> to vector<16xf32>
          %mul3A_1081 = arith.mulf %gather3A_1034, %get3A_1080 : vector<16xf32>
          %add3A_1082 = arith.addf %add3A_950, %mul3A_1081 : vector<16xf32>
          %add3A_1083 = arith.constant 7 : i32
          %add3A_1084 = arith.addi %mul3A_101, %add3A_1083 : i32
          %get3A_1085 = arith.index_cast %add3A_1084 : i32 to index
          %get3A_1086 = arith.constant 96 : index
          %get3A_1087 = tpu.vector_load %arg9[%get3A_1085, %get3A_1086] {strides = array<i32>} : memref<128x256xf32, #tpu.memory_space<vmem>>, vector<1x16xf32>,
          %get3A_1088 = vector.shape_cast %get3A_1087 : vector<1x16xf32> to vector<16xf32>
          %mul3A_1089 = arith.mulf %gather3A_1034, %get3A_1088 : vector<16xf32>
          %add3A_1090 = arith.addf %add3A_958, %mul3A_1089 : vector<16xf32>
          %add3A_1091 = arith.constant 7 : i32
          %add3A_1092 = arith.addi %mul3A_101, %add3A_1091 : i32
          %get3A_1093 = arith.index_cast %add3A_1092 : i32 to index
          %get3A_1094 = arith.constant 112 : index
          %get3A_1095 = tpu.vector_load %arg9[%get3A_1093, %get3A_1094] {strides = array<i32>} : memref<128x256xf32, #tpu.memory_space<vmem>>, vector<1x16xf32>,
          %get3A_1096 = vector.shape_cast %get3A_1095 : vector<1x16xf32> to vector<16xf32>
          %mul3A_1097 = arith.mulf %gather3A_1034, %get3A_1096 : vector<16xf32>
          %add3A_1098 = arith.addf %add3A_966, %mul3A_1097 : vector<16xf32>
          %add3A_1099 = arith.constant 7 : i32
          %add3A_1100 = arith.addi %mul3A_101, %add3A_1099 : i32
          %get3A_1101 = arith.index_cast %add3A_1100 : i32 to index
          %get3A_1102 = arith.constant 128 : index
          %get3A_1103 = tpu.vector_load %arg9[%get3A_1101, %get3A_1102] {strides = array<i32>} : memref<128x256xf32, #tpu.memory_space<vmem>>, vector<1x16xf32>,
          %get3A_1104 = vector.shape_cast %get3A_1103 : vector<1x16xf32> to vector<16xf32>
          %mul3A_1105 = arith.mulf %gather3A_1034, %get3A_1104 : vector<16xf32>
          %add3A_1106 = arith.addf %add3A_974, %mul3A_1105 : vector<16xf32>
          %add3A_1107 = arith.constant 7 : i32
          %add3A_1108 = arith.addi %mul3A_101, %add3A_1107 : i32
          %get3A_1109 = arith.index_cast %add3A_1108 : i32 to index
          %get3A_1110 = arith.constant 144 : index
          %get3A_1111 = tpu.vector_load %arg9[%get3A_1109, %get3A_1110] {strides = array<i32>} : memref<128x256xf32, #tpu.memory_space<vmem>>, vector<1x16xf32>,
          %get3A_1112 = vector.shape_cast %get3A_1111 : vector<1x16xf32> to vector<16xf32>
          %mul3A_1113 = arith.mulf %gather3A_1034, %get3A_1112 : vector<16xf32>
          %add3A_1114 = arith.addf %add3A_982, %mul3A_1113 : vector<16xf32>
          %add3A_1115 = arith.constant 7 : i32
          %add3A_1116 = arith.addi %mul3A_101, %add3A_1115 : i32
          %get3A_1117 = arith.index_cast %add3A_1116 : i32 to index
          %get3A_1118 = arith.constant 160 : index
          %get3A_1119 = tpu.vector_load %arg9[%get3A_1117, %get3A_1118] {strides = array<i32>} : memref<128x256xf32, #tpu.memory_space<vmem>>, vector<1x16xf32>,
          %get3A_1120 = vector.shape_cast %get3A_1119 : vector<1x16xf32> to vector<16xf32>
          %mul3A_1121 = arith.mulf %gather3A_1034, %get3A_1120 : vector<16xf32>
          %add3A_1122 = arith.addf %add3A_990, %mul3A_1121 : vector<16xf32>
          %add3A_1123 = arith.constant 7 : i32
          %add3A_1124 = arith.addi %mul3A_101, %add3A_1123 : i32
          %get3A_1125 = arith.index_cast %add3A_1124 : i32 to index
          %get3A_1126 = arith.constant 176 : index
          %get3A_1127 = tpu.vector_load %arg9[%get3A_1125, %get3A_1126] {strides = array<i32>} : memref<128x256xf32, #tpu.memory_space<vmem>>, vector<1x16xf32>,
          %get3A_1128 = vector.shape_cast %get3A_1127 : vector<1x16xf32> to vector<16xf32>
          %mul3A_1129 = arith.mulf %gather3A_1034, %get3A_1128 : vector<16xf32>
          %add3A_1130 = arith.addf %add3A_998, %mul3A_1129 : vector<16xf32>
          %add3A_1131 = arith.constant 7 : i32
          %add3A_1132 = arith.addi %mul3A_101, %add3A_1131 : i32
          %get3A_1133 = arith.index_cast %add3A_1132 : i32 to index
          %get3A_1134 = arith.constant 192 : index
          %get3A_1135 = tpu.vector_load %arg9[%get3A_1133, %get3A_1134] {strides = array<i32>} : memref<128x256xf32, #tpu.memory_space<vmem>>, vector<1x16xf32>,
          %get3A_1136 = vector.shape_cast %get3A_1135 : vector<1x16xf32> to vector<16xf32>
          %mul3A_1137 = arith.mulf %gather3A_1034, %get3A_1136 : vector<16xf32>
          %add3A_1138 = arith.addf %add3A_1006, %mul3A_1137 : vector<16xf32>
          %add3A_1139 = arith.constant 7 : i32
          %add3A_1140 = arith.addi %mul3A_101, %add3A_1139 : i32
          %get3A_1141 = arith.index_cast %add3A_1140 : i32 to index
          %get3A_1142 = arith.constant 208 : index
          %get3A_1143 = tpu.vector_load %arg9[%get3A_1141, %get3A_1142] {strides = array<i32>} : memref<128x256xf32, #tpu.memory_space<vmem>>, vector<1x16xf32>,
          %get3A_1144 = vector.shape_cast %get3A_1143 : vector<1x16xf32> to vector<16xf32>
          %mul3A_1145 = arith.mulf %gather3A_1034, %get3A_1144 : vector<16xf32>
          %add3A_1146 = arith.addf %add3A_1014, %mul3A_1145 : vector<16xf32>
          %add3A_1147 = arith.constant 7 : i32
          %add3A_1148 = arith.addi %mul3A_101, %add3A_1147 : i32
          %get3A_1149 = arith.index_cast %add3A_1148 : i32 to index
          %get3A_1150 = arith.constant 224 : index
          %get3A_1151 = tpu.vector_load %arg9[%get3A_1149, %get3A_1150] {strides = array<i32>} : memref<128x256xf32, #tpu.memory_space<vmem>>, vector<1x16xf32>,
          %get3A_1152 = vector.shape_cast %get3A_1151 : vector<1x16xf32> to vector<16xf32>
          %mul3A_1153 = arith.mulf %gather3A_1034, %get3A_1152 : vector<16xf32>
          %add3A_1154 = arith.addf %add3A_1022, %mul3A_1153 : vector<16xf32>
          %add3A_1155 = arith.constant 7 : i32
          %add3A_1156 = arith.addi %mul3A_101, %add3A_1155 : i32
          %get3A_1157 = arith.index_cast %add3A_1156 : i32 to index
          %get3A_1158 = arith.constant 240 : index
          %get3A_1159 = tpu.vector_load %arg9[%get3A_1157, %get3A_1158] {strides = array<i32>} : memref<128x256xf32, #tpu.memory_space<vmem>>, vector<1x16xf32>,
          %get3A_1160 = vector.shape_cast %get3A_1159 : vector<1x16xf32> to vector<16xf32>
          %mul3A_1161 = arith.mulf %gather3A_1034, %get3A_1160 : vector<16xf32>
          %add3A_1162 = arith.addf %add3A_1030, %mul3A_1161 : vector<16xf32>
          %broadcast_in_dim3A_1163 = arith.constant 8 : i32
          %broadcast_in_dim3A_1164 = vector.broadcast %broadcast_in_dim3A_1163 : i32 to vector<16x1xi32>
          %gather3A_1165 = vector.shape_cast %broadcast_in_dim3A_1164 : vector<16x1xi32> to vector<16xi32>
          %gather3A_1166 = tpu.dynamic_gather %get3A_106[%gather3A_1165] in [0] : vector<16xf32>, vector<16xi32> -> vector<16xf32>
          %add3A_1167 = arith.constant 8 : i32
          %add3A_1168 = arith.addi %mul3A_101, %add3A_1167 : i32
          %get3A_1169 = arith.index_cast %add3A_1168 : i32 to index
          %get3A_1170 = arith.constant 0 : index
          %get3A_1171 = tpu.vector_load %arg9[%get3A_1169, %get3A_1170] {strides = array<i32>} : memref<128x256xf32, #tpu.memory_space<vmem>>, vector<1x16xf32>,
          %get3A_1172 = vector.shape_cast %get3A_1171 : vector<1x16xf32> to vector<16xf32>
          %mul3A_1173 = arith.mulf %gather3A_1166, %get3A_1172 : vector<16xf32>
          %add3A_1174 = arith.addf %add3A_1042, %mul3A_1173 : vector<16xf32>
          %add3A_1175 = arith.constant 8 : i32
          %add3A_1176 = arith.addi %mul3A_101, %add3A_1175 : i32
          %get3A_1177 = arith.index_cast %add3A_1176 : i32 to index
          %get3A_1178 = arith.constant 16 : index
          %get3A_1179 = tpu.vector_load %arg9[%get3A_1177, %get3A_1178] {strides = array<i32>} : memref<128x256xf32, #tpu.memory_space<vmem>>, vector<1x16xf32>,
          %get3A_1180 = vector.shape_cast %get3A_1179 : vector<1x16xf32> to vector<16xf32>
          %mul3A_1181 = arith.mulf %gather3A_1166, %get3A_1180 : vector<16xf32>
          %add3A_1182 = arith.addf %add3A_1050, %mul3A_1181 : vector<16xf32>
          %add3A_1183 = arith.constant 8 : i32
          %add3A_1184 = arith.addi %mul3A_101, %add3A_1183 : i32
          %get3A_1185 = arith.index_cast %add3A_1184 : i32 to index
          %get3A_1186 = arith.constant 32 : index
          %get3A_1187 = tpu.vector_load %arg9[%get3A_1185, %get3A_1186] {strides = array<i32>} : memref<128x256xf32, #tpu.memory_space<vmem>>, vector<1x16xf32>,
          %get3A_1188 = vector.shape_cast %get3A_1187 : vector<1x16xf32> to vector<16xf32>
          %mul3A_1189 = arith.mulf %gather3A_1166, %get3A_1188 : vector<16xf32>
          %add3A_1190 = arith.addf %add3A_1058, %mul3A_1189 : vector<16xf32>
          %add3A_1191 = arith.constant 8 : i32
          %add3A_1192 = arith.addi %mul3A_101, %add3A_1191 : i32
          %get3A_1193 = arith.index_cast %add3A_1192 : i32 to index
          %get3A_1194 = arith.constant 48 : index
          %get3A_1195 = tpu.vector_load %arg9[%get3A_1193, %get3A_1194] {strides = array<i32>} : memref<128x256xf32, #tpu.memory_space<vmem>>, vector<1x16xf32>,
          %get3A_1196 = vector.shape_cast %get3A_1195 : vector<1x16xf32> to vector<16xf32>
          %mul3A_1197 = arith.mulf %gather3A_1166, %get3A_1196 : vector<16xf32>
          %add3A_1198 = arith.addf %add3A_1066, %mul3A_1197 : vector<16xf32>
          %add3A_1199 = arith.constant 8 : i32
          %add3A_1200 = arith.addi %mul3A_101, %add3A_1199 : i32
          %get3A_1201 = arith.index_cast %add3A_1200 : i32 to index
          %get3A_1202 = arith.constant 64 : index
          %get3A_1203 = tpu.vector_load %arg9[%get3A_1201, %get3A_1202] {strides = array<i32>} : memref<128x256xf32, #tpu.memory_space<vmem>>, vector<1x16xf32>,
          %get3A_1204 = vector.shape_cast %get3A_1203 : vector<1x16xf32> to vector<16xf32>
          %mul3A_1205 = arith.mulf %gather3A_1166, %get3A_1204 : vector<16xf32>
          %add3A_1206 = arith.addf %add3A_1074, %mul3A_1205 : vector<16xf32>
          %add3A_1207 = arith.constant 8 : i32
          %add3A_1208 = arith.addi %mul3A_101, %add3A_1207 : i32
          %get3A_1209 = arith.index_cast %add3A_1208 : i32 to index
          %get3A_1210 = arith.constant 80 : index
          %get3A_1211 = tpu.vector_load %arg9[%get3A_1209, %get3A_1210] {strides = array<i32>} : memref<128x256xf32, #tpu.memory_space<vmem>>, vector<1x16xf32>,
          %get3A_1212 = vector.shape_cast %get3A_1211 : vector<1x16xf32> to vector<16xf32>
          %mul3A_1213 = arith.mulf %gather3A_1166, %get3A_1212 : vector<16xf32>
          %add3A_1214 = arith.addf %add3A_1082, %mul3A_1213 : vector<16xf32>
          %add3A_1215 = arith.constant 8 : i32
          %add3A_1216 = arith.addi %mul3A_101, %add3A_1215 : i32
          %get3A_1217 = arith.index_cast %add3A_1216 : i32 to index
          %get3A_1218 = arith.constant 96 : index
          %get3A_1219 = tpu.vector_load %arg9[%get3A_1217, %get3A_1218] {strides = array<i32>} : memref<128x256xf32, #tpu.memory_space<vmem>>, vector<1x16xf32>,
          %get3A_1220 = vector.shape_cast %get3A_1219 : vector<1x16xf32> to vector<16xf32>
          %mul3A_1221 = arith.mulf %gather3A_1166, %get3A_1220 : vector<16xf32>
          %add3A_1222 = arith.addf %add3A_1090, %mul3A_1221 : vector<16xf32>
          %add3A_1223 = arith.constant 8 : i32
          %add3A_1224 = arith.addi %mul3A_101, %add3A_1223 : i32
          %get3A_1225 = arith.index_cast %add3A_1224 : i32 to index
          %get3A_1226 = arith.constant 112 : index
          %get3A_1227 = tpu.vector_load %arg9[%get3A_1225, %get3A_1226] {strides = array<i32>} : memref<128x256xf32, #tpu.memory_space<vmem>>, vector<1x16xf32>,
          %get3A_1228 = vector.shape_cast %get3A_1227 : vector<1x16xf32> to vector<16xf32>
          %mul3A_1229 = arith.mulf %gather3A_1166, %get3A_1228 : vector<16xf32>
          %add3A_1230 = arith.addf %add3A_1098, %mul3A_1229 : vector<16xf32>
          %add3A_1231 = arith.constant 8 : i32
          %add3A_1232 = arith.addi %mul3A_101, %add3A_1231 : i32
          %get3A_1233 = arith.index_cast %add3A_1232 : i32 to index
          %get3A_1234 = arith.constant 128 : index
          %get3A_1235 = tpu.vector_load %arg9[%get3A_1233, %get3A_1234] {strides = array<i32>} : memref<128x256xf32, #tpu.memory_space<vmem>>, vector<1x16xf32>,
          %get3A_1236 = vector.shape_cast %get3A_1235 : vector<1x16xf32> to vector<16xf32>
          %mul3A_1237 = arith.mulf %gather3A_1166, %get3A_1236 : vector<16xf32>
          %add3A_1238 = arith.addf %add3A_1106, %mul3A_1237 : vector<16xf32>
          %add3A_1239 = arith.constant 8 : i32
          %add3A_1240 = arith.addi %mul3A_101, %add3A_1239 : i32
          %get3A_1241 = arith.index_cast %add3A_1240 : i32 to index
          %get3A_1242 = arith.constant 144 : index
          %get3A_1243 = tpu.vector_load %arg9[%get3A_1241, %get3A_1242] {strides = array<i32>} : memref<128x256xf32, #tpu.memory_space<vmem>>, vector<1x16xf32>,
          %get3A_1244 = vector.shape_cast %get3A_1243 : vector<1x16xf32> to vector<16xf32>
          %mul3A_1245 = arith.mulf %gather3A_1166, %get3A_1244 : vector<16xf32>
          %add3A_1246 = arith.addf %add3A_1114, %mul3A_1245 : vector<16xf32>
          %add3A_1247 = arith.constant 8 : i32
          %add3A_1248 = arith.addi %mul3A_101, %add3A_1247 : i32
          %get3A_1249 = arith.index_cast %add3A_1248 : i32 to index
          %get3A_1250 = arith.constant 160 : index
          %get3A_1251 = tpu.vector_load %arg9[%get3A_1249, %get3A_1250] {strides = array<i32>} : memref<128x256xf32, #tpu.memory_space<vmem>>, vector<1x16xf32>,
          %get3A_1252 = vector.shape_cast %get3A_1251 : vector<1x16xf32> to vector<16xf32>
          %mul3A_1253 = arith.mulf %gather3A_1166, %get3A_1252 : vector<16xf32>
          %add3A_1254 = arith.addf %add3A_1122, %mul3A_1253 : vector<16xf32>
          %add3A_1255 = arith.constant 8 : i32
          %add3A_1256 = arith.addi %mul3A_101, %add3A_1255 : i32
          %get3A_1257 = arith.index_cast %add3A_1256 : i32 to index
          %get3A_1258 = arith.constant 176 : index
          %get3A_1259 = tpu.vector_load %arg9[%get3A_1257, %get3A_1258] {strides = array<i32>} : memref<128x256xf32, #tpu.memory_space<vmem>>, vector<1x16xf32>,
          %get3A_1260 = vector.shape_cast %get3A_1259 : vector<1x16xf32> to vector<16xf32>
          %mul3A_1261 = arith.mulf %gather3A_1166, %get3A_1260 : vector<16xf32>
          %add3A_1262 = arith.addf %add3A_1130, %mul3A_1261 : vector<16xf32>
          %add3A_1263 = arith.constant 8 : i32
          %add3A_1264 = arith.addi %mul3A_101, %add3A_1263 : i32
          %get3A_1265 = arith.index_cast %add3A_1264 : i32 to index
          %get3A_1266 = arith.constant 192 : index
          %get3A_1267 = tpu.vector_load %arg9[%get3A_1265, %get3A_1266] {strides = array<i32>} : memref<128x256xf32, #tpu.memory_space<vmem>>, vector<1x16xf32>,
          %get3A_1268 = vector.shape_cast %get3A_1267 : vector<1x16xf32> to vector<16xf32>
          %mul3A_1269 = arith.mulf %gather3A_1166, %get3A_1268 : vector<16xf32>
          %add3A_1270 = arith.addf %add3A_1138, %mul3A_1269 : vector<16xf32>
          %add3A_1271 = arith.constant 8 : i32
          %add3A_1272 = arith.addi %mul3A_101, %add3A_1271 : i32
          %get3A_1273 = arith.index_cast %add3A_1272 : i32 to index
          %get3A_1274 = arith.constant 208 : index
          %get3A_1275 = tpu.vector_load %arg9[%get3A_1273, %get3A_1274] {strides = array<i32>} : memref<128x256xf32, #tpu.memory_space<vmem>>, vector<1x16xf32>,
          %get3A_1276 = vector.shape_cast %get3A_1275 : vector<1x16xf32> to vector<16xf32>
          %mul3A_1277 = arith.mulf %gather3A_1166, %get3A_1276 : vector<16xf32>
          %add3A_1278 = arith.addf %add3A_1146, %mul3A_1277 : vector<16xf32>
          %add3A_1279 = arith.constant 8 : i32
          %add3A_1280 = arith.addi %mul3A_101, %add3A_1279 : i32
          %get3A_1281 = arith.index_cast %add3A_1280 : i32 to index
          %get3A_1282 = arith.constant 224 : index
          %get3A_1283 = tpu.vector_load %arg9[%get3A_1281, %get3A_1282] {strides = array<i32>} : memref<128x256xf32, #tpu.memory_space<vmem>>, vector<1x16xf32>,
          %get3A_1284 = vector.shape_cast %get3A_1283 : vector<1x16xf32> to vector<16xf32>
          %mul3A_1285 = arith.mulf %gather3A_1166, %get3A_1284 : vector<16xf32>
          %add3A_1286 = arith.addf %add3A_1154, %mul3A_1285 : vector<16xf32>
          %add3A_1287 = arith.constant 8 : i32
          %add3A_1288 = arith.addi %mul3A_101, %add3A_1287 : i32
          %get3A_1289 = arith.index_cast %add3A_1288 : i32 to index
          %get3A_1290 = arith.constant 240 : index
          %get3A_1291 = tpu.vector_load %arg9[%get3A_1289, %get3A_1290] {strides = array<i32>} : memref<128x256xf32, #tpu.memory_space<vmem>>, vector<1x16xf32>,
          %get3A_1292 = vector.shape_cast %get3A_1291 : vector<1x16xf32> to vector<16xf32>
          %mul3A_1293 = arith.mulf %gather3A_1166, %get3A_1292 : vector<16xf32>
          %add3A_1294 = arith.addf %add3A_1162, %mul3A_1293 : vector<16xf32>
          %broadcast_in_dim3A_1295 = arith.constant 9 : i32
          %broadcast_in_dim3A_1296 = vector.broadcast %broadcast_in_dim3A_1295 : i32 to vector<16x1xi32>
          %gather3A_1297 = vector.shape_cast %broadcast_in_dim3A_1296 : vector<16x1xi32> to vector<16xi32>
          %gather3A_1298 = tpu.dynamic_gather %get3A_106[%gather3A_1297] in [0] : vector<16xf32>, vector<16xi32> -> vector<16xf32>
          %add3A_1299 = arith.constant 9 : i32
          %add3A_1300 = arith.addi %mul3A_101, %add3A_1299 : i32
          %get3A_1301 = arith.index_cast %add3A_1300 : i32 to index
          %get3A_1302 = arith.constant 0 : index
          %get3A_1303 = tpu.vector_load %arg9[%get3A_1301, %get3A_1302] {strides = array<i32>} : memref<128x256xf32, #tpu.memory_space<vmem>>, vector<1x16xf32>,
          %get3A_1304 = vector.shape_cast %get3A_1303 : vector<1x16xf32> to vector<16xf32>
          %mul3A_1305 = arith.mulf %gather3A_1298, %get3A_1304 : vector<16xf32>
          %add3A_1306 = arith.addf %add3A_1174, %mul3A_1305 : vector<16xf32>
          %add3A_1307 = arith.constant 9 : i32
          %add3A_1308 = arith.addi %mul3A_101, %add3A_1307 : i32
          %get3A_1309 = arith.index_cast %add3A_1308 : i32 to index
          %get3A_1310 = arith.constant 16 : index
          %get3A_1311 = tpu.vector_load %arg9[%get3A_1309, %get3A_1310] {strides = array<i32>} : memref<128x256xf32, #tpu.memory_space<vmem>>, vector<1x16xf32>,
          %get3A_1312 = vector.shape_cast %get3A_1311 : vector<1x16xf32> to vector<16xf32>
          %mul3A_1313 = arith.mulf %gather3A_1298, %get3A_1312 : vector<16xf32>
          %add3A_1314 = arith.addf %add3A_1182, %mul3A_1313 : vector<16xf32>
          %add3A_1315 = arith.constant 9 : i32
          %add3A_1316 = arith.addi %mul3A_101, %add3A_1315 : i32
          %get3A_1317 = arith.index_cast %add3A_1316 : i32 to index
          %get3A_1318 = arith.constant 32 : index
          %get3A_1319 = tpu.vector_load %arg9[%get3A_1317, %get3A_1318] {strides = array<i32>} : memref<128x256xf32, #tpu.memory_space<vmem>>, vector<1x16xf32>,
          %get3A_1320 = vector.shape_cast %get3A_1319 : vector<1x16xf32> to vector<16xf32>
          %mul3A_1321 = arith.mulf %gather3A_1298, %get3A_1320 : vector<16xf32>
          %add3A_1322 = arith.addf %add3A_1190, %mul3A_1321 : vector<16xf32>
          %add3A_1323 = arith.constant 9 : i32
          %add3A_1324 = arith.addi %mul3A_101, %add3A_1323 : i32
          %get3A_1325 = arith.index_cast %add3A_1324 : i32 to index
          %get3A_1326 = arith.constant 48 : index
          %get3A_1327 = tpu.vector_load %arg9[%get3A_1325, %get3A_1326] {strides = array<i32>} : memref<128x256xf32, #tpu.memory_space<vmem>>, vector<1x16xf32>,
          %get3A_1328 = vector.shape_cast %get3A_1327 : vector<1x16xf32> to vector<16xf32>
          %mul3A_1329 = arith.mulf %gather3A_1298, %get3A_1328 : vector<16xf32>
          %add3A_1330 = arith.addf %add3A_1198, %mul3A_1329 : vector<16xf32>
          %add3A_1331 = arith.constant 9 : i32
          %add3A_1332 = arith.addi %mul3A_101, %add3A_1331 : i32
          %get3A_1333 = arith.index_cast %add3A_1332 : i32 to index
          %get3A_1334 = arith.constant 64 : index
          %get3A_1335 = tpu.vector_load %arg9[%get3A_1333, %get3A_1334] {strides = array<i32>} : memref<128x256xf32, #tpu.memory_space<vmem>>, vector<1x16xf32>,
          %get3A_1336 = vector.shape_cast %get3A_1335 : vector<1x16xf32> to vector<16xf32>
          %mul3A_1337 = arith.mulf %gather3A_1298, %get3A_1336 : vector<16xf32>
          %add3A_1338 = arith.addf %add3A_1206, %mul3A_1337 : vector<16xf32>
          %add3A_1339 = arith.constant 9 : i32
          %add3A_1340 = arith.addi %mul3A_101, %add3A_1339 : i32
          %get3A_1341 = arith.index_cast %add3A_1340 : i32 to index
          %get3A_1342 = arith.constant 80 : index
          %get3A_1343 = tpu.vector_load %arg9[%get3A_1341, %get3A_1342] {strides = array<i32>} : memref<128x256xf32, #tpu.memory_space<vmem>>, vector<1x16xf32>,
          %get3A_1344 = vector.shape_cast %get3A_1343 : vector<1x16xf32> to vector<16xf32>
          %mul3A_1345 = arith.mulf %gather3A_1298, %get3A_1344 : vector<16xf32>
          %add3A_1346 = arith.addf %add3A_1214, %mul3A_1345 : vector<16xf32>
          %add3A_1347 = arith.constant 9 : i32
          %add3A_1348 = arith.addi %mul3A_101, %add3A_1347 : i32
          %get3A_1349 = arith.index_cast %add3A_1348 : i32 to index
          %get3A_1350 = arith.constant 96 : index
          %get3A_1351 = tpu.vector_load %arg9[%get3A_1349, %get3A_1350] {strides = array<i32>} : memref<128x256xf32, #tpu.memory_space<vmem>>, vector<1x16xf32>,
          %get3A_1352 = vector.shape_cast %get3A_1351 : vector<1x16xf32> to vector<16xf32>
          %mul3A_1353 = arith.mulf %gather3A_1298, %get3A_1352 : vector<16xf32>
          %add3A_1354 = arith.addf %add3A_1222, %mul3A_1353 : vector<16xf32>
          %add3A_1355 = arith.constant 9 : i32
          %add3A_1356 = arith.addi %mul3A_101, %add3A_1355 : i32
          %get3A_1357 = arith.index_cast %add3A_1356 : i32 to index
          %get3A_1358 = arith.constant 112 : index
          %get3A_1359 = tpu.vector_load %arg9[%get3A_1357, %get3A_1358] {strides = array<i32>} : memref<128x256xf32, #tpu.memory_space<vmem>>, vector<1x16xf32>,
          %get3A_1360 = vector.shape_cast %get3A_1359 : vector<1x16xf32> to vector<16xf32>
          %mul3A_1361 = arith.mulf %gather3A_1298, %get3A_1360 : vector<16xf32>
          %add3A_1362 = arith.addf %add3A_1230, %mul3A_1361 : vector<16xf32>
          %add3A_1363 = arith.constant 9 : i32
          %add3A_1364 = arith.addi %mul3A_101, %add3A_1363 : i32
          %get3A_1365 = arith.index_cast %add3A_1364 : i32 to index
          %get3A_1366 = arith.constant 128 : index
          %get3A_1367 = tpu.vector_load %arg9[%get3A_1365, %get3A_1366] {strides = array<i32>} : memref<128x256xf32, #tpu.memory_space<vmem>>, vector<1x16xf32>,
          %get3A_1368 = vector.shape_cast %get3A_1367 : vector<1x16xf32> to vector<16xf32>
          %mul3A_1369 = arith.mulf %gather3A_1298, %get3A_1368 : vector<16xf32>
          %add3A_1370 = arith.addf %add3A_1238, %mul3A_1369 : vector<16xf32>
          %add3A_1371 = arith.constant 9 : i32
          %add3A_1372 = arith.addi %mul3A_101, %add3A_1371 : i32
          %get3A_1373 = arith.index_cast %add3A_1372 : i32 to index
          %get3A_1374 = arith.constant 144 : index
          %get3A_1375 = tpu.vector_load %arg9[%get3A_1373, %get3A_1374] {strides = array<i32>} : memref<128x256xf32, #tpu.memory_space<vmem>>, vector<1x16xf32>,
          %get3A_1376 = vector.shape_cast %get3A_1375 : vector<1x16xf32> to vector<16xf32>
          %mul3A_1377 = arith.mulf %gather3A_1298, %get3A_1376 : vector<16xf32>
          %add3A_1378 = arith.addf %add3A_1246, %mul3A_1377 : vector<16xf32>
          %add3A_1379 = arith.constant 9 : i32
          %add3A_1380 = arith.addi %mul3A_101, %add3A_1379 : i32
          %get3A_1381 = arith.index_cast %add3A_1380 : i32 to index
          %get3A_1382 = arith.constant 160 : index
          %get3A_1383 = tpu.vector_load %arg9[%get3A_1381, %get3A_1382] {strides = array<i32>} : memref<128x256xf32, #tpu.memory_space<vmem>>, vector<1x16xf32>,
          %get3A_1384 = vector.shape_cast %get3A_1383 : vector<1x16xf32> to vector<16xf32>
          %mul3A_1385 = arith.mulf %gather3A_1298, %get3A_1384 : vector<16xf32>
          %add3A_1386 = arith.addf %add3A_1254, %mul3A_1385 : vector<16xf32>
          %add3A_1387 = arith.constant 9 : i32
          %add3A_1388 = arith.addi %mul3A_101, %add3A_1387 : i32
          %get3A_1389 = arith.index_cast %add3A_1388 : i32 to index
          %get3A_1390 = arith.constant 176 : index
          %get3A_1391 = tpu.vector_load %arg9[%get3A_1389, %get3A_1390] {strides = array<i32>} : memref<128x256xf32, #tpu.memory_space<vmem>>, vector<1x16xf32>,
          %get3A_1392 = vector.shape_cast %get3A_1391 : vector<1x16xf32> to vector<16xf32>
          %mul3A_1393 = arith.mulf %gather3A_1298, %get3A_1392 : vector<16xf32>
          %add3A_1394 = arith.addf %add3A_1262, %mul3A_1393 : vector<16xf32>
          %add3A_1395 = arith.constant 9 : i32
          %add3A_1396 = arith.addi %mul3A_101, %add3A_1395 : i32
          %get3A_1397 = arith.index_cast %add3A_1396 : i32 to index
          %get3A_1398 = arith.constant 192 : index
          %get3A_1399 = tpu.vector_load %arg9[%get3A_1397, %get3A_1398] {strides = array<i32>} : memref<128x256xf32, #tpu.memory_space<vmem>>, vector<1x16xf32>,
          %get3A_1400 = vector.shape_cast %get3A_1399 : vector<1x16xf32> to vector<16xf32>
          %mul3A_1401 = arith.mulf %gather3A_1298, %get3A_1400 : vector<16xf32>
          %add3A_1402 = arith.addf %add3A_1270, %mul3A_1401 : vector<16xf32>
          %add3A_1403 = arith.constant 9 : i32
          %add3A_1404 = arith.addi %mul3A_101, %add3A_1403 : i32
          %get3A_1405 = arith.index_cast %add3A_1404 : i32 to index
          %get3A_1406 = arith.constant 208 : index
          %get3A_1407 = tpu.vector_load %arg9[%get3A_1405, %get3A_1406] {strides = array<i32>} : memref<128x256xf32, #tpu.memory_space<vmem>>, vector<1x16xf32>,
          %get3A_1408 = vector.shape_cast %get3A_1407 : vector<1x16xf32> to vector<16xf32>
          %mul3A_1409 = arith.mulf %gather3A_1298, %get3A_1408 : vector<16xf32>
          %add3A_1410 = arith.addf %add3A_1278, %mul3A_1409 : vector<16xf32>
          %add3A_1411 = arith.constant 9 : i32
          %add3A_1412 = arith.addi %mul3A_101, %add3A_1411 : i32
          %get3A_1413 = arith.index_cast %add3A_1412 : i32 to index
          %get3A_1414 = arith.constant 224 : index
          %get3A_1415 = tpu.vector_load %arg9[%get3A_1413, %get3A_1414] {strides = array<i32>} : memref<128x256xf32, #tpu.memory_space<vmem>>, vector<1x16xf32>,
          %get3A_1416 = vector.shape_cast %get3A_1415 : vector<1x16xf32> to vector<16xf32>
          %mul3A_1417 = arith.mulf %gather3A_1298, %get3A_1416 : vector<16xf32>
          %add3A_1418 = arith.addf %add3A_1286, %mul3A_1417 : vector<16xf32>
          %add3A_1419 = arith.constant 9 : i32
          %add3A_1420 = arith.addi %mul3A_101, %add3A_1419 : i32
          %get3A_1421 = arith.index_cast %add3A_1420 : i32 to index
          %get3A_1422 = arith.constant 240 : index
          %get3A_1423 = tpu.vector_load %arg9[%get3A_1421, %get3A_1422] {strides = array<i32>} : memref<128x256xf32, #tpu.memory_space<vmem>>, vector<1x16xf32>,
          %get3A_1424 = vector.shape_cast %get3A_1423 : vector<1x16xf32> to vector<16xf32>
          %mul3A_1425 = arith.mulf %gather3A_1298, %get3A_1424 : vector<16xf32>
          %add3A_1426 = arith.addf %add3A_1294, %mul3A_1425 : vector<16xf32>
          %broadcast_in_dim3A_1427 = arith.constant 10 : i32
          %broadcast_in_dim3A_1428 = vector.broadcast %broadcast_in_dim3A_1427 : i32 to vector<16x1xi32>
          %gather3A_1429 = vector.shape_cast %broadcast_in_dim3A_1428 : vector<16x1xi32> to vector<16xi32>
          %gather3A_1430 = tpu.dynamic_gather %get3A_106[%gather3A_1429] in [0] : vector<16xf32>, vector<16xi32> -> vector<16xf32>
          %add3A_1431 = arith.constant 10 : i32
          %add3A_1432 = arith.addi %mul3A_101, %add3A_1431 : i32
          %get3A_1433 = arith.index_cast %add3A_1432 : i32 to index
          %get3A_1434 = arith.constant 0 : index
          %get3A_1435 = tpu.vector_load %arg9[%get3A_1433, %get3A_1434] {strides = array<i32>} : memref<128x256xf32, #tpu.memory_space<vmem>>, vector<1x16xf32>,
          %get3A_1436 = vector.shape_cast %get3A_1435 : vector<1x16xf32> to vector<16xf32>
          %mul3A_1437 = arith.mulf %gather3A_1430, %get3A_1436 : vector<16xf32>
          %add3A_1438 = arith.addf %add3A_1306, %mul3A_1437 : vector<16xf32>
          %add3A_1439 = arith.constant 10 : i32
          %add3A_1440 = arith.addi %mul3A_101, %add3A_1439 : i32
          %get3A_1441 = arith.index_cast %add3A_1440 : i32 to index
          %get3A_1442 = arith.constant 16 : index
          %get3A_1443 = tpu.vector_load %arg9[%get3A_1441, %get3A_1442] {strides = array<i32>} : memref<128x256xf32, #tpu.memory_space<vmem>>, vector<1x16xf32>,
          %get3A_1444 = vector.shape_cast %get3A_1443 : vector<1x16xf32> to vector<16xf32>
          %mul3A_1445 = arith.mulf %gather3A_1430, %get3A_1444 : vector<16xf32>
          %add3A_1446 = arith.addf %add3A_1314, %mul3A_1445 : vector<16xf32>
          %add3A_1447 = arith.constant 10 : i32
          %add3A_1448 = arith.addi %mul3A_101, %add3A_1447 : i32
          %get3A_1449 = arith.index_cast %add3A_1448 : i32 to index
          %get3A_1450 = arith.constant 32 : index
          %get3A_1451 = tpu.vector_load %arg9[%get3A_1449, %get3A_1450] {strides = array<i32>} : memref<128x256xf32, #tpu.memory_space<vmem>>, vector<1x16xf32>,
          %get3A_1452 = vector.shape_cast %get3A_1451 : vector<1x16xf32> to vector<16xf32>
          %mul3A_1453 = arith.mulf %gather3A_1430, %get3A_1452 : vector<16xf32>
          %add3A_1454 = arith.addf %add3A_1322, %mul3A_1453 : vector<16xf32>
          %add3A_1455 = arith.constant 10 : i32
          %add3A_1456 = arith.addi %mul3A_101, %add3A_1455 : i32
          %get3A_1457 = arith.index_cast %add3A_1456 : i32 to index
          %get3A_1458 = arith.constant 48 : index
          %get3A_1459 = tpu.vector_load %arg9[%get3A_1457, %get3A_1458] {strides = array<i32>} : memref<128x256xf32, #tpu.memory_space<vmem>>, vector<1x16xf32>,
          %get3A_1460 = vector.shape_cast %get3A_1459 : vector<1x16xf32> to vector<16xf32>
          %mul3A_1461 = arith.mulf %gather3A_1430, %get3A_1460 : vector<16xf32>
          %add3A_1462 = arith.addf %add3A_1330, %mul3A_1461 : vector<16xf32>
          %add3A_1463 = arith.constant 10 : i32
          %add3A_1464 = arith.addi %mul3A_101, %add3A_1463 : i32
          %get3A_1465 = arith.index_cast %add3A_1464 : i32 to index
          %get3A_1466 = arith.constant 64 : index
          %get3A_1467 = tpu.vector_load %arg9[%get3A_1465, %get3A_1466] {strides = array<i32>} : memref<128x256xf32, #tpu.memory_space<vmem>>, vector<1x16xf32>,
          %get3A_1468 = vector.shape_cast %get3A_1467 : vector<1x16xf32> to vector<16xf32>
          %mul3A_1469 = arith.mulf %gather3A_1430, %get3A_1468 : vector<16xf32>
          %add3A_1470 = arith.addf %add3A_1338, %mul3A_1469 : vector<16xf32>
          %add3A_1471 = arith.constant 10 : i32
          %add3A_1472 = arith.addi %mul3A_101, %add3A_1471 : i32
          %get3A_1473 = arith.index_cast %add3A_1472 : i32 to index
          %get3A_1474 = arith.constant 80 : index
          %get3A_1475 = tpu.vector_load %arg9[%get3A_1473, %get3A_1474] {strides = array<i32>} : memref<128x256xf32, #tpu.memory_space<vmem>>, vector<1x16xf32>,
          %get3A_1476 = vector.shape_cast %get3A_1475 : vector<1x16xf32> to vector<16xf32>
          %mul3A_1477 = arith.mulf %gather3A_1430, %get3A_1476 : vector<16xf32>
          %add3A_1478 = arith.addf %add3A_1346, %mul3A_1477 : vector<16xf32>
          %add3A_1479 = arith.constant 10 : i32
          %add3A_1480 = arith.addi %mul3A_101, %add3A_1479 : i32
          %get3A_1481 = arith.index_cast %add3A_1480 : i32 to index
          %get3A_1482 = arith.constant 96 : index
          %get3A_1483 = tpu.vector_load %arg9[%get3A_1481, %get3A_1482] {strides = array<i32>} : memref<128x256xf32, #tpu.memory_space<vmem>>, vector<1x16xf32>,
          %get3A_1484 = vector.shape_cast %get3A_1483 : vector<1x16xf32> to vector<16xf32>
          %mul3A_1485 = arith.mulf %gather3A_1430, %get3A_1484 : vector<16xf32>
          %add3A_1486 = arith.addf %add3A_1354, %mul3A_1485 : vector<16xf32>
          %add3A_1487 = arith.constant 10 : i32
          %add3A_1488 = arith.addi %mul3A_101, %add3A_1487 : i32
          %get3A_1489 = arith.index_cast %add3A_1488 : i32 to index
          %get3A_1490 = arith.constant 112 : index
          %get3A_1491 = tpu.vector_load %arg9[%get3A_1489, %get3A_1490] {strides = array<i32>} : memref<128x256xf32, #tpu.memory_space<vmem>>, vector<1x16xf32>,
          %get3A_1492 = vector.shape_cast %get3A_1491 : vector<1x16xf32> to vector<16xf32>
          %mul3A_1493 = arith.mulf %gather3A_1430, %get3A_1492 : vector<16xf32>
          %add3A_1494 = arith.addf %add3A_1362, %mul3A_1493 : vector<16xf32>
          %add3A_1495 = arith.constant 10 : i32
          %add3A_1496 = arith.addi %mul3A_101, %add3A_1495 : i32
          %get3A_1497 = arith.index_cast %add3A_1496 : i32 to index
          %get3A_1498 = arith.constant 128 : index
          %get3A_1499 = tpu.vector_load %arg9[%get3A_1497, %get3A_1498] {strides = array<i32>} : memref<128x256xf32, #tpu.memory_space<vmem>>, vector<1x16xf32>,
          %get3A_1500 = vector.shape_cast %get3A_1499 : vector<1x16xf32> to vector<16xf32>
          %mul3A_1501 = arith.mulf %gather3A_1430, %get3A_1500 : vector<16xf32>
          %add3A_1502 = arith.addf %add3A_1370, %mul3A_1501 : vector<16xf32>
          %add3A_1503 = arith.constant 10 : i32
          %add3A_1504 = arith.addi %mul3A_101, %add3A_1503 : i32
          %get3A_1505 = arith.index_cast %add3A_1504 : i32 to index
          %get3A_1506 = arith.constant 144 : index
          %get3A_1507 = tpu.vector_load %arg9[%get3A_1505, %get3A_1506] {strides = array<i32>} : memref<128x256xf32, #tpu.memory_space<vmem>>, vector<1x16xf32>,
          %get3A_1508 = vector.shape_cast %get3A_1507 : vector<1x16xf32> to vector<16xf32>
          %mul3A_1509 = arith.mulf %gather3A_1430, %get3A_1508 : vector<16xf32>
          %add3A_1510 = arith.addf %add3A_1378, %mul3A_1509 : vector<16xf32>
          %add3A_1511 = arith.constant 10 : i32
          %add3A_1512 = arith.addi %mul3A_101, %add3A_1511 : i32
          %get3A_1513 = arith.index_cast %add3A_1512 : i32 to index
          %get3A_1514 = arith.constant 160 : index
          %get3A_1515 = tpu.vector_load %arg9[%get3A_1513, %get3A_1514] {strides = array<i32>} : memref<128x256xf32, #tpu.memory_space<vmem>>, vector<1x16xf32>,
          %get3A_1516 = vector.shape_cast %get3A_1515 : vector<1x16xf32> to vector<16xf32>
          %mul3A_1517 = arith.mulf %gather3A_1430, %get3A_1516 : vector<16xf32>
          %add3A_1518 = arith.addf %add3A_1386, %mul3A_1517 : vector<16xf32>
          %add3A_1519 = arith.constant 10 : i32
          %add3A_1520 = arith.addi %mul3A_101, %add3A_1519 : i32
          %get3A_1521 = arith.index_cast %add3A_1520 : i32 to index
          %get3A_1522 = arith.constant 176 : index
          %get3A_1523 = tpu.vector_load %arg9[%get3A_1521, %get3A_1522] {strides = array<i32>} : memref<128x256xf32, #tpu.memory_space<vmem>>, vector<1x16xf32>,
          %get3A_1524 = vector.shape_cast %get3A_1523 : vector<1x16xf32> to vector<16xf32>
          %mul3A_1525 = arith.mulf %gather3A_1430, %get3A_1524 : vector<16xf32>
          %add3A_1526 = arith.addf %add3A_1394, %mul3A_1525 : vector<16xf32>
          %add3A_1527 = arith.constant 10 : i32
          %add3A_1528 = arith.addi %mul3A_101, %add3A_1527 : i32
          %get3A_1529 = arith.index_cast %add3A_1528 : i32 to index
          %get3A_1530 = arith.constant 192 : index
          %get3A_1531 = tpu.vector_load %arg9[%get3A_1529, %get3A_1530] {strides = array<i32>} : memref<128x256xf32, #tpu.memory_space<vmem>>, vector<1x16xf32>,
          %get3A_1532 = vector.shape_cast %get3A_1531 : vector<1x16xf32> to vector<16xf32>
          %mul3A_1533 = arith.mulf %gather3A_1430, %get3A_1532 : vector<16xf32>
          %add3A_1534 = arith.addf %add3A_1402, %mul3A_1533 : vector<16xf32>
          %add3A_1535 = arith.constant 10 : i32
          %add3A_1536 = arith.addi %mul3A_101, %add3A_1535 : i32
          %get3A_1537 = arith.index_cast %add3A_1536 : i32 to index
          %get3A_1538 = arith.constant 208 : index
          %get3A_1539 = tpu.vector_load %arg9[%get3A_1537, %get3A_1538] {strides = array<i32>} : memref<128x256xf32, #tpu.memory_space<vmem>>, vector<1x16xf32>,
          %get3A_1540 = vector.shape_cast %get3A_1539 : vector<1x16xf32> to vector<16xf32>
          %mul3A_1541 = arith.mulf %gather3A_1430, %get3A_1540 : vector<16xf32>
          %add3A_1542 = arith.addf %add3A_1410, %mul3A_1541 : vector<16xf32>
          %add3A_1543 = arith.constant 10 : i32
          %add3A_1544 = arith.addi %mul3A_101, %add3A_1543 : i32
          %get3A_1545 = arith.index_cast %add3A_1544 : i32 to index
          %get3A_1546 = arith.constant 224 : index
          %get3A_1547 = tpu.vector_load %arg9[%get3A_1545, %get3A_1546] {strides = array<i32>} : memref<128x256xf32, #tpu.memory_space<vmem>>, vector<1x16xf32>,
          %get3A_1548 = vector.shape_cast %get3A_1547 : vector<1x16xf32> to vector<16xf32>
          %mul3A_1549 = arith.mulf %gather3A_1430, %get3A_1548 : vector<16xf32>
          %add3A_1550 = arith.addf %add3A_1418, %mul3A_1549 : vector<16xf32>
          %add3A_1551 = arith.constant 10 : i32
          %add3A_1552 = arith.addi %mul3A_101, %add3A_1551 : i32
          %get3A_1553 = arith.index_cast %add3A_1552 : i32 to index
          %get3A_1554 = arith.constant 240 : index
          %get3A_1555 = tpu.vector_load %arg9[%get3A_1553, %get3A_1554] {strides = array<i32>} : memref<128x256xf32, #tpu.memory_space<vmem>>, vector<1x16xf32>,
          %get3A_1556 = vector.shape_cast %get3A_1555 : vector<1x16xf32> to vector<16xf32>
          %mul3A_1557 = arith.mulf %gather3A_1430, %get3A_1556 : vector<16xf32>
          %add3A_1558 = arith.addf %add3A_1426, %mul3A_1557 : vector<16xf32>
          %broadcast_in_dim3A_1559 = arith.constant 11 : i32
          %broadcast_in_dim3A_1560 = vector.broadcast %broadcast_in_dim3A_1559 : i32 to vector<16x1xi32>
          %gather3A_1561 = vector.shape_cast %broadcast_in_dim3A_1560 : vector<16x1xi32> to vector<16xi32>
          %gather3A_1562 = tpu.dynamic_gather %get3A_106[%gather3A_1561] in [0] : vector<16xf32>, vector<16xi32> -> vector<16xf32>
          %add3A_1563 = arith.constant 11 : i32
          %add3A_1564 = arith.addi %mul3A_101, %add3A_1563 : i32
          %get3A_1565 = arith.index_cast %add3A_1564 : i32 to index
          %get3A_1566 = arith.constant 0 : index
          %get3A_1567 = tpu.vector_load %arg9[%get3A_1565, %get3A_1566] {strides = array<i32>} : memref<128x256xf32, #tpu.memory_space<vmem>>, vector<1x16xf32>,
          %get3A_1568 = vector.shape_cast %get3A_1567 : vector<1x16xf32> to vector<16xf32>
          %mul3A_1569 = arith.mulf %gather3A_1562, %get3A_1568 : vector<16xf32>
          %add3A_1570 = arith.addf %add3A_1438, %mul3A_1569 : vector<16xf32>
          %add3A_1571 = arith.constant 11 : i32
          %add3A_1572 = arith.addi %mul3A_101, %add3A_1571 : i32
          %get3A_1573 = arith.index_cast %add3A_1572 : i32 to index
          %get3A_1574 = arith.constant 16 : index
          %get3A_1575 = tpu.vector_load %arg9[%get3A_1573, %get3A_1574] {strides = array<i32>} : memref<128x256xf32, #tpu.memory_space<vmem>>, vector<1x16xf32>,
          %get3A_1576 = vector.shape_cast %get3A_1575 : vector<1x16xf32> to vector<16xf32>
          %mul3A_1577 = arith.mulf %gather3A_1562, %get3A_1576 : vector<16xf32>
          %add3A_1578 = arith.addf %add3A_1446, %mul3A_1577 : vector<16xf32>
          %add3A_1579 = arith.constant 11 : i32
          %add3A_1580 = arith.addi %mul3A_101, %add3A_1579 : i32
          %get3A_1581 = arith.index_cast %add3A_1580 : i32 to index
          %get3A_1582 = arith.constant 32 : index
          %get3A_1583 = tpu.vector_load %arg9[%get3A_1581, %get3A_1582] {strides = array<i32>} : memref<128x256xf32, #tpu.memory_space<vmem>>, vector<1x16xf32>,
          %get3A_1584 = vector.shape_cast %get3A_1583 : vector<1x16xf32> to vector<16xf32>
          %mul3A_1585 = arith.mulf %gather3A_1562, %get3A_1584 : vector<16xf32>
          %add3A_1586 = arith.addf %add3A_1454, %mul3A_1585 : vector<16xf32>
          %add3A_1587 = arith.constant 11 : i32
          %add3A_1588 = arith.addi %mul3A_101, %add3A_1587 : i32
          %get3A_1589 = arith.index_cast %add3A_1588 : i32 to index
          %get3A_1590 = arith.constant 48 : index
          %get3A_1591 = tpu.vector_load %arg9[%get3A_1589, %get3A_1590] {strides = array<i32>} : memref<128x256xf32, #tpu.memory_space<vmem>>, vector<1x16xf32>,
          %get3A_1592 = vector.shape_cast %get3A_1591 : vector<1x16xf32> to vector<16xf32>
          %mul3A_1593 = arith.mulf %gather3A_1562, %get3A_1592 : vector<16xf32>
          %add3A_1594 = arith.addf %add3A_1462, %mul3A_1593 : vector<16xf32>
          %add3A_1595 = arith.constant 11 : i32
          %add3A_1596 = arith.addi %mul3A_101, %add3A_1595 : i32
          %get3A_1597 = arith.index_cast %add3A_1596 : i32 to index
          %get3A_1598 = arith.constant 64 : index
          %get3A_1599 = tpu.vector_load %arg9[%get3A_1597, %get3A_1598] {strides = array<i32>} : memref<128x256xf32, #tpu.memory_space<vmem>>, vector<1x16xf32>,
          %get3A_1600 = vector.shape_cast %get3A_1599 : vector<1x16xf32> to vector<16xf32>
          %mul3A_1601 = arith.mulf %gather3A_1562, %get3A_1600 : vector<16xf32>
          %add3A_1602 = arith.addf %add3A_1470, %mul3A_1601 : vector<16xf32>
          %add3A_1603 = arith.constant 11 : i32
          %add3A_1604 = arith.addi %mul3A_101, %add3A_1603 : i32
          %get3A_1605 = arith.index_cast %add3A_1604 : i32 to index
          %get3A_1606 = arith.constant 80 : index
          %get3A_1607 = tpu.vector_load %arg9[%get3A_1605, %get3A_1606] {strides = array<i32>} : memref<128x256xf32, #tpu.memory_space<vmem>>, vector<1x16xf32>,
          %get3A_1608 = vector.shape_cast %get3A_1607 : vector<1x16xf32> to vector<16xf32>
          %mul3A_1609 = arith.mulf %gather3A_1562, %get3A_1608 : vector<16xf32>
          %add3A_1610 = arith.addf %add3A_1478, %mul3A_1609 : vector<16xf32>
          %add3A_1611 = arith.constant 11 : i32
          %add3A_1612 = arith.addi %mul3A_101, %add3A_1611 : i32
          %get3A_1613 = arith.index_cast %add3A_1612 : i32 to index
          %get3A_1614 = arith.constant 96 : index
          %get3A_1615 = tpu.vector_load %arg9[%get3A_1613, %get3A_1614] {strides = array<i32>} : memref<128x256xf32, #tpu.memory_space<vmem>>, vector<1x16xf32>,
          %get3A_1616 = vector.shape_cast %get3A_1615 : vector<1x16xf32> to vector<16xf32>
          %mul3A_1617 = arith.mulf %gather3A_1562, %get3A_1616 : vector<16xf32>
          %add3A_1618 = arith.addf %add3A_1486, %mul3A_1617 : vector<16xf32>
          %add3A_1619 = arith.constant 11 : i32
          %add3A_1620 = arith.addi %mul3A_101, %add3A_1619 : i32
          %get3A_1621 = arith.index_cast %add3A_1620 : i32 to index
          %get3A_1622 = arith.constant 112 : index
          %get3A_1623 = tpu.vector_load %arg9[%get3A_1621, %get3A_1622] {strides = array<i32>} : memref<128x256xf32, #tpu.memory_space<vmem>>, vector<1x16xf32>,
          %get3A_1624 = vector.shape_cast %get3A_1623 : vector<1x16xf32> to vector<16xf32>
          %mul3A_1625 = arith.mulf %gather3A_1562, %get3A_1624 : vector<16xf32>
          %add3A_1626 = arith.addf %add3A_1494, %mul3A_1625 : vector<16xf32>
          %add3A_1627 = arith.constant 11 : i32
          %add3A_1628 = arith.addi %mul3A_101, %add3A_1627 : i32
          %get3A_1629 = arith.index_cast %add3A_1628 : i32 to index
          %get3A_1630 = arith.constant 128 : index
          %get3A_1631 = tpu.vector_load %arg9[%get3A_1629, %get3A_1630] {strides = array<i32>} : memref<128x256xf32, #tpu.memory_space<vmem>>, vector<1x16xf32>,
          %get3A_1632 = vector.shape_cast %get3A_1631 : vector<1x16xf32> to vector<16xf32>
          %mul3A_1633 = arith.mulf %gather3A_1562, %get3A_1632 : vector<16xf32>
          %add3A_1634 = arith.addf %add3A_1502, %mul3A_1633 : vector<16xf32>
          %add3A_1635 = arith.constant 11 : i32
          %add3A_1636 = arith.addi %mul3A_101, %add3A_1635 : i32
          %get3A_1637 = arith.index_cast %add3A_1636 : i32 to index
          %get3A_1638 = arith.constant 144 : index
          %get3A_1639 = tpu.vector_load %arg9[%get3A_1637, %get3A_1638] {strides = array<i32>} : memref<128x256xf32, #tpu.memory_space<vmem>>, vector<1x16xf32>,
          %get3A_1640 = vector.shape_cast %get3A_1639 : vector<1x16xf32> to vector<16xf32>
          %mul3A_1641 = arith.mulf %gather3A_1562, %get3A_1640 : vector<16xf32>
          %add3A_1642 = arith.addf %add3A_1510, %mul3A_1641 : vector<16xf32>
          %add3A_1643 = arith.constant 11 : i32
          %add3A_1644 = arith.addi %mul3A_101, %add3A_1643 : i32
          %get3A_1645 = arith.index_cast %add3A_1644 : i32 to index
          %get3A_1646 = arith.constant 160 : index
          %get3A_1647 = tpu.vector_load %arg9[%get3A_1645, %get3A_1646] {strides = array<i32>} : memref<128x256xf32, #tpu.memory_space<vmem>>, vector<1x16xf32>,
          %get3A_1648 = vector.shape_cast %get3A_1647 : vector<1x16xf32> to vector<16xf32>
          %mul3A_1649 = arith.mulf %gather3A_1562, %get3A_1648 : vector<16xf32>
          %add3A_1650 = arith.addf %add3A_1518, %mul3A_1649 : vector<16xf32>
          %add3A_1651 = arith.constant 11 : i32
          %add3A_1652 = arith.addi %mul3A_101, %add3A_1651 : i32
          %get3A_1653 = arith.index_cast %add3A_1652 : i32 to index
          %get3A_1654 = arith.constant 176 : index
          %get3A_1655 = tpu.vector_load %arg9[%get3A_1653, %get3A_1654] {strides = array<i32>} : memref<128x256xf32, #tpu.memory_space<vmem>>, vector<1x16xf32>,
          %get3A_1656 = vector.shape_cast %get3A_1655 : vector<1x16xf32> to vector<16xf32>
          %mul3A_1657 = arith.mulf %gather3A_1562, %get3A_1656 : vector<16xf32>
          %add3A_1658 = arith.addf %add3A_1526, %mul3A_1657 : vector<16xf32>
          %add3A_1659 = arith.constant 11 : i32
          %add3A_1660 = arith.addi %mul3A_101, %add3A_1659 : i32
          %get3A_1661 = arith.index_cast %add3A_1660 : i32 to index
          %get3A_1662 = arith.constant 192 : index
          %get3A_1663 = tpu.vector_load %arg9[%get3A_1661, %get3A_1662] {strides = array<i32>} : memref<128x256xf32, #tpu.memory_space<vmem>>, vector<1x16xf32>,
          %get3A_1664 = vector.shape_cast %get3A_1663 : vector<1x16xf32> to vector<16xf32>
          %mul3A_1665 = arith.mulf %gather3A_1562, %get3A_1664 : vector<16xf32>
          %add3A_1666 = arith.addf %add3A_1534, %mul3A_1665 : vector<16xf32>
          %add3A_1667 = arith.constant 11 : i32
          %add3A_1668 = arith.addi %mul3A_101, %add3A_1667 : i32
          %get3A_1669 = arith.index_cast %add3A_1668 : i32 to index
          %get3A_1670 = arith.constant 208 : index
          %get3A_1671 = tpu.vector_load %arg9[%get3A_1669, %get3A_1670] {strides = array<i32>} : memref<128x256xf32, #tpu.memory_space<vmem>>, vector<1x16xf32>,
          %get3A_1672 = vector.shape_cast %get3A_1671 : vector<1x16xf32> to vector<16xf32>
          %mul3A_1673 = arith.mulf %gather3A_1562, %get3A_1672 : vector<16xf32>
          %add3A_1674 = arith.addf %add3A_1542, %mul3A_1673 : vector<16xf32>
          %add3A_1675 = arith.constant 11 : i32
          %add3A_1676 = arith.addi %mul3A_101, %add3A_1675 : i32
          %get3A_1677 = arith.index_cast %add3A_1676 : i32 to index
          %get3A_1678 = arith.constant 224 : index
          %get3A_1679 = tpu.vector_load %arg9[%get3A_1677, %get3A_1678] {strides = array<i32>} : memref<128x256xf32, #tpu.memory_space<vmem>>, vector<1x16xf32>,
          %get3A_1680 = vector.shape_cast %get3A_1679 : vector<1x16xf32> to vector<16xf32>
          %mul3A_1681 = arith.mulf %gather3A_1562, %get3A_1680 : vector<16xf32>
          %add3A_1682 = arith.addf %add3A_1550, %mul3A_1681 : vector<16xf32>
          %add3A_1683 = arith.constant 11 : i32
          %add3A_1684 = arith.addi %mul3A_101, %add3A_1683 : i32
          %get3A_1685 = arith.index_cast %add3A_1684 : i32 to index
          %get3A_1686 = arith.constant 240 : index
          %get3A_1687 = tpu.vector_load %arg9[%get3A_1685, %get3A_1686] {strides = array<i32>} : memref<128x256xf32, #tpu.memory_space<vmem>>, vector<1x16xf32>,
          %get3A_1688 = vector.shape_cast %get3A_1687 : vector<1x16xf32> to vector<16xf32>
          %mul3A_1689 = arith.mulf %gather3A_1562, %get3A_1688 : vector<16xf32>
          %add3A_1690 = arith.addf %add3A_1558, %mul3A_1689 : vector<16xf32>
          %broadcast_in_dim3A_1691 = arith.constant 12 : i32
          %broadcast_in_dim3A_1692 = vector.broadcast %broadcast_in_dim3A_1691 : i32 to vector<16x1xi32>
          %gather3A_1693 = vector.shape_cast %broadcast_in_dim3A_1692 : vector<16x1xi32> to vector<16xi32>
          %gather3A_1694 = tpu.dynamic_gather %get3A_106[%gather3A_1693] in [0] : vector<16xf32>, vector<16xi32> -> vector<16xf32>
          %add3A_1695 = arith.constant 12 : i32
          %add3A_1696 = arith.addi %mul3A_101, %add3A_1695 : i32
          %get3A_1697 = arith.index_cast %add3A_1696 : i32 to index
          %get3A_1698 = arith.constant 0 : index
          %get3A_1699 = tpu.vector_load %arg9[%get3A_1697, %get3A_1698] {strides = array<i32>} : memref<128x256xf32, #tpu.memory_space<vmem>>, vector<1x16xf32>,
          %get3A_1700 = vector.shape_cast %get3A_1699 : vector<1x16xf32> to vector<16xf32>
          %mul3A_1701 = arith.mulf %gather3A_1694, %get3A_1700 : vector<16xf32>
          %add3A_1702 = arith.addf %add3A_1570, %mul3A_1701 : vector<16xf32>
          %add3A_1703 = arith.constant 12 : i32
          %add3A_1704 = arith.addi %mul3A_101, %add3A_1703 : i32
          %get3A_1705 = arith.index_cast %add3A_1704 : i32 to index
          %get3A_1706 = arith.constant 16 : index
          %get3A_1707 = tpu.vector_load %arg9[%get3A_1705, %get3A_1706] {strides = array<i32>} : memref<128x256xf32, #tpu.memory_space<vmem>>, vector<1x16xf32>,
          %get3A_1708 = vector.shape_cast %get3A_1707 : vector<1x16xf32> to vector<16xf32>
          %mul3A_1709 = arith.mulf %gather3A_1694, %get3A_1708 : vector<16xf32>
          %add3A_1710 = arith.addf %add3A_1578, %mul3A_1709 : vector<16xf32>
          %add3A_1711 = arith.constant 12 : i32
          %add3A_1712 = arith.addi %mul3A_101, %add3A_1711 : i32
          %get3A_1713 = arith.index_cast %add3A_1712 : i32 to index
          %get3A_1714 = arith.constant 32 : index
          %get3A_1715 = tpu.vector_load %arg9[%get3A_1713, %get3A_1714] {strides = array<i32>} : memref<128x256xf32, #tpu.memory_space<vmem>>, vector<1x16xf32>,
          %get3A_1716 = vector.shape_cast %get3A_1715 : vector<1x16xf32> to vector<16xf32>
          %mul3A_1717 = arith.mulf %gather3A_1694, %get3A_1716 : vector<16xf32>
          %add3A_1718 = arith.addf %add3A_1586, %mul3A_1717 : vector<16xf32>
          %add3A_1719 = arith.constant 12 : i32
          %add3A_1720 = arith.addi %mul3A_101, %add3A_1719 : i32
          %get3A_1721 = arith.index_cast %add3A_1720 : i32 to index
          %get3A_1722 = arith.constant 48 : index
          %get3A_1723 = tpu.vector_load %arg9[%get3A_1721, %get3A_1722] {strides = array<i32>} : memref<128x256xf32, #tpu.memory_space<vmem>>, vector<1x16xf32>,
          %get3A_1724 = vector.shape_cast %get3A_1723 : vector<1x16xf32> to vector<16xf32>
          %mul3A_1725 = arith.mulf %gather3A_1694, %get3A_1724 : vector<16xf32>
          %add3A_1726 = arith.addf %add3A_1594, %mul3A_1725 : vector<16xf32>
          %add3A_1727 = arith.constant 12 : i32
          %add3A_1728 = arith.addi %mul3A_101, %add3A_1727 : i32
          %get3A_1729 = arith.index_cast %add3A_1728 : i32 to index
          %get3A_1730 = arith.constant 64 : index
          %get3A_1731 = tpu.vector_load %arg9[%get3A_1729, %get3A_1730] {strides = array<i32>} : memref<128x256xf32, #tpu.memory_space<vmem>>, vector<1x16xf32>,
          %get3A_1732 = vector.shape_cast %get3A_1731 : vector<1x16xf32> to vector<16xf32>
          %mul3A_1733 = arith.mulf %gather3A_1694, %get3A_1732 : vector<16xf32>
          %add3A_1734 = arith.addf %add3A_1602, %mul3A_1733 : vector<16xf32>
          %add3A_1735 = arith.constant 12 : i32
          %add3A_1736 = arith.addi %mul3A_101, %add3A_1735 : i32
          %get3A_1737 = arith.index_cast %add3A_1736 : i32 to index
          %get3A_1738 = arith.constant 80 : index
          %get3A_1739 = tpu.vector_load %arg9[%get3A_1737, %get3A_1738] {strides = array<i32>} : memref<128x256xf32, #tpu.memory_space<vmem>>, vector<1x16xf32>,
          %get3A_1740 = vector.shape_cast %get3A_1739 : vector<1x16xf32> to vector<16xf32>
          %mul3A_1741 = arith.mulf %gather3A_1694, %get3A_1740 : vector<16xf32>
          %add3A_1742 = arith.addf %add3A_1610, %mul3A_1741 : vector<16xf32>
          %add3A_1743 = arith.constant 12 : i32
          %add3A_1744 = arith.addi %mul3A_101, %add3A_1743 : i32
          %get3A_1745 = arith.index_cast %add3A_1744 : i32 to index
          %get3A_1746 = arith.constant 96 : index
          %get3A_1747 = tpu.vector_load %arg9[%get3A_1745, %get3A_1746] {strides = array<i32>} : memref<128x256xf32, #tpu.memory_space<vmem>>, vector<1x16xf32>,
          %get3A_1748 = vector.shape_cast %get3A_1747 : vector<1x16xf32> to vector<16xf32>
          %mul3A_1749 = arith.mulf %gather3A_1694, %get3A_1748 : vector<16xf32>
          %add3A_1750 = arith.addf %add3A_1618, %mul3A_1749 : vector<16xf32>
          %add3A_1751 = arith.constant 12 : i32
          %add3A_1752 = arith.addi %mul3A_101, %add3A_1751 : i32
          %get3A_1753 = arith.index_cast %add3A_1752 : i32 to index
          %get3A_1754 = arith.constant 112 : index
          %get3A_1755 = tpu.vector_load %arg9[%get3A_1753, %get3A_1754] {strides = array<i32>} : memref<128x256xf32, #tpu.memory_space<vmem>>, vector<1x16xf32>,
          %get3A_1756 = vector.shape_cast %get3A_1755 : vector<1x16xf32> to vector<16xf32>
          %mul3A_1757 = arith.mulf %gather3A_1694, %get3A_1756 : vector<16xf32>
          %add3A_1758 = arith.addf %add3A_1626, %mul3A_1757 : vector<16xf32>
          %add3A_1759 = arith.constant 12 : i32
          %add3A_1760 = arith.addi %mul3A_101, %add3A_1759 : i32
          %get3A_1761 = arith.index_cast %add3A_1760 : i32 to index
          %get3A_1762 = arith.constant 128 : index
          %get3A_1763 = tpu.vector_load %arg9[%get3A_1761, %get3A_1762] {strides = array<i32>} : memref<128x256xf32, #tpu.memory_space<vmem>>, vector<1x16xf32>,
          %get3A_1764 = vector.shape_cast %get3A_1763 : vector<1x16xf32> to vector<16xf32>
          %mul3A_1765 = arith.mulf %gather3A_1694, %get3A_1764 : vector<16xf32>
          %add3A_1766 = arith.addf %add3A_1634, %mul3A_1765 : vector<16xf32>
          %add3A_1767 = arith.constant 12 : i32
          %add3A_1768 = arith.addi %mul3A_101, %add3A_1767 : i32
          %get3A_1769 = arith.index_cast %add3A_1768 : i32 to index
          %get3A_1770 = arith.constant 144 : index
          %get3A_1771 = tpu.vector_load %arg9[%get3A_1769, %get3A_1770] {strides = array<i32>} : memref<128x256xf32, #tpu.memory_space<vmem>>, vector<1x16xf32>,
          %get3A_1772 = vector.shape_cast %get3A_1771 : vector<1x16xf32> to vector<16xf32>
          %mul3A_1773 = arith.mulf %gather3A_1694, %get3A_1772 : vector<16xf32>
          %add3A_1774 = arith.addf %add3A_1642, %mul3A_1773 : vector<16xf32>
          %add3A_1775 = arith.constant 12 : i32
          %add3A_1776 = arith.addi %mul3A_101, %add3A_1775 : i32
          %get3A_1777 = arith.index_cast %add3A_1776 : i32 to index
          %get3A_1778 = arith.constant 160 : index
          %get3A_1779 = tpu.vector_load %arg9[%get3A_1777, %get3A_1778] {strides = array<i32>} : memref<128x256xf32, #tpu.memory_space<vmem>>, vector<1x16xf32>,
          %get3A_1780 = vector.shape_cast %get3A_1779 : vector<1x16xf32> to vector<16xf32>
          %mul3A_1781 = arith.mulf %gather3A_1694, %get3A_1780 : vector<16xf32>
          %add3A_1782 = arith.addf %add3A_1650, %mul3A_1781 : vector<16xf32>
          %add3A_1783 = arith.constant 12 : i32
          %add3A_1784 = arith.addi %mul3A_101, %add3A_1783 : i32
          %get3A_1785 = arith.index_cast %add3A_1784 : i32 to index
          %get3A_1786 = arith.constant 176 : index
          %get3A_1787 = tpu.vector_load %arg9[%get3A_1785, %get3A_1786] {strides = array<i32>} : memref<128x256xf32, #tpu.memory_space<vmem>>, vector<1x16xf32>,
          %get3A_1788 = vector.shape_cast %get3A_1787 : vector<1x16xf32> to vector<16xf32>
          %mul3A_1789 = arith.mulf %gather3A_1694, %get3A_1788 : vector<16xf32>
          %add3A_1790 = arith.addf %add3A_1658, %mul3A_1789 : vector<16xf32>
          %add3A_1791 = arith.constant 12 : i32
          %add3A_1792 = arith.addi %mul3A_101, %add3A_1791 : i32
          %get3A_1793 = arith.index_cast %add3A_1792 : i32 to index
          %get3A_1794 = arith.constant 192 : index
          %get3A_1795 = tpu.vector_load %arg9[%get3A_1793, %get3A_1794] {strides = array<i32>} : memref<128x256xf32, #tpu.memory_space<vmem>>, vector<1x16xf32>,
          %get3A_1796 = vector.shape_cast %get3A_1795 : vector<1x16xf32> to vector<16xf32>
          %mul3A_1797 = arith.mulf %gather3A_1694, %get3A_1796 : vector<16xf32>
          %add3A_1798 = arith.addf %add3A_1666, %mul3A_1797 : vector<16xf32>
          %add3A_1799 = arith.constant 12 : i32
          %add3A_1800 = arith.addi %mul3A_101, %add3A_1799 : i32
          %get3A_1801 = arith.index_cast %add3A_1800 : i32 to index
          %get3A_1802 = arith.constant 208 : index
          %get3A_1803 = tpu.vector_load %arg9[%get3A_1801, %get3A_1802] {strides = array<i32>} : memref<128x256xf32, #tpu.memory_space<vmem>>, vector<1x16xf32>,
          %get3A_1804 = vector.shape_cast %get3A_1803 : vector<1x16xf32> to vector<16xf32>
          %mul3A_1805 = arith.mulf %gather3A_1694, %get3A_1804 : vector<16xf32>
          %add3A_1806 = arith.addf %add3A_1674, %mul3A_1805 : vector<16xf32>
          %add3A_1807 = arith.constant 12 : i32
          %add3A_1808 = arith.addi %mul3A_101, %add3A_1807 : i32
          %get3A_1809 = arith.index_cast %add3A_1808 : i32 to index
          %get3A_1810 = arith.constant 224 : index
          %get3A_1811 = tpu.vector_load %arg9[%get3A_1809, %get3A_1810] {strides = array<i32>} : memref<128x256xf32, #tpu.memory_space<vmem>>, vector<1x16xf32>,
          %get3A_1812 = vector.shape_cast %get3A_1811 : vector<1x16xf32> to vector<16xf32>
          %mul3A_1813 = arith.mulf %gather3A_1694, %get3A_1812 : vector<16xf32>
          %add3A_1814 = arith.addf %add3A_1682, %mul3A_1813 : vector<16xf32>
          %add3A_1815 = arith.constant 12 : i32
          %add3A_1816 = arith.addi %mul3A_101, %add3A_1815 : i32
          %get3A_1817 = arith.index_cast %add3A_1816 : i32 to index
          %get3A_1818 = arith.constant 240 : index
          %get3A_1819 = tpu.vector_load %arg9[%get3A_1817, %get3A_1818] {strides = array<i32>} : memref<128x256xf32, #tpu.memory_space<vmem>>, vector<1x16xf32>,
          %get3A_1820 = vector.shape_cast %get3A_1819 : vector<1x16xf32> to vector<16xf32>
          %mul3A_1821 = arith.mulf %gather3A_1694, %get3A_1820 : vector<16xf32>
          %add3A_1822 = arith.addf %add3A_1690, %mul3A_1821 : vector<16xf32>
          %broadcast_in_dim3A_1823 = arith.constant 13 : i32
          %broadcast_in_dim3A_1824 = vector.broadcast %broadcast_in_dim3A_1823 : i32 to vector<16x1xi32>
          %gather3A_1825 = vector.shape_cast %broadcast_in_dim3A_1824 : vector<16x1xi32> to vector<16xi32>
          %gather3A_1826 = tpu.dynamic_gather %get3A_106[%gather3A_1825] in [0] : vector<16xf32>, vector<16xi32> -> vector<16xf32>
          %add3A_1827 = arith.constant 13 : i32
          %add3A_1828 = arith.addi %mul3A_101, %add3A_1827 : i32
          %get3A_1829 = arith.index_cast %add3A_1828 : i32 to index
          %get3A_1830 = arith.constant 0 : index
          %get3A_1831 = tpu.vector_load %arg9[%get3A_1829, %get3A_1830] {strides = array<i32>} : memref<128x256xf32, #tpu.memory_space<vmem>>, vector<1x16xf32>,
          %get3A_1832 = vector.shape_cast %get3A_1831 : vector<1x16xf32> to vector<16xf32>
          %mul3A_1833 = arith.mulf %gather3A_1826, %get3A_1832 : vector<16xf32>
          %add3A_1834 = arith.addf %add3A_1702, %mul3A_1833 : vector<16xf32>
          %add3A_1835 = arith.constant 13 : i32
          %add3A_1836 = arith.addi %mul3A_101, %add3A_1835 : i32
          %get3A_1837 = arith.index_cast %add3A_1836 : i32 to index
          %get3A_1838 = arith.constant 16 : index
          %get3A_1839 = tpu.vector_load %arg9[%get3A_1837, %get3A_1838] {strides = array<i32>} : memref<128x256xf32, #tpu.memory_space<vmem>>, vector<1x16xf32>,
          %get3A_1840 = vector.shape_cast %get3A_1839 : vector<1x16xf32> to vector<16xf32>
          %mul3A_1841 = arith.mulf %gather3A_1826, %get3A_1840 : vector<16xf32>
          %add3A_1842 = arith.addf %add3A_1710, %mul3A_1841 : vector<16xf32>
          %add3A_1843 = arith.constant 13 : i32
          %add3A_1844 = arith.addi %mul3A_101, %add3A_1843 : i32
          %get3A_1845 = arith.index_cast %add3A_1844 : i32 to index
          %get3A_1846 = arith.constant 32 : index
          %get3A_1847 = tpu.vector_load %arg9[%get3A_1845, %get3A_1846] {strides = array<i32>} : memref<128x256xf32, #tpu.memory_space<vmem>>, vector<1x16xf32>,
          %get3A_1848 = vector.shape_cast %get3A_1847 : vector<1x16xf32> to vector<16xf32>
          %mul3A_1849 = arith.mulf %gather3A_1826, %get3A_1848 : vector<16xf32>
          %add3A_1850 = arith.addf %add3A_1718, %mul3A_1849 : vector<16xf32>
          %add3A_1851 = arith.constant 13 : i32
          %add3A_1852 = arith.addi %mul3A_101, %add3A_1851 : i32
          %get3A_1853 = arith.index_cast %add3A_1852 : i32 to index
          %get3A_1854 = arith.constant 48 : index
          %get3A_1855 = tpu.vector_load %arg9[%get3A_1853, %get3A_1854] {strides = array<i32>} : memref<128x256xf32, #tpu.memory_space<vmem>>, vector<1x16xf32>,
          %get3A_1856 = vector.shape_cast %get3A_1855 : vector<1x16xf32> to vector<16xf32>
          %mul3A_1857 = arith.mulf %gather3A_1826, %get3A_1856 : vector<16xf32>
          %add3A_1858 = arith.addf %add3A_1726, %mul3A_1857 : vector<16xf32>
          %add3A_1859 = arith.constant 13 : i32
          %add3A_1860 = arith.addi %mul3A_101, %add3A_1859 : i32
          %get3A_1861 = arith.index_cast %add3A_1860 : i32 to index
          %get3A_1862 = arith.constant 64 : index
          %get3A_1863 = tpu.vector_load %arg9[%get3A_1861, %get3A_1862] {strides = array<i32>} : memref<128x256xf32, #tpu.memory_space<vmem>>, vector<1x16xf32>,
          %get3A_1864 = vector.shape_cast %get3A_1863 : vector<1x16xf32> to vector<16xf32>
          %mul3A_1865 = arith.mulf %gather3A_1826, %get3A_1864 : vector<16xf32>
          %add3A_1866 = arith.addf %add3A_1734, %mul3A_1865 : vector<16xf32>
          %add3A_1867 = arith.constant 13 : i32
          %add3A_1868 = arith.addi %mul3A_101, %add3A_1867 : i32
          %get3A_1869 = arith.index_cast %add3A_1868 : i32 to index
          %get3A_1870 = arith.constant 80 : index
          %get3A_1871 = tpu.vector_load %arg9[%get3A_1869, %get3A_1870] {strides = array<i32>} : memref<128x256xf32, #tpu.memory_space<vmem>>, vector<1x16xf32>,
          %get3A_1872 = vector.shape_cast %get3A_1871 : vector<1x16xf32> to vector<16xf32>
          %mul3A_1873 = arith.mulf %gather3A_1826, %get3A_1872 : vector<16xf32>
          %add3A_1874 = arith.addf %add3A_1742, %mul3A_1873 : vector<16xf32>
          %add3A_1875 = arith.constant 13 : i32
          %add3A_1876 = arith.addi %mul3A_101, %add3A_1875 : i32
          %get3A_1877 = arith.index_cast %add3A_1876 : i32 to index
          %get3A_1878 = arith.constant 96 : index
          %get3A_1879 = tpu.vector_load %arg9[%get3A_1877, %get3A_1878] {strides = array<i32>} : memref<128x256xf32, #tpu.memory_space<vmem>>, vector<1x16xf32>,
          %get3A_1880 = vector.shape_cast %get3A_1879 : vector<1x16xf32> to vector<16xf32>
          %mul3A_1881 = arith.mulf %gather3A_1826, %get3A_1880 : vector<16xf32>
          %add3A_1882 = arith.addf %add3A_1750, %mul3A_1881 : vector<16xf32>
          %add3A_1883 = arith.constant 13 : i32
          %add3A_1884 = arith.addi %mul3A_101, %add3A_1883 : i32
          %get3A_1885 = arith.index_cast %add3A_1884 : i32 to index
          %get3A_1886 = arith.constant 112 : index
          %get3A_1887 = tpu.vector_load %arg9[%get3A_1885, %get3A_1886] {strides = array<i32>} : memref<128x256xf32, #tpu.memory_space<vmem>>, vector<1x16xf32>,
          %get3A_1888 = vector.shape_cast %get3A_1887 : vector<1x16xf32> to vector<16xf32>
          %mul3A_1889 = arith.mulf %gather3A_1826, %get3A_1888 : vector<16xf32>
          %add3A_1890 = arith.addf %add3A_1758, %mul3A_1889 : vector<16xf32>
          %add3A_1891 = arith.constant 13 : i32
          %add3A_1892 = arith.addi %mul3A_101, %add3A_1891 : i32
          %get3A_1893 = arith.index_cast %add3A_1892 : i32 to index
          %get3A_1894 = arith.constant 128 : index
          %get3A_1895 = tpu.vector_load %arg9[%get3A_1893, %get3A_1894] {strides = array<i32>} : memref<128x256xf32, #tpu.memory_space<vmem>>, vector<1x16xf32>,
          %get3A_1896 = vector.shape_cast %get3A_1895 : vector<1x16xf32> to vector<16xf32>
          %mul3A_1897 = arith.mulf %gather3A_1826, %get3A_1896 : vector<16xf32>
          %add3A_1898 = arith.addf %add3A_1766, %mul3A_1897 : vector<16xf32>
          %add3A_1899 = arith.constant 13 : i32
          %add3A_1900 = arith.addi %mul3A_101, %add3A_1899 : i32
          %get3A_1901 = arith.index_cast %add3A_1900 : i32 to index
          %get3A_1902 = arith.constant 144 : index
          %get3A_1903 = tpu.vector_load %arg9[%get3A_1901, %get3A_1902] {strides = array<i32>} : memref<128x256xf32, #tpu.memory_space<vmem>>, vector<1x16xf32>,
          %get3A_1904 = vector.shape_cast %get3A_1903 : vector<1x16xf32> to vector<16xf32>
          %mul3A_1905 = arith.mulf %gather3A_1826, %get3A_1904 : vector<16xf32>
          %add3A_1906 = arith.addf %add3A_1774, %mul3A_1905 : vector<16xf32>
          %add3A_1907 = arith.constant 13 : i32
          %add3A_1908 = arith.addi %mul3A_101, %add3A_1907 : i32
          %get3A_1909 = arith.index_cast %add3A_1908 : i32 to index
          %get3A_1910 = arith.constant 160 : index
          %get3A_1911 = tpu.vector_load %arg9[%get3A_1909, %get3A_1910] {strides = array<i32>} : memref<128x256xf32, #tpu.memory_space<vmem>>, vector<1x16xf32>,
          %get3A_1912 = vector.shape_cast %get3A_1911 : vector<1x16xf32> to vector<16xf32>
          %mul3A_1913 = arith.mulf %gather3A_1826, %get3A_1912 : vector<16xf32>
          %add3A_1914 = arith.addf %add3A_1782, %mul3A_1913 : vector<16xf32>
          %add3A_1915 = arith.constant 13 : i32
          %add3A_1916 = arith.addi %mul3A_101, %add3A_1915 : i32
          %get3A_1917 = arith.index_cast %add3A_1916 : i32 to index
          %get3A_1918 = arith.constant 176 : index
          %get3A_1919 = tpu.vector_load %arg9[%get3A_1917, %get3A_1918] {strides = array<i32>} : memref<128x256xf32, #tpu.memory_space<vmem>>, vector<1x16xf32>,
          %get3A_1920 = vector.shape_cast %get3A_1919 : vector<1x16xf32> to vector<16xf32>
          %mul3A_1921 = arith.mulf %gather3A_1826, %get3A_1920 : vector<16xf32>
          %add3A_1922 = arith.addf %add3A_1790, %mul3A_1921 : vector<16xf32>
          %add3A_1923 = arith.constant 13 : i32
          %add3A_1924 = arith.addi %mul3A_101, %add3A_1923 : i32
          %get3A_1925 = arith.index_cast %add3A_1924 : i32 to index
          %get3A_1926 = arith.constant 192 : index
          %get3A_1927 = tpu.vector_load %arg9[%get3A_1925, %get3A_1926] {strides = array<i32>} : memref<128x256xf32, #tpu.memory_space<vmem>>, vector<1x16xf32>,
          %get3A_1928 = vector.shape_cast %get3A_1927 : vector<1x16xf32> to vector<16xf32>
          %mul3A_1929 = arith.mulf %gather3A_1826, %get3A_1928 : vector<16xf32>
          %add3A_1930 = arith.addf %add3A_1798, %mul3A_1929 : vector<16xf32>
          %add3A_1931 = arith.constant 13 : i32
          %add3A_1932 = arith.addi %mul3A_101, %add3A_1931 : i32
          %get3A_1933 = arith.index_cast %add3A_1932 : i32 to index
          %get3A_1934 = arith.constant 208 : index
          %get3A_1935 = tpu.vector_load %arg9[%get3A_1933, %get3A_1934] {strides = array<i32>} : memref<128x256xf32, #tpu.memory_space<vmem>>, vector<1x16xf32>,
          %get3A_1936 = vector.shape_cast %get3A_1935 : vector<1x16xf32> to vector<16xf32>
          %mul3A_1937 = arith.mulf %gather3A_1826, %get3A_1936 : vector<16xf32>
          %add3A_1938 = arith.addf %add3A_1806, %mul3A_1937 : vector<16xf32>
          %add3A_1939 = arith.constant 13 : i32
          %add3A_1940 = arith.addi %mul3A_101, %add3A_1939 : i32
          %get3A_1941 = arith.index_cast %add3A_1940 : i32 to index
          %get3A_1942 = arith.constant 224 : index
          %get3A_1943 = tpu.vector_load %arg9[%get3A_1941, %get3A_1942] {strides = array<i32>} : memref<128x256xf32, #tpu.memory_space<vmem>>, vector<1x16xf32>,
          %get3A_1944 = vector.shape_cast %get3A_1943 : vector<1x16xf32> to vector<16xf32>
          %mul3A_1945 = arith.mulf %gather3A_1826, %get3A_1944 : vector<16xf32>
          %add3A_1946 = arith.addf %add3A_1814, %mul3A_1945 : vector<16xf32>
          %add3A_1947 = arith.constant 13 : i32
          %add3A_1948 = arith.addi %mul3A_101, %add3A_1947 : i32
          %get3A_1949 = arith.index_cast %add3A_1948 : i32 to index
          %get3A_1950 = arith.constant 240 : index
          %get3A_1951 = tpu.vector_load %arg9[%get3A_1949, %get3A_1950] {strides = array<i32>} : memref<128x256xf32, #tpu.memory_space<vmem>>, vector<1x16xf32>,
          %get3A_1952 = vector.shape_cast %get3A_1951 : vector<1x16xf32> to vector<16xf32>
          %mul3A_1953 = arith.mulf %gather3A_1826, %get3A_1952 : vector<16xf32>
          %add3A_1954 = arith.addf %add3A_1822, %mul3A_1953 : vector<16xf32>
          %broadcast_in_dim3A_1955 = arith.constant 14 : i32
          %broadcast_in_dim3A_1956 = vector.broadcast %broadcast_in_dim3A_1955 : i32 to vector<16x1xi32>
          %gather3A_1957 = vector.shape_cast %broadcast_in_dim3A_1956 : vector<16x1xi32> to vector<16xi32>
          %gather3A_1958 = tpu.dynamic_gather %get3A_106[%gather3A_1957] in [0] : vector<16xf32>, vector<16xi32> -> vector<16xf32>
          %add3A_1959 = arith.constant 14 : i32
          %add3A_1960 = arith.addi %mul3A_101, %add3A_1959 : i32
          %get3A_1961 = arith.index_cast %add3A_1960 : i32 to index
          %get3A_1962 = arith.constant 0 : index
          %get3A_1963 = tpu.vector_load %arg9[%get3A_1961, %get3A_1962] {strides = array<i32>} : memref<128x256xf32, #tpu.memory_space<vmem>>, vector<1x16xf32>,
          %get3A_1964 = vector.shape_cast %get3A_1963 : vector<1x16xf32> to vector<16xf32>
          %mul3A_1965 = arith.mulf %gather3A_1958, %get3A_1964 : vector<16xf32>
          %add3A_1966 = arith.addf %add3A_1834, %mul3A_1965 : vector<16xf32>
          %add3A_1967 = arith.constant 14 : i32
          %add3A_1968 = arith.addi %mul3A_101, %add3A_1967 : i32
          %get3A_1969 = arith.index_cast %add3A_1968 : i32 to index
          %get3A_1970 = arith.constant 16 : index
          %get3A_1971 = tpu.vector_load %arg9[%get3A_1969, %get3A_1970] {strides = array<i32>} : memref<128x256xf32, #tpu.memory_space<vmem>>, vector<1x16xf32>,
          %get3A_1972 = vector.shape_cast %get3A_1971 : vector<1x16xf32> to vector<16xf32>
          %mul3A_1973 = arith.mulf %gather3A_1958, %get3A_1972 : vector<16xf32>
          %add3A_1974 = arith.addf %add3A_1842, %mul3A_1973 : vector<16xf32>
          %add3A_1975 = arith.constant 14 : i32
          %add3A_1976 = arith.addi %mul3A_101, %add3A_1975 : i32
          %get3A_1977 = arith.index_cast %add3A_1976 : i32 to index
          %get3A_1978 = arith.constant 32 : index
          %get3A_1979 = tpu.vector_load %arg9[%get3A_1977, %get3A_1978] {strides = array<i32>} : memref<128x256xf32, #tpu.memory_space<vmem>>, vector<1x16xf32>,
          %get3A_1980 = vector.shape_cast %get3A_1979 : vector<1x16xf32> to vector<16xf32>
          %mul3A_1981 = arith.mulf %gather3A_1958, %get3A_1980 : vector<16xf32>
          %add3A_1982 = arith.addf %add3A_1850, %mul3A_1981 : vector<16xf32>
          %add3A_1983 = arith.constant 14 : i32
          %add3A_1984 = arith.addi %mul3A_101, %add3A_1983 : i32
          %get3A_1985 = arith.index_cast %add3A_1984 : i32 to index
          %get3A_1986 = arith.constant 48 : index
          %get3A_1987 = tpu.vector_load %arg9[%get3A_1985, %get3A_1986] {strides = array<i32>} : memref<128x256xf32, #tpu.memory_space<vmem>>, vector<1x16xf32>,
          %get3A_1988 = vector.shape_cast %get3A_1987 : vector<1x16xf32> to vector<16xf32>
          %mul3A_1989 = arith.mulf %gather3A_1958, %get3A_1988 : vector<16xf32>
          %add3A_1990 = arith.addf %add3A_1858, %mul3A_1989 : vector<16xf32>
          %add3A_1991 = arith.constant 14 : i32
          %add3A_1992 = arith.addi %mul3A_101, %add3A_1991 : i32
          %get3A_1993 = arith.index_cast %add3A_1992 : i32 to index
          %get3A_1994 = arith.constant 64 : index
          %get3A_1995 = tpu.vector_load %arg9[%get3A_1993, %get3A_1994] {strides = array<i32>} : memref<128x256xf32, #tpu.memory_space<vmem>>, vector<1x16xf32>,
          %get3A_1996 = vector.shape_cast %get3A_1995 : vector<1x16xf32> to vector<16xf32>
          %mul3A_1997 = arith.mulf %gather3A_1958, %get3A_1996 : vector<16xf32>
          %add3A_1998 = arith.addf %add3A_1866, %mul3A_1997 : vector<16xf32>
          %add3A_1999 = arith.constant 14 : i32
          %add3A_2000 = arith.addi %mul3A_101, %add3A_1999 : i32
          %get3A_2001 = arith.index_cast %add3A_2000 : i32 to index
          %get3A_2002 = arith.constant 80 : index
          %get3A_2003 = tpu.vector_load %arg9[%get3A_2001, %get3A_2002] {strides = array<i32>} : memref<128x256xf32, #tpu.memory_space<vmem>>, vector<1x16xf32>,
          %get3A_2004 = vector.shape_cast %get3A_2003 : vector<1x16xf32> to vector<16xf32>
          %mul3A_2005 = arith.mulf %gather3A_1958, %get3A_2004 : vector<16xf32>
          %add3A_2006 = arith.addf %add3A_1874, %mul3A_2005 : vector<16xf32>
          %add3A_2007 = arith.constant 14 : i32
          %add3A_2008 = arith.addi %mul3A_101, %add3A_2007 : i32
          %get3A_2009 = arith.index_cast %add3A_2008 : i32 to index
          %get3A_2010 = arith.constant 96 : index
          %get3A_2011 = tpu.vector_load %arg9[%get3A_2009, %get3A_2010] {strides = array<i32>} : memref<128x256xf32, #tpu.memory_space<vmem>>, vector<1x16xf32>,
          %get3A_2012 = vector.shape_cast %get3A_2011 : vector<1x16xf32> to vector<16xf32>
          %mul3A_2013 = arith.mulf %gather3A_1958, %get3A_2012 : vector<16xf32>
          %add3A_2014 = arith.addf %add3A_1882, %mul3A_2013 : vector<16xf32>
          %add3A_2015 = arith.constant 14 : i32
          %add3A_2016 = arith.addi %mul3A_101, %add3A_2015 : i32
          %get3A_2017 = arith.index_cast %add3A_2016 : i32 to index
          %get3A_2018 = arith.constant 112 : index
          %get3A_2019 = tpu.vector_load %arg9[%get3A_2017, %get3A_2018] {strides = array<i32>} : memref<128x256xf32, #tpu.memory_space<vmem>>, vector<1x16xf32>,
          %get3A_2020 = vector.shape_cast %get3A_2019 : vector<1x16xf32> to vector<16xf32>
          %mul3A_2021 = arith.mulf %gather3A_1958, %get3A_2020 : vector<16xf32>
          %add3A_2022 = arith.addf %add3A_1890, %mul3A_2021 : vector<16xf32>
          %add3A_2023 = arith.constant 14 : i32
          %add3A_2024 = arith.addi %mul3A_101, %add3A_2023 : i32
          %get3A_2025 = arith.index_cast %add3A_2024 : i32 to index
          %get3A_2026 = arith.constant 128 : index
          %get3A_2027 = tpu.vector_load %arg9[%get3A_2025, %get3A_2026] {strides = array<i32>} : memref<128x256xf32, #tpu.memory_space<vmem>>, vector<1x16xf32>,
          %get3A_2028 = vector.shape_cast %get3A_2027 : vector<1x16xf32> to vector<16xf32>
          %mul3A_2029 = arith.mulf %gather3A_1958, %get3A_2028 : vector<16xf32>
          %add3A_2030 = arith.addf %add3A_1898, %mul3A_2029 : vector<16xf32>
          %add3A_2031 = arith.constant 14 : i32
          %add3A_2032 = arith.addi %mul3A_101, %add3A_2031 : i32
          %get3A_2033 = arith.index_cast %add3A_2032 : i32 to index
          %get3A_2034 = arith.constant 144 : index
          %get3A_2035 = tpu.vector_load %arg9[%get3A_2033, %get3A_2034] {strides = array<i32>} : memref<128x256xf32, #tpu.memory_space<vmem>>, vector<1x16xf32>,
          %get3A_2036 = vector.shape_cast %get3A_2035 : vector<1x16xf32> to vector<16xf32>
          %mul3A_2037 = arith.mulf %gather3A_1958, %get3A_2036 : vector<16xf32>
          %add3A_2038 = arith.addf %add3A_1906, %mul3A_2037 : vector<16xf32>
          %add3A_2039 = arith.constant 14 : i32
          %add3A_2040 = arith.addi %mul3A_101, %add3A_2039 : i32
          %get3A_2041 = arith.index_cast %add3A_2040 : i32 to index
          %get3A_2042 = arith.constant 160 : index
          %get3A_2043 = tpu.vector_load %arg9[%get3A_2041, %get3A_2042] {strides = array<i32>} : memref<128x256xf32, #tpu.memory_space<vmem>>, vector<1x16xf32>,
          %get3A_2044 = vector.shape_cast %get3A_2043 : vector<1x16xf32> to vector<16xf32>
          %mul3A_2045 = arith.mulf %gather3A_1958, %get3A_2044 : vector<16xf32>
          %add3A_2046 = arith.addf %add3A_1914, %mul3A_2045 : vector<16xf32>
          %add3A_2047 = arith.constant 14 : i32
          %add3A_2048 = arith.addi %mul3A_101, %add3A_2047 : i32
          %get3A_2049 = arith.index_cast %add3A_2048 : i32 to index
          %get3A_2050 = arith.constant 176 : index
          %get3A_2051 = tpu.vector_load %arg9[%get3A_2049, %get3A_2050] {strides = array<i32>} : memref<128x256xf32, #tpu.memory_space<vmem>>, vector<1x16xf32>,
          %get3A_2052 = vector.shape_cast %get3A_2051 : vector<1x16xf32> to vector<16xf32>
          %mul3A_2053 = arith.mulf %gather3A_1958, %get3A_2052 : vector<16xf32>
          %add3A_2054 = arith.addf %add3A_1922, %mul3A_2053 : vector<16xf32>
          %add3A_2055 = arith.constant 14 : i32
          %add3A_2056 = arith.addi %mul3A_101, %add3A_2055 : i32
          %get3A_2057 = arith.index_cast %add3A_2056 : i32 to index
          %get3A_2058 = arith.constant 192 : index
          %get3A_2059 = tpu.vector_load %arg9[%get3A_2057, %get3A_2058] {strides = array<i32>} : memref<128x256xf32, #tpu.memory_space<vmem>>, vector<1x16xf32>,
          %get3A_2060 = vector.shape_cast %get3A_2059 : vector<1x16xf32> to vector<16xf32>
          %mul3A_2061 = arith.mulf %gather3A_1958, %get3A_2060 : vector<16xf32>
          %add3A_2062 = arith.addf %add3A_1930, %mul3A_2061 : vector<16xf32>
          %add3A_2063 = arith.constant 14 : i32
          %add3A_2064 = arith.addi %mul3A_101, %add3A_2063 : i32
          %get3A_2065 = arith.index_cast %add3A_2064 : i32 to index
          %get3A_2066 = arith.constant 208 : index
          %get3A_2067 = tpu.vector_load %arg9[%get3A_2065, %get3A_2066] {strides = array<i32>} : memref<128x256xf32, #tpu.memory_space<vmem>>, vector<1x16xf32>,
          %get3A_2068 = vector.shape_cast %get3A_2067 : vector<1x16xf32> to vector<16xf32>
          %mul3A_2069 = arith.mulf %gather3A_1958, %get3A_2068 : vector<16xf32>
          %add3A_2070 = arith.addf %add3A_1938, %mul3A_2069 : vector<16xf32>
          %add3A_2071 = arith.constant 14 : i32
          %add3A_2072 = arith.addi %mul3A_101, %add3A_2071 : i32
          %get3A_2073 = arith.index_cast %add3A_2072 : i32 to index
          %get3A_2074 = arith.constant 224 : index
          %get3A_2075 = tpu.vector_load %arg9[%get3A_2073, %get3A_2074] {strides = array<i32>} : memref<128x256xf32, #tpu.memory_space<vmem>>, vector<1x16xf32>,
          %get3A_2076 = vector.shape_cast %get3A_2075 : vector<1x16xf32> to vector<16xf32>
          %mul3A_2077 = arith.mulf %gather3A_1958, %get3A_2076 : vector<16xf32>
          %add3A_2078 = arith.addf %add3A_1946, %mul3A_2077 : vector<16xf32>
          %add3A_2079 = arith.constant 14 : i32
          %add3A_2080 = arith.addi %mul3A_101, %add3A_2079 : i32
          %get3A_2081 = arith.index_cast %add3A_2080 : i32 to index
          %get3A_2082 = arith.constant 240 : index
          %get3A_2083 = tpu.vector_load %arg9[%get3A_2081, %get3A_2082] {strides = array<i32>} : memref<128x256xf32, #tpu.memory_space<vmem>>, vector<1x16xf32>,
          %get3A_2084 = vector.shape_cast %get3A_2083 : vector<1x16xf32> to vector<16xf32>
          %mul3A_2085 = arith.mulf %gather3A_1958, %get3A_2084 : vector<16xf32>
          %add3A_2086 = arith.addf %add3A_1954, %mul3A_2085 : vector<16xf32>
          %broadcast_in_dim3A_2087 = arith.constant 15 : i32
          %broadcast_in_dim3A_2088 = vector.broadcast %broadcast_in_dim3A_2087 : i32 to vector<16x1xi32>
          %gather3A_2089 = vector.shape_cast %broadcast_in_dim3A_2088 : vector<16x1xi32> to vector<16xi32>
          %gather3A_2090 = tpu.dynamic_gather %get3A_106[%gather3A_2089] in [0] : vector<16xf32>, vector<16xi32> -> vector<16xf32>
          %add3A_2091 = arith.constant 15 : i32
          %add3A_2092 = arith.addi %mul3A_101, %add3A_2091 : i32
          %get3A_2093 = arith.index_cast %add3A_2092 : i32 to index
          %get3A_2094 = arith.constant 0 : index
          %get3A_2095 = tpu.vector_load %arg9[%get3A_2093, %get3A_2094] {strides = array<i32>} : memref<128x256xf32, #tpu.memory_space<vmem>>, vector<1x16xf32>,
          %get3A_2096 = vector.shape_cast %get3A_2095 : vector<1x16xf32> to vector<16xf32>
          %mul3A_2097 = arith.mulf %gather3A_2090, %get3A_2096 : vector<16xf32>
          %add3A_2098 = arith.addf %add3A_1966, %mul3A_2097 : vector<16xf32>
          %add3A_2099 = arith.constant 15 : i32
          %add3A_2100 = arith.addi %mul3A_101, %add3A_2099 : i32
          %get3A_2101 = arith.index_cast %add3A_2100 : i32 to index
          %get3A_2102 = arith.constant 16 : index
          %get3A_2103 = tpu.vector_load %arg9[%get3A_2101, %get3A_2102] {strides = array<i32>} : memref<128x256xf32, #tpu.memory_space<vmem>>, vector<1x16xf32>,
          %get3A_2104 = vector.shape_cast %get3A_2103 : vector<1x16xf32> to vector<16xf32>
          %mul3A_2105 = arith.mulf %gather3A_2090, %get3A_2104 : vector<16xf32>
          %add3A_2106 = arith.addf %add3A_1974, %mul3A_2105 : vector<16xf32>
          %add3A_2107 = arith.constant 15 : i32
          %add3A_2108 = arith.addi %mul3A_101, %add3A_2107 : i32
          %get3A_2109 = arith.index_cast %add3A_2108 : i32 to index
          %get3A_2110 = arith.constant 32 : index
          %get3A_2111 = tpu.vector_load %arg9[%get3A_2109, %get3A_2110] {strides = array<i32>} : memref<128x256xf32, #tpu.memory_space<vmem>>, vector<1x16xf32>,
          %get3A_2112 = vector.shape_cast %get3A_2111 : vector<1x16xf32> to vector<16xf32>
          %mul3A_2113 = arith.mulf %gather3A_2090, %get3A_2112 : vector<16xf32>
          %add3A_2114 = arith.addf %add3A_1982, %mul3A_2113 : vector<16xf32>
          %add3A_2115 = arith.constant 15 : i32
          %add3A_2116 = arith.addi %mul3A_101, %add3A_2115 : i32
          %get3A_2117 = arith.index_cast %add3A_2116 : i32 to index
          %get3A_2118 = arith.constant 48 : index
          %get3A_2119 = tpu.vector_load %arg9[%get3A_2117, %get3A_2118] {strides = array<i32>} : memref<128x256xf32, #tpu.memory_space<vmem>>, vector<1x16xf32>,
          %get3A_2120 = vector.shape_cast %get3A_2119 : vector<1x16xf32> to vector<16xf32>
          %mul3A_2121 = arith.mulf %gather3A_2090, %get3A_2120 : vector<16xf32>
          %add3A_2122 = arith.addf %add3A_1990, %mul3A_2121 : vector<16xf32>
          %add3A_2123 = arith.constant 15 : i32
          %add3A_2124 = arith.addi %mul3A_101, %add3A_2123 : i32
          %get3A_2125 = arith.index_cast %add3A_2124 : i32 to index
          %get3A_2126 = arith.constant 64 : index
          %get3A_2127 = tpu.vector_load %arg9[%get3A_2125, %get3A_2126] {strides = array<i32>} : memref<128x256xf32, #tpu.memory_space<vmem>>, vector<1x16xf32>,
          %get3A_2128 = vector.shape_cast %get3A_2127 : vector<1x16xf32> to vector<16xf32>
          %mul3A_2129 = arith.mulf %gather3A_2090, %get3A_2128 : vector<16xf32>
          %add3A_2130 = arith.addf %add3A_1998, %mul3A_2129 : vector<16xf32>
          %add3A_2131 = arith.constant 15 : i32
          %add3A_2132 = arith.addi %mul3A_101, %add3A_2131 : i32
          %get3A_2133 = arith.index_cast %add3A_2132 : i32 to index
          %get3A_2134 = arith.constant 80 : index
          %get3A_2135 = tpu.vector_load %arg9[%get3A_2133, %get3A_2134] {strides = array<i32>} : memref<128x256xf32, #tpu.memory_space<vmem>>, vector<1x16xf32>,
          %get3A_2136 = vector.shape_cast %get3A_2135 : vector<1x16xf32> to vector<16xf32>
          %mul3A_2137 = arith.mulf %gather3A_2090, %get3A_2136 : vector<16xf32>
          %add3A_2138 = arith.addf %add3A_2006, %mul3A_2137 : vector<16xf32>
          %add3A_2139 = arith.constant 15 : i32
          %add3A_2140 = arith.addi %mul3A_101, %add3A_2139 : i32
          %get3A_2141 = arith.index_cast %add3A_2140 : i32 to index
          %get3A_2142 = arith.constant 96 : index
          %get3A_2143 = tpu.vector_load %arg9[%get3A_2141, %get3A_2142] {strides = array<i32>} : memref<128x256xf32, #tpu.memory_space<vmem>>, vector<1x16xf32>,
          %get3A_2144 = vector.shape_cast %get3A_2143 : vector<1x16xf32> to vector<16xf32>
          %mul3A_2145 = arith.mulf %gather3A_2090, %get3A_2144 : vector<16xf32>
          %add3A_2146 = arith.addf %add3A_2014, %mul3A_2145 : vector<16xf32>
          %add3A_2147 = arith.constant 15 : i32
          %add3A_2148 = arith.addi %mul3A_101, %add3A_2147 : i32
          %get3A_2149 = arith.index_cast %add3A_2148 : i32 to index
          %get3A_2150 = arith.constant 112 : index
          %get3A_2151 = tpu.vector_load %arg9[%get3A_2149, %get3A_2150] {strides = array<i32>} : memref<128x256xf32, #tpu.memory_space<vmem>>, vector<1x16xf32>,
          %get3A_2152 = vector.shape_cast %get3A_2151 : vector<1x16xf32> to vector<16xf32>
          %mul3A_2153 = arith.mulf %gather3A_2090, %get3A_2152 : vector<16xf32>
          %add3A_2154 = arith.addf %add3A_2022, %mul3A_2153 : vector<16xf32>
          %add3A_2155 = arith.constant 15 : i32
          %add3A_2156 = arith.addi %mul3A_101, %add3A_2155 : i32
          %get3A_2157 = arith.index_cast %add3A_2156 : i32 to index
          %get3A_2158 = arith.constant 128 : index
          %get3A_2159 = tpu.vector_load %arg9[%get3A_2157, %get3A_2158] {strides = array<i32>} : memref<128x256xf32, #tpu.memory_space<vmem>>, vector<1x16xf32>,
          %get3A_2160 = vector.shape_cast %get3A_2159 : vector<1x16xf32> to vector<16xf32>
          %mul3A_2161 = arith.mulf %gather3A_2090, %get3A_2160 : vector<16xf32>
          %add3A_2162 = arith.addf %add3A_2030, %mul3A_2161 : vector<16xf32>
          %add3A_2163 = arith.constant 15 : i32
          %add3A_2164 = arith.addi %mul3A_101, %add3A_2163 : i32
          %get3A_2165 = arith.index_cast %add3A_2164 : i32 to index
          %get3A_2166 = arith.constant 144 : index
          %get3A_2167 = tpu.vector_load %arg9[%get3A_2165, %get3A_2166] {strides = array<i32>} : memref<128x256xf32, #tpu.memory_space<vmem>>, vector<1x16xf32>,
          %get3A_2168 = vector.shape_cast %get3A_2167 : vector<1x16xf32> to vector<16xf32>
          %mul3A_2169 = arith.mulf %gather3A_2090, %get3A_2168 : vector<16xf32>
          %add3A_2170 = arith.addf %add3A_2038, %mul3A_2169 : vector<16xf32>
          %add3A_2171 = arith.constant 15 : i32
          %add3A_2172 = arith.addi %mul3A_101, %add3A_2171 : i32
          %get3A_2173 = arith.index_cast %add3A_2172 : i32 to index
          %get3A_2174 = arith.constant 160 : index
          %get3A_2175 = tpu.vector_load %arg9[%get3A_2173, %get3A_2174] {strides = array<i32>} : memref<128x256xf32, #tpu.memory_space<vmem>>, vector<1x16xf32>,
          %get3A_2176 = vector.shape_cast %get3A_2175 : vector<1x16xf32> to vector<16xf32>
          %mul3A_2177 = arith.mulf %gather3A_2090, %get3A_2176 : vector<16xf32>
          %add3A_2178 = arith.addf %add3A_2046, %mul3A_2177 : vector<16xf32>
          %add3A_2179 = arith.constant 15 : i32
          %add3A_2180 = arith.addi %mul3A_101, %add3A_2179 : i32
          %get3A_2181 = arith.index_cast %add3A_2180 : i32 to index
          %get3A_2182 = arith.constant 176 : index
          %get3A_2183 = tpu.vector_load %arg9[%get3A_2181, %get3A_2182] {strides = array<i32>} : memref<128x256xf32, #tpu.memory_space<vmem>>, vector<1x16xf32>,
          %get3A_2184 = vector.shape_cast %get3A_2183 : vector<1x16xf32> to vector<16xf32>
          %mul3A_2185 = arith.mulf %gather3A_2090, %get3A_2184 : vector<16xf32>
          %add3A_2186 = arith.addf %add3A_2054, %mul3A_2185 : vector<16xf32>
          %add3A_2187 = arith.constant 15 : i32
          %add3A_2188 = arith.addi %mul3A_101, %add3A_2187 : i32
          %get3A_2189 = arith.index_cast %add3A_2188 : i32 to index
          %get3A_2190 = arith.constant 192 : index
          %get3A_2191 = tpu.vector_load %arg9[%get3A_2189, %get3A_2190] {strides = array<i32>} : memref<128x256xf32, #tpu.memory_space<vmem>>, vector<1x16xf32>,
          %get3A_2192 = vector.shape_cast %get3A_2191 : vector<1x16xf32> to vector<16xf32>
          %mul3A_2193 = arith.mulf %gather3A_2090, %get3A_2192 : vector<16xf32>
          %add3A_2194 = arith.addf %add3A_2062, %mul3A_2193 : vector<16xf32>
          %add3A_2195 = arith.constant 15 : i32
          %add3A_2196 = arith.addi %mul3A_101, %add3A_2195 : i32
          %get3A_2197 = arith.index_cast %add3A_2196 : i32 to index
          %get3A_2198 = arith.constant 208 : index
          %get3A_2199 = tpu.vector_load %arg9[%get3A_2197, %get3A_2198] {strides = array<i32>} : memref<128x256xf32, #tpu.memory_space<vmem>>, vector<1x16xf32>,
          %get3A_2200 = vector.shape_cast %get3A_2199 : vector<1x16xf32> to vector<16xf32>
          %mul3A_2201 = arith.mulf %gather3A_2090, %get3A_2200 : vector<16xf32>
          %add3A_2202 = arith.addf %add3A_2070, %mul3A_2201 : vector<16xf32>
          %add3A_2203 = arith.constant 15 : i32
          %add3A_2204 = arith.addi %mul3A_101, %add3A_2203 : i32
          %get3A_2205 = arith.index_cast %add3A_2204 : i32 to index
          %get3A_2206 = arith.constant 224 : index
          %get3A_2207 = tpu.vector_load %arg9[%get3A_2205, %get3A_2206] {strides = array<i32>} : memref<128x256xf32, #tpu.memory_space<vmem>>, vector<1x16xf32>,
          %get3A_2208 = vector.shape_cast %get3A_2207 : vector<1x16xf32> to vector<16xf32>
          %mul3A_2209 = arith.mulf %gather3A_2090, %get3A_2208 : vector<16xf32>
          %add3A_2210 = arith.addf %add3A_2078, %mul3A_2209 : vector<16xf32>
          %add3A_2211 = arith.constant 15 : i32
          %add3A_2212 = arith.addi %mul3A_101, %add3A_2211 : i32
          %get3A_2213 = arith.index_cast %add3A_2212 : i32 to index
          %get3A_2214 = arith.constant 240 : index
          %get3A_2215 = tpu.vector_load %arg9[%get3A_2213, %get3A_2214] {strides = array<i32>} : memref<128x256xf32, #tpu.memory_space<vmem>>, vector<1x16xf32>,
          %get3A_2216 = vector.shape_cast %get3A_2215 : vector<1x16xf32> to vector<16xf32>
          %mul3A_2217 = arith.mulf %gather3A_2090, %get3A_2216 : vector<16xf32>
          %add3A_2218 = arith.addf %add3A_2086, %mul3A_2217 : vector<16xf32>
          %swap3A = arith.index_cast %scan3A_99 : i32 to index
          %swap3A_2219 = arith.constant 0 : index
          %swap3A_2220 = tpu.vector_load %arg11[%swap3A, %swap3A_2219] {strides = array<i32>} : memref<8x256xf32, #tpu.memory_space<vmem>>, vector<1x16xf32>,
          %swap3A_2221 = vector.shape_cast %swap3A_2220 : vector<1x16xf32> to vector<16xf32>
          %swap3A_2222 = vector.shape_cast %add3A_2098 : vector<16xf32> to vector<1x16xf32>
          tpu.vector_store %arg11[%swap3A, %swap3A_2219], %swap3A_2222 {strides = array<i32>} : memref<8x256xf32, #tpu.memory_space<vmem>>, vector<1x16xf32>,
          %swap3A_2223 = arith.index_cast %scan3A_99 : i32 to index
          %swap3A_2224 = arith.constant 16 : index
          %swap3A_2225 = tpu.vector_load %arg11[%swap3A_2223, %swap3A_2224] {strides = array<i32>} : memref<8x256xf32, #tpu.memory_space<vmem>>, vector<1x16xf32>,
          %swap3A_2226 = vector.shape_cast %swap3A_2225 : vector<1x16xf32> to vector<16xf32>
          %swap3A_2227 = vector.shape_cast %add3A_2106 : vector<16xf32> to vector<1x16xf32>
          tpu.vector_store %arg11[%swap3A_2223, %swap3A_2224], %swap3A_2227 {strides = array<i32>} : memref<8x256xf32, #tpu.memory_space<vmem>>, vector<1x16xf32>,
          %swap3A_2228 = arith.index_cast %scan3A_99 : i32 to index
          %swap3A_2229 = arith.constant 32 : index
          %swap3A_2230 = tpu.vector_load %arg11[%swap3A_2228, %swap3A_2229] {strides = array<i32>} : memref<8x256xf32, #tpu.memory_space<vmem>>, vector<1x16xf32>,
          %swap3A_2231 = vector.shape_cast %swap3A_2230 : vector<1x16xf32> to vector<16xf32>
          %swap3A_2232 = vector.shape_cast %add3A_2114 : vector<16xf32> to vector<1x16xf32>
          tpu.vector_store %arg11[%swap3A_2228, %swap3A_2229], %swap3A_2232 {strides = array<i32>} : memref<8x256xf32, #tpu.memory_space<vmem>>, vector<1x16xf32>,
          %swap3A_2233 = arith.index_cast %scan3A_99 : i32 to index
          %swap3A_2234 = arith.constant 48 : index
          %swap3A_2235 = tpu.vector_load %arg11[%swap3A_2233, %swap3A_2234] {strides = array<i32>} : memref<8x256xf32, #tpu.memory_space<vmem>>, vector<1x16xf32>,
          %swap3A_2236 = vector.shape_cast %swap3A_2235 : vector<1x16xf32> to vector<16xf32>
          %swap3A_2237 = vector.shape_cast %add3A_2122 : vector<16xf32> to vector<1x16xf32>
          tpu.vector_store %arg11[%swap3A_2233, %swap3A_2234], %swap3A_2237 {strides = array<i32>} : memref<8x256xf32, #tpu.memory_space<vmem>>, vector<1x16xf32>,
          %swap3A_2238 = arith.index_cast %scan3A_99 : i32 to index
          %swap3A_2239 = arith.constant 64 : index
          %swap3A_2240 = tpu.vector_load %arg11[%swap3A_2238, %swap3A_2239] {strides = array<i32>} : memref<8x256xf32, #tpu.memory_space<vmem>>, vector<1x16xf32>,
          %swap3A_2241 = vector.shape_cast %swap3A_2240 : vector<1x16xf32> to vector<16xf32>
          %swap3A_2242 = vector.shape_cast %add3A_2130 : vector<16xf32> to vector<1x16xf32>
          tpu.vector_store %arg11[%swap3A_2238, %swap3A_2239], %swap3A_2242 {strides = array<i32>} : memref<8x256xf32, #tpu.memory_space<vmem>>, vector<1x16xf32>,
          %swap3A_2243 = arith.index_cast %scan3A_99 : i32 to index
          %swap3A_2244 = arith.constant 80 : index
          %swap3A_2245 = tpu.vector_load %arg11[%swap3A_2243, %swap3A_2244] {strides = array<i32>} : memref<8x256xf32, #tpu.memory_space<vmem>>, vector<1x16xf32>,
          %swap3A_2246 = vector.shape_cast %swap3A_2245 : vector<1x16xf32> to vector<16xf32>
          %swap3A_2247 = vector.shape_cast %add3A_2138 : vector<16xf32> to vector<1x16xf32>
          tpu.vector_store %arg11[%swap3A_2243, %swap3A_2244], %swap3A_2247 {strides = array<i32>} : memref<8x256xf32, #tpu.memory_space<vmem>>, vector<1x16xf32>,
          %swap3A_2248 = arith.index_cast %scan3A_99 : i32 to index
          %swap3A_2249 = arith.constant 96 : index
          %swap3A_2250 = tpu.vector_load %arg11[%swap3A_2248, %swap3A_2249] {strides = array<i32>} : memref<8x256xf32, #tpu.memory_space<vmem>>, vector<1x16xf32>,
          %swap3A_2251 = vector.shape_cast %swap3A_2250 : vector<1x16xf32> to vector<16xf32>
          %swap3A_2252 = vector.shape_cast %add3A_2146 : vector<16xf32> to vector<1x16xf32>
          tpu.vector_store %arg11[%swap3A_2248, %swap3A_2249], %swap3A_2252 {strides = array<i32>} : memref<8x256xf32, #tpu.memory_space<vmem>>, vector<1x16xf32>,
          %swap3A_2253 = arith.index_cast %scan3A_99 : i32 to index
          %swap3A_2254 = arith.constant 112 : index
          %swap3A_2255 = tpu.vector_load %arg11[%swap3A_2253, %swap3A_2254] {strides = array<i32>} : memref<8x256xf32, #tpu.memory_space<vmem>>, vector<1x16xf32>,
          %swap3A_2256 = vector.shape_cast %swap3A_2255 : vector<1x16xf32> to vector<16xf32>
          %swap3A_2257 = vector.shape_cast %add3A_2154 : vector<16xf32> to vector<1x16xf32>
          tpu.vector_store %arg11[%swap3A_2253, %swap3A_2254], %swap3A_2257 {strides = array<i32>} : memref<8x256xf32, #tpu.memory_space<vmem>>, vector<1x16xf32>,
          %swap3A_2258 = arith.index_cast %scan3A_99 : i32 to index
          %swap3A_2259 = arith.constant 128 : index
          %swap3A_2260 = tpu.vector_load %arg11[%swap3A_2258, %swap3A_2259] {strides = array<i32>} : memref<8x256xf32, #tpu.memory_space<vmem>>, vector<1x16xf32>,
          %swap3A_2261 = vector.shape_cast %swap3A_2260 : vector<1x16xf32> to vector<16xf32>
          %swap3A_2262 = vector.shape_cast %add3A_2162 : vector<16xf32> to vector<1x16xf32>
          tpu.vector_store %arg11[%swap3A_2258, %swap3A_2259], %swap3A_2262 {strides = array<i32>} : memref<8x256xf32, #tpu.memory_space<vmem>>, vector<1x16xf32>,
          %swap3A_2263 = arith.index_cast %scan3A_99 : i32 to index
          %swap3A_2264 = arith.constant 144 : index
          %swap3A_2265 = tpu.vector_load %arg11[%swap3A_2263, %swap3A_2264] {strides = array<i32>} : memref<8x256xf32, #tpu.memory_space<vmem>>, vector<1x16xf32>,
          %swap3A_2266 = vector.shape_cast %swap3A_2265 : vector<1x16xf32> to vector<16xf32>
          %swap3A_2267 = vector.shape_cast %add3A_2170 : vector<16xf32> to vector<1x16xf32>
          tpu.vector_store %arg11[%swap3A_2263, %swap3A_2264], %swap3A_2267 {strides = array<i32>} : memref<8x256xf32, #tpu.memory_space<vmem>>, vector<1x16xf32>,
          %swap3A_2268 = arith.index_cast %scan3A_99 : i32 to index
          %swap3A_2269 = arith.constant 160 : index
          %swap3A_2270 = tpu.vector_load %arg11[%swap3A_2268, %swap3A_2269] {strides = array<i32>} : memref<8x256xf32, #tpu.memory_space<vmem>>, vector<1x16xf32>,
          %swap3A_2271 = vector.shape_cast %swap3A_2270 : vector<1x16xf32> to vector<16xf32>
          %swap3A_2272 = vector.shape_cast %add3A_2178 : vector<16xf32> to vector<1x16xf32>
          tpu.vector_store %arg11[%swap3A_2268, %swap3A_2269], %swap3A_2272 {strides = array<i32>} : memref<8x256xf32, #tpu.memory_space<vmem>>, vector<1x16xf32>,
          %swap3A_2273 = arith.index_cast %scan3A_99 : i32 to index
          %swap3A_2274 = arith.constant 176 : index
          %swap3A_2275 = tpu.vector_load %arg11[%swap3A_2273, %swap3A_2274] {strides = array<i32>} : memref<8x256xf32, #tpu.memory_space<vmem>>, vector<1x16xf32>,
          %swap3A_2276 = vector.shape_cast %swap3A_2275 : vector<1x16xf32> to vector<16xf32>
          %swap3A_2277 = vector.shape_cast %add3A_2186 : vector<16xf32> to vector<1x16xf32>
          tpu.vector_store %arg11[%swap3A_2273, %swap3A_2274], %swap3A_2277 {strides = array<i32>} : memref<8x256xf32, #tpu.memory_space<vmem>>, vector<1x16xf32>,
          %swap3A_2278 = arith.index_cast %scan3A_99 : i32 to index
          %swap3A_2279 = arith.constant 192 : index
          %swap3A_2280 = tpu.vector_load %arg11[%swap3A_2278, %swap3A_2279] {strides = array<i32>} : memref<8x256xf32, #tpu.memory_space<vmem>>, vector<1x16xf32>,
          %swap3A_2281 = vector.shape_cast %swap3A_2280 : vector<1x16xf32> to vector<16xf32>
          %swap3A_2282 = vector.shape_cast %add3A_2194 : vector<16xf32> to vector<1x16xf32>
          tpu.vector_store %arg11[%swap3A_2278, %swap3A_2279], %swap3A_2282 {strides = array<i32>} : memref<8x256xf32, #tpu.memory_space<vmem>>, vector<1x16xf32>,
          %swap3A_2283 = arith.index_cast %scan3A_99 : i32 to index
          %swap3A_2284 = arith.constant 208 : index
          %swap3A_2285 = tpu.vector_load %arg11[%swap3A_2283, %swap3A_2284] {strides = array<i32>} : memref<8x256xf32, #tpu.memory_space<vmem>>, vector<1x16xf32>,
          %swap3A_2286 = vector.shape_cast %swap3A_2285 : vector<1x16xf32> to vector<16xf32>
          %swap3A_2287 = vector.shape_cast %add3A_2202 : vector<16xf32> to vector<1x16xf32>
          tpu.vector_store %arg11[%swap3A_2283, %swap3A_2284], %swap3A_2287 {strides = array<i32>} : memref<8x256xf32, #tpu.memory_space<vmem>>, vector<1x16xf32>,
          %swap3A_2288 = arith.index_cast %scan3A_99 : i32 to index
          %swap3A_2289 = arith.constant 224 : index
          %swap3A_2290 = tpu.vector_load %arg11[%swap3A_2288, %swap3A_2289] {strides = array<i32>} : memref<8x256xf32, #tpu.memory_space<vmem>>, vector<1x16xf32>,
          %swap3A_2291 = vector.shape_cast %swap3A_2290 : vector<1x16xf32> to vector<16xf32>
          %swap3A_2292 = vector.shape_cast %add3A_2210 : vector<16xf32> to vector<1x16xf32>
          tpu.vector_store %arg11[%swap3A_2288, %swap3A_2289], %swap3A_2292 {strides = array<i32>} : memref<8x256xf32, #tpu.memory_space<vmem>>, vector<1x16xf32>,
          %swap3A_2293 = arith.index_cast %scan3A_99 : i32 to index
          %swap3A_2294 = arith.constant 240 : index
          %swap3A_2295 = tpu.vector_load %arg11[%swap3A_2293, %swap3A_2294] {strides = array<i32>} : memref<8x256xf32, #tpu.memory_space<vmem>>, vector<1x16xf32>,
          %swap3A_2296 = vector.shape_cast %swap3A_2295 : vector<1x16xf32> to vector<16xf32>
          %swap3A_2297 = vector.shape_cast %add3A_2218 : vector<16xf32> to vector<1x16xf32>
          tpu.vector_store %arg11[%swap3A_2293, %swap3A_2294], %swap3A_2297 {strides = array<i32>} : memref<8x256xf32, #tpu.memory_space<vmem>>, vector<1x16xf32>,
        }
        %scan3A_91 = arith.constant 8 : i32
        %add3A_92 = arith.addi %mul3A_2, %add3A_74 : i32
        %mul3A_93 = arith.constant 8 : i32
        %mul3A_94 = arith.muli %add3A_92, %mul3A_93 : i32
        %dma_start3A_95 = arith.constant 0 : i32
        %dma_start3A_96 = tpu.memref_slice %arg5[%mul3A_94, %dma_start3A_95] : memref<25088x256xf32, #tpu.memory_space<hbm>> -> memref<8x256xf32, #tpu.memory_space<hbm>>
        %dma_start3A_97 = arith.constant 0 : i32
        %dma_start3A_98 = tpu.memref_slice %arg5[%mul3A_94, %dma_start3A_97] : memref<25088x256xf32, #tpu.memory_space<hbm>> -> memref<8x256xf32, #tpu.memory_space<hbm>>
        tpu.enqueue_dma source(%arg11 : memref<8x256xf32, #tpu.memory_space<vmem>>) target(%dma_start3A_98 : memref<8x256xf32, #tpu.memory_space<hbm>>) target_semaphore(%arg15 : memref<!tpu.dma_semaphore, #tpu.memory_space<semaphore_mem>>)
      } else {
      }
    }
    %scan3A_13 = arith.constant 49 : i32
    %add3A_14 = arith.constant 96 : i32
    %add3A_15 = arith.addi %mul3A_2, %add3A_14 : i32
    %mul3A_16 = arith.constant 8 : i32
    %mul3A_17 = arith.muli %add3A_15, %mul3A_16 : i32
    %dma_wait3A = arith.constant 0 : i32
    %dma_wait3A_18 = tpu.memref_slice %arg5[%mul3A_17, %dma_wait3A] : memref<25088x256xf32, #tpu.memory_space<hbm>> -> memref<8x256xf32, #tpu.memory_space<hbm>>
    %dma_wait3A_19 = arith.constant 0 : i32
    %dma_wait3A_20 = tpu.memref_slice %arg5[%mul3A_17, %dma_wait3A_19] : memref<25088x256xf32, #tpu.memory_space<hbm>> -> memref<8x256xf32, #tpu.memory_space<hbm>>
    tpu.wait_dma2 semaphore(%arg14 : memref<!tpu.dma_semaphore, #tpu.memory_space<semaphore_mem>>) src(%arg10 : memref<8x256xf32, #tpu.memory_space<vmem>>) dst(%dma_wait3A_20 : memref<8x256xf32, #tpu.memory_space<hbm>>)
    %add3A_21 = arith.constant 97 : i32
    %add3A_22 = arith.addi %mul3A_2, %add3A_21 : i32
    %mul3A_23 = arith.constant 8 : i32
    %mul3A_24 = arith.muli %add3A_22, %mul3A_23 : i32
    %dma_wait3A_25 = arith.constant 0 : i32
    %dma_wait3A_26 = tpu.memref_slice %arg5[%mul3A_24, %dma_wait3A_25] : memref<25088x256xf32, #tpu.memory_space<hbm>> -> memref<8x256xf32, #tpu.memory_space<hbm>>
    %dma_wait3A_27 = arith.constant 0 : i32
    %dma_wait3A_28 = tpu.memref_slice %arg5[%mul3A_24, %dma_wait3A_27] : memref<25088x256xf32, #tpu.memory_space<hbm>> -> memref<8x256xf32, #tpu.memory_space<hbm>>
    tpu.wait_dma2 semaphore(%arg15 : memref<!tpu.dma_semaphore, #tpu.memory_space<semaphore_mem>>) src(%arg11 : memref<8x256xf32, #tpu.memory_space<vmem>>) dst(%dma_wait3A_28 : memref<8x256xf32, #tpu.memory_space<hbm>>)
    return
  }
}

</mosaic_0001>

<sc_bundles>
// kernel: kernel.3.cloned.1.call-start
scs
__scs_entry_jumppad:
0x0: {  	(pc) =	sbr.rel $0x88, $3  }
0x1: {  	(tag) =	ssettag $0x0;
	lr =	simm.s32 $0x1  }
0x2: {  	[smem:$0x3F9F] =	sst lr;
	_ =	strace $0xD0000000  }
0x3: {  	_ = 	snop  }
0x4: {  	_ = 	snop  }
0x5: {  	_ = 	snop  }
0x6: {  	_ = 	snop  }
0x7: {  	_ = 	snop  }
__scs_overlays_trampoline_lowered:
0x8: {  	[smem:$0x3FAE] =	sst s0  }
0x9: {  	[smem:$0x3FAF] =	sst s1  }
0xa: {  	[smem:$0x3FB0] =	sst s2  }
0xb: {  	[smem:$0x3FB1] =	sst s3  }
0xc: {  	[smem:$0x3FB2] =	sst s4  }
0xd: {  	[smem:$0x3FB3] =	sst s5  }
0xe: {  	[smem:$0x3FB4] =	sst s6  }
0xf: {  	[smem:$0x3FB5] =	sst s7  }
0x10: {  	[smem:$0x3FB6] =	sst s8  }
0x11: {  	[smem:$0x3FB7] =	sst s9;
	s0 =	simm.s32 @!p0 $0x0  }
0x12: {  	s1 =	sld [smem:$0x3F9D];
	s0 =	simm.s32 @p0 $0x1  }
0x13: {  	[smem:$0x3FB8] =	sst s0;
	s0 =	simm.s32 @!p1 $0x0  }
0x14: {  	s2 =	sld [smem:$0x3F9C];
	s0 =	simm.s32 @p1 $0x1  }
0x15: {  	[smem:$0x3FB9] =	sst s0;
	s0 =	simm.s32 @!p2 $0x0  }
0x16: {  	s3 =	sld [smem:$0x3FDB];
	s0 =	simm.s32 @p2 $0x1  }
0x17: {  	s4 =	simm.s32 $0x1BF5;
	[smem:$0x3FBB] =	sst s0  }
0x18: {  	s0 =	sld [smem:$0x3F9E];
	_ =	swait.ge [sflag:s4], $0x0  }
0x19: {  	s7 =	sld [smem:$0x3F9F]  }
0x1a: {  	s8 =	sadd.s32 $0xFFFFE003, lr  }
0x1b: {  	s9 =	sadd.s32 $0xFFFFFEF7, lr;
	s5 =	simm.s32 $0xFFFFFFFF;
	p2 =	slt.u32 s8, $0xFFFFF086  }
0x1c: {  	p1 =	slt.u32 s9, $0xF7A;
	s5 =	simm.s32 @!p2 $0x0  }
0x1d: {  	s5 =	simm.s32 @p1 $0x1;
	p0 =	seq.s32 s7, s2  }
0x1e: {  	s7 =	smul.u32 @!p0 $0xF7A, s2;
	p2 =	seq.s32 @!p0 s5, $0x0  }
0x1f: {  	s9 =	smul.u32 $0xF7A, s1;
	s8 =	simm.s32 @!p0 $0x1BF5;
	p2 =	por !p2, p0  }
0x20: {  	[sflag:s8] =	ssyncset.s32 @!p0 $0xFFFFF086;
	s6 =	sadd.s32 @!p0 s3, s7;
	s7 =	simm.s32 @!p0 $0x108  }
0x21: {  	s3 =	sadd.s32 s3, s9;
	s6 =	sadd.s32 @!p0 $0x88, s6;
	s7 =	simm.s32 @p2 $0x1082  }
0x22: {  	[simem:s7], [sflag:s8] =	dma.local @!p0 [hbm:s6], $0xF7A  }
0x23: {  	s9 =	sor.u32 $0xD0000000, s2;
	s6 =	simm.s32 $0x108;
	_ =	swait.ge @!p0 [sflag:s8], $0x0  }
0x24: {  	s3 =	sadd.s32 $0x88, s3;
	s6 =	simm.s32 @!p1 $0x1082;
	[sflag:s4] =	ssyncset.s32 $0xFFFFF086  }
0x25: {  	[simem:s6], [sflag:s4] =	dma.local [hbm:s3], $0xF7A  }
0x26: {  	[smem:$0x3F9F] =	sst s1;
	(tag) =	ssettag s2;
	_ =	strace s9  }
0x27: {  	s1 =	sld [smem:$0x3FAF]  }
0x28: {  	s2 =	sld [smem:$0x3FB0]  }
0x29: {  	s4 =	sld [smem:$0x3FB2]  }
0x2a: {  	p0 =	seq.s32 s5, $0x0;
	s5 =	sld [smem:$0x3FB3]  }
0x2b: {  	s6 =	sld [smem:$0x3FB4]  }
0x2c: {  	s7 =	sld [smem:$0x3FB5]  }
0x2d: {  	s3 =	simm.s32 $0x108;
	s8 =	sld [smem:$0x3FB6]  }
0x2e: {  	s3 =	simm.s32 @!p0 $0x1082;
	s9 =	sld [smem:$0x3FB7]  }
0x2f: {  	lr =	sadd.s32 s0, s3;
	s0 =	sld [smem:$0x3FAE]  }
0x30: {  	s3 =	sld [smem:$0x3FB1]  }
0x31: {  	[smem:$0x3FBA] =	sst s10  }
0x32: {  	s10 =	sld [smem:$0x3FB8];
	_ =	sdelay $0x3  }
0x33: {  	p0 =	seq.s32 s10, $0x1;
	s10 =	sld [smem:$0x3FBA];
	_ =	sdelay $0x3  }
0x34: {  	[smem:$0x3FBA] =	sst s10  }
0x35: {  	s10 =	sld [smem:$0x3FB9];
	_ =	sdelay $0x3  }
0x36: {  	p1 =	seq.s32 s10, $0x1;
	s10 =	sld [smem:$0x3FBA];
	_ =	sdelay $0x3  }
0x37: {  	[smem:$0x3FBA] =	sst s10  }
0x38: {  	s10 =	sld [smem:$0x3FBB]  }
0x39: {  	_ = 	snop;
	(pc) =	sbr.ind lr, $3  }
0x3a: {  	_ = 	snop  }
0x3b: {  	_ = 	snop  }
0x3c: {  	p2 =	seq.s32 s10, $0x1;
	s10 =	sld [smem:$0x3FBA]  }
0x3d: {  	_ =	shalt  }
0x3e: {  	_ =	shalt  }
0x3f: {  	_ =	shalt  }
0x40: {  	_ =	shalt  }
0x41: {  	_ =	shalt  }
0x42: {  	_ =	shalt  }
0x43: {  	_ =	shalt  }
0x44: {  	_ =	shalt  }
0x45: {  	_ =	shalt  }
0x46: {  	_ =	shalt  }
0x47: {  	_ =	shalt  }
0x48: {  	_ =	shalt  }
0x49: {  	_ =	shalt  }
0x4a: {  	_ =	shalt  }
0x4b: {  	_ =	shalt  }
0x4c: {  	_ =	shalt  }
0x4d: {  	_ =	shalt  }
0x4e: {  	_ =	shalt  }
0x4f: {  	_ =	shalt  }
0x50: {  	_ =	shalt  }
0x51: {  	_ =	shalt  }
0x52: {  	_ =	shalt  }
0x53: {  	_ =	shalt  }
0x54: {  	_ =	shalt  }
0x55: {  	_ =	shalt  }
0x56: {  	_ =	shalt  }
0x57: {  	_ =	shalt  }
0x58: {  	_ =	shalt  }
0x59: {  	_ =	shalt  }
0x5a: {  	_ =	shalt  }
0x5b: {  	_ =	shalt  }
0x5c: {  	_ =	shalt  }
0x5d: {  	_ =	shalt  }
0x5e: {  	_ =	shalt  }
0x5f: {  	_ =	shalt  }
0x60: {  	_ =	shalt  }
0x61: {  	_ =	shalt  }
0x62: {  	_ =	shalt  }
0x63: {  	_ =	shalt  }
0x64: {  	_ =	shalt  }
0x65: {  	_ =	shalt  }
0x66: {  	_ =	shalt  }
0x67: {  	_ =	shalt  }
0x68: {  	_ =	shalt  }
0x69: {  	_ =	shalt  }
0x6a: {  	_ =	shalt  }
0x6b: {  	_ =	shalt  }
0x6c: {  	_ =	shalt  }
0x6d: {  	_ =	shalt  }
0x6e: {  	_ =	shalt  }
0x6f: {  	_ =	shalt  }
0x70: {  	_ =	shalt  }
0x71: {  	_ =	shalt  }
0x72: {  	_ =	shalt  }
0x73: {  	_ =	shalt  }
0x74: {  	_ =	shalt  }
0x75: {  	_ =	shalt  }
0x76: {  	_ =	shalt  }
0x77: {  	_ =	shalt  }
0x78: {  	_ =	shalt  }
0x79: {  	_ =	shalt  }
0x7a: {  	_ =	shalt  }
0x7b: {  	_ =	shalt  }
0x7c: {  	_ =	shalt  }
0x7d: {  	_ =	shalt  }
0x7e: {  	_ =	shalt  }
0x7f: {  	_ =	shalt  }
0x80: {  	_ =	shalt  }
0x81: {  	_ =	shalt  }
0x82: {  	_ =	shalt  }
0x83: {  	_ =	shalt  }
0x84: {  	_ =	shalt  }
0x85: {  	_ =	shalt  }
0x86: {  	_ =	shalt  }
0x87: {  	_ =	shalt  }
.Lfunc_end0:
.L_simem_size_0:
called_computation.1_lowered:
.L_overlay_start_0:
0x88: {  	s2 =	sld [smem:$0x3FD9]  }
0x89: {  	s3 =	sld [smem:$0x3FFE];
	_ =	sdelay $0x1  }
0x8a: {  	s1 =	srdreg.scid  }
0x8b: {  	s0 =	sand.u32 $0x1, s1  }
0x8c: {  	s17 =	sshll.u32 s0, $0xA;
	s2 =	sadd.s32 s3, s2  }
0x8d: {  	s2 =	sadd.s32 s2, s17  }
0x8e: {  	[smem:$0x3FC6] =	sst s2  }
0x8f: {  	_ = 	snop  }
0x90: {  	s2 =	sld [smem:$0x3FD0];
	(tm) =	ssettm $0x1  }
0x91: {  	s18 =	sld [smem:$0x3FFB];
	_ =	sdelay $0x3  }
0x92: {  	_ =	strace s18  }
0x93: {  	s3 =	sld [smem:$0x3FFC];
	_ =	sdelay $0x3  }
0x94: {  	_ =	strace s3  }
0x95: {  	s3 =	sld [smem:$0x3FFD];
	_ =	sdelay $0x3  }
0x96: {  	_ =	strace s3  }
0x97: {  	_ =	strace $0x8FFFFFFF  }
0x98: {  	s19 =	sld [smem:$0x3FDB];
	_ =	sdelay $0x1  }
0x99: {  	s4 =	simm.s32 $_scs_section_size  }
0x9a: {  	s5 =	simm.s32 $_size__tile_overlayer_lowered;
	s6 =	simm.s32 $_tile_overlayer_lowered  }
0x9b: {  	s22 =	simm.s32 $0x1BFF;
	s21 =	sshll.u32 s6, $0x1;
	s3 =	sadd.s32 s4, s19  }
0x9c: {  	s7 =	simm.s32 $0x0;
	s20 =	sshll.u32 s5, $0x1;
	s5 =	sadd.s32 s21, s3  }
0x9d: {  	[timem:s7], [sflag:s22] =	dma.local [hbm:s5], s20  }
0x9e: {  	_ =	swait.ge [sflag:s22], s20  }
0x9f: {  	s4 =	ssub.s32 $0x0, s20;
	[sflag:s22] =	ssyncset.done $0x0  }
0xa0: {  	[sflag:s22] =	ssyncadd.s32 s4;
	_ =	sdelay $0x1  }
0xa1: {  	s23 =	simm.s32 $0x1B8B  }
0xa2: {  	_ =	swait.ge [sflag:s23], $0x1  }
0xa3: {  	[sflag:s23] =	ssyncset.done $0x0  }
0xa4: {  	s25 =	simm.s32 $0x1B8E;
	s24 =	sld [smem:$0x3FFE];
	[sflag:s23] =	ssyncadd.s32 $0xFFFFFFFF  }
0xa5: {  	s26 =	simm.s32 $execute0_lowered;
	[smem:$0x3FD2] =	sst s25  }
0xa6: {  	s5 =	sshll.u32 s26, $0x1;
	_ =	strace $0x80000049;
	[dreg:$0x1] =	wrdreg $0xFFFFFFFF  }
0xa7: {  	s28 =	simm.s32 $_size_execute0_lowered;
	s3 =	sadd.s32 s3, s5;
	[dreg:$0x0] =	wrdreg $0x0  }
0xa8: {  	s5 =	sshll.u32 s28, $0x1;
	[dreg:$0x2] =	wrdreg s3  }
0xa9: {  	[dreg:$0x3] =	wrdreg s5  }
0xaa: {  	[dreg:$0x4] =	wrdreg $0xC0  }
0xab: {  	_ =	task [dreg:s7], $0x5FFFF  }
0xac: {  	[dreg:$0x1] =	wrdreg $0xFFFFFFFF  }
0xad: {  	[dreg:$0x0] =	wrdreg $0x60  }
0xae: {  	[dreg:$0x2] =	wrdreg s24  }
0xaf: {  	[dreg:$0x3] =	wrdreg s2  }
0xb0: {  	[dreg:$0x4] =	wrdreg $0x9  }
0xb1: {  	_ =	task.clear_ibuf [dreg:s7], $0x5FFFF;
	_ =	strace $0x90000049  }
0xb2: {  	s29 =	simm.s32 $0x9;
	_ =	strace $0x8000004B  }
0xb3: {  	_ =	swait.ge [sflag:s29], $0x1  }
0xb4: {  	[sflag:s29] =	ssyncadd.s32 $0xFFFFFFFF  }
0xb5: {  	_ =	strace $0x9000004B  }
0xb6: {  	_ =	sfence  }
0xb7: {  	s30 =	sld [smem:$0x0];
	_ =	sdelay $0x2  }
0xb8: {  	s31 =	sshll.u32 s1, $0xD;
	s1 =	sshrl.u32 s1, $0x2  }
0xb9: {  	s3 =	sand.u32 $0x4000, s31;
	s1 =	sadd.s32 s1, s30  }
0xba: {  	s0 =	sor.u32 s3, s0;
	s1 =	sshll.u32 s1, $0x11  }
0xbb: {  	s0 =	sor.u32 s1, s0  }
0xbc: {  	s0 =	sadd.s32 $0x8F2B, s0  }
0xbd: {  	[sflag:s0] =	ssyncadd.remote.s32 $0x1  }
0xbe: {  	_ =	sfence.sel $0xFFFF  }
0xbf: {  	[dreg:$0x0] =	wrdreg $0xFFFFFFFF;
	(pc) =	sbr.abs _section_cstart, $3  }
0xc0: {  	[dreg:$0x1] =	wrdreg $0xFFFFFFFF  }
0xc1: {  	_ =	task.clear_ibuf [dreg:s7], $0x2FFFF;
	_ =	strace $0x9FFFFFFF  }
0xc2: {  	(tm) =	ssettm $0x7FFFFFFF  }
0xc3: {  	_ =	shalt  }
tec
execute0_lowered:
.L_overlay_start_1:
0x0: {  	(tag) =	ssettag $0x1  }
0x1: {  	s0 =	rddreg [dreg:$0x0];
	s1 =	srdreg.scid  }
0x2: {  	s3 =	stileid.u32;
	s2 =	rddreg [dreg:$0x1]  }
0x3: {  	s30 =	simm.s32 $0xF200;
	s31 =	simm.s32 $0xFA00;
	s10 =	simm.s32 $0x11200  }
0x4: {  	s7 =	simm.s32 $0x12200;
	s8 =	simm.s32 $0x12A00;
	s9 =	simm.s32 $0x13200  }
0x5: {  	s11 =	simm.s32 $0x13A00;
	s12 =	simm.s32 $0x14200;
	s13 =	simm.s32 $0x14A00  }
0x6: {  	s14 =	simm.s32 $0x15200;
	s15 =	simm.s32 $0x15A00;
	s16 =	simm.s32 $0x1  }
0x7: {  	s17 =	simm.s32 $0x16200;
	s18 =	simm.s32 $0x2;
	s19 =	simm.s32 $0x4  }
0x8: {  	s20 =	simm.s32 $0x16A00;
	s1 =	sand.u32 $0x1, s1;
	s4 =	sshll.u32 s3, $0x1  }
0x9: {  	s22 =	simm.s32 $0x0;
	s5 =	sor.u32 s1, s4;
	s1 =	ssub.s32 $0x2, s1  }
0xa: {  	s3 =	simm.s32 $0x0;
	s6 =	smul.u32 $0x620, s5;
	s26 =	sshrl.u32 s1, $0x1  }
0xb: {  	v0 =	vlaneseq.u32;
	[smem:$0x7FF] =	sst s3;
	s4 =	sadd.s32 $0x1A00, s0;
	s1 =	ssub.s32 s1, s26  }
0xc: {  	v1 =	vshrl.u32 v0, $0x3;
	v2 =	vand.u32 $0x7, v0;
	_ =	strace $0x8000004A;
	s0 =	sadd.s32 s6, s0;
	s29 =	smax.u32 s1, $0x1  }
0xd: {  	v0 =	vor.u32 $0x8, v0;
	v1 =	vmul.u32 $0x8, v1;
	s5 =	smul.u32 $0x62, s5;
	[tilespmem:$0x1FFD0] =	vst v2;
	s28 =	sadd.s32 $0x20DE00, s0;
	[dreg:$0x5] =	wrdreg s29  }
0xe: {  	[tilespmem:$0x1FFF0] =	vst v0;
	s1 =	simm.s32 $0x10200;
	s0 =	sadd.s32 $0x201A00, s0;
	[dreg:$0x3] =	wrdreg s28  }
0xf: {  	vm0 =	vmmov $0xffff;
	[tilespmem:$0x1FFE0] =	vst v1;
	s6 =	simm.s32 $0x11A00;
	[dreg:$0x4] =	wrdreg s0;
	s0 =	simm.s32 $0x10A00  }
.LBB2_1:
0x10: {  	[dreg:$0x6] =	wrdreg s22  }
0x11: {  	s21 =	rddreg [dreg:$0x3];
	s25 =	simm.s32 $0x5  }
0x12: {  	[tilespmem:s3], [sflag:$0x5] =	stream.linear.gather [hbm4b:s21+s3], $0x3100, $0x38;
	[tilespmem:$0x17200] =	vst v63  }
0x13: {  	_ =	swait.ge [sflag:s25], $0x3100  }
0x14: {  	[sflag:s25] =	ssyncset.done $0x0  }
0x15: {  	s23 =	simm.s32 $0x3100;
	s26 =	rddreg [dreg:$0x4];
	[sflag:s25] =	ssyncadd.s32 $0xFFFFCF00  }
0x16: {  	[tilespmem:s23], [sflag:$0x5] =	stream.linear.gather [hbm4b:s26+s3], $0x3100, $0x38;
	[tilespmem:$0x17200] =	vst v63  }
0x17: {  	_ =	swait.ge [sflag:s25], $0x3100  }
0x18: {  	[sflag:s25] =	ssyncset.done $0x0  }
0x19: {  	[sflag:s25] =	ssyncadd.s32 $0xFFFFCF00  }
0x1a: {  	v0 =	vld [tilespmem:$0x0];
	_ =	sdelay $0x2  }
0x1b: {  	v2 =	vld [tilespmem:$0x1FFD0]  }
0x1c: {  	v3 =	vld [tilespmem:$0x1FFE0]  }
0x1d: {  	v4 =	vld [tilespmem:$0x1FFF0];
	v1 =	vshll.u32 v0, $0x1  }
0x1e: {  	v0 =	vand.u32 $0x7, v0;
	v1 =	vand.u32 $0xFFFFFFF0, v1  }
0x1f: {  	v0 =	vor.u32 v0, v1  }
0x20: {  	v1 =	vperm.xlane v0, v2;
	_ =	sdelay $0x1  }
0x21: {  	v0 =	vperm.xlane v0, v4;
	v1 =	vadd.s32 v3, v1;
	_ =	sdelay $0x1  }
0x22: {  	v0 =	vadd.s32 v3, v0;
	_ =	sdelay $0x1  }
0x23: {  	s28 =	simm.s32 $0x6200  }
0x24: {  	[tilespmem:s28], [sflag:$0x1] =	stream.indirect_vreg.gather [hbm4b:s4+s3], $0x80, v1, vm0, $0xb8;
	[tilespmem:$0x17200] =	vst v63  }
0x25: {  	s29 =	simm.s32 $0x6A00  }
0x26: {  	[tilespmem:s29], [sflag:$0x1] =	stream.indirect_vreg.gather [hbm4b:s4+s3], $0x80, v0, vm0, $0xb8;
	[tilespmem:$0x17200] =	vst v63  }
0x27: {  	v0 =	vld [tilespmem:$0x10];
	_ =	sdelay $0x4  }
0x28: {  	v57 =	vshll.u32 v0, $0x1  }
0x29: {  	v0 =	vand.u32 $0x7, v0;
	v1 =	vand.u32 $0xFFFFFFF0, v57  }
0x2a: {  	v0 =	vor.u32 v0, v1  }
0x2b: {  	v1 =	vperm.xlane v0, v2;
	_ =	sdelay $0x1  }
0x2c: {  	v0 =	vperm.xlane v0, v4;
	v1 =	vadd.s32 v3, v1;
	_ =	sdelay $0x1  }
0x2d: {  	v0 =	vadd.s32 v3, v0;
	_ =	sdelay $0x1  }
0x2e: {  	s22 =	simm.s32 $0x7200  }
0x2f: {  	[tilespmem:s22], [sflag:$0x1] =	stream.indirect_vreg.gather [hbm4b:s4+s3], $0x80, v1, vm0, $0xb8;
	[tilespmem:$0x17200] =	vst v63  }
0x30: {  	s23 =	simm.s32 $0x7A00  }
0x31: {  	[tilespmem:s23], [sflag:$0x1] =	stream.indirect_vreg.gather [hbm4b:s4+s3], $0x80, v0, vm0, $0xb8;
	[tilespmem:$0x17200] =	vst v63  }
0x32: {  	v0 =	vld [tilespmem:$0x20];
	_ =	sdelay $0x4  }
0x33: {  	v58 =	vshll.u32 v0, $0x1  }
0x34: {  	v0 =	vand.u32 $0x7, v0;
	v1 =	vand.u32 $0xFFFFFFF0, v58  }
0x35: {  	v0 =	vor.u32 v0, v1  }
0x36: {  	v1 =	vperm.xlane v0, v2;
	_ =	sdelay $0x1  }
0x37: {  	v0 =	vperm.xlane v0, v4;
	v1 =	vadd.s32 v3, v1;
	_ =	sdelay $0x1  }
0x38: {  	v0 =	vadd.s32 v3, v0;
	_ =	sdelay $0x1  }
0x39: {  	s24 =	simm.s32 $0x8200  }
0x3a: {  	[tilespmem:s24], [sflag:$0x1] =	stream.indirect_vreg.gather [hbm4b:s4+s3], $0x80, v1, vm0, $0xb8;
	[tilespmem:$0x17200] =	vst v63  }
0x3b: {  	s25 =	simm.s32 $0x8A00  }
0x3c: {  	[tilespmem:s25], [sflag:$0x1] =	stream.indirect_vreg.gather [hbm4b:s4+s3], $0x80, v0, vm0, $0xb8;
	[tilespmem:$0x17200] =	vst v63  }
0x3d: {  	v0 =	vld [tilespmem:$0x30];
	_ =	sdelay $0x4  }
0x3e: {  	v59 =	vshll.u32 v0, $0x1  }
0x3f: {  	v0 =	vand.u32 $0x7, v0;
	v1 =	vand.u32 $0xFFFFFFF0, v59  }
0x40: {  	v0 =	vor.u32 v0, v1  }
0x41: {  	v1 =	vperm.xlane v0, v2;
	_ =	sdelay $0x1  }
0x42: {  	v0 =	vperm.xlane v0, v4;
	v1 =	vadd.s32 v3, v1;
	_ =	sdelay $0x1  }
0x43: {  	v0 =	vadd.s32 v3, v0;
	_ =	sdelay $0x1  }
0x44: {  	s26 =	simm.s32 $0x9200  }
0x45: {  	[tilespmem:s26], [sflag:$0x1] =	stream.indirect_vreg.gather [hbm4b:s4+s3], $0x80, v1, vm0, $0xb8;
	[tilespmem:$0x17200] =	vst v63  }
0x46: {  	s28 =	simm.s32 $0x9A00  }
0x47: {  	[tilespmem:s28], [sflag:$0x1] =	stream.indirect_vreg.gather [hbm4b:s4+s3], $0x80, v0, vm0, $0xb8;
	[tilespmem:$0x17200] =	vst v63  }
0x48: {  	v0 =	vld [tilespmem:$0x40];
	_ =	sdelay $0x4  }
0x49: {  	v60 =	vshll.u32 v0, $0x1  }
0x4a: {  	v0 =	vand.u32 $0x7, v0;
	v1 =	vand.u32 $0xFFFFFFF0, v60  }
0x4b: {  	v0 =	vor.u32 v0, v1  }
0x4c: {  	v1 =	vperm.xlane v0, v2;
	_ =	sdelay $0x1  }
0x4d: {  	v0 =	vperm.xlane v0, v4;
	v1 =	vadd.s32 v3, v1;
	_ =	sdelay $0x1  }
0x4e: {  	v0 =	vadd.s32 v3, v0;
	_ =	sdelay $0x1  }
0x4f: {  	s29 =	simm.s32 $0xA200  }
0x50: {  	[tilespmem:s29], [sflag:$0x1] =	stream.indirect_vreg.gather [hbm4b:s4+s3], $0x80, v1, vm0, $0xb8;
	[tilespmem:$0x17200] =	vst v63  }
0x51: {  	s22 =	simm.s32 $0xAA00  }
0x52: {  	[tilespmem:s22], [sflag:$0x1] =	stream.indirect_vreg.gather [hbm4b:s4+s3], $0x80, v0, vm0, $0xb8;
	[tilespmem:$0x17200] =	vst v63  }
0x53: {  	v0 =	vld [tilespmem:$0x50];
	_ =	sdelay $0x4  }
0x54: {  	v61 =	vshll.u32 v0, $0x1  }
0x55: {  	v0 =	vand.u32 $0x7, v0;
	v1 =	vand.u32 $0xFFFFFFF0, v61  }
0x56: {  	v0 =	vor.u32 v0, v1  }
0x57: {  	v1 =	vperm.xlane v0, v2;
	_ =	sdelay $0x1  }
0x58: {  	v0 =	vperm.xlane v0, v4;
	v1 =	vadd.s32 v3, v1;
	_ =	sdelay $0x1  }
0x59: {  	v0 =	vadd.s32 v3, v0;
	_ =	sdelay $0x1  }
0x5a: {  	s23 =	simm.s32 $0xB200  }
0x5b: {  	[tilespmem:s23], [sflag:$0x1] =	stream.indirect_vreg.gather [hbm4b:s4+s3], $0x80, v1, vm0, $0xb8;
	[tilespmem:$0x17200] =	vst v63  }
0x5c: {  	s24 =	simm.s32 $0xBA00  }
0x5d: {  	[tilespmem:s24], [sflag:$0x1] =	stream.indirect_vreg.gather [hbm4b:s4+s3], $0x80, v0, vm0, $0xb8;
	[tilespmem:$0x17200] =	vst v63  }
0x5e: {  	v0 =	vld [tilespmem:$0x60];
	_ =	sdelay $0x4  }
0x5f: {  	v62 =	vshll.u32 v0, $0x1  }
0x60: {  	v0 =	vand.u32 $0x7, v0;
	v1 =	vand.u32 $0xFFFFFFF0, v62  }
0x61: {  	v0 =	vor.u32 v0, v1  }
0x62: {  	v1 =	vperm.xlane v0, v2;
	_ =	sdelay $0x1  }
0x63: {  	v0 =	vperm.xlane v0, v4;
	v1 =	vadd.s32 v3, v1;
	_ =	sdelay $0x1  }
0x64: {  	v0 =	vadd.s32 v3, v0;
	_ =	sdelay $0x1  }
0x65: {  	s25 =	simm.s32 $0xC200  }
0x66: {  	[tilespmem:s25], [sflag:$0x1] =	stream.indirect_vreg.gather [hbm4b:s4+s3], $0x80, v1, vm0, $0xb8;
	[tilespmem:$0x17200] =	vst v63  }
0x67: {  	s26 =	simm.s32 $0xCA00  }
0x68: {  	[tilespmem:s26], [sflag:$0x1] =	stream.indirect_vreg.gather [hbm4b:s4+s3], $0x80, v0, vm0, $0xb8;
	[tilespmem:$0x17200] =	vst v63  }
0x69: {  	v0 =	vld [tilespmem:$0x70];
	_ =	sdelay $0x4  }
0x6a: {  	v63 =	vshll.u32 v0, $0x1  }
0x6b: {  	v0 =	vand.u32 $0x7, v0;
	v1 =	vand.u32 $0xFFFFFFF0, v63  }
0x6c: {  	v0 =	vor.u32 v0, v1  }
0x6d: {  	v1 =	vperm.xlane v0, v2;
	_ =	sdelay $0x1  }
0x6e: {  	v0 =	vperm.xlane v0, v4;
	v1 =	vadd.s32 v3, v1;
	_ =	sdelay $0x1  }
0x6f: {  	v0 =	vadd.s32 v3, v0;
	_ =	sdelay $0x1  }
0x70: {  	s28 =	simm.s32 $0xD200  }
0x71: {  	[tilespmem:s28], [sflag:$0x1] =	stream.indirect_vreg.gather [hbm4b:s4+s3], $0x80, v1, vm0, $0xb8;
	[tilespmem:$0x17200] =	vst v63  }
0x72: {  	s21 =	simm.s32 $0x0;
	s29 =	simm.s32 $0xDA00  }
0x73: {  	[tilespmem:s29], [sflag:$0x1] =	stream.indirect_vreg.gather [hbm4b:s4+s3], $0x80, v0, vm0, $0xb8;
	[tilespmem:$0x17200] =	vst v63  }
.LBB2_2:
0x74: {  	s22 =	sshllo.u32 s21, $0x1  }
0x75: {  	s23 =	sshll.u32 s22, $0x9  }
0x76: {  	s23 =	sshrl.u32 s23, $0x2  }
0x77: {  	v0 =	vld [tilespmem:s23+$0x0];
	_ =	sdelay $0x2  }
0x78: {  	v2 =	vld [tilespmem:$0x1FFD0]  }
0x79: {  	v3 =	vld [tilespmem:$0x1FFE0]  }
0x7a: {  	v4 =	vld [tilespmem:$0x1FFF0];
	v1 =	vshll.u32 v0, $0x1  }
0x7b: {  	v0 =	vand.u32 $0x7, v0;
	v1 =	vand.u32 $0xFFFFFFF0, v1  }
0x7c: {  	v0 =	vor.u32 v0, v1  }
0x7d: {  	v1 =	vperm.xlane v0, v2;
	_ =	sdelay $0x1  }
0x7e: {  	v0 =	vperm.xlane v0, v4;
	v1 =	vadd.s32 v3, v1;
	_ =	sdelay $0x1  }
0x7f: {  	v0 =	vadd.s32 v3, v0;
	_ =	sdelay $0x1  }
0x80: {  	s24 =	simm.s32 $0xE200  }
0x81: {  	[tilespmem:s24], [sflag:$0x2] =	stream.indirect_vreg.gather [hbm4b:s4+s3], $0x80, v1, vm0, $0xb8;
	[tilespmem:$0x17200] =	vst v63  }
0x82: {  	s28 =	simm.s32 $0xEA00  }
0x83: {  	[tilespmem:s28], [sflag:$0x2] =	stream.indirect_vreg.gather [hbm4b:s4+s3], $0x80, v0, vm0, $0xb8;
	[tilespmem:$0x17200] =	vst v63  }
0x84: {  	v0 =	vld [tilespmem:s23+$0x10];
	_ =	sdelay $0x4  }
0x85: {  	v56 =	vshll.u32 v0, $0x1  }
0x86: {  	v0 =	vand.u32 $0x7, v0;
	v1 =	vand.u32 $0xFFFFFFF0, v56  }
0x87: {  	v0 =	vor.u32 v0, v1  }
0x88: {  	v1 =	vperm.xlane v0, v2;
	_ =	sdelay $0x1  }
0x89: {  	v0 =	vperm.xlane v0, v4;
	v1 =	vadd.s32 v3, v1;
	_ =	sdelay $0x1  }
0x8a: {  	v0 =	vadd.s32 v3, v0;
	_ =	sdelay $0x2  }
0x8b: {  	[tilespmem:s30], [sflag:$0x2] =	stream.indirect_vreg.gather [hbm4b:s4+s3], $0x80, v1, vm0, $0xb8;
	[tilespmem:$0x17200] =	vst v63  }
0x8c: {  	_ = 	snop  }
0x8d: {  	[tilespmem:s31], [sflag:$0x2] =	stream.indirect_vreg.gather [hbm4b:s4+s3], $0x80, v0, vm0, $0xb8;
	[tilespmem:$0x17200] =	vst v63  }
0x8e: {  	v0 =	vld [tilespmem:s23+$0x20];
	_ =	sdelay $0x4  }
0x8f: {  	v57 =	vshll.u32 v0, $0x1  }
0x90: {  	v0 =	vand.u32 $0x7, v0;
	v1 =	vand.u32 $0xFFFFFFF0, v57  }
0x91: {  	v0 =	vor.u32 v0, v1  }
0x92: {  	v1 =	vperm.xlane v0, v2;
	_ =	sdelay $0x1  }
0x93: {  	v0 =	vperm.xlane v0, v4;
	v1 =	vadd.s32 v3, v1;
	_ =	sdelay $0x1  }
0x94: {  	v0 =	vadd.s32 v3, v0;
	_ =	sdelay $0x2  }
0x95: {  	[tilespmem:s1], [sflag:$0x2] =	stream.indirect_vreg.gather [hbm4b:s4+s3], $0x80, v1, vm0, $0xb8;
	[tilespmem:$0x17200] =	vst v63  }
0x96: {  	_ = 	snop  }
0x97: {  	[tilespmem:s0], [sflag:$0x2] =	stream.indirect_vreg.gather [hbm4b:s4+s3], $0x80, v0, vm0, $0xb8;
	[tilespmem:$0x17200] =	vst v63  }
0x98: {  	v0 =	vld [tilespmem:s23+$0x30];
	_ =	sdelay $0x4  }
0x99: {  	v58 =	vshll.u32 v0, $0x1  }
0x9a: {  	v0 =	vand.u32 $0x7, v0;
	v1 =	vand.u32 $0xFFFFFFF0, v58  }
0x9b: {  	v0 =	vor.u32 v0, v1  }
0x9c: {  	v1 =	vperm.xlane v0, v2;
	_ =	sdelay $0x1  }
0x9d: {  	v0 =	vperm.xlane v0, v4;
	v1 =	vadd.s32 v3, v1;
	_ =	sdelay $0x1  }
0x9e: {  	v0 =	vadd.s32 v3, v0;
	_ =	sdelay $0x2  }
0x9f: {  	[tilespmem:s10], [sflag:$0x2] =	stream.indirect_vreg.gather [hbm4b:s4+s3], $0x80, v1, vm0, $0xb8;
	[tilespmem:$0x17200] =	vst v63  }
0xa0: {  	_ = 	snop  }
0xa1: {  	[tilespmem:s6], [sflag:$0x2] =	stream.indirect_vreg.gather [hbm4b:s4+s3], $0x80, v0, vm0, $0xb8;
	[tilespmem:$0x17200] =	vst v63  }
0xa2: {  	v0 =	vld [tilespmem:s23+$0x40];
	_ =	sdelay $0x4  }
0xa3: {  	v59 =	vshll.u32 v0, $0x1  }
0xa4: {  	v0 =	vand.u32 $0x7, v0;
	v1 =	vand.u32 $0xFFFFFFF0, v59  }
0xa5: {  	v0 =	vor.u32 v0, v1  }
0xa6: {  	v1 =	vperm.xlane v0, v2;
	_ =	sdelay $0x1  }
0xa7: {  	v0 =	vperm.xlane v0, v4;
	v1 =	vadd.s32 v3, v1;
	_ =	sdelay $0x1  }
0xa8: {  	v0 =	vadd.s32 v3, v0;
	_ =	sdelay $0x2  }
0xa9: {  	[tilespmem:s7], [sflag:$0x2] =	stream.indirect_vreg.gather [hbm4b:s4+s3], $0x80, v1, vm0, $0xb8;
	[tilespmem:$0x17200] =	vst v63  }
0xaa: {  	_ = 	snop  }
0xab: {  	[tilespmem:s8], [sflag:$0x2] =	stream.indirect_vreg.gather [hbm4b:s4+s3], $0x80, v0, vm0, $0xb8;
	[tilespmem:$0x17200] =	vst v63  }
0xac: {  	v0 =	vld [tilespmem:s23+$0x50];
	_ =	sdelay $0x4  }
0xad: {  	v60 =	vshll.u32 v0, $0x1  }
0xae: {  	v0 =	vand.u32 $0x7, v0;
	v1 =	vand.u32 $0xFFFFFFF0, v60  }
0xaf: {  	v0 =	vor.u32 v0, v1  }
0xb0: {  	v1 =	vperm.xlane v0, v2;
	_ =	sdelay $0x1  }
0xb1: {  	v0 =	vperm.xlane v0, v4;
	v1 =	vadd.s32 v3, v1;
	_ =	sdelay $0x1  }
0xb2: {  	v0 =	vadd.s32 v3, v0;
	_ =	sdelay $0x2  }
0xb3: {  	[tilespmem:s9], [sflag:$0x2] =	stream.indirect_vreg.gather [hbm4b:s4+s3], $0x80, v1, vm0, $0xb8;
	[tilespmem:$0x17200] =	vst v63  }
0xb4: {  	_ = 	snop  }
0xb5: {  	[tilespmem:s11], [sflag:$0x2] =	stream.indirect_vreg.gather [hbm4b:s4+s3], $0x80, v0, vm0, $0xb8;
	[tilespmem:$0x17200] =	vst v63  }
0xb6: {  	v0 =	vld [tilespmem:s23+$0x60];
	_ =	sdelay $0x4  }
0xb7: {  	v61 =	vshll.u32 v0, $0x1  }
0xb8: {  	v0 =	vand.u32 $0x7, v0;
	v1 =	vand.u32 $0xFFFFFFF0, v61  }
0xb9: {  	v0 =	vor.u32 v0, v1  }
0xba: {  	v1 =	vperm.xlane v0, v2;
	_ =	sdelay $0x1  }
0xbb: {  	v0 =	vperm.xlane v0, v4;
	v1 =	vadd.s32 v3, v1;
	_ =	sdelay $0x1  }
0xbc: {  	v0 =	vadd.s32 v3, v0;
	_ =	sdelay $0x2  }
0xbd: {  	[tilespmem:s12], [sflag:$0x2] =	stream.indirect_vreg.gather [hbm4b:s4+s3], $0x80, v1, vm0, $0xb8;
	[tilespmem:$0x17200] =	vst v63  }
0xbe: {  	_ = 	snop  }
0xbf: {  	[tilespmem:s13], [sflag:$0x2] =	stream.indirect_vreg.gather [hbm4b:s4+s3], $0x80, v0, vm0, $0xb8;
	[tilespmem:$0x17200] =	vst v63  }
0xc0: {  	v0 =	vld [tilespmem:s23+$0x70];
	_ =	sdelay $0x4  }
0xc1: {  	v62 =	vshll.u32 v0, $0x1  }
0xc2: {  	v0 =	vand.u32 $0x7, v0;
	v1 =	vand.u32 $0xFFFFFFF0, v62  }
0xc3: {  	v0 =	vor.u32 v0, v1  }
0xc4: {  	v1 =	vperm.xlane v0, v2;
	_ =	sdelay $0x1  }
0xc5: {  	v0 =	vperm.xlane v0, v4;
	v1 =	vadd.s32 v3, v1;
	_ =	sdelay $0x1  }
0xc6: {  	v0 =	vadd.s32 v3, v0;
	_ =	sdelay $0x2  }
0xc7: {  	[tilespmem:s14], [sflag:$0x2] =	stream.indirect_vreg.gather [hbm4b:s4+s3], $0x80, v1, vm0, $0xb8;
	[tilespmem:$0x17200] =	vst v63  }
0xc8: {  	_ = 	snop  }
0xc9: {  	[tilespmem:s15], [sflag:$0x2] =	stream.indirect_vreg.gather [hbm4b:s4+s3], $0x80, v0, vm0, $0xb8;
	[tilespmem:$0x17200] =	vst v63  }
0xca: {  	_ =	swait.ge [sflag:s16], $0x8000  }
0xcb: {  	p0 =	seq.s32 s21, $0x0;
	s29 =	sshll.u32 s21, $0xA;
	[sflag:s16] =	ssyncset.done $0x0  }
0xcc: {  	s26 =	simm.s32 @!p0 $0x3;
	s24 =	sshrl.u32 s29, $0x2;
	[sflag:s16] =	ssyncadd.s32 $0xFFFF8000  }
0xcd: {  	s28 =	sadd.s32 $0x3100, s24;
	_ =	swait.ge @!p0 [sflag:s26], $0x800  }
0xce: {  	v63 =	vmov s28;
	[sflag:s26] =	ssyncset.done @!p0 $0x0  }
0xcf: {  	s25 =	sshll.u32 s21, $0x1;
	[tilespmem:$0x1FFC0] =	vst v63;
	[sflag:s26] =	ssyncadd.s32 @!p0 $0xFFFFF800;
	s26 =	simm.s32 $0x0  }
.LBB2_3:
0xd0: {  	v0 =	vld [tilespmem:$0x1FFC0];
	_ =	sdelay $0x5  }
0xd1: {  	s28 =	sshll.u32 s26, $0x4  }
0xd2: {  	s29 =	sshll.u32 s26, $0xC;
	s28 =	sand.u32 $0x3FFFFFF0, s28  }
0xd3: {  	v23 =	vld.idx.msk [tilespmem:v0+s28+$0x0 ss:$0x1], $0xffff;
	s28 =	sand.u32 $0x3FFFF000, s29  }
0xd4: {  	v63 =	vld [tilespmem:s28+$0x67C0];
	_ =	sdelay $0x4  }
0xd5: {  	[tilespmem:$0x1FB00] =	vst v63;
	v63 =	vld [tilespmem:s28+$0x67D0];
	_ =	sdelay $0x4  }
0xd6: {  	[tilespmem:$0x1FB10] =	vst v63;
	v63 =	vld [tilespmem:s28+$0x67E0];
	_ =	sdelay $0x4  }
0xd7: {  	[tilespmem:$0x1FB20] =	vst v63;
	v63 =	vld [tilespmem:s28+$0x67F0];
	_ =	sdelay $0x4  }
0xd8: {  	[tilespmem:$0x1FB30] =	vst v63;
	v63 =	vld [tilespmem:s28+$0x6400];
	_ =	sdelay $0x4  }
0xd9: {  	[tilespmem:$0x1FB40] =	vst v63;
	v63 =	vld [tilespmem:s28+$0x6410];
	_ =	sdelay $0x4  }
0xda: {  	[tilespmem:$0x1FB50] =	vst v63;
	v63 =	vld [tilespmem:s28+$0x6420];
	_ =	sdelay $0x4  }
0xdb: {  	[tilespmem:$0x1FB60] =	vst v63;
	v63 =	vld [tilespmem:s28+$0x6430];
	_ =	sdelay $0x4  }
0xdc: {  	[tilespmem:$0x1FB70] =	vst v63;
	v63 =	vld [tilespmem:s28+$0x6440];
	_ =	sdelay $0x4  }
0xdd: {  	[tilespmem:$0x1FB80] =	vst v63;
	v63 =	vld [tilespmem:s28+$0x6450];
	_ =	sdelay $0x4  }
0xde: {  	[tilespmem:$0x1FB90] =	vst v63;
	v63 =	vld [tilespmem:s28+$0x6460];
	_ =	sdelay $0x4  }
0xdf: {  	[tilespmem:$0x1FBA0] =	vst v63;
	v63 =	vld [tilespmem:s28+$0x6470];
	_ =	sdelay $0x4  }
0xe0: {  	[tilespmem:$0x1FBB0] =	vst v63;
	v63 =	vld [tilespmem:s28+$0x6800];
	_ =	sdelay $0x4  }
0xe1: {  	[tilespmem:$0x1FBC0] =	vst v63;
	v63 =	vld [tilespmem:s28+$0x6810];
	_ =	sdelay $0x4  }
0xe2: {  	[tilespmem:$0x1FBD0] =	vst v63;
	v63 =	vld [tilespmem:s28+$0x6820];
	_ =	sdelay $0x4  }
0xe3: {  	[tilespmem:$0x1FBE0] =	vst v63;
	v63 =	vld [tilespmem:s28+$0x6830];
	_ =	sdelay $0x4  }
0xe4: {  	[tilespmem:$0x1FBF0] =	vst v63;
	v63 =	vld [tilespmem:s28+$0x6840];
	_ =	sdelay $0x4  }
0xe5: {  	[tilespmem:$0x1FC00] =	vst v63;
	v63 =	vld [tilespmem:s28+$0x6850];
	_ =	sdelay $0x4  }
0xe6: {  	[tilespmem:$0x1FC10] =	vst v63;
	v63 =	vld [tilespmem:s28+$0x6860];
	_ =	sdelay $0x4  }
0xe7: {  	[tilespmem:$0x1FC20] =	vst v63;
	v63 =	vld [tilespmem:s28+$0x6870];
	_ =	sdelay $0x4  }
0xe8: {  	[tilespmem:$0x1FC30] =	vst v63;
	v63 =	vld [tilespmem:s28+$0x6480];
	_ =	sdelay $0x4  }
0xe9: {  	[tilespmem:$0x1FC40] =	vst v63;
	v63 =	vld [tilespmem:s28+$0x6490];
	_ =	sdelay $0x1  }
0xea: {  	v3 =	vld [tilespmem:s28+$0x6200]  }
0xeb: {  	v4 =	vld [tilespmem:s28+$0x6210]  }
0xec: {  	v10 =	vld [tilespmem:s28+$0x6220]  }
0xed: {  	[tilespmem:$0x1FC50] =	vst v63;
	v63 =	vld [tilespmem:s28+$0x64A0]  }
0xee: {  	v9 =	vld [tilespmem:s28+$0x6230]  }
0xef: {  	v11 =	vld [tilespmem:s28+$0x6240]  }
0xf0: {  	v17 =	vld [tilespmem:s28+$0x6250]  }
0xf1: {  	v16 =	vld [tilespmem:s28+$0x6260]  }
0xf2: {  	[tilespmem:$0x1FC60] =	vst v63;
	v63 =	vld [tilespmem:s28+$0x64B0]  }
0xf3: {  	v18 =	vld [tilespmem:s28+$0x6270]  }
0xf4: {  	v19 =	vld [tilespmem:s28+$0x6600]  }
0xf5: {  	v42 =	vld [tilespmem:s28+$0x6610]  }
0xf6: {  	v54 =	vld [tilespmem:s28+$0x6620]  }
0xf7: {  	[tilespmem:$0x1FC70] =	vst v63;
	v63 =	vld [tilespmem:s28+$0x64C0]  }
0xf8: {  	v46 =	vld [tilespmem:s28+$0x6630]  }
0xf9: {  	v51 =	vld [tilespmem:s28+$0x6640]  }
0xfa: {  	v43 =	vld [tilespmem:s28+$0x6650]  }
0xfb: {  	v49 =	vld [tilespmem:s28+$0x6660]  }
0xfc: {  	[tilespmem:$0x1FC80] =	vst v63;
	v63 =	vld [tilespmem:s28+$0x64D0]  }
0xfd: {  	v52 =	vld [tilespmem:s28+$0x6670]  }
0xfe: {  	v2 =	vld [tilespmem:s28+$0x6280]  }
0xff: {  	v5 =	vld [tilespmem:s28+$0x6290]  }
0x100: {  	v6 =	vld [tilespmem:s28+$0x62A0]  }
0x101: {  	[tilespmem:$0x1FC90] =	vst v63;
	v63 =	vld [tilespmem:s28+$0x64E0]  }
0x102: {  	v7 =	vld [tilespmem:s28+$0x62B0]  }
0x103: {  	v8 =	vld [tilespmem:s28+$0x62C0]  }
0x104: {  	v12 =	vld [tilespmem:s28+$0x62D0]  }
0x105: {  	v13 =	vld [tilespmem:s28+$0x62E0]  }
0x106: {  	[tilespmem:$0x1FCA0] =	vst v63;
	v63 =	vld [tilespmem:s28+$0x64F0]  }
0x107: {  	v14 =	vld [tilespmem:s28+$0x62F0]  }
0x108: {  	v15 =	vld [tilespmem:s28+$0x6680]  }
0x109: {  	v21 =	vld [tilespmem:s28+$0x6690]  }
0x10a: {  	v22 =	vld [tilespmem:s28+$0x66A0]  }
0x10b: {  	[tilespmem:$0x1FCB0] =	vst v63;
	v63 =	vld [tilespmem:s28+$0x6880]  }
0x10c: {  	v20 =	vld [tilespmem:s28+$0x66B0]  }
0x10d: {  	v24 =	vld [tilespmem:s28+$0x66C0]  }
0x10e: {  	v25 =	vld [tilespmem:s28+$0x66D0]  }
0x10f: {  	v53 =	vld [tilespmem:s28+$0x66E0]  }
0x110: {  	v55 =	vld [tilespmem:s28+$0x66F0];
	[tilespmem:$0x1FCC0] =	vst v63;
	v63 =	vimm.s32 $0x0  }
0x111: {  	v0 =	vperm.xlane v23, v63;
	v63 =	vld [tilespmem:s28+$0x68A0]  }
0x112: {  	v59 =	vld [tilespmem:s28+$0x6300]  }
0x113: {  	v26 =	vld [tilespmem:s28+$0x6310]  }
0x114: {  	v60 =	vld [tilespmem:s28+$0x6320]  }
0x115: {  	v37 =	vld [tilespmem:s28+$0x6330]  }
0x116: {  	[tilespmem:$0x1FCE0] =	vst v63;
	v63 =	vld [tilespmem:s28+$0x68B0]  }
0x117: {  	v1 =	vld [tilespmem:s28+$0x6890]  }
0x118: {  	v48 =	vld [tilespmem:s28+$0x6340]  }
0x119: {  	v27 =	vld [tilespmem:s28+$0x6350]  }
0x11a: {  	v34 =	vld [tilespmem:s28+$0x6360]  }
0x11b: {  	v28 =	vld [tilespmem:s28+$0x6370];
	[tilespmem:$0x1FCF0] =	vst v63;
	v63 =	vimm.s32 $0x1  }
0x11c: {  	[tilespmem:$0x1FCD0] =	vst v1;
	v1 =	vperm.xlane v23, v63;
	v63 =	vld [tilespmem:s28+$0x68C0]  }
0x11d: {  	v33 =	vld [tilespmem:s28+$0x6700]  }
0x11e: {  	v32 =	vld [tilespmem:s28+$0x6710]  }
0x11f: {  	v29 =	vld [tilespmem:s28+$0x6720]  }
0x120: {  	v30 =	vld [tilespmem:s28+$0x6730]  }
0x121: {  	[tilespmem:$0x1FD00] =	vst v63;
	v63 =	vld [tilespmem:s28+$0x68D0]  }
0x122: {  	v35 =	vld [tilespmem:s28+$0x6740]  }
0x123: {  	v31 =	vld [tilespmem:s28+$0x6750]  }
0x124: {  	v36 =	vld [tilespmem:s28+$0x6760]  }
0x125: {  	v38 =	vld [tilespmem:s28+$0x6770]  }
0x126: {  	[tilespmem:$0x1FD10] =	vst v63;
	v63 =	vld [tilespmem:s28+$0x68E0]  }
0x127: {  	v39 =	vld [tilespmem:s28+$0x6380]  }
0x128: {  	v40 =	vld [tilespmem:s28+$0x6390]  }
0x129: {  	v41 =	vld [tilespmem:s28+$0x63A0]  }
0x12a: {  	v44 =	vld [tilespmem:s28+$0x63B0];
	v3 =	vmul.f32 v3, v0  }
0x12b: {  	v4 =	vmul.f32 v4, v0;
	[tilespmem:$0x1FD20] =	vst v63;
	v63 =	vld [tilespmem:s28+$0x68F0]  }
0x12c: {  	v45 =	vld [tilespmem:s28+$0x63C0];
	v3 =	vadd.f32 $0.0e+00, v3;
	v2 =	vmul.f32 v2, v1  }
0x12d: {  	v47 =	vld [tilespmem:s28+$0x63D0];
	v10 =	vmul.f32 v10, v0;
	v4 =	vadd.f32 $0.0e+00, v4;
	v5 =	vmul.f32 v5, v1  }
0x12e: {  	v50 =	vld [tilespmem:s28+$0x63E0];
	v2 =	vadd.f32 v2, v3  }
0x12f: {  	v57 =	vld [tilespmem:s28+$0x63F0];
	v6 =	vmul.f32 v6, v1;
	v3 =	vadd.f32 v5, v4;
	v5 =	vadd.f32 $0.0e+00, v10  }
0x130: {  	[tilespmem:$0x1FD30] =	vst v63;
	v63 =	vld [tilespmem:s28+$0x6510]  }
0x131: {  	v5 =	vadd.f32 v6, v5;
	v6 =	vmul.f32 v17, v0;
	v17 =	vmul.f32 v18, v0;
	v18 =	vld [tilespmem:s28+$0x6540]  }
0x132: {  	v56 =	vld [tilespmem:s28+$0x6780];
	v4 =	vmul.f32 v11, v0  }
0x133: {  	v58 =	vld [tilespmem:s28+$0x6790]  }
0x134: {  	v8 =	vmul.f32 v8, v1;
	v11 =	vld [tilespmem:s28+$0x6500];
	v4 =	vadd.f32 $0.0e+00, v4  }
0x135: {  	[tilespmem:$0x1FD50] =	vst v63;
	v63 =	vld [tilespmem:s28+$0x6520]  }
0x136: {  	v61 =	vld [tilespmem:s28+$0x67A0];
	v4 =	vadd.f32 v8, v4;
	v8 =	vadd.f32 $0.0e+00, v17;
	[tilespmem:$0x1FD80] =	vst v18;
	v18 =	vmul.f32 v14, v1  }
0x137: {  	v62 =	vld [tilespmem:s28+$0x67B0];
	v9 =	vmul.f32 v9, v0;
	v46 =	vmul.f32 v46, v0  }
0x138: {  	v51 =	vmul.f32 v51, v0;
	v8 =	vadd.f32 v18, v8;
	v18 =	vmul.f32 v54, v0;
	v54 =	vld [tilespmem:s28+$0x6920]  }
0x139: {  	v9 =	vadd.f32 $0.0e+00, v9;
	v7 =	vmul.f32 v7, v1;
	v17 =	vld [tilespmem:s28+$0x6560];
	[tilespmem:$0x1FD40] =	vst v11;
	v11 =	vmul.f32 v12, v1  }
0x13a: {  	v12 =	vmul.f32 v13, v1;
	v13 =	vadd.f32 $0.0e+00, v46;
	v46 =	vld [tilespmem:s28+$0x6940];
	[tilespmem:$0x1FD60] =	vst v63;
	v63 =	vmul.f32 v16, v0  }
0x13b: {  	v7 =	vadd.f32 v7, v9;
	v16 =	vld [tilespmem:s28+$0x6530]  }
0x13c: {  	v14 =	vadd.f32 $0.0e+00, v51;
	v51 =	vld [tilespmem:s28+$0x6950];
	v9 =	vadd.f32 $0.0e+00, v63;
	v63 =	vmul.f32 v19, v0  }
0x13d: {  	[tilespmem:$0x1FDD0] =	vst v54;
	v54 =	vmul.f32 v24, v1;
	v24 =	vld [tilespmem:s28+$0x6970]  }
0x13e: {  	v10 =	vadd.f32 $0.0e+00, v63;
	v63 =	vld [tilespmem:s28+$0x6570]  }
0x13f: {  	[tilespmem:$0x1FDA0] =	vst v17;
	v17 =	vmul.f32 v42, v0;
	v42 =	vld [tilespmem:s28+$0x6900]  }
0x140: {  	v19 =	vmul.f32 v15, v1;
	[tilespmem:$0x1FD70] =	vst v16;
	v16 =	vld [tilespmem:s28+$0x6550]  }
0x141: {  	v6 =	vadd.f32 $0.0e+00, v6;
	v14 =	vadd.f32 v54, v14;
	v54 =	vld [tilespmem:s28+$0x6580]  }
0x142: {  	[tilespmem:$0x1FDE0] =	vst v24;
	v10 =	vadd.f32 v19, v10;
	v19 =	vld [tilespmem:s28+$0x6910]  }
0x143: {  	v6 =	vadd.f32 v11, v6;
	v11 =	vadd.f32 $0.0e+00, v17;
	v24 =	vld [tilespmem:s28+$0x65B0];
	[tilespmem:$0x1FDB0] =	vst v63;
	v63 =	vmul.f32 v20, v1  }
0x144: {  	v17 =	vmul.f32 v21, v1;
	v15 =	vmul.f32 v43, v0;
	v43 =	vld [tilespmem:s28+$0x6930];
	v9 =	vadd.f32 v12, v9  }
0x145: {  	v12 =	vadd.f32 $0.0e+00, v18;
	v20 =	vld [tilespmem:s28+$0x69A0];
	[tilespmem:$0x1FD90] =	vst v16;
	v16 =	vmul.f32 v49, v0;
	v13 =	vadd.f32 v63, v13  }
0x146: {  	v49 =	vld [tilespmem:s28+$0x6960];
	v63 =	vmul.f32 v25, v1;
	v25 =	vmul.f32 v53, v1;
	v53 =	vimm.s32 $0x2  }
0x147: {  	v0 =	vmul.f32 v52, v0;
	v52 =	vld [tilespmem:s28+$0x65A0];
	[tilespmem:$0x1FDC0] =	vst v19;
	v19 =	vperm.xlane v23, v53;
	v16 =	vadd.f32 $0.0e+00, v16  }
0x148: {  	v18 =	vmul.f32 v22, v1;
	v15 =	vadd.f32 $0.0e+00, v15;
	v1 =	vmul.f32 v55, v1;
	v55 =	vld [tilespmem:s28+$0x6590]  }
0x149: {  	v59 =	vmul.f32 v59, v19;
	v16 =	vadd.f32 v25, v16;
	v25 =	vmul.f32 v37, v19;
	v37 =	vld [tilespmem:s28+$0x65C0]  }
0x14a: {  	v15 =	vadd.f32 v63, v15;
	v63 =	vmul.f32 v26, v19;
	v26 =	vmul.f32 v48, v19;
	v48 =	vld [tilespmem:s28+$0x65D0]  }
0x14b: {  	v0 =	vadd.f32 $0.0e+00, v0;
	v22 =	vmul.f32 v60, v19;
	v53 =	vmul.f32 v34, v19;
	v34 =	vld [tilespmem:s28+$0x65E0]  }
0x14c: {  	[tilespmem:$0x1FDF0] =	vst v54;
	v12 =	vadd.f32 v18, v12;
	v27 =	vmul.f32 v27, v19;
	v60 =	vmul.f32 v29, v19;
	v29 =	vld [tilespmem:s28+$0x6990]  }
0x14d: {  	v0 =	vadd.f32 v1, v0;
	v54 =	vmul.f32 v28, v19;
	[tilespmem:$0x1FE00] =	vst v55;
	v55 =	vmul.f32 v33, v19;
	v33 =	vld [tilespmem:s28+$0x65F0]  }
0x14e: {  	v2 =	vadd.f32 v59, v2;
	v3 =	vadd.f32 v63, v3;
	v59 =	vmul.f32 v32, v19;
	v32 =	vld [tilespmem:s28+$0x6980]  }
0x14f: {  	v36 =	vmul.f32 v36, v19;
	v1 =	vadd.f32 v22, v5;
	v4 =	vadd.f32 v26, v4;
	v26 =	vld [tilespmem:s28+$0x69B0]  }
0x150: {  	v5 =	vadd.f32 v27, v6;
	v63 =	vmul.f32 v30, v19;
	v30 =	vmul.f32 v35, v19;
	v27 =	vld [tilespmem:s28+$0x69C0]  }
0x151: {  	v18 =	vadd.f32 v54, v8;
	v35 =	vmul.f32 v31, v19;
	v54 =	vmul.f32 v38, v19;
	v19 =	vld [tilespmem:s28+$0x6A70]  }
0x152: {  	v11 =	vadd.f32 v17, v11;
	v9 =	vadd.f32 v53, v9;
	v53 =	vimm.s32 $0x3;
	v8 =	vld [tilespmem:$0x1FB90]  }
0x153: {  	v22 =	vperm.xlane v23, v53;
	v53 =	vld [tilespmem:s28+$0x6A20]  }
0x154: {  	v11 =	vadd.f32 v59, v11;
	v59 =	vld [tilespmem:s28+$0x69D0]  }
0x155: {  	v21 =	vadd.f32 v35, v15;
	v35 =	vld [tilespmem:s28+$0x69E0]  }
0x156: {  	v15 =	vld [tilespmem:$0x1FB30]  }
0x157: {  	v6 =	vadd.f32 v55, v10;
	v10 =	vadd.f32 v60, v12;
	v55 =	vmul.f32 v39, v22;
	v39 =	vld [tilespmem:s28+$0x69F0]  }
0x158: {  	v13 =	vadd.f32 v63, v13;
	v60 =	vmul.f32 v40, v22;
	v63 =	vmul.f32 v41, v22;
	v41 =	vld [tilespmem:s28+$0x6A00]  }
0x159: {  	v12 =	vadd.f32 v36, v16;
	v36 =	vmul.f32 v44, v22;
	v38 =	vmul.f32 v45, v22;
	v45 =	vld [tilespmem:s28+$0x6A10]  }
0x15a: {  	v7 =	vadd.f32 v25, v7;
	v44 =	vmul.f32 v50, v22;
	v50 =	vmul.f32 v56, v22;
	v56 =	vld [tilespmem:s28+$0x6A30]  }
0x15b: {  	v25 =	vadd.f32 v54, v0;
	v40 =	vmul.f32 v47, v22;
	v54 =	vmul.f32 v58, v22;
	v58 =	vld [tilespmem:s28+$0x6A40]  }
0x15c: {  	v47 =	vmul.f32 v57, v22;
	v57 =	vmul.f32 v62, v22;
	v62 =	vld [tilespmem:$0x1FB10]  }
0x15d: {  	v16 =	vadd.f32 v55, v2;
	v55 =	vmul.f32 v61, v22;
	v61 =	vld [tilespmem:s28+$0x6A50];
	[tilespmem:$0x1FEC0] =	vst v19  }
0x15e: {  	v19 =	vld [tilespmem:s28+$0x6E40];
	[tilespmem:$0x1FE20] =	vst v59  }
0x15f: {  	[tilespmem:$0x1FE30] =	vst v35;
	v35 =	vadd.f32 v36, v7;
	v59 =	vld [tilespmem:$0x1FB00]  }
0x160: {  	v36 =	vadd.f32 v40, v5;
	v40 =	vadd.f32 v54, v11;
	v11 =	vld [tilespmem:$0x1FB20]  }
0x161: {  	v5 =	vld [tilespmem:s28+$0x6E20]  }
0x162: {  	v54 =	vld [tilespmem:s28+$0x6E60]  }
0x163: {  	v31 =	vadd.f32 v63, v1;
	[tilespmem:$0x1FE50] =	vst v41;
	v41 =	vadd.f32 v55, v10;
	v10 =	vld [tilespmem:s28+$0x6A60]  }
0x164: {  	v28 =	vadd.f32 v38, v4;
	[tilespmem:$0x1FE40] =	vst v39;
	v39 =	vadd.f32 v50, v6;
	v50 =	vld [tilespmem:$0x1FB50]  }
0x165: {  	v38 =	vadd.f32 v44, v9;
	v9 =	vimm.s32 $0x4;
	v63 =	vmul.f32 v62, v22;
	v62 =	vld [tilespmem:s28+$0x6E10]  }
0x166: {  	v44 =	vperm.xlane v23, v9;
	v6 =	vld [tilespmem:$0x1FB80]  }
0x167: {  	v55 =	vld [tilespmem:$0x1FBE0]  }
0x168: {  	v9 =	vmul.f32 v8, v44;
	v8 =	vld [tilespmem:$0x1FC10]  }
0x169: {  	v18 =	vadd.f32 v47, v18;
	v47 =	vadd.f32 v63, v21;
	v63 =	vld [tilespmem:$0x1FB70]  }
0x16a: {  	[tilespmem:$0x1FE90] =	vst v58;
	v58 =	vadd.f32 v9, v36;
	v36 =	vld [tilespmem:$0x1FBD0]  }
0x16b: {  	[tilespmem:$0x1FE10] =	vst v24;
	v21 =	vld [tilespmem:s28+$0x6E70]  }
0x16c: {  	v24 =	vadd.f32 v30, v14;
	v17 =	vmul.f32 v15, v22;
	[tilespmem:$0x1FF10] =	vst v19;
	v19 =	vld [tilespmem:s28+$0x6AA0]  }
0x16d: {  	v30 =	vadd.f32 v60, v3;
	v60 =	vmul.f32 v59, v22;
	v14 =	vmul.f32 v11, v22;
	v22 =	vld [tilespmem:$0x1FB40]  }
0x16e: {  	v59 =	vld [tilespmem:s28+$0x6E00]  }
0x16f: {  	[tilespmem:$0x1FF20] =	vst v54;
	v54 =	vld [tilespmem:$0x1FC60]  }
0x170: {  	[tilespmem:$0x1FEB0] =	vst v10;
	v10 =	vld [tilespmem:s28+$0x6E30]  }
0x171: {  	v7 =	vmul.f32 v6, v44;
	v6 =	vld [tilespmem:$0x1FC00]  }
0x172: {  	[tilespmem:$0x1FE70] =	vst v53;
	v53 =	vmul.f32 v50, v44;
	v50 =	vadd.f32 v17, v25;
	v25 =	vld [tilespmem:$0x1FC40]  }
0x173: {  	[tilespmem:$0x1FE60] =	vst v45;
	v45 =	vadd.f32 v60, v24;
	v60 =	vld [tilespmem:$0x1FB60]  }
0x174: {  	v12 =	vadd.f32 v14, v12;
	v14 =	vld [tilespmem:$0x1FBA0];
	v4 =	vmul.f32 v63, v44  }
0x175: {  	v30 =	vadd.f32 v53, v30;
	v53 =	vmul.f32 v36, v44;
	v24 =	vmul.f32 v22, v44;
	v22 =	vld [tilespmem:$0x1FBC0]  }
0x176: {  	v35 =	vadd.f32 v4, v35;
	v4 =	vld [tilespmem:$0x1FBF0]  }
0x177: {  	v9 =	vmul.f32 v8, v44;
	v63 =	vadd.f32 v53, v40;
	v40 =	vld [tilespmem:$0x1FCE0]  }
0x178: {  	v13 =	vadd.f32 v57, v13;
	[tilespmem:$0x1FF00] =	vst v10;
	v10 =	vld [tilespmem:$0x1FC20]  }
0x179: {  	v57 =	vadd.f32 v7, v28;
	v7 =	vmul.f32 v6, v44;
	v6 =	vadd.f32 v9, v47;
	v47 =	vld [tilespmem:s28+$0x6AB0]  }
0x17a: {  	[tilespmem:$0x1FE80] =	vst v56;
	v9 =	vld [tilespmem:s28+$0x6AD0]  }
0x17b: {  	[tilespmem:$0x1FED0] =	vst v59;
	v59 =	vmul.f32 v55, v44;
	v56 =	vadd.f32 v24, v16;
	v16 =	vld [tilespmem:$0x1FBB0]  }
0x17c: {  	v24 =	vld [tilespmem:s28+$0x6A80]  }
0x17d: {  	v15 =	vmul.f32 v14, v44;
	v41 =	vadd.f32 v59, v41;
	v59 =	vld [tilespmem:s28+$0x6AC0]  }
0x17e: {  	[tilespmem:$0x1FEA0] =	vst v61;
	v61 =	vmul.f32 v60, v44;
	v60 =	vld [tilespmem:$0x1FC70]  }
0x17f: {  	v38 =	vadd.f32 v15, v38;
	v15 =	vimm.s32 $0x5;
	v28 =	vmul.f32 v22, v44;
	v22 =	vld [tilespmem:s28+$0x6E50]  }
0x180: {  	v0 =	vperm.xlane v23, v15;
	v15 =	vld [tilespmem:s28+$0x6AF0]  }
0x181: {  	[tilespmem:$0x1FEF0] =	vst v5;
	v5 =	vmul.f32 v4, v44;
	v11 =	vmul.f32 v10, v44;
	v10 =	vld [tilespmem:$0x1FC90]  }
0x182: {  	v17 =	vmul.f32 v16, v44;
	v16 =	vld [tilespmem:s28+$0x6A90]  }
0x183: {  	v2 =	vadd.f32 v5, v13;
	v5 =	vld [tilespmem:$0x1FC80]  }
0x184: {  	v13 =	vld [tilespmem:$0x1FCA0]  }
0x185: {  	v4 =	vmul.f32 v60, v0;
	v60 =	vld [tilespmem:s28+$0x6E80]  }
0x186: {  	[tilespmem:$0x1FEE0] =	vst v62;
	v62 =	vadd.f32 v28, v39;
	v28 =	vmul.f32 v25, v0;
	v25 =	vld [tilespmem:$0x1FCD0]  }
0x187: {  	v55 =	vmul.f32 v54, v0;
	v54 =	vld [tilespmem:$0x1FD00]  }
0x188: {  	[tilespmem:$0x1FF60] =	vst v59;
	v59 =	vld [tilespmem:s28+$0x6EE0]  }
0x189: {  	v1 =	vmul.f32 v40, v0;
	v40 =	vld [tilespmem:$0x1FD70]  }
0x18a: {  	v39 =	vld [tilespmem:s28+$0x6F50]  }
0x18b: {  	v31 =	vadd.f32 v61, v31;
	v61 =	vadd.f32 v17, v18;
	v17 =	vld [tilespmem:$0x1FC30]  }
0x18c: {  	v8 =	vadd.f32 v11, v12;
	v12 =	vld [tilespmem:s28+$0x6AE0]  }
0x18d: {  	[tilespmem:$0x1FF90] =	vst v15;
	v15 =	vld [tilespmem:$0x1FD20]  }
0x18e: {  	v11 =	vmul.f32 v10, v0;
	[tilespmem:$0x1FF30] =	vst v16;
	v16 =	vld [tilespmem:$0x1FCB0]  }
0x18f: {  	[tilespmem:$0x1FF50] =	vst v47;
	v47 =	vadd.f32 v28, v56;
	v14 =	vmul.f32 v13, v0;
	v28 =	vmul.f32 v25, v0;
	v13 =	vld [tilespmem:s28+$0x6EC0]  }
0x190: {  	v56 =	vadd.f32 v55, v31;
	v25 =	vld [tilespmem:$0x1FD50];
	v31 =	vadd.f32 v11, v58;
	v18 =	vmul.f32 v17, v44  }
0x191: {  	v58 =	vadd.f32 v14, v38;
	v38 =	vadd.f32 v28, v63;
	v28 =	vld [tilespmem:$0x1FD60]  }
0x192: {  	v3 =	vadd.f32 v7, v45;
	v45 =	vadd.f32 v18, v50;
	v50 =	vld [tilespmem:$0x1FC50]  }
0x193: {  	v18 =	vld [tilespmem:$0x1FCC0]  }
0x194: {  	v55 =	vmul.f32 v54, v0;
	v54 =	vld [tilespmem:s28+$0x6B30];
	v11 =	vimm.s32 $0x6  }
0x195: {  	v14 =	vadd.f32 v1, v41;
	v63 =	vld [tilespmem:$0x1FD10];
	v1 =	vperm.xlane v23, v11  }
0x196: {  	v44 =	vld [tilespmem:s28+$0x6E90]  }
0x197: {  	v7 =	vmul.f32 v5, v0;
	v36 =	vmul.f32 v28, v1;
	v28 =	vld [tilespmem:$0x1FDD0]  }
0x198: {  	[tilespmem:$0x1FF40] =	vst v19;
	v53 =	vmul.f32 v50, v0;
	v19 =	vmul.f32 v18, v0;
	v50 =	vld [tilespmem:$0x1FCF0]  }
0x199: {  	v35 =	vadd.f32 v4, v35;
	[tilespmem:$0x1FF80] =	vst v12;
	v12 =	vadd.f32 v7, v57;
	v17 =	vmul.f32 v16, v0;
	v18 =	vld [tilespmem:$0x1FD30]  }
0x19a: {  	v11 =	vadd.f32 v55, v3;
	v7 =	vmul.f32 v63, v0;
	v5 =	vadd.f32 v19, v62;
	v19 =	vld [tilespmem:$0x1FD40]  }
0x19b: {  	v57 =	vld [tilespmem:s28+$0x6EF0];
	v51 =	vmul.f32 v51, v1;
	v4 =	vadd.f32 v17, v61;
	v17 =	vmul.f32 v15, v0  }
0x19c: {  	v55 =	vld [tilespmem:s28+$0x6B00];
	v3 =	vmul.f32 v25, v1;
	v7 =	vadd.f32 v7, v6;
	v30 =	vadd.f32 v53, v30  }
0x19d: {  	[tilespmem:$0x1FFB0] =	vst v13;
	v8 =	vadd.f32 v17, v8;
	v41 =	vadd.f32 v36, v56;
	v17 =	vld [tilespmem:$0x1FDB0];
	v53 =	vmul.f32 v50, v0  }
0x19e: {  	[tilespmem:$0x1FFA0] =	vst v44;
	v44 =	vld [tilespmem:$0x1FD80];
	v13 =	vadd.f32 v3, v30;
	v30 =	vmul.f32 v28, v1;
	v0 =	vmul.f32 v18, v0  }
0x19f: {  	v18 =	vmul.f32 v42, v1;
	v16 =	vadd.f32 v53, v2;
	v2 =	vmul.f32 v19, v1;
	v19 =	vld [tilespmem:$0x1FDC0]  }
0x1a0: {  	v61 =	vld [tilespmem:s28+$0x6EA0];
	v7 =	vadd.f32 v51, v7;
	v6 =	vadd.f32 v0, v45;
	v0 =	vmul.f32 v40, v1  }
0x1a1: {  	v14 =	vadd.f32 v30, v14;
	v45 =	vld [tilespmem:$0x1FD90];
	v5 =	vadd.f32 v18, v5  }
0x1a2: {  	[tilespmem:$0x1FF70] =	vst v9;
	v9 =	vadd.f32 v2, v47;
	v10 =	vadd.f32 v0, v35;
	v47 =	vld [tilespmem:$0x1FDA0];
	v0 =	vmul.f32 v17, v1  }
0x1a3: {  	v30 =	vld [tilespmem:$0x1FE00];
	v40 =	vmul.f32 v46, v1;
	v18 =	vimm.s32 $0x7;
	v2 =	vmul.f32 v44, v1  }
0x1a4: {  	v15 =	vadd.f32 v0, v4;
	v0 =	vperm.xlane v23, v18;
	v25 =	vmul.f32 v19, v1;
	v19 =	vld [tilespmem:$0x1FDE0]  }
0x1a5: {  	v49 =	vmul.f32 v49, v1;
	v35 =	vadd.f32 v40, v11;
	v2 =	vadd.f32 v2, v12;
	v18 =	vld [tilespmem:$0x1FE10]  }
0x1a6: {  	v3 =	vmul.f32 v45, v1;
	v12 =	vmul.f32 v52, v0;
	v4 =	vadd.f32 v25, v38;
	v25 =	vld [tilespmem:$0x1FDF0]  }
0x1a7: {  	v63 =	vld [tilespmem:s28+$0x6ED0];
	v17 =	vadd.f32 v49, v8;
	v8 =	vmul.f32 v32, v0;
	v50 =	vmul.f32 v47, v1  }
0x1a8: {  	v56 =	vld [tilespmem:s28+$0x6B20];
	v11 =	vmul.f32 v29, v0;
	v3 =	vadd.f32 v3, v31;
	v31 =	vmul.f32 v43, v1  }
0x1a9: {  	v36 =	vld [tilespmem:s28+$0x6B90];
	v29 =	vmul.f32 v27, v0;
	v58 =	vadd.f32 v50, v58;
	v1 =	vmul.f32 v19, v1  }
0x1aa: {  	v62 =	vld [tilespmem:s28+$0x6EB0];
	v16 =	vadd.f32 v31, v16;
	v31 =	vmul.f32 v30, v0;
	v30 =	vmul.f32 v48, v0  }
0x1ab: {  	v51 =	vld [tilespmem:s28+$0x6F10];
	v28 =	vmul.f32 v25, v0;
	v19 =	vadd.f32 v1, v6;
	v25 =	vmul.f32 v18, v0  }
0x1ac: {  	v42 =	vld [tilespmem:s28+$0x6F70];
	v6 =	vadd.f32 v31, v13;
	v13 =	vadd.f32 v12, v41;
	v31 =	vmul.f32 v34, v0  }
0x1ad: {  	v12 =	vadd.f32 v30, v3;
	v30 =	vld [tilespmem:$0x1FE20];
	v10 =	vadd.f32 v25, v10;
	v25 =	vmul.f32 v20, v0  }
0x1ae: {  	v34 =	vmul.f32 v33, v0;
	v33 =	vld [tilespmem:$0x1FE30];
	v9 =	vadd.f32 v28, v9;
	v49 =	vadd.f32 v31, v58  }
0x1af: {  	v28 =	vmul.f32 v37, v0;
	v58 =	vadd.f32 v25, v14;
	v14 =	vadd.f32 v29, v35;
	v35 =	vld [tilespmem:$0x1FE40]  }
0x1b0: {  	v53 =	vld [tilespmem:s28+$0x6B10]  }
0x1b1: {  	v5 =	vadd.f32 v8, v5;
	v8 =	vld [tilespmem:$0x1FE50];
	v18 =	vadd.f32 v28, v2;
	v28 =	vmul.f32 v26, v0  }
0x1b2: {  	v32 =	vimm.s32 $0x8;
	v38 =	vadd.f32 v34, v15;
	v26 =	vld [tilespmem:$0x1FE80]  }
0x1b3: {  	v15 =	vperm.xlane v23, v32;
	v31 =	vmul.f32 v30, v0;
	v20 =	vadd.f32 v28, v16;
	v16 =	vld [tilespmem:$0x1FE60]  }
0x1b4: {  	v46 =	vld [tilespmem:s28+$0x6B60];
	v1 =	vmul.f32 v33, v0;
	v0 =	vmul.f32 v35, v0  }
0x1b5: {  	v44 =	vld [tilespmem:s28+$0x6B70]  }
0x1b6: {  	v2 =	vmul.f32 v8, v15;
	v8 =	vadd.f32 v0, v19;
	v19 =	vld [tilespmem:$0x1FE70]  }
0x1b7: {  	v40 =	vld [tilespmem:s28+$0x6B80]  }
0x1b8: {  	v45 =	vld [tilespmem:s28+$0x6F00];
	v27 =	vmul.f32 v26, v15;
	v3 =	vmul.f32 v16, v15  }
0x1b9: {  	v41 =	vadd.f32 v11, v4;
	v11 =	vadd.f32 v31, v7;
	v7 =	vld [tilespmem:$0x1FE90]  }
0x1ba: {  	v16 =	vadd.f32 v3, v6;
	v6 =	vadd.f32 v27, v10;
	v10 =	vld [tilespmem:$0x1FEE0]  }
0x1bb: {  	v25 =	vmul.f32 v19, v15;
	v19 =	vld [tilespmem:$0x1FEA0]  }
0x1bc: {  	v52 =	vld [tilespmem:s28+$0x6F20]  }
0x1bd: {  	v47 =	vld [tilespmem:s28+$0x6B50]  }
0x1be: {  	v13 =	vadd.f32 v25, v13;
	v25 =	vld [tilespmem:$0x1FEB0]  }
0x1bf: {  	v43 =	vld [tilespmem:s28+$0x6F30];
	v7 =	vmul.f32 v7, v15  }
0x1c0: {  	v4 =	vld [tilespmem:$0x1FEC0];
	v0 =	vmul.f32 v19, v15;
	v19 =	vmul.f32 v10, v15  }
0x1c1: {  	v18 =	vadd.f32 v7, v18;
	v7 =	vld [tilespmem:$0x1FED0]  }
0x1c2: {  	v10 =	vadd.f32 v19, v41;
	v19 =	vld [tilespmem:$0x1FF20]  }
0x1c3: {  	v50 =	vld [tilespmem:s28+$0x6B40];
	v26 =	vmul.f32 v25, v15  }
0x1c4: {  	v48 =	vld [tilespmem:s28+$0x6F40]  }
0x1c5: {  	v17 =	vadd.f32 v1, v17;
	v1 =	vmul.f32 v4, v15;
	v49 =	vadd.f32 v26, v49;
	v26 =	vld [tilespmem:$0x1FEF0]  }
0x1c6: {  	v37 =	vld [tilespmem:s28+$0x6F60];
	v3 =	vmul.f32 v22, v15;
	v12 =	vadd.f32 v0, v12  }
0x1c7: {  	v0 =	vmul.f32 v7, v15;
	v7 =	vadd.f32 v1, v38;
	v38 =	vld [tilespmem:$0x1FF00];
	v22 =	vmul.f32 v19, v15  }
0x1c8: {  	v41 =	vld [tilespmem:$0x1FF10]  }
0x1c9: {  	v9 =	vadd.f32 v2, v9;
	v2 =	vadd.f32 v22, v17;
	v22 =	vld [tilespmem:$0x1FF40]  }
0x1ca: {  	v34 =	vld [tilespmem:s28+$0x6BA0];
	v5 =	vadd.f32 v0, v5;
	v0 =	vmul.f32 v26, v15  }
0x1cb: {  	v32 =	vld [tilespmem:s28+$0x6BD0];
	v19 =	vimm.s32 $0x9  }
0x1cc: {  	v29 =	vld [tilespmem:s28+$0x6F80];
	v4 =	vmul.f32 v38, v15;
	v58 =	vadd.f32 v0, v58;
	v0 =	vperm.xlane v23, v19  }
0x1cd: {  	v33 =	vld [tilespmem:s28+$0x6BE0];
	v1 =	vmul.f32 v41, v15  }
0x1ce: {  	v4 =	vadd.f32 v4, v20;
	v15 =	vmul.f32 v21, v15;
	v21 =	vld [tilespmem:$0x1FF30];
	v20 =	vmul.f32 v22, v0  }
0x1cf: {  	v30 =	vld [tilespmem:s28+$0x6BF0]  }
0x1d0: {  	v13 =	vadd.f32 v20, v13;
	v20 =	vld [tilespmem:$0x1FF70]  }
0x1d1: {  	v28 =	vld [tilespmem:s28+$0x6F90]  }
0x1d2: {  	v17 =	vld [tilespmem:$0x1FF50]  }
0x1d3: {  	v31 =	vld [tilespmem:s28+$0x6BC0];
	v8 =	vadd.f32 v15, v8;
	v15 =	vmul.f32 v21, v0  }
0x1d4: {  	v3 =	vadd.f32 v3, v11;
	v21 =	vld [tilespmem:$0x1FF80]  }
0x1d5: {  	v35 =	vld [tilespmem:s28+$0x6BB0];
	v11 =	vmul.f32 v24, v0;
	v15 =	vadd.f32 v15, v16;
	v16 =	vmul.f32 v20, v0  }
0x1d6: {  	v27 =	vld [tilespmem:s28+$0x6FA0]  }
0x1d7: {  	v9 =	vadd.f32 v11, v9;
	v11 =	vmul.f32 v17, v0;
	v12 =	vadd.f32 v16, v12;
	v16 =	vld [tilespmem:$0x1FF90]  }
0x1d8: {  	v25 =	vld [tilespmem:s28+$0x6FD0]  }
0x1d9: {  	v38 =	vld [tilespmem:s28+$0x6FB0];
	v6 =	vadd.f32 v11, v6;
	v11 =	vmul.f32 v21, v0  }
0x1da: {  	v19 =	vld [tilespmem:$0x1FF60]  }
0x1db: {  	v11 =	vadd.f32 v11, v49;
	v49 =	vld [tilespmem:$0x1FFA0]  }
0x1dc: {  	v41 =	vld [tilespmem:s28+$0x6FC0];
	v16 =	vmul.f32 v16, v0  }
0x1dd: {  	v26 =	vld [tilespmem:s28+$0x6FE0]  }
0x1de: {  	v7 =	vadd.f32 v16, v7;
	v16 =	vmul.f32 v62, v0;
	v62 =	vld [tilespmem:$0x1FFB0]  }
0x1df: {  	v24 =	vld [tilespmem:s28+$0x6FF0];
	v60 =	vmul.f32 v60, v0  }
0x1e0: {  	v14 =	vadd.f32 v1, v14;
	v22 =	vld [tilespmem:s28+$0x6C00];
	v1 =	vmul.f32 v19, v0;
	v49 =	vmul.f32 v49, v0  }
0x1e1: {  	v61 =	vmul.f32 v61, v0;
	v17 =	vld [tilespmem:s28+$0x6C50];
	v5 =	vadd.f32 v60, v5  }
0x1e2: {  	v60 =	vld [tilespmem:s28+$0x6C60];
	v1 =	vadd.f32 v1, v18;
	v10 =	vadd.f32 v49, v10  }
0x1e3: {  	v19 =	vld [tilespmem:s28+$0x6C10];
	v49 =	vadd.f32 v61, v58;
	v58 =	vmul.f32 v62, v0;
	v62 =	vimm.s32 $0xA  }
0x1e4: {  	v18 =	vld [tilespmem:s28+$0x6C40];
	v4 =	vadd.f32 v16, v4;
	v16 =	vmul.f32 v63, v0;
	v62 =	vperm.xlane v23, v62  }
0x1e5: {  	v21 =	vld [tilespmem:s28+$0x6C30];
	v14 =	vadd.f32 v58, v14;
	v58 =	vmul.f32 v59, v0;
	v0 =	vmul.f32 v57, v0  }
0x1e6: {  	v20 =	vld [tilespmem:s28+$0x6C20];
	v3 =	vadd.f32 v16, v3;
	v16 =	vmul.f32 v55, v62;
	v53 =	vmul.f32 v53, v62  }
0x1e7: {  	v61 =	vld [tilespmem:s28+$0x6C70];
	v59 =	vmul.f32 v50, v62;
	v47 =	vmul.f32 v47, v62  }
0x1e8: {  	v63 =	vld [tilespmem:s28+$0x7000];
	v44 =	vmul.f32 v44, v62;
	v51 =	vmul.f32 v51, v62  }
0x1e9: {  	v57 =	vld [tilespmem:s28+$0x7010];
	v43 =	vmul.f32 v43, v62;
	v39 =	vmul.f32 v39, v62  }
0x1ea: {  	v55 =	vld [tilespmem:s28+$0x7020];
	v37 =	vmul.f32 v37, v62;
	v2 =	vadd.f32 v58, v2;
	v58 =	vmul.f32 v54, v62  }
0x1eb: {  	v50 =	vld [tilespmem:s28+$0x7050];
	v0 =	vadd.f32 v0, v8;
	v8 =	vmul.f32 v56, v62;
	v9 =	vadd.f32 v16, v9  }
0x1ec: {  	v56 =	vld [tilespmem:s28+$0x7030];
	v15 =	vadd.f32 v53, v15;
	v6 =	vadd.f32 v58, v6;
	v58 =	vmul.f32 v46, v62  }
0x1ed: {  	v53 =	vld [tilespmem:s28+$0x7040];
	v1 =	vadd.f32 v59, v1;
	v12 =	vadd.f32 v47, v12;
	v59 =	vmul.f32 v45, v62  }
0x1ee: {  	v45 =	vld [tilespmem:s28+$0x7070];
	v7 =	vadd.f32 v44, v7;
	v11 =	vadd.f32 v58, v11;
	v58 =	vmul.f32 v52, v62  }
0x1ef: {  	v54 =	vimm.s32 $0xB;
	v44 =	vld [tilespmem:s28+$0x6C80];
	v10 =	vadd.f32 v51, v10;
	v4 =	vadd.f32 v43, v4  }
0x1f0: {  	v47 =	vld [tilespmem:s28+$0x6C90];
	v8 =	vadd.f32 v8, v13;
	v13 =	vadd.f32 v58, v49;
	v49 =	vperm.xlane v23, v54  }
0x1f1: {  	v51 =	vld [tilespmem:s28+$0x6CB0];
	v5 =	vadd.f32 v59, v5;
	v59 =	vmul.f32 v48, v62;
	v62 =	vmul.f32 v42, v62  }
0x1f2: {  	v3 =	vadd.f32 v39, v3;
	v39 =	vld [tilespmem:s28+$0x6CD0];
	v54 =	vmul.f32 v40, v49;
	v58 =	vmul.f32 v36, v49  }
0x1f3: {  	v46 =	vld [tilespmem:s28+$0x7060];
	v2 =	vadd.f32 v37, v2;
	v34 =	vmul.f32 v34, v49;
	v35 =	vmul.f32 v35, v49  }
0x1f4: {  	v37 =	vld [tilespmem:s28+$0x6CF0];
	v14 =	vadd.f32 v59, v14;
	v31 =	vmul.f32 v31, v49;
	v59 =	vmul.f32 v32, v49  }
0x1f5: {  	v48 =	vld [tilespmem:s28+$0x6CA0];
	v0 =	vadd.f32 v62, v0;
	v62 =	vmul.f32 v33, v49;
	v29 =	vmul.f32 v29, v49  }
0x1f6: {  	v52 =	vimm.s32 $0xC;
	v42 =	vld [tilespmem:s28+$0x6CC0];
	v28 =	vmul.f32 v28, v49;
	v27 =	vmul.f32 v27, v49  }
0x1f7: {  	v36 =	vld [tilespmem:s28+$0x6CE0];
	v40 =	vmul.f32 v25, v49;
	v25 =	vperm.xlane v23, v52;
	v9 =	vadd.f32 v54, v9  }
0x1f8: {  	v32 =	vld [tilespmem:s28+$0x7080];
	v26 =	vmul.f32 v26, v49;
	v15 =	vadd.f32 v58, v15;
	v8 =	vadd.f32 v34, v8  }
0x1f9: {  	v33 =	vld [tilespmem:s28+$0x7090];
	v24 =	vmul.f32 v24, v49;
	v6 =	vadd.f32 v35, v6;
	v1 =	vadd.f32 v31, v1  }
0x1fa: {  	v12 =	vadd.f32 v59, v12;
	v34 =	vmul.f32 v30, v49;
	v30 =	vld [tilespmem:s28+$0x70A0];
	v11 =	vadd.f32 v62, v11  }
0x1fb: {  	v31 =	vld [tilespmem:s28+$0x70B0];
	v5 =	vadd.f32 v29, v5;
	v35 =	vmul.f32 v38, v49;
	v38 =	vmul.f32 v41, v49  }
0x1fc: {  	v29 =	vld [tilespmem:s28+$0x70C0];
	v10 =	vadd.f32 v28, v10;
	v41 =	vmul.f32 v22, v25;
	v19 =	vmul.f32 v19, v25  }
0x1fd: {  	v13 =	vadd.f32 v27, v13;
	v28 =	vld [tilespmem:s28+$0x70D0];
	v20 =	vmul.f32 v20, v25;
	v43 =	vmul.f32 v21, v25  }
0x1fe: {  	v27 =	vld [tilespmem:s28+$0x70F0];
	v3 =	vadd.f32 v40, v3;
	v18 =	vmul.f32 v18, v25;
	v17 =	vmul.f32 v17, v25  }
0x1ff: {  	v22 =	vld [tilespmem:s28+$0x6D00];
	v2 =	vadd.f32 v26, v2;
	v49 =	vmul.f32 v60, v25;
	v52 =	vmul.f32 v61, v25  }
0x200: {  	v0 =	vadd.f32 v24, v0;
	v24 =	vld [tilespmem:s28+$0x6D10];
	v54 =	vmul.f32 v63, v25;
	v57 =	vmul.f32 v57, v25  }
0x201: {  	v26 =	vld [tilespmem:s28+$0x6D40];
	v58 =	vmul.f32 v55, v25;
	v59 =	vmul.f32 v56, v25;
	v7 =	vadd.f32 v34, v7  }
0x202: {  	v21 =	vld [tilespmem:s28+$0x6D60];
	v60 =	vmul.f32 v53, v25;
	v4 =	vadd.f32 v35, v4;
	v14 =	vadd.f32 v38, v14  }
0x203: {  	v63 =	vmul.f32 v46, v25;
	v46 =	vld [tilespmem:s28+$0x7110];
	v9 =	vadd.f32 v41, v9;
	v15 =	vadd.f32 v19, v15  }
0x204: {  	v61 =	vmul.f32 v50, v25;
	v40 =	vld [tilespmem:s28+$0x71E0];
	v8 =	vadd.f32 v20, v8;
	v6 =	vadd.f32 v43, v6  }
0x205: {  	v62 =	vimm.s32 $0xD;
	v34 =	vld [tilespmem:s28+$0x70E0];
	v1 =	vadd.f32 v18, v1;
	v12 =	vadd.f32 v17, v12  }
0x206: {  	v53 =	vimm.s32 $0xE;
	v19 =	vld [tilespmem:s28+$0x6D20];
	v11 =	vadd.f32 v49, v11;
	v5 =	vadd.f32 v54, v5  }
0x207: {  	v20 =	vld [tilespmem:s28+$0x6D30];
	v10 =	vadd.f32 v57, v10;
	v13 =	vadd.f32 v58, v13;
	v43 =	vperm.xlane v23, v62  }
0x208: {  	v18 =	vld [tilespmem:s28+$0x6D50];
	v49 =	vmul.f32 v45, v25;
	v3 =	vadd.f32 v61, v3;
	v2 =	vadd.f32 v63, v2  }
0x209: {  	v38 =	vld [tilespmem:s28+$0x6D70];
	v7 =	vadd.f32 v52, v7;
	v50 =	vmul.f32 v44, v43;
	v52 =	vmul.f32 v47, v43  }
0x20a: {  	v41 =	vld [tilespmem:s28+$0x7100];
	v63 =	vimm.s32 $0xF;
	v54 =	vmul.f32 v48, v43;
	v55 =	vmul.f32 v51, v43  }
0x20b: {  	v25 =	vld [tilespmem:s28+$0x7120];
	v4 =	vadd.f32 v59, v4;
	v42 =	vmul.f32 v42, v43;
	v56 =	vmul.f32 v39, v43  }
0x20c: {  	v35 =	vld [tilespmem:s28+$0x7130];
	v14 =	vadd.f32 v60, v14;
	v57 =	vmul.f32 v36, v43;
	v58 =	vmul.f32 v37, v43  }
0x20d: {  	v45 =	vld [tilespmem:s28+$0x7150];
	v0 =	vadd.f32 v49, v0;
	v32 =	vmul.f32 v32, v43;
	v59 =	vmul.f32 v33, v43  }
0x20e: {  	v44 =	vld [tilespmem:s28+$0x7140];
	v30 =	vmul.f32 v30, v43;
	v60 =	vmul.f32 v31, v43;
	v9 =	vadd.f32 v50, v9  }
0x20f: {  	v39 =	vld [tilespmem:s28+$0x7160];
	v61 =	vmul.f32 v29, v43;
	v15 =	vadd.f32 v52, v15;
	v8 =	vadd.f32 v54, v8  }
0x210: {  	v36 =	vld [tilespmem:s28+$0x7170];
	v62 =	vmul.f32 v28, v43;
	v6 =	vadd.f32 v55, v6;
	v1 =	vadd.f32 v42, v1  }
0x211: {  	v37 =	vld [tilespmem:s28+$0x6D80];
	v28 =	vperm.xlane v23, v53;
	v12 =	vadd.f32 v56, v12;
	v11 =	vadd.f32 v57, v11  }
0x212: {  	v33 =	vld [tilespmem:s28+$0x6D90];
	v27 =	vmul.f32 v27, v43;
	v7 =	vadd.f32 v58, v7;
	v5 =	vadd.f32 v32, v5  }
0x213: {  	v49 =	vld [tilespmem:s28+$0x6DE0];
	v10 =	vadd.f32 v59, v10;
	v13 =	vadd.f32 v30, v13;
	v42 =	vmul.f32 v34, v43  }
0x214: {  	v51 =	vld [tilespmem:s28+$0x6DF0];
	v4 =	vadd.f32 v60, v4;
	v47 =	vmul.f32 v22, v28;
	v48 =	vmul.f32 v24, v28  }
0x215: {  	v31 =	vld [tilespmem:s28+$0x6DA0];
	v14 =	vadd.f32 v61, v14;
	v50 =	vmul.f32 v19, v28;
	v52 =	vmul.f32 v20, v28  }
0x216: {  	v29 =	vld [tilespmem:s28+$0x6DB0];
	v3 =	vadd.f32 v62, v3;
	v54 =	vmul.f32 v26, v28;
	v18 =	vmul.f32 v18, v28  }
0x217: {  	v53 =	vld [tilespmem:s28+$0x7180];
	v0 =	vadd.f32 v27, v0;
	v56 =	vmul.f32 v21, v28;
	v21 =	vperm.xlane v23, v63  }
0x218: {  	v32 =	vld [tilespmem:s28+$0x6DD0];
	v58 =	vmul.f32 v38, v28;
	v60 =	vmul.f32 v41, v28;
	v2 =	vadd.f32 v42, v2  }
0x219: {  	v55 =	vld [tilespmem:s28+$0x7190];
	v63 =	vmul.f32 v46, v28;
	v9 =	vadd.f32 v47, v9;
	v15 =	vadd.f32 v48, v15  }
0x21a: {  	v57 =	vld [tilespmem:s28+$0x71A0];
	v43 =	vmul.f32 v25, v28;
	v8 =	vadd.f32 v50, v8;
	v6 =	vadd.f32 v52, v6  }
0x21b: {  	v59 =	vld [tilespmem:s28+$0x71B0];
	v1 =	vadd.f32 v54, v1;
	v12 =	vadd.f32 v18, v12;
	v61 =	vmul.f32 v37, v21  }
0x21c: {  	v30 =	vld [tilespmem:s28+$0x6DC0];
	v11 =	vadd.f32 v56, v11;
	v7 =	vadd.f32 v58, v7;
	v33 =	vmul.f32 v33, v21  }
0x21d: {  	s29 =	sshll.u32 s26, $0x7;
	v62 =	vld [tilespmem:s28+$0x71C0];
	v5 =	vadd.f32 v60, v5;
	v38 =	vmul.f32 v31, v21;
	v9 =	vadd.f32 v61, v9  }
0x21e: {  	s29 =	sand.u32 $0x3FFFFF80, s29;
	v41 =	vld [tilespmem:s28+$0x71F0];
	v10 =	vadd.f32 v63, v10;
	v42 =	vmul.f32 v29, v21;
	v15 =	vadd.f32 v33, v15  }
0x21f: {  	v37 =	vld [tilespmem:s28+$0x71D0];
	v47 =	vmul.f32 v35, v28;
	v52 =	vmul.f32 v53, v21;
	v8 =	vadd.f32 v38, v8;
	[tilespmem:s29+$0x16200] =	vst v9  }
0x220: {  	v49 =	vmul.f32 v49, v21;
	v48 =	vmul.f32 v32, v21;
	v6 =	vadd.f32 v42, v6;
	[tilespmem:s29+$0x16210] =	vst v15  }
0x221: {  	v4 =	vadd.f32 v47, v4;
	v54 =	vmul.f32 v55, v21;
	v5 =	vadd.f32 v52, v5;
	[tilespmem:s29+$0x16220] =	vst v8  }
0x222: {  	v55 =	vmul.f32 v57, v21;
	v57 =	vmul.f32 v59, v21;
	v12 =	vadd.f32 v48, v12;
	[tilespmem:s29+$0x16230] =	vst v6  }
0x223: {  	v58 =	vmul.f32 v39, v28;
	v46 =	vmul.f32 v30, v21;
	v56 =	vadd.f32 v54, v10;
	[tilespmem:s29+$0x16600] =	vst v5  }
0x224: {  	v50 =	vmul.f32 v51, v21;
	v60 =	vmul.f32 v36, v28;
	v4 =	vadd.f32 v57, v4;
	[tilespmem:s29+$0x16250] =	vst v12  }
0x225: {  	v53 =	vmul.f32 v45, v28;
	v2 =	vadd.f32 v58, v2;
	v1 =	vadd.f32 v46, v1;
	[tilespmem:s29+$0x16610] =	vst v56  }
0x226: {  	v59 =	vmul.f32 v62, v21;
	v62 =	vmul.f32 v40, v21;
	v8 =	vadd.f32 v49, v11;
	[tilespmem:s29+$0x16630] =	vst v4  }
0x227: {  	v0 =	vadd.f32 v60, v0;
	v63 =	vmul.f32 v41, v21;
	v6 =	vadd.f32 v50, v7;
	[tilespmem:s29+$0x16240] =	vst v1  }
0x228: {  	v51 =	vmul.f32 v44, v28;
	v9 =	vadd.f32 v43, v13;
	v2 =	vadd.f32 v62, v2;
	[tilespmem:s29+$0x16260] =	vst v8  }
0x229: {  	p1 =	sne.s32 s26, $0x7;
	v3 =	vadd.f32 v53, v3;
	v61 =	vmul.f32 v37, v21;
	v0 =	vadd.f32 v63, v0;
	[tilespmem:s29+$0x16270] =	vst v6  }
.Ltmp0:
0x22a: {  	v1 =	vadd.f32 v51, v14;
	v8 =	vadd.f32 v55, v9;
	[tilespmem:s29+$0x16660] =	vst v2;
	(pc) =	sbr.rel @p1 .LBB2_3-.Ltmp0, $4  }
0x22b: {  	v3 =	vadd.f32 v61, v3;
	[tilespmem:s29+$0x16670] =	vst v0  }
0x22c: {  	v1 =	vadd.f32 v59, v1;
	[tilespmem:s29+$0x16620] =	vst v8  }
0x22d: {  	[tilespmem:s29+$0x16650] =	vst v3  }
0x22e: {  	s26 =	sadd.s32 $0x1, s26;
	[tilespmem:s29+$0x16640] =	vst v1  }
0x22f: {  	p1 =	sne.s32 s21, $0x30  }
.Ltmp1:
0x230: {  	_ = 	snop;
	(pc) =	sbr.rel @p1 .LBB2_6-.Ltmp1, $4  }
0x231: {  	s25 =	sadd.s32 s5, s25  }
0x232: {  	s25 =	sshll.u32 s25, $0x8  }
0x233: {  	s25 =	sadd.s32 s2, s25  }
0x234: {  	[hbm4b:s25+s3] =	stream.linear.scatter [tilespmem:s17], [sflag:$0x3], $0x800, $0x38;
	[tilespmem:$0x17200] =	vst v63  }
.Ltmp2:
0x235: {  	(pc) =	sbr.rel .LBB2_7-.Ltmp2, $4  }
0x236: {  	_ = 	snop  }
0x237: {  	_ =	swait.ge [sflag:s18], $0x8000  }
0x238: {  	[sflag:s18] =	ssyncset.done $0x0  }
0x239: {  	[sflag:s18] =	ssyncadd.s32 $0xFFFF8000  }
.LBB2_6:
0x23a: {  	v0 =	vld [tilespmem:s24+$0x100];
	_ =	sdelay $0x2  }
0x23b: {  	v2 =	vld [tilespmem:$0x1FFD0]  }
0x23c: {  	v3 =	vld [tilespmem:$0x1FFE0]  }
0x23d: {  	v4 =	vld [tilespmem:$0x1FFF0];
	v1 =	vshll.u32 v0, $0x1  }
0x23e: {  	v0 =	vand.u32 $0x7, v0;
	v1 =	vand.u32 $0xFFFFFFF0, v1  }
0x23f: {  	v0 =	vor.u32 v0, v1  }
0x240: {  	v1 =	vperm.xlane v0, v2;
	_ =	sdelay $0x1  }
0x241: {  	v0 =	vperm.xlane v0, v4;
	v1 =	vadd.s32 v3, v1;
	_ =	sdelay $0x1  }
0x242: {  	v0 =	vadd.s32 v3, v0;
	_ =	sdelay $0x1  }
0x243: {  	s25 =	simm.s32 $0x6200  }
0x244: {  	[tilespmem:s25], [sflag:$0x1] =	stream.indirect_vreg.gather [hbm4b:s4+s3], $0x80, v1, vm0, $0xb8;
	[tilespmem:$0x17200] =	vst v63  }
0x245: {  	s26 =	simm.s32 $0x6A00  }
0x246: {  	[tilespmem:s26], [sflag:$0x1] =	stream.indirect_vreg.gather [hbm4b:s4+s3], $0x80, v0, vm0, $0xb8;
	[tilespmem:$0x17200] =	vst v63  }
0x247: {  	v0 =	vld [tilespmem:s24+$0x110];
	_ =	sdelay $0x4  }
0x248: {  	v57 =	vshll.u32 v0, $0x1  }
0x249: {  	v0 =	vand.u32 $0x7, v0;
	v1 =	vand.u32 $0xFFFFFFF0, v57  }
0x24a: {  	v0 =	vor.u32 v0, v1  }
0x24b: {  	v1 =	vperm.xlane v0, v2;
	_ =	sdelay $0x1  }
0x24c: {  	v0 =	vperm.xlane v0, v4;
	v1 =	vadd.s32 v3, v1;
	_ =	sdelay $0x1  }
0x24d: {  	v0 =	vadd.s32 v3, v0;
	_ =	sdelay $0x1  }
0x24e: {  	s28 =	simm.s32 $0x7200  }
0x24f: {  	[tilespmem:s28], [sflag:$0x1] =	stream.indirect_vreg.gather [hbm4b:s4+s3], $0x80, v1, vm0, $0xb8;
	[tilespmem:$0x17200] =	vst v63  }
0x250: {  	s29 =	simm.s32 $0x7A00  }
0x251: {  	[tilespmem:s29], [sflag:$0x1] =	stream.indirect_vreg.gather [hbm4b:s4+s3], $0x80, v0, vm0, $0xb8;
	[tilespmem:$0x17200] =	vst v63  }
0x252: {  	v0 =	vld [tilespmem:s24+$0x120];
	_ =	sdelay $0x4  }
0x253: {  	v58 =	vshll.u32 v0, $0x1  }
0x254: {  	v0 =	vand.u32 $0x7, v0;
	v1 =	vand.u32 $0xFFFFFFF0, v58  }
0x255: {  	v0 =	vor.u32 v0, v1  }
0x256: {  	v1 =	vperm.xlane v0, v2;
	_ =	sdelay $0x1  }
0x257: {  	v0 =	vperm.xlane v0, v4;
	v1 =	vadd.s32 v3, v1;
	_ =	sdelay $0x1  }
0x258: {  	v0 =	vadd.s32 v3, v0;
	_ =	sdelay $0x1  }
0x259: {  	s26 =	simm.s32 $0x8200  }
0x25a: {  	[tilespmem:s26], [sflag:$0x1] =	stream.indirect_vreg.gather [hbm4b:s4+s3], $0x80, v1, vm0, $0xb8;
	[tilespmem:$0x17200] =	vst v63  }
0x25b: {  	s28 =	simm.s32 $0x8A00  }
0x25c: {  	[tilespmem:s28], [sflag:$0x1] =	stream.indirect_vreg.gather [hbm4b:s4+s3], $0x80, v0, vm0, $0xb8;
	[tilespmem:$0x17200] =	vst v63  }
0x25d: {  	v0 =	vld [tilespmem:s24+$0x130];
	_ =	sdelay $0x4  }
0x25e: {  	v59 =	vshll.u32 v0, $0x1  }
0x25f: {  	v0 =	vand.u32 $0x7, v0;
	v1 =	vand.u32 $0xFFFFFFF0, v59  }
0x260: {  	v0 =	vor.u32 v0, v1  }
0x261: {  	v1 =	vperm.xlane v0, v2;
	_ =	sdelay $0x1  }
0x262: {  	v0 =	vperm.xlane v0, v4;
	v1 =	vadd.s32 v3, v1;
	_ =	sdelay $0x1  }
0x263: {  	v0 =	vadd.s32 v3, v0;
	_ =	sdelay $0x1  }
0x264: {  	s29 =	simm.s32 $0x9200  }
0x265: {  	[tilespmem:s29], [sflag:$0x1] =	stream.indirect_vreg.gather [hbm4b:s4+s3], $0x80, v1, vm0, $0xb8;
	[tilespmem:$0x17200] =	vst v63  }
0x266: {  	s26 =	simm.s32 $0x9A00  }
0x267: {  	[tilespmem:s26], [sflag:$0x1] =	stream.indirect_vreg.gather [hbm4b:s4+s3], $0x80, v0, vm0, $0xb8;
	[tilespmem:$0x17200] =	vst v63  }
0x268: {  	v0 =	vld [tilespmem:s24+$0x140];
	_ =	sdelay $0x4  }
0x269: {  	v60 =	vshll.u32 v0, $0x1  }
0x26a: {  	v0 =	vand.u32 $0x7, v0;
	v1 =	vand.u32 $0xFFFFFFF0, v60  }
0x26b: {  	v0 =	vor.u32 v0, v1  }
0x26c: {  	v1 =	vperm.xlane v0, v2;
	_ =	sdelay $0x1  }
0x26d: {  	v0 =	vperm.xlane v0, v4;
	v1 =	vadd.s32 v3, v1;
	_ =	sdelay $0x1  }
0x26e: {  	v0 =	vadd.s32 v3, v0;
	_ =	sdelay $0x1  }
0x26f: {  	s28 =	simm.s32 $0xA200  }
0x270: {  	[tilespmem:s28], [sflag:$0x1] =	stream.indirect_vreg.gather [hbm4b:s4+s3], $0x80, v1, vm0, $0xb8;
	[tilespmem:$0x17200] =	vst v63  }
0x271: {  	s29 =	simm.s32 $0xAA00  }
0x272: {  	[tilespmem:s29], [sflag:$0x1] =	stream.indirect_vreg.gather [hbm4b:s4+s3], $0x80, v0, vm0, $0xb8;
	[tilespmem:$0x17200] =	vst v63  }
0x273: {  	v0 =	vld [tilespmem:s24+$0x150];
	_ =	sdelay $0x4  }
0x274: {  	v61 =	vshll.u32 v0, $0x1  }
0x275: {  	v0 =	vand.u32 $0x7, v0;
	v1 =	vand.u32 $0xFFFFFFF0, v61  }
0x276: {  	v0 =	vor.u32 v0, v1  }
0x277: {  	v1 =	vperm.xlane v0, v2;
	_ =	sdelay $0x1  }
0x278: {  	v0 =	vperm.xlane v0, v4;
	v1 =	vadd.s32 v3, v1;
	_ =	sdelay $0x1  }
0x279: {  	v0 =	vadd.s32 v3, v0;
	_ =	sdelay $0x1  }
0x27a: {  	s26 =	simm.s32 $0xB200  }
0x27b: {  	[tilespmem:s26], [sflag:$0x1] =	stream.indirect_vreg.gather [hbm4b:s4+s3], $0x80, v1, vm0, $0xb8;
	[tilespmem:$0x17200] =	vst v63  }
0x27c: {  	s28 =	simm.s32 $0xBA00  }
0x27d: {  	[tilespmem:s28], [sflag:$0x1] =	stream.indirect_vreg.gather [hbm4b:s4+s3], $0x80, v0, vm0, $0xb8;
	[tilespmem:$0x17200] =	vst v63  }
0x27e: {  	v0 =	vld [tilespmem:s24+$0x160];
	_ =	sdelay $0x4  }
0x27f: {  	v62 =	vshll.u32 v0, $0x1  }
0x280: {  	v0 =	vand.u32 $0x7, v0;
	v1 =	vand.u32 $0xFFFFFFF0, v62  }
0x281: {  	v0 =	vor.u32 v0, v1  }
0x282: {  	v1 =	vperm.xlane v0, v2;
	_ =	sdelay $0x1  }
0x283: {  	v0 =	vperm.xlane v0, v4;
	v1 =	vadd.s32 v3, v1;
	_ =	sdelay $0x1  }
0x284: {  	v0 =	vadd.s32 v3, v0;
	_ =	sdelay $0x1  }
0x285: {  	s29 =	simm.s32 $0xC200  }
0x286: {  	[tilespmem:s29], [sflag:$0x1] =	stream.indirect_vreg.gather [hbm4b:s4+s3], $0x80, v1, vm0, $0xb8;
	[tilespmem:$0x17200] =	vst v63  }
0x287: {  	s26 =	simm.s32 $0xCA00  }
0x288: {  	[tilespmem:s26], [sflag:$0x1] =	stream.indirect_vreg.gather [hbm4b:s4+s3], $0x80, v0, vm0, $0xb8;
	[tilespmem:$0x17200] =	vst v63  }
0x289: {  	v0 =	vld [tilespmem:s24+$0x170];
	_ =	sdelay $0x4  }
0x28a: {  	v63 =	vshll.u32 v0, $0x1  }
0x28b: {  	v0 =	vand.u32 $0x7, v0;
	v1 =	vand.u32 $0xFFFFFFF0, v63  }
0x28c: {  	v0 =	vor.u32 v0, v1  }
0x28d: {  	v1 =	vperm.xlane v0, v2;
	_ =	sdelay $0x1  }
0x28e: {  	v0 =	vperm.xlane v0, v4;
	v1 =	vadd.s32 v3, v1;
	_ =	sdelay $0x1  }
0x28f: {  	v0 =	vadd.s32 v3, v0;
	_ =	sdelay $0x1  }
0x290: {  	s28 =	simm.s32 $0xD200  }
0x291: {  	[tilespmem:s28], [sflag:$0x1] =	stream.indirect_vreg.gather [hbm4b:s4+s3], $0x80, v1, vm0, $0xb8;
	[tilespmem:$0x17200] =	vst v63  }
.Ltmp3:
0x292: {  	s29 =	simm.s32 $0xDA00;
	(pc) =	sbr.rel @p0 .LBB2_8-.Ltmp3, $4  }
0x293: {  	[tilespmem:s29], [sflag:$0x1] =	stream.indirect_vreg.gather [hbm4b:s4+s3], $0x80, v0, vm0, $0xb8;
	[tilespmem:$0x17200] =	vst v63  }
0x294: {  	_ =	swait.ge [sflag:s18], $0x8000  }
0x295: {  	[sflag:s18] =	ssyncset.done $0x0  }
0x296: {  	[sflag:s18] =	ssyncadd.s32 $0xFFFF8000  }
.LBB2_7:
0x297: {  	_ =	swait.ge [sflag:s19], $0x800  }
0x298: {  	[sflag:s19] =	ssyncset.done $0x0  }
0x299: {  	[sflag:s19] =	ssyncadd.s32 $0xFFFFF800  }
.LBB2_8:
0x29a: {  	s24 =	sadd.s32 $0x3100, s23  }
0x29b: {  	v0 =	vmov s24  }
0x29c: {  	s23 =	simm.s32 $0x0;
	[tilespmem:$0x1FAF0] =	vst v0  }
.LBB2_9:
0x29d: {  	s25 =	sshll.u32 s23, $0xC  }
0x29e: {  	s26 =	sand.u32 $0x3FFFF000, s25  }
0x29f: {  	v62 =	vld [tilespmem:s26+$0xE7C0];
	_ =	sdelay $0x4  }
0x2a0: {  	[tilespmem:$0x1F650] =	vst v62;
	v62 =	vld [tilespmem:s26+$0xE7D0];
	_ =	sdelay $0x4  }
0x2a1: {  	[tilespmem:$0x1F660] =	vst v62;
	v62 =	vld [tilespmem:s26+$0xE7E0];
	_ =	sdelay $0x4  }
0x2a2: {  	[tilespmem:$0x1F670] =	vst v62;
	v62 =	vld [tilespmem:s26+$0xE7F0];
	_ =	sdelay $0x4  }
0x2a3: {  	[tilespmem:$0x1F680] =	vst v62;
	v62 =	vld [tilespmem:s26+$0xE400];
	_ =	sdelay $0x4  }
0x2a4: {  	[tilespmem:$0x1F690] =	vst v62;
	v62 =	vld [tilespmem:s26+$0xE410];
	_ =	sdelay $0x4  }
0x2a5: {  	[tilespmem:$0x1F6A0] =	vst v62;
	v62 =	vld [tilespmem:s26+$0xE420];
	_ =	sdelay $0x4  }
0x2a6: {  	[tilespmem:$0x1F6B0] =	vst v62;
	v62 =	vld [tilespmem:s26+$0xE430];
	_ =	sdelay $0x4  }
0x2a7: {  	[tilespmem:$0x1F6C0] =	vst v62;
	v62 =	vld [tilespmem:s26+$0xE440];
	_ =	sdelay $0x4  }
0x2a8: {  	[tilespmem:$0x1F6D0] =	vst v62;
	v62 =	vld [tilespmem:s26+$0xE450];
	_ =	sdelay $0x4  }
0x2a9: {  	[tilespmem:$0x1F6E0] =	vst v62;
	v62 =	vld [tilespmem:s26+$0xE460];
	_ =	sdelay $0x4  }
0x2aa: {  	[tilespmem:$0x1F6F0] =	vst v62;
	v62 =	vld [tilespmem:s26+$0xE470];
	_ =	sdelay $0x4  }
0x2ab: {  	[tilespmem:$0x1F700] =	vst v62;
	v62 =	vld [tilespmem:s26+$0xE800];
	_ =	sdelay $0x4  }
0x2ac: {  	[tilespmem:$0x1F710] =	vst v62;
	v62 =	vld [tilespmem:s26+$0xE810];
	_ =	sdelay $0x4  }
0x2ad: {  	[tilespmem:$0x1F720] =	vst v62;
	v62 =	vld [tilespmem:s26+$0xE820];
	_ =	sdelay $0x4  }
0x2ae: {  	[tilespmem:$0x1F730] =	vst v62;
	v62 =	vld [tilespmem:s26+$0xE830];
	_ =	sdelay $0x4  }
0x2af: {  	[tilespmem:$0x1F740] =	vst v62;
	v62 =	vld [tilespmem:s26+$0xE840];
	_ =	sdelay $0x4  }
0x2b0: {  	[tilespmem:$0x1F750] =	vst v62;
	v62 =	vld [tilespmem:s26+$0xE850];
	_ =	sdelay $0x4  }
0x2b1: {  	[tilespmem:$0x1F760] =	vst v62;
	v62 =	vld [tilespmem:s26+$0xE860];
	_ =	sdelay $0x4  }
0x2b2: {  	[tilespmem:$0x1F770] =	vst v62;
	v62 =	vld [tilespmem:s26+$0xE870];
	_ =	sdelay $0x4  }
0x2b3: {  	[tilespmem:$0x1F780] =	vst v62;
	v62 =	vld [tilespmem:s26+$0xE480];
	_ =	sdelay $0x1  }
0x2b4: {  	v0 =	vld [tilespmem:$0x1FAF0]  }
0x2b5: {  	v3 =	vld [tilespmem:s26+$0xE200]  }
0x2b6: {  	v4 =	vld [tilespmem:s26+$0xE210]  }
0x2b7: {  	[tilespmem:$0x1F790] =	vst v62;
	v62 =	vld [tilespmem:s26+$0xE490]  }
0x2b8: {  	v10 =	vld [tilespmem:s26+$0xE220]  }
0x2b9: {  	v9 =	vld [tilespmem:s26+$0xE230]  }
0x2ba: {  	v11 =	vld [tilespmem:s26+$0xE240]  }
0x2bb: {  	v17 =	vld [tilespmem:s26+$0xE250]  }
0x2bc: {  	[tilespmem:$0x1F7A0] =	vst v62;
	v62 =	vld [tilespmem:s26+$0xE4A0]  }
0x2bd: {  	v16 =	vld [tilespmem:s26+$0xE260]  }
0x2be: {  	v18 =	vld [tilespmem:s26+$0xE270]  }
0x2bf: {  	v19 =	vld [tilespmem:s26+$0xE600]  }
0x2c0: {  	v42 =	vld [tilespmem:s26+$0xE610]  }
0x2c1: {  	[tilespmem:$0x1F7B0] =	vst v62;
	v62 =	vld [tilespmem:s26+$0xE4B0]  }
0x2c2: {  	v43 =	vld [tilespmem:s26+$0xE620]  }
0x2c3: {  	v46 =	vld [tilespmem:s26+$0xE630]  }
0x2c4: {  	v51 =	vld [tilespmem:s26+$0xE640]  }
0x2c5: {  	v48 =	vld [tilespmem:s26+$0xE650]  }
0x2c6: {  	[tilespmem:$0x1F7C0] =	vst v62;
	v62 =	vld [tilespmem:s26+$0xE4C0]  }
0x2c7: {  	v49 =	vld [tilespmem:s26+$0xE660]  }
0x2c8: {  	v52 =	vld [tilespmem:s26+$0xE670]  }
0x2c9: {  	v2 =	vld [tilespmem:s26+$0xE280]  }
0x2ca: {  	v5 =	vld [tilespmem:s26+$0xE290]  }
0x2cb: {  	[tilespmem:$0x1F7D0] =	vst v62;
	v62 =	vld [tilespmem:s26+$0xE4D0]  }
0x2cc: {  	v6 =	vld [tilespmem:s26+$0xE2A0]  }
0x2cd: {  	v7 =	vld [tilespmem:s26+$0xE2B0]  }
0x2ce: {  	v8 =	vld [tilespmem:s26+$0xE2C0]  }
0x2cf: {  	v12 =	vld [tilespmem:s26+$0xE2D0]  }
0x2d0: {  	[tilespmem:$0x1F7E0] =	vst v62;
	v62 =	vld [tilespmem:s26+$0xE4E0]  }
0x2d1: {  	v13 =	vld [tilespmem:s26+$0xE2E0]  }
0x2d2: {  	v14 =	vld [tilespmem:s26+$0xE2F0]  }
0x2d3: {  	v15 =	vld [tilespmem:s26+$0xE680]  }
0x2d4: {  	v21 =	vld [tilespmem:s26+$0xE690]  }
0x2d5: {  	[tilespmem:$0x1F7F0] =	vst v62;
	v62 =	vld [tilespmem:s26+$0xE4F0]  }
0x2d6: {  	v22 =	vld [tilespmem:s26+$0xE6A0]  }
0x2d7: {  	v54 =	vld [tilespmem:s26+$0xE6B0]  }
0x2d8: {  	v20 =	vld [tilespmem:s26+$0xE6C0]  }
0x2d9: {  	s24 =	sshll.u32 s23, $0x4;
	v24 =	vld [tilespmem:s26+$0xE6D0]  }
0x2da: {  	s24 =	sand.u32 $0x3FFFFFF0, s24;
	[tilespmem:$0x1F800] =	vst v62;
	v62 =	vld [tilespmem:s26+$0xE880]  }
0x2db: {  	v23 =	vld.idx.msk [tilespmem:v0+s24+$0x0 ss:$0x1], $0xffff  }
0x2dc: {  	v53 =	vld [tilespmem:s26+$0xE6E0]  }
0x2dd: {  	v55 =	vld [tilespmem:s26+$0xE6F0]  }
0x2de: {  	v59 =	vld [tilespmem:s26+$0xE300]  }
0x2df: {  	v25 =	vld [tilespmem:s26+$0xE310];
	[tilespmem:$0x1F810] =	vst v62;
	v62 =	vimm.s32 $0x0  }
0x2e0: {  	v0 =	vperm.xlane v23, v62;
	v62 =	vld [tilespmem:s26+$0xE8A0]  }
0x2e1: {  	v60 =	vld [tilespmem:s26+$0xE320]  }
0x2e2: {  	v37 =	vld [tilespmem:s26+$0xE330]  }
0x2e3: {  	v35 =	vld [tilespmem:s26+$0xE340]  }
0x2e4: {  	v26 =	vld [tilespmem:s26+$0xE350]  }
0x2e5: {  	[tilespmem:$0x1F830] =	vst v62;
	v62 =	vld [tilespmem:s26+$0xE8B0]  }
0x2e6: {  	v1 =	vld [tilespmem:s26+$0xE890]  }
0x2e7: {  	v63 =	vld [tilespmem:s26+$0xE360]  }
0x2e8: {  	v27 =	vld [tilespmem:s26+$0xE370]  }
0x2e9: {  	v34 =	vld [tilespmem:s26+$0xE700]  }
0x2ea: {  	v32 =	vld [tilespmem:s26+$0xE710];
	[tilespmem:$0x1F840] =	vst v62;
	v62 =	vimm.s32 $0x1  }
0x2eb: {  	[tilespmem:$0x1F820] =	vst v1;
	v1 =	vperm.xlane v23, v62;
	v62 =	vld [tilespmem:s26+$0xE8C0]  }
0x2ec: {  	v29 =	vld [tilespmem:s26+$0xE720]  }
0x2ed: {  	v28 =	vld [tilespmem:s26+$0xE730]  }
0x2ee: {  	v30 =	vld [tilespmem:s26+$0xE740]  }
0x2ef: {  	v31 =	vld [tilespmem:s26+$0xE750]  }
0x2f0: {  	[tilespmem:$0x1F850] =	vst v62;
	v62 =	vld [tilespmem:s26+$0xE8D0]  }
0x2f1: {  	v33 =	vld [tilespmem:s26+$0xE760]  }
0x2f2: {  	v36 =	vld [tilespmem:s26+$0xE770]  }
0x2f3: {  	v38 =	vld [tilespmem:s26+$0xE380]  }
0x2f4: {  	v40 =	vld [tilespmem:s26+$0xE390]  }
0x2f5: {  	v3 =	vmul.f32 v3, v0;
	[tilespmem:$0x1F860] =	vst v62;
	v62 =	vld [tilespmem:s26+$0xE8E0]  }
0x2f6: {  	v39 =	vld [tilespmem:s26+$0xE3A0];
	v4 =	vmul.f32 v4, v0  }
0x2f7: {  	v44 =	vld [tilespmem:s26+$0xE3B0];
	v10 =	vmul.f32 v10, v0;
	v3 =	vadd.f32 $0.0e+00, v3  }
0x2f8: {  	v41 =	vld [tilespmem:s26+$0xE3C0];
	v4 =	vadd.f32 $0.0e+00, v4;
	v2 =	vmul.f32 v2, v1;
	v5 =	vmul.f32 v5, v1  }
0x2f9: {  	v45 =	vld [tilespmem:s26+$0xE3D0];
	v9 =	vmul.f32 v9, v0;
	v16 =	vmul.f32 v16, v0  }
0x2fa: {  	v2 =	vadd.f32 v2, v3;
	v3 =	vadd.f32 v5, v4;
	v4 =	vmul.f32 v11, v0;
	[tilespmem:$0x1F870] =	vst v62;
	v62 =	vld [tilespmem:s26+$0xE8F0]  }
0x2fb: {  	v47 =	vld [tilespmem:s26+$0xE3E0];
	v18 =	vmul.f32 v18, v0;
	v6 =	vmul.f32 v6, v1;
	v5 =	vadd.f32 $0.0e+00, v10  }
0x2fc: {  	v9 =	vadd.f32 $0.0e+00, v9;
	v8 =	vmul.f32 v8, v1;
	v11 =	vld [tilespmem:s26+$0xE500];
	v4 =	vadd.f32 $0.0e+00, v4  }
0x2fd: {  	v7 =	vmul.f32 v7, v1;
	v5 =	vadd.f32 v6, v5;
	v6 =	vmul.f32 v17, v0;
	v17 =	vld [tilespmem:s26+$0xE530]  }
0x2fe: {  	v46 =	vmul.f32 v46, v0;
	v4 =	vadd.f32 v8, v4;
	v8 =	vadd.f32 $0.0e+00, v18;
	v18 =	vld [tilespmem:s26+$0xE560]  }
0x2ff: {  	v7 =	vadd.f32 v7, v9;
	v9 =	vadd.f32 $0.0e+00, v16;
	v16 =	vmul.f32 v19, v0;
	[tilespmem:$0x1F880] =	vst v62;
	v62 =	vld [tilespmem:s26+$0xE510]  }
0x300: {  	v50 =	vld [tilespmem:s26+$0xE3F0];
	v54 =	vmul.f32 v54, v1;
	v19 =	vmul.f32 v15, v1  }
0x301: {  	v56 =	vld [tilespmem:s26+$0xE780];
	v10 =	vadd.f32 $0.0e+00, v16;
	v6 =	vadd.f32 $0.0e+00, v6;
	[tilespmem:$0x1F890] =	vst v11;
	v11 =	vmul.f32 v12, v1  }
0x302: {  	v58 =	vld [tilespmem:s26+$0xE790];
	v12 =	vmul.f32 v13, v1;
	v13 =	vmul.f32 v14, v1;
	[tilespmem:$0x1F8C0] =	vst v17  }
0x303: {  	v10 =	vadd.f32 v19, v10;
	v19 =	vmul.f32 v43, v0;
	v17 =	vld [tilespmem:s26+$0xE550];
	v6 =	vadd.f32 v11, v6;
	[tilespmem:$0x1F8F0] =	vst v18  }
0x304: {  	v8 =	vadd.f32 v13, v8;
	v13 =	vadd.f32 $0.0e+00, v46;
	v18 =	vmul.f32 v42, v0;
	[tilespmem:$0x1F8A0] =	vst v62;
	v62 =	vld [tilespmem:s26+$0xE520]  }
0x305: {  	v57 =	vld [tilespmem:s26+$0xE7A0];
	v9 =	vadd.f32 v12, v9;
	v12 =	vadd.f32 $0.0e+00, v19  }
0x306: {  	v13 =	vadd.f32 v54, v13;
	v54 =	vld [tilespmem:s26+$0xE580];
	v11 =	vadd.f32 $0.0e+00, v18;
	v18 =	vmul.f32 v22, v1  }
0x307: {  	v61 =	vld [tilespmem:s26+$0xE7B0];
	v15 =	vmul.f32 v48, v0  }
0x308: {  	v48 =	vld [tilespmem:s26+$0xE960];
	[tilespmem:$0x1F8E0] =	vst v17;
	v12 =	vadd.f32 v18, v12;
	v18 =	vmul.f32 v53, v1;
	v53 =	vimm.s32 $0x2  }
0x309: {  	v17 =	vmul.f32 v21, v1;
	v19 =	vperm.xlane v23, v53;
	[tilespmem:$0x1F8B0] =	vst v62;
	v62 =	vld [tilespmem:s26+$0xE540]  }
0x30a: {  	v16 =	vmul.f32 v49, v0;
	v49 =	vld [tilespmem:s26+$0xE970]  }
0x30b: {  	v43 =	vld [tilespmem:s26+$0xE910];
	v11 =	vadd.f32 v17, v11;
	[tilespmem:$0x1F930] =	vst v54;
	v54 =	vmul.f32 v32, v19  }
0x30c: {  	v46 =	vld [tilespmem:s26+$0xE940]  }
0x30d: {  	v11 =	vadd.f32 v54, v11;
	v54 =	vld [tilespmem:s26+$0xEA10]  }
0x30e: {  	[tilespmem:$0x1F8D0] =	vst v62;
	v62 =	vld [tilespmem:s26+$0xE570]  }
0x30f: {  	v42 =	vld [tilespmem:s26+$0xE900]  }
0x310: {  	[tilespmem:$0x1F910] =	vst v43;
	v43 =	vld [tilespmem:s26+$0xE930]  }
0x311: {  	v53 =	vld [tilespmem:s26+$0xE5E0]  }
0x312: {  	v32 =	vld [tilespmem:s26+$0xE980];
	[tilespmem:$0x1F990] =	vst v54  }
0x313: {  	v15 =	vadd.f32 $0.0e+00, v15;
	v25 =	vmul.f32 v25, v19;
	v54 =	vld [tilespmem:$0x1F680];
	[tilespmem:$0x1F900] =	vst v62;
	v62 =	vmul.f32 v51, v0  }
0x314: {  	v16 =	vadd.f32 $0.0e+00, v16;
	v51 =	vld [tilespmem:s26+$0xE920];
	v0 =	vmul.f32 v52, v0;
	v52 =	vmul.f32 v24, v1  }
0x315: {  	v24 =	vmul.f32 v59, v19;
	v59 =	vld [tilespmem:s26+$0xE5B0];
	v14 =	vadd.f32 $0.0e+00, v62;
	v62 =	vmul.f32 v20, v1  }
0x316: {  	v1 =	vmul.f32 v55, v1;
	v15 =	vadd.f32 v52, v15;
	v52 =	vld [tilespmem:s26+$0xE5A0];
	v55 =	vmul.f32 v60, v19  }
0x317: {  	v2 =	vadd.f32 v24, v2;
	v60 =	vmul.f32 v37, v19;
	v37 =	vld [tilespmem:s26+$0xE5C0];
	v24 =	vmul.f32 v26, v19  }
0x318: {  	v26 =	vmul.f32 v27, v19;
	v27 =	vmul.f32 v34, v19;
	v34 =	vld [tilespmem:s26+$0xE5F0]  }
0x319: {  	v16 =	vadd.f32 v18, v16;
	v0 =	vadd.f32 $0.0e+00, v0;
	v20 =	vld [tilespmem:s26+$0xE9A0]  }
0x31a: {  	v3 =	vadd.f32 v25, v3;
	v14 =	vadd.f32 v62, v14;
	v62 =	vld [tilespmem:s26+$0xE590]  }
0x31b: {  	v0 =	vadd.f32 v1, v0;
	v1 =	vadd.f32 v55, v5;
	v55 =	vmul.f32 v29, v19;
	v29 =	vld [tilespmem:s26+$0xE990]  }
0x31c: {  	v25 =	vmul.f32 v63, v19;
	v7 =	vadd.f32 v60, v7;
	v18 =	vadd.f32 v26, v8;
	v26 =	vld [tilespmem:s26+$0xE9B0]  }
0x31d: {  	v63 =	vmul.f32 v33, v19;
	v5 =	vadd.f32 v24, v6;
	v6 =	vadd.f32 v27, v10;
	v27 =	vld [tilespmem:s26+$0xE9C0];
	[tilespmem:$0x1F920] =	vst v51  }
0x31e: {  	v60 =	vmul.f32 v30, v19;
	v51 =	vld [tilespmem:s26+$0xE950];
	[tilespmem:$0x1F950] =	vst v59;
	v59 =	vmul.f32 v28, v19;
	v28 =	vimm.s32 $0x3  }
0x31f: {  	v10 =	vadd.f32 v55, v12;
	v22 =	vperm.xlane v23, v28;
	v12 =	vadd.f32 v63, v16;
	v63 =	vld [tilespmem:s26+$0xEA30]  }
0x320: {  	v24 =	vadd.f32 v60, v14;
	v14 =	vld [tilespmem:s26+$0xEA50]  }
0x321: {  	v30 =	vmul.f32 v36, v19;
	v13 =	vadd.f32 v59, v13;
	v59 =	vld [tilespmem:s26+$0xEA20];
	v33 =	vmul.f32 v40, v22  }
0x322: {  	v36 =	vmul.f32 v39, v22;
	v40 =	vmul.f32 v41, v22;
	v41 =	vld [tilespmem:s26+$0xE9F0]  }
0x323: {  	v39 =	vmul.f32 v44, v22;
	v44 =	vmul.f32 v45, v22;
	v45 =	vld [tilespmem:s26+$0xEA00]  }
0x324: {  	v9 =	vadd.f32 v25, v9;
	v56 =	vmul.f32 v56, v22;
	v8 =	vmul.f32 v61, v22;
	v61 =	vld [tilespmem:s26+$0xEE00]  }
0x325: {  	v25 =	vadd.f32 v30, v0;
	[tilespmem:$0x1F940] =	vst v62;
	v62 =	vmul.f32 v35, v19;
	v35 =	vld [tilespmem:s26+$0xE5D0];
	v30 =	vadd.f32 v33, v3  }
0x326: {  	v33 =	vadd.f32 v39, v7;
	v39 =	vadd.f32 v56, v6;
	v56 =	vld [tilespmem:s26+$0xEA70]  }
0x327: {  	v55 =	vmul.f32 v50, v22;
	v7 =	vld [tilespmem:s26+$0xEE20]  }
0x328: {  	v13 =	vadd.f32 v8, v13;
	v8 =	vld [tilespmem:$0x1F6D0]  }
0x329: {  	v18 =	vadd.f32 v55, v18;
	v55 =	vmul.f32 v54, v22;
	v54 =	vld [tilespmem:s26+$0xEE40]  }
0x32a: {  	v4 =	vadd.f32 v62, v4;
	v62 =	vmul.f32 v31, v19;
	v19 =	vld [tilespmem:s26+$0xE9D0]  }
0x32b: {  	v31 =	vmul.f32 v38, v22;
	v38 =	vld [tilespmem:s26+$0xE9E0]  }
0x32c: {  	[tilespmem:$0x1F9A0] =	vst v59;
	v59 =	vld [tilespmem:$0x1F6A0]  }
0x32d: {  	v21 =	vadd.f32 v62, v15;
	v15 =	vld [tilespmem:$0x1F660]  }
0x32e: {  	[tilespmem:$0x1F980] =	vst v45;
	v45 =	vld [tilespmem:s26+$0xEA60]  }
0x32f: {  	v62 =	vmul.f32 v57, v22;
	v57 =	vld [tilespmem:$0x1F690]  }
0x330: {  	v16 =	vadd.f32 v31, v2;
	v28 =	vadd.f32 v40, v4;
	v4 =	vld [tilespmem:s26+$0xEE10]  }
0x331: {  	v31 =	vadd.f32 v36, v1;
	v36 =	vadd.f32 v44, v5;
	v5 =	vld [tilespmem:$0x1F6C0]  }
0x332: {  	[tilespmem:$0x1F970] =	vst v41;
	v41 =	vadd.f32 v62, v10;
	v10 =	vld [tilespmem:$0x1F650]  }
0x333: {  	v47 =	vmul.f32 v47, v22;
	v44 =	vimm.s32 $0x4;
	v62 =	vld [tilespmem:$0x1F6B0]  }
0x334: {  	v60 =	vmul.f32 v58, v22;
	v44 =	vperm.xlane v23, v44;
	[tilespmem:$0x1FA20] =	vst v7;
	v7 =	vld [tilespmem:$0x1F7D0]  }
0x335: {  	[tilespmem:$0x1F960] =	vst v38;
	v38 =	vadd.f32 v47, v9;
	v9 =	vld [tilespmem:s26+$0xEA40]  }
0x336: {  	v40 =	vadd.f32 v60, v11;
	v47 =	vld [tilespmem:$0x1F670];
	v60 =	vmul.f32 v59, v44  }
0x337: {  	v17 =	vmul.f32 v15, v22;
	v15 =	vld [tilespmem:s26+$0xEE30]  }
0x338: {  	v58 =	vmul.f32 v57, v44;
	v30 =	vadd.f32 v60, v30;
	v60 =	vld [tilespmem:$0x1F720]  }
0x339: {  	v11 =	vmul.f32 v10, v22;
	v10 =	vld [tilespmem:$0x1F6E0]  }
0x33a: {  	[tilespmem:$0x1F9F0] =	vst v56;
	v56 =	vadd.f32 v58, v16;
	v16 =	vld [tilespmem:$0x1F6F0]  }
0x33b: {  	v50 =	vmul.f32 v47, v22;
	v22 =	vld [tilespmem:s26+$0xEE50]  }
0x33c: {  	[tilespmem:$0x1F9C0] =	vst v9;
	v9 =	vmul.f32 v8, v44;
	v8 =	vld [tilespmem:s26+$0xEE60]  }
0x33d: {  	v47 =	vadd.f32 v17, v21;
	v21 =	vld [tilespmem:s26+$0xEE70]  }
0x33e: {  	[tilespmem:$0x1F9E0] =	vst v45;
	v45 =	vadd.f32 v11, v24;
	v11 =	vld [tilespmem:$0x1F740]  }
0x33f: {  	v24 =	vld [tilespmem:s26+$0xEA80]  }
0x340: {  	v12 =	vadd.f32 v50, v12;
	v50 =	vadd.f32 v55, v25;
	v25 =	vld [tilespmem:$0x1F700]  }
0x341: {  	v55 =	vld [tilespmem:$0x1F710]  }
0x342: {  	[tilespmem:$0x1F9B0] =	vst v63;
	v58 =	vadd.f32 v9, v28;
	v9 =	vld [tilespmem:$0x1F730]  }
0x343: {  	v63 =	vmul.f32 v62, v44;
	[tilespmem:$0x1FA30] =	vst v15;
	v15 =	vld [tilespmem:$0x1F750]  }
0x344: {  	v28 =	vld [tilespmem:s26+$0xEE90];
	v17 =	vmul.f32 v16, v44  }
0x345: {  	v31 =	vadd.f32 v63, v31;
	v63 =	vmul.f32 v60, v44;
	v60 =	vld [tilespmem:$0x1F780]  }
0x346: {  	[tilespmem:$0x1F9D0] =	vst v14;
	v14 =	vmul.f32 v10, v44;
	v38 =	vadd.f32 v17, v38;
	v17 =	vld [tilespmem:$0x1F760]  }
0x347: {  	[tilespmem:$0x1FA60] =	vst v24;
	v24 =	vld [tilespmem:$0x1F7B0]  }
0x348: {  	[tilespmem:$0x1FA00] =	vst v61;
	v61 =	vadd.f32 v14, v36;
	v14 =	vmul.f32 v11, v44;
	v10 =	vmul.f32 v9, v44;
	v9 =	vld [tilespmem:s26+$0xEAA0]  }
0x349: {  	v16 =	vmul.f32 v15, v44;
	v15 =	vld [tilespmem:$0x1F800]  }
0x34a: {  	v59 =	vmul.f32 v55, v44;
	v55 =	vimm.s32 $0x5;
	v3 =	vadd.f32 v14, v13;
	v14 =	vld [tilespmem:s26+$0xEAF0]  }
0x34b: {  	v0 =	vperm.xlane v23, v55;
	v55 =	vld [tilespmem:s26+$0xEB00]  }
0x34c: {  	v6 =	vmul.f32 v5, v44;
	v5 =	vadd.f32 v59, v39;
	v39 =	vadd.f32 v63, v40;
	v40 =	vld [tilespmem:$0x1F770]  }
0x34d: {  	v59 =	vld [tilespmem:s26+$0xEA90]  }
0x34e: {  	v41 =	vadd.f32 v10, v41;
	v10 =	vld [tilespmem:$0x1F790]  }
0x34f: {  	v57 =	vadd.f32 v6, v33;
	v33 =	vmul.f32 v25, v44;
	v45 =	vadd.f32 v16, v45;
	v16 =	vld [tilespmem:s26+$0xEAB0]  }
0x350: {  	v63 =	vmul.f32 v60, v44;
	v60 =	vld [tilespmem:$0x1F7C0]  }
0x351: {  	v62 =	vadd.f32 v33, v18;
	v33 =	vld [tilespmem:$0x1F840]  }
0x352: {  	v18 =	vmul.f32 v17, v44;
	v17 =	vld [tilespmem:$0x1F7A0]  }
0x353: {  	v25 =	vmul.f32 v24, v0;
	v24 =	vld [tilespmem:$0x1F820]  }
0x354: {  	[tilespmem:$0x1FA80] =	vst v9;
	v9 =	vld [tilespmem:s26+$0xEAD0]  }
0x355: {  	v31 =	vadd.f32 v25, v31;
	v25 =	vld [tilespmem:$0x1F830]  }
0x356: {  	[tilespmem:$0x1FA40] =	vst v54;
	v54 =	vmul.f32 v40, v44;
	v44 =	vadd.f32 v18, v47;
	v47 =	vadd.f32 v63, v50;
	v63 =	vld [tilespmem:s26+$0xEAC0]  }
0x357: {  	v11 =	vmul.f32 v10, v0;
	v10 =	vld [tilespmem:$0x1F7E0]  }
0x358: {  	[tilespmem:$0x1FA10] =	vst v4;
	v4 =	vmul.f32 v60, v0;
	v60 =	vld [tilespmem:s26+$0xEE80]  }
0x359: {  	[tilespmem:$0x1FA70] =	vst v59;
	v59 =	vld [tilespmem:s26+$0xEEE0]  }
0x35a: {  	v36 =	vmul.f32 v33, v0;
	v33 =	vld [tilespmem:$0x1F8B0]  }
0x35b: {  	v50 =	vadd.f32 v11, v56;
	v11 =	vld [tilespmem:s26+$0xEAE0]  }
0x35c: {  	[tilespmem:$0x1FA90] =	vst v16;
	v16 =	vmul.f32 v15, v0;
	v6 =	vadd.f32 v54, v12;
	v12 =	vld [tilespmem:$0x1F7F0]  }
0x35d: {  	v18 =	vmul.f32 v17, v0;
	v17 =	vld [tilespmem:$0x1F810]  }
0x35e: {  	v57 =	vadd.f32 v4, v57;
	v4 =	vadd.f32 v16, v62;
	v62 =	vld [tilespmem:$0x1F850]  }
0x35f: {  	[tilespmem:$0x1FA50] =	vst v8;
	v8 =	vmul.f32 v7, v0;
	v56 =	vld [tilespmem:s26+$0xEEF0]  }
0x360: {  	v54 =	vld [tilespmem:$0x1F8E0]  }
0x361: {  	[tilespmem:$0x1FAA0] =	vst v9;
	v9 =	vadd.f32 v8, v58;
	v58 =	vld [tilespmem:s26+$0xEED0]  }
0x362: {  	v2 =	vmul.f32 v25, v0;
	v25 =	vld [tilespmem:$0x1F8A0];
	v1 =	vmul.f32 v10, v0  }
0x363: {  	v10 =	vld [tilespmem:s26+$0xEEB0]  }
0x364: {  	[tilespmem:$0x1FAB0] =	vst v11;
	v13 =	vmul.f32 v12, v0;
	v11 =	vadd.f32 v1, v61;
	v1 =	vmul.f32 v24, v0;
	v12 =	vld [tilespmem:$0x1F860]  }
0x365: {  	v16 =	vimm.s32 $0x6;
	v30 =	vadd.f32 v18, v30;
	v18 =	vmul.f32 v17, v0;
	v17 =	vld [tilespmem:$0x1F870]  }
0x366: {  	v24 =	vld [tilespmem:$0x1F890];
	v8 =	vadd.f32 v1, v39;
	v1 =	vperm.xlane v23, v16  }
0x367: {  	v7 =	vadd.f32 v18, v5;
	v18 =	vld [tilespmem:$0x1F880]  }
0x368: {  	[tilespmem:$0x1FAD0] =	vst v28;
	v15 =	vadd.f32 v36, v3;
	v5 =	vmul.f32 v62, v0;
	v39 =	vld [tilespmem:$0x1F8C0];
	v28 =	vmul.f32 v25, v1  }
0x369: {  	v38 =	vadd.f32 v13, v38;
	v16 =	vld [tilespmem:$0x1F8F0];
	v36 =	vmul.f32 v33, v1;
	v33 =	vmul.f32 v43, v1  }
0x36a: {  	[tilespmem:$0x1FAC0] =	vst v14;
	v13 =	vadd.f32 v2, v41;
	v14 =	vmul.f32 v12, v0;
	v2 =	vmul.f32 v17, v0;
	v17 =	vld [tilespmem:$0x1F900]  }
0x36b: {  	v41 =	vadd.f32 v5, v45;
	v51 =	vmul.f32 v51, v1;
	v3 =	vmul.f32 v24, v1;
	v24 =	vld [tilespmem:$0x1F910]  }
0x36c: {  	v15 =	vadd.f32 v33, v15;
	v0 =	vmul.f32 v18, v0;
	v12 =	vadd.f32 v14, v44;
	v44 =	vld [tilespmem:$0x1F8D0]  }
0x36d: {  	v5 =	vadd.f32 v2, v6;
	v14 =	vadd.f32 v28, v30;
	v40 =	vmul.f32 v39, v1;
	v28 =	vld [tilespmem:$0x1F920]  }
0x36e: {  	v61 =	vld [tilespmem:s26+$0xEEA0];
	[tilespmem:$0x1FAE0] =	vst v10;
	v10 =	vadd.f32 v3, v50;
	v2 =	vmul.f32 v16, v1;
	v18 =	vmul.f32 v42, v1  }
0x36f: {  	v62 =	vld [tilespmem:s26+$0xEEC0];
	v42 =	vmul.f32 v46, v1;
	v6 =	vadd.f32 v0, v47;
	v47 =	vadd.f32 v36, v31  }
0x370: {  	v0 =	vmul.f32 v54, v1;
	v7 =	vadd.f32 v18, v7;
	v25 =	vmul.f32 v24, v1;
	v24 =	vld [tilespmem:$0x1F930]  }
0x371: {  	v43 =	vld [tilespmem:s26+$0xEB50];
	v18 =	vimm.s32 $0x7;
	v3 =	vmul.f32 v17, v1;
	v45 =	vmul.f32 v44, v1  }
0x372: {  	v30 =	vmul.f32 v28, v1;
	v17 =	vadd.f32 v25, v8;
	v8 =	vadd.f32 v42, v41;
	v28 =	vld [tilespmem:$0x1F940]  }
0x373: {  	v42 =	vld [tilespmem:$0x1F950];
	v31 =	vadd.f32 v45, v9;
	v9 =	vadd.f32 v0, v11;
	v0 =	vperm.xlane v23, v18  }
0x374: {  	v46 =	vld [tilespmem:s26+$0xEB60];
	v50 =	vadd.f32 v40, v57;
	v2 =	vadd.f32 v2, v38  }
0x375: {  	v39 =	vld [tilespmem:s26+$0xEF70];
	v12 =	vadd.f32 v51, v12;
	v3 =	vadd.f32 v3, v4;
	v25 =	vmul.f32 v24, v0  }
0x376: {  	v54 =	vld [tilespmem:s26+$0xEB10];
	v4 =	vmul.f32 v48, v1;
	v1 =	vmul.f32 v49, v1;
	v11 =	vadd.f32 v30, v13  }
0x377: {  	v57 =	vld [tilespmem:s26+$0xEB20];
	v33 =	vmul.f32 v52, v0;
	v10 =	vadd.f32 v25, v10;
	v25 =	vmul.f32 v35, v0  }
0x378: {  	v51 =	vld [tilespmem:s26+$0xEF10];
	v16 =	vadd.f32 v1, v6;
	v30 =	vmul.f32 v28, v0;
	v1 =	vmul.f32 v42, v0  }
0x379: {  	v40 =	vld [tilespmem:s26+$0xEF40];
	v38 =	vadd.f32 v33, v47;
	v47 =	vadd.f32 v25, v9;
	v25 =	vmul.f32 v20, v0  }
0x37a: {  	v28 =	vmul.f32 v26, v0;
	v6 =	vadd.f32 v30, v14;
	v30 =	vmul.f32 v19, v0;
	v19 =	vld [tilespmem:$0x1F980]  }
0x37b: {  	v24 =	vmul.f32 v37, v0;
	v13 =	vadd.f32 v1, v50;
	v50 =	vadd.f32 v25, v11;
	v11 =	vld [tilespmem:$0x1F960]  }
0x37c: {  	v20 =	vadd.f32 v28, v15;
	v15 =	vld [tilespmem:$0x1F970]  }
0x37d: {  	v31 =	vadd.f32 v24, v31;
	v24 =	vmul.f32 v29, v0;
	v29 =	vmul.f32 v27, v0;
	v27 =	vld [tilespmem:$0x1F9B0]  }
0x37e: {  	v36 =	vld [tilespmem:s26+$0xEF60];
	v18 =	vadd.f32 v4, v5;
	v5 =	vimm.s32 $0x8;
	v33 =	vmul.f32 v53, v0  }
0x37f: {  	v34 =	vmul.f32 v34, v0;
	v1 =	vperm.xlane v23, v5;
	v9 =	vadd.f32 v24, v17;
	v24 =	vld [tilespmem:$0x1F990]  }
0x380: {  	v44 =	vld [tilespmem:s26+$0xEB40];
	v35 =	vmul.f32 v32, v0;
	v41 =	vadd.f32 v33, v2;
	v2 =	vmul.f32 v11, v0  }
0x381: {  	v48 =	vld [tilespmem:s26+$0xEB70];
	v0 =	vmul.f32 v15, v0;
	v15 =	vadd.f32 v30, v12;
	v12 =	vmul.f32 v19, v1  }
0x382: {  	v5 =	vld [tilespmem:$0x1FA00];
	v28 =	vmul.f32 v27, v1  }
0x383: {  	v11 =	vadd.f32 v12, v10;
	v10 =	vld [tilespmem:$0x1F9C0]  }
0x384: {  	v4 =	vadd.f32 v34, v3;
	v3 =	vmul.f32 v24, v1;
	v13 =	vadd.f32 v28, v13;
	v28 =	vld [tilespmem:$0x1F9F0]  }
0x385: {  	v49 =	vld [tilespmem:s26+$0xEF00]  }
0x386: {  	v19 =	vadd.f32 v3, v6;
	v6 =	vld [tilespmem:$0x1FA10]  }
0x387: {  	v45 =	vld [tilespmem:s26+$0xEB30];
	v14 =	vadd.f32 v35, v7  }
0x388: {  	v52 =	vld [tilespmem:s26+$0xEF20];
	v17 =	vadd.f32 v29, v8;
	v8 =	vadd.f32 v0, v16;
	v16 =	vmul.f32 v10, v1  }
0x389: {  	v37 =	vld [tilespmem:s26+$0xEB80];
	v18 =	vadd.f32 v2, v18;
	v2 =	vmul.f32 v28, v1;
	v10 =	vmul.f32 v5, v1  }
0x38a: {  	v42 =	vld [tilespmem:s26+$0xEF30];
	v31 =	vadd.f32 v16, v31  }
0x38b: {  	v16 =	vadd.f32 v2, v4;
	v4 =	vmul.f32 v6, v1;
	v6 =	vadd.f32 v10, v14;
	v10 =	vld [tilespmem:$0x1FA20]  }
0x38c: {  	v53 =	vld [tilespmem:s26+$0xEF50]  }
0x38d: {  	v9 =	vadd.f32 v4, v9;
	v4 =	vld [tilespmem:$0x1FA40]  }
0x38e: {  	v34 =	vld [tilespmem:s26+$0xEBA0]  }
0x38f: {  	v32 =	vld [tilespmem:s26+$0xEBE0]  }
0x390: {  	v27 =	vld [tilespmem:$0x1FA30];
	v14 =	vmul.f32 v10, v1  }
0x391: {  	v24 =	vld [tilespmem:$0x1F9D0]  }
0x392: {  	v2 =	vmul.f32 v4, v1;
	v4 =	vadd.f32 v14, v50;
	v14 =	vld [tilespmem:$0x1FA50]  }
0x393: {  	v35 =	vld [tilespmem:s26+$0xEB90]  }
0x394: {  	v25 =	vld [tilespmem:$0x1F9A0]  }
0x395: {  	v33 =	vld [tilespmem:s26+$0xEBB0];
	v5 =	vmul.f32 v27, v1  }
0x396: {  	v29 =	vld [tilespmem:s26+$0xEBC0];
	v3 =	vmul.f32 v22, v1;
	v0 =	vmul.f32 v24, v1  }
0x397: {  	v5 =	vadd.f32 v5, v20;
	v20 =	vld [tilespmem:$0x1FA60];
	v22 =	vmul.f32 v14, v1;
	v14 =	vimm.s32 $0x9  }
0x398: {  	v7 =	vadd.f32 v0, v47;
	v0 =	vperm.xlane v23, v14;
	v14 =	vld [tilespmem:$0x1FA80]  }
0x399: {  	v26 =	vmul.f32 v25, v1;
	v30 =	vld [tilespmem:s26+$0xEBD0]  }
0x39a: {  	v25 =	vld [tilespmem:$0x1F9E0]  }
0x39b: {  	v12 =	vadd.f32 v26, v38;
	v38 =	vld [tilespmem:s26+$0xEBF0]  }
0x39c: {  	v28 =	vld [tilespmem:s26+$0xEF80];
	v2 =	vadd.f32 v2, v17;
	v17 =	vmul.f32 v21, v1  }
0x39d: {  	v3 =	vadd.f32 v3, v15;
	v21 =	vld [tilespmem:$0x1FA70];
	v15 =	vmul.f32 v20, v0;
	v20 =	vmul.f32 v14, v0  }
0x39e: {  	v10 =	vadd.f32 v22, v18;
	v18 =	vld [tilespmem:$0x1FA90]  }
0x39f: {  	v12 =	vadd.f32 v20, v12;
	v20 =	vld [tilespmem:$0x1FAA0]  }
0x3a0: {  	v14 =	vld [tilespmem:$0x1FAB0]  }
0x3a1: {  	v24 =	vld [tilespmem:s26+$0xEFE0]  }
0x3a2: {  	v26 =	vmul.f32 v25, v1;
	v47 =	vld [tilespmem:s26+$0xEF90];
	v8 =	vadd.f32 v17, v8;
	v17 =	vmul.f32 v21, v0  }
0x3a3: {  	v25 =	vld [tilespmem:s26+$0xEFA0];
	v63 =	vmul.f32 v63, v0;
	v11 =	vadd.f32 v15, v11;
	v15 =	vmul.f32 v18, v0  }
0x3a4: {  	v41 =	vadd.f32 v26, v41;
	v27 =	vld [tilespmem:s26+$0xEFB0];
	v17 =	vadd.f32 v17, v19;
	v19 =	vmul.f32 v20, v0  }
0x3a5: {  	v26 =	vld [tilespmem:s26+$0xEFC0];
	v13 =	vadd.f32 v15, v13;
	v15 =	vadd.f32 v63, v31;
	v31 =	vmul.f32 v14, v0  }
0x3a6: {  	v60 =	vmul.f32 v60, v0;
	v7 =	vadd.f32 v19, v7;
	v19 =	vld [tilespmem:$0x1FAC0]  }
0x3a7: {  	v31 =	vadd.f32 v31, v41;
	v41 =	vld [tilespmem:$0x1FAD0]  }
0x3a8: {  	v6 =	vadd.f32 v60, v6;
	v60 =	vld [tilespmem:$0x1FAE0]  }
0x3a9: {  	v50 =	vld [tilespmem:s26+$0xEFD0]  }
0x3aa: {  	v1 =	vld [tilespmem:s26+$0xEC50]  }
0x3ab: {  	v22 =	vld [tilespmem:s26+$0xEFF0];
	v61 =	vmul.f32 v61, v0;
	v19 =	vmul.f32 v19, v0  }
0x3ac: {  	v21 =	vld [tilespmem:s26+$0xEC00];
	v41 =	vmul.f32 v41, v0  }
0x3ad: {  	v4 =	vadd.f32 v61, v4;
	v61 =	vld [tilespmem:s26+$0xEC70];
	v16 =	vadd.f32 v19, v16;
	v19 =	vmul.f32 v60, v0  }
0x3ae: {  	v18 =	vld [tilespmem:s26+$0xEC10];
	v9 =	vadd.f32 v41, v9;
	v41 =	vmul.f32 v62, v0;
	v62 =	vimm.s32 $0xA  }
0x3af: {  	v63 =	vld [tilespmem:s26+$0xEC30];
	v5 =	vadd.f32 v19, v5;
	v19 =	vmul.f32 v58, v0;
	v58 =	vperm.xlane v23, v62  }
0x3b0: {  	v14 =	vld [tilespmem:s26+$0xEC40];
	v2 =	vadd.f32 v41, v2;
	v41 =	vmul.f32 v59, v0  }
0x3b1: {  	v20 =	vld [tilespmem:s26+$0xEC20];
	v0 =	vmul.f32 v56, v0;
	v59 =	vmul.f32 v55, v58  }
0x3b2: {  	v60 =	vld [tilespmem:s26+$0xEC60];
	v10 =	vadd.f32 v41, v10;
	v3 =	vadd.f32 v19, v3;
	v57 =	vmul.f32 v57, v58  }
0x3b3: {  	v62 =	vld [tilespmem:s26+$0xF000];
	v54 =	vmul.f32 v54, v58;
	v11 =	vadd.f32 v59, v11;
	v59 =	vmul.f32 v45, v58  }
0x3b4: {  	v56 =	vld [tilespmem:s26+$0xF010];
	v0 =	vadd.f32 v0, v8;
	v8 =	vadd.f32 v57, v12;
	v57 =	vmul.f32 v44, v58  }
0x3b5: {  	v41 =	vld [tilespmem:s26+$0xF030];
	v43 =	vmul.f32 v43, v58;
	v13 =	vadd.f32 v59, v13;
	v59 =	vmul.f32 v48, v58  }
0x3b6: {  	v55 =	vld [tilespmem:s26+$0xF020];
	v19 =	vmul.f32 v46, v58;
	v12 =	vadd.f32 v57, v15;
	v57 =	vmul.f32 v49, v58  }
0x3b7: {  	v46 =	vld [tilespmem:s26+$0xEC80];
	v17 =	vadd.f32 v54, v17;
	v16 =	vadd.f32 v59, v16;
	v59 =	vmul.f32 v51, v58  }
0x3b8: {  	v54 =	vimm.s32 $0xB;
	v45 =	vld [tilespmem:s26+$0xF040];
	v6 =	vadd.f32 v57, v6;
	v57 =	vmul.f32 v52, v58  }
0x3b9: {  	v44 =	vld [tilespmem:s26+$0xF050];
	v7 =	vadd.f32 v43, v7;
	v9 =	vadd.f32 v59, v9;
	v59 =	vmul.f32 v53, v58  }
0x3ba: {  	v43 =	vld [tilespmem:s26+$0xF070];
	v4 =	vadd.f32 v57, v4;
	v57 =	vmul.f32 v36, v58;
	v36 =	vperm.xlane v23, v54  }
0x3bb: {  	v42 =	vmul.f32 v42, v58;
	v19 =	vadd.f32 v19, v31;
	v31 =	vmul.f32 v40, v58;
	v48 =	vld [tilespmem:s26+$0xF060]  }
0x3bc: {  	v49 =	vld [tilespmem:s26+$0xEC90];
	v58 =	vmul.f32 v39, v58;
	v3 =	vadd.f32 v59, v3;
	v59 =	vmul.f32 v37, v36  }
0x3bd: {  	v2 =	vadd.f32 v31, v2;
	v31 =	vld [tilespmem:s26+$0xF080];
	v40 =	vmul.f32 v35, v36;
	v34 =	vmul.f32 v34, v36  }
0x3be: {  	v5 =	vadd.f32 v42, v5;
	v51 =	vld [tilespmem:s26+$0xECA0];
	v42 =	vmul.f32 v33, v36;
	v29 =	vmul.f32 v29, v36  }
0x3bf: {  	v52 =	vld [tilespmem:s26+$0xECB0];
	v53 =	vimm.s32 $0xC;
	v30 =	vmul.f32 v30, v36;
	v54 =	vmul.f32 v32, v36  }
0x3c0: {  	v39 =	vld [tilespmem:s26+$0xECC0];
	v10 =	vadd.f32 v57, v10;
	v57 =	vmul.f32 v38, v36;
	v28 =	vmul.f32 v28, v36  }
0x3c1: {  	v37 =	vld [tilespmem:s26+$0xECD0];
	v0 =	vadd.f32 v58, v0;
	v58 =	vmul.f32 v47, v36;
	v25 =	vmul.f32 v25, v36  }
0x3c2: {  	v35 =	vld [tilespmem:s26+$0xECE0];
	v27 =	vmul.f32 v27, v36;
	v38 =	vmul.f32 v50, v36;
	v11 =	vadd.f32 v59, v11  }
0x3c3: {  	v33 =	vld [tilespmem:s26+$0xECF0];
	v47 =	vimm.s32 $0xD;
	v17 =	vadd.f32 v40, v17;
	v8 =	vadd.f32 v34, v8  }
0x3c4: {  	v32 =	vld [tilespmem:s26+$0xF0A0];
	v22 =	vmul.f32 v22, v36;
	v13 =	vadd.f32 v42, v13;
	v12 =	vadd.f32 v29, v12  }
0x3c5: {  	v29 =	vld [tilespmem:s26+$0xF090];
	v7 =	vadd.f32 v30, v7;
	v5 =	vadd.f32 v27, v5;
	v27 =	vperm.xlane v23, v53  }
0x3c6: {  	v15 =	vadd.f32 v54, v19;
	v34 =	vld [tilespmem:s26+$0xF0B0];
	v16 =	vadd.f32 v57, v16;
	v59 =	vmul.f32 v26, v36  }
0x3c7: {  	v6 =	vadd.f32 v28, v6;
	v28 =	vld [tilespmem:s26+$0xF0C0];
	v40 =	vmul.f32 v24, v36;
	v21 =	vmul.f32 v21, v27  }
0x3c8: {  	v4 =	vadd.f32 v25, v4;
	v25 =	vld [tilespmem:s26+$0xF0D0];
	v18 =	vmul.f32 v18, v27;
	v42 =	vmul.f32 v20, v27  }
0x3c9: {  	v9 =	vadd.f32 v58, v9;
	v30 =	vld [tilespmem:s26+$0xF0E0];
	v50 =	vmul.f32 v63, v27;
	v14 =	vmul.f32 v14, v27  }
0x3ca: {  	v24 =	vld [tilespmem:s26+$0xF0F0];
	v3 =	vadd.f32 v38, v3;
	v1 =	vmul.f32 v1, v27;
	v53 =	vmul.f32 v60, v27  }
0x3cb: {  	v26 =	vld [tilespmem:s26+$0xED00];
	v0 =	vadd.f32 v22, v0;
	v54 =	vmul.f32 v61, v27;
	v57 =	vmul.f32 v62, v27  }
0x3cc: {  	v19 =	vld [tilespmem:s26+$0xED30];
	v2 =	vadd.f32 v59, v2;
	v58 =	vmul.f32 v56, v27;
	v59 =	vmul.f32 v55, v27  }
0x3cd: {  	v36 =	vld [tilespmem:s26+$0xED40];
	v10 =	vadd.f32 v40, v10;
	v60 =	vmul.f32 v41, v27;
	v61 =	vmul.f32 v45, v27  }
0x3ce: {  	v22 =	vld [tilespmem:s26+$0xED60];
	v62 =	vmul.f32 v44, v27;
	v11 =	vadd.f32 v21, v11;
	v17 =	vadd.f32 v18, v17  }
0x3cf: {  	v38 =	vld [tilespmem:s26+$0xF130];
	v63 =	vmul.f32 v48, v27;
	v8 =	vadd.f32 v42, v8;
	v13 =	vadd.f32 v50, v13  }
0x3d0: {  	v20 =	vld [tilespmem:s26+$0xED10];
	v44 =	vperm.xlane v23, v47;
	v12 =	vadd.f32 v14, v12;
	v1 =	vadd.f32 v1, v7  }
0x3d1: {  	v40 =	vld [tilespmem:s26+$0xED70];
	v47 =	vimm.s32 $0xE;
	v15 =	vadd.f32 v53, v15;
	v16 =	vadd.f32 v54, v16  }
0x3d2: {  	v45 =	vld [tilespmem:s26+$0xF110];
	v43 =	vmul.f32 v43, v27;
	v6 =	vadd.f32 v57, v6;
	v9 =	vadd.f32 v58, v9  }
0x3d3: {  	v27 =	vld [tilespmem:s26+$0xF120];
	v4 =	vadd.f32 v59, v4;
	v48 =	vmul.f32 v46, v44;
	v50 =	vmul.f32 v49, v44  }
0x3d4: {  	v21 =	vld [tilespmem:s26+$0xED20];
	v5 =	vadd.f32 v60, v5;
	v53 =	vmul.f32 v51, v44;
	v54 =	vmul.f32 v52, v44  }
0x3d5: {  	v14 =	vld [tilespmem:s26+$0xED50];
	v2 =	vadd.f32 v61, v2;
	v39 =	vmul.f32 v39, v44;
	v55 =	vmul.f32 v37, v44  }
0x3d6: {  	v42 =	vld [tilespmem:s26+$0xF100];
	v3 =	vadd.f32 v62, v3;
	v56 =	vmul.f32 v35, v44;
	v57 =	vmul.f32 v33, v44  }
0x3d7: {  	v0 =	vadd.f32 v43, v0;
	v43 =	vld [tilespmem:s26+$0xF140];
	v31 =	vmul.f32 v31, v44;
	v60 =	vmul.f32 v32, v44  }
0x3d8: {  	v7 =	vadd.f32 v63, v10;
	v46 =	vld [tilespmem:s26+$0xF150];
	v59 =	vmul.f32 v29, v44;
	v61 =	vmul.f32 v34, v44  }
0x3d9: {  	v37 =	vld [tilespmem:s26+$0xF160];
	v62 =	vmul.f32 v28, v44;
	v10 =	vadd.f32 v48, v11;
	v17 =	vadd.f32 v50, v17  }
0x3da: {  	v35 =	vld [tilespmem:s26+$0xF170];
	v63 =	vmul.f32 v25, v44;
	v8 =	vadd.f32 v53, v8;
	v11 =	vadd.f32 v54, v13  }
0x3db: {  	v58 =	vld [tilespmem:s26+$0xED80];
	v25 =	vperm.xlane v23, v47;
	v12 =	vadd.f32 v39, v12;
	v1 =	vadd.f32 v55, v1  }
0x3dc: {  	v32 =	vld [tilespmem:s26+$0xED90];
	v41 =	vmul.f32 v30, v44;
	v13 =	vadd.f32 v56, v15;
	v16 =	vadd.f32 v57, v16  }
0x3dd: {  	v49 =	vld [tilespmem:s26+$0xEDF0];
	v24 =	vmul.f32 v24, v44;
	v6 =	vadd.f32 v31, v6;
	v4 =	vadd.f32 v60, v4  }
0x3de: {  	v51 =	vld [tilespmem:s26+$0xF180];
	v39 =	vimm.s32 $0xF;
	v9 =	vadd.f32 v59, v9;
	v5 =	vadd.f32 v61, v5  }
0x3df: {  	v28 =	vld [tilespmem:s26+$0xEDB0];
	v2 =	vadd.f32 v62, v2;
	v47 =	vmul.f32 v26, v25;
	v20 =	vmul.f32 v20, v25  }
0x3e0: {  	v29 =	vld [tilespmem:s26+$0xEDC0];
	v3 =	vadd.f32 v63, v3;
	v50 =	vmul.f32 v19, v25;
	v52 =	vmul.f32 v36, v25  }
0x3e1: {  	v30 =	vld [tilespmem:s26+$0xEDD0];
	v7 =	vadd.f32 v41, v7;
	v53 =	vmul.f32 v22, v25;
	v22 =	vperm.xlane v23, v39  }
0x3e2: {  	v31 =	vld [tilespmem:s26+$0xEDA0];
	v0 =	vadd.f32 v24, v0;
	v55 =	vmul.f32 v40, v25;
	v60 =	vmul.f32 v45, v25  }
0x3e3: {  	v54 =	vld [tilespmem:s26+$0xF1A0];
	v41 =	vmul.f32 v27, v25;
	v44 =	vmul.f32 v38, v25;
	v10 =	vadd.f32 v47, v10  }
0x3e4: {  	v56 =	vld [tilespmem:s26+$0xF1B0];
	v48 =	vmul.f32 v21, v25;
	v17 =	vadd.f32 v20, v17;
	v11 =	vadd.f32 v50, v11  }
0x3e5: {  	v26 =	vld [tilespmem:s26+$0xEDE0];
	v14 =	vmul.f32 v14, v25;
	v12 =	vadd.f32 v52, v12;
	v13 =	vadd.f32 v53, v13  }
0x3e6: {  	v59 =	vld [tilespmem:s26+$0xF1C0];
	v57 =	vmul.f32 v42, v25;
	v58 =	vmul.f32 v58, v22;
	v9 =	vadd.f32 v60, v9  }
0x3e7: {  	v61 =	vld [tilespmem:s26+$0xF1D0];
	v32 =	vmul.f32 v32, v22;
	v4 =	vadd.f32 v41, v4;
	v5 =	vadd.f32 v44, v5  }
0x3e8: {  	s28 =	sshll.u32 s23, $0x7;
	v63 =	vld [tilespmem:s26+$0xF1E0];
	v49 =	vmul.f32 v49, v22;
	v40 =	vmul.f32 v28, v22;
	v10 =	vadd.f32 v58, v10  }
0x3e9: {  	s29 =	sand.u32 $0x3FFFFF80, s28;
	v36 =	vld [tilespmem:s26+$0xF1F0];
	v50 =	vmul.f32 v43, v25;
	v42 =	vmul.f32 v29, v22;
	v39 =	vadd.f32 v32, v17  }
0x3ea: {  	v20 =	vld [tilespmem:s26+$0xF190];
	v8 =	vadd.f32 v48, v8;
	v62 =	vmul.f32 v31, v22;
	v11 =	vadd.f32 v40, v11;
	[tilespmem:s29+$0x16A00] =	vst v10  }
0x3eb: {  	v45 =	vmul.f32 v30, v22;
	v1 =	vadd.f32 v14, v1;
	v47 =	vadd.f32 v42, v12;
	[tilespmem:s29+$0x16A10] =	vst v39  }
0x3ec: {  	v51 =	vmul.f32 v51, v22;
	v6 =	vadd.f32 v57, v6;
	v8 =	vadd.f32 v62, v8;
	[tilespmem:s29+$0x16A30] =	vst v11  }
0x3ed: {  	v52 =	vmul.f32 v46, v25;
	v54 =	vmul.f32 v54, v22;
	v1 =	vadd.f32 v45, v1;
	[tilespmem:s29+$0x16A40] =	vst v47  }
0x3ee: {  	v14 =	vadd.f32 v55, v16;
	v56 =	vmul.f32 v56, v22;
	v6 =	vadd.f32 v51, v6;
	[tilespmem:s29+$0x16A20] =	vst v8  }
0x3ef: {  	v2 =	vadd.f32 v50, v2;
	v57 =	vmul.f32 v37, v25;
	v4 =	vadd.f32 v54, v4;
	[tilespmem:s29+$0x16A50] =	vst v1  }
0x3f0: {  	v48 =	vmul.f32 v26, v22;
	v58 =	vmul.f32 v59, v22;
	v5 =	vadd.f32 v56, v5;
	[tilespmem:s29+$0x16E00] =	vst v6  }
0x3f1: {  	v59 =	vmul.f32 v35, v25;
	v60 =	vmul.f32 v61, v22;
	v11 =	vadd.f32 v49, v14;
	[tilespmem:s29+$0x16E20] =	vst v4  }
0x3f2: {  	v61 =	vadd.f32 v57, v7;
	v62 =	vmul.f32 v63, v22;
	v2 =	vadd.f32 v58, v2;
	[tilespmem:s29+$0x16E30] =	vst v5  }
0x3f3: {  	v53 =	vmul.f32 v20, v22;
	v0 =	vadd.f32 v59, v0;
	v8 =	vadd.f32 v48, v13;
	[tilespmem:s29+$0x16A70] =	vst v11  }
0x3f4: {  	p0 =	sne.s32 s23, $0x7;
	v63 =	vmul.f32 v36, v22;
	v1 =	vadd.f32 v52, v3;
	v3 =	vadd.f32 v62, v61;
	[tilespmem:s29+$0x16E40] =	vst v2  }
.Ltmp4:
0x3f5: {  	v55 =	vadd.f32 v53, v9;
	[tilespmem:s29+$0x16A60] =	vst v8;
	(pc) =	sbr.rel @p0 .LBB2_9-.Ltmp4, $4  }
0x3f6: {  	v0 =	vadd.f32 v63, v0;
	[tilespmem:s29+$0x16E60] =	vst v3  }
0x3f7: {  	v1 =	vadd.f32 v60, v1;
	[tilespmem:s29+$0x16E10] =	vst v55  }
0x3f8: {  	[tilespmem:s29+$0x16E70] =	vst v0  }
0x3f9: {  	s23 =	sadd.s32 $0x1, s23;
	[tilespmem:s29+$0x16E50] =	vst v1  }
0x3fa: {  	s21 =	sadd.s32 $0x1, s21  }
0x3fb: {  	p0 =	sne.s32 s21, $0x31  }
.Ltmp5:
0x3fc: {  	s22 =	sadd.s32 s5, s22;
	(pc) =	sbr.rel @p0 .LBB2_2-.Ltmp5, $4  }
0x3fd: {  	s22 =	sshll.u32 s22, $0x8  }
0x3fe: {  	s22 =	sand.u32 $0x1FFFFF00, s22  }
0x3ff: {  	s22 =	sadd.s32 s2, s22  }
0x400: {  	[hbm4b:s22+s3] =	stream.linear.scatter [tilespmem:s20], [sflag:$0x4], $0x800, $0x38;
	[tilespmem:$0x17200] =	vst v63  }
0x401: {  	s21 =	simm.s32 $0x3  }
0x402: {  	_ =	swait.ge [sflag:s21], $0x800  }
0x403: {  	[sflag:s21] =	ssyncset.done $0x0  }
0x404: {  	[sflag:s21] =	ssyncadd.s32 $0xFFFFF800  }
0x405: {  	_ =	swait.ge [sflag:s19], $0x800  }
0x406: {  	s22 =	rddreg [dreg:$0x6]  }
0x407: {  	s29 =	rddreg [dreg:$0x5];
	s22 =	sadd.s32 $0x1, s22  }
0x408: {  	p0 =	sne.s32 s22, s29  }
.Ltmp6:
0x409: {  	_ = 	snop;
	(pc) =	sbr.rel @p0 .LBB2_1-.Ltmp6, $3  }
0x40a: {  	_ =	sdelay $0x1  }
0x40b: {  	[sflag:s19] =	ssyncset.done $0x0  }
0x40c: {  	[sflag:s19] =	ssyncadd.s32 $0xFFFFF800  }
0x40d: {  	_ =	sfence.sel $0x180000  }
0x40e: {  	[bflag:$0x0] =	sbarrier.arrive $0xFFFF  }
0x40f: {  	_ =	strace $0x9000004A  }
0x410: {  	s0 =	stileid.u32;
	[bflag:$0x2] =	sbarrier.arrive $0xFFFF  }
0x411: {  	p0 =	sne.s32 s0, $0x0;
	s0 =	rddreg [dreg:$0x2]  }
0x412: {  	s0 =	sadd.s32 @!p0 $0x100000, s0  }
0x413: {  	[sflag:s0] =	ssyncadd.tile.s32 @!p0 $0x1;
	_ =	shalt  }
.Lfunc_end2:
_tile_overlayer_lowered:
.L_overlay_start_2:
0x414: {  	(tag) =	ssettag $0x2  }
0x415: {  	s0 =	rddreg [dreg:$0x0];
	s2 =	stileid.u32  }
0x416: {  	s1 =	rddreg [dreg:$0x1];
	p0 =	sne.s32 s2, $0x0  }
0x417: {  	s3 =	rddreg [dreg:$0x2];
	[bflag:$0x3] =	sbarrier.arrive $0xFFFF;
	s2 =	simm.s32 @!p0 $0x1C05  }
0x418: {  	[timem:s3], [sflag:s2] =	dma.local @!p0 [hbm:s0], s1  }
0x419: {  	s0 =	simm.s32 @!p0 $0x5  }
0x41a: {  	_ =	swait.ge @!p0 [sflag:s0], s1  }
0x41b: {  	s1 =	ssub.s32 @!p0 $0x0, s1;
	[sflag:s0] =	ssyncset.done @!p0 $0x0  }
0x41c: {  	[sflag:s0] =	ssyncadd.s32 @!p0 s1  }
0x41d: {  	[bflag:$0x3] =	sbarrier.arrive $0xFFFF  }
0x41e: {  	_ =	shalt  }

// kernel: sparse-core-data-format-call.cloned.1.call-start
scs
called_computation_lowered:
.L_overlay_start_0:
0x0: {  	s2 =	sld [smem:$0x3FD9]  }
0x1: {  	s3 =	sld [smem:$0x3FFE];
	_ =	sdelay $0x1  }
0x2: {  	s1 =	srdreg.scid  }
0x3: {  	s0 =	sand.u32 $0x1, s1  }
0x4: {  	s18 =	sshll.u32 s0, $0xA;
	s2 =	sadd.s32 s3, s2  }
0x5: {  	s2 =	sadd.s32 s2, s18  }
0x6: {  	[smem:$0x3FC6] =	sst s2  }
0x7: {  	_ = 	snop  }
0x8: {  	s2 =	sld [smem:$0x3FC9];
	(tm) =	ssettm $0x1  }
0x9: {  	s19 =	sld [smem:$0x3FFB];
	_ =	sdelay $0x3  }
0xa: {  	_ =	strace s19  }
0xb: {  	s3 =	sld [smem:$0x3FFC];
	_ =	sdelay $0x3  }
0xc: {  	_ =	strace s3  }
0xd: {  	s3 =	sld [smem:$0x3FFD];
	_ =	sdelay $0x3  }
0xe: {  	_ =	strace s3  }
0xf: {  	_ =	strace $0x8FFFFFFF  }
0x10: {  	s20 =	sld [smem:$0x3FDB];
	_ =	sdelay $0x1  }
0x11: {  	s4 =	simm.s32 $_scs_section_size  }
0x12: {  	s5 =	simm.s32 $_size__tile_overlayer_lowered;
	s6 =	simm.s32 $_tile_overlayer_lowered  }
0x13: {  	s23 =	simm.s32 $0x1BFF;
	s22 =	sshll.u32 s6, $0x1;
	s3 =	sadd.s32 s4, s20  }
0x14: {  	s7 =	simm.s32 $0x0;
	s21 =	sshll.u32 s5, $0x1;
	s5 =	sadd.s32 s22, s3  }
0x15: {  	[timem:s7], [sflag:s23] =	dma.local [hbm:s5], s21  }
0x16: {  	_ =	swait.ge [sflag:s23], s21  }
0x17: {  	s4 =	ssub.s32 $0x0, s21;
	[sflag:s23] =	ssyncset.done $0x0  }
0x18: {  	[sflag:s23] =	ssyncadd.s32 s4;
	_ =	sdelay $0x1  }
0x19: {  	s24 =	simm.s32 $0x1B8B  }
0x1a: {  	_ =	swait.ge [sflag:s24], $0x1  }
0x1b: {  	[sflag:s24] =	ssyncset.done $0x0  }
0x1c: {  	s26 =	simm.s32 $0x1B8E;
	s25 =	sld [smem:$0x3FFE];
	[sflag:s24] =	ssyncadd.s32 $0xFFFFFFFF  }
0x1d: {  	s27 =	simm.s32 $execute0_lowered;
	[smem:$0x3FD2] =	sst s26  }
0x1e: {  	s5 =	sshll.u32 s27, $0x1;
	_ =	strace $0x80000046;
	[dreg:$0x1] =	wrdreg $0xFFFFFFFF  }
0x1f: {  	s28 =	simm.s32 $_size_execute0_lowered;
	s3 =	sadd.s32 s3, s5;
	[dreg:$0x0] =	wrdreg $0x0  }
0x20: {  	s5 =	sshll.u32 s28, $0x1;
	[dreg:$0x2] =	wrdreg s3  }
0x21: {  	[dreg:$0x3] =	wrdreg s5  }
0x22: {  	[dreg:$0x4] =	wrdreg $0xC0  }
0x23: {  	_ =	task [dreg:s7], $0x5FFFF  }
0x24: {  	[dreg:$0x1] =	wrdreg $0xFFFFFFFF  }
0x25: {  	[dreg:$0x0] =	wrdreg $0x60  }
0x26: {  	[dreg:$0x2] =	wrdreg s2  }
0x27: {  	[dreg:$0x3] =	wrdreg s25  }
0x28: {  	[dreg:$0x4] =	wrdreg $0x9  }
0x29: {  	_ =	task.clear_ibuf [dreg:s7], $0x5FFFF;
	_ =	strace $0x90000046  }
0x2a: {  	s29 =	simm.s32 $0x9;
	_ =	strace $0x80000048  }
0x2b: {  	_ =	swait.ge [sflag:s29], $0x1  }
0x2c: {  	[sflag:s29] =	ssyncadd.s32 $0xFFFFFFFF  }
0x2d: {  	_ =	strace $0x90000048  }
0x2e: {  	_ =	sfence  }
0x2f: {  	s30 =	sld [smem:$0x0];
	_ =	sdelay $0x2  }
0x30: {  	s31 =	sshll.u32 s1, $0xD;
	s1 =	sshrl.u32 s1, $0x2  }
0x31: {  	s3 =	sand.u32 $0x4000, s31;
	s1 =	sadd.s32 s1, s30  }
0x32: {  	s0 =	sor.u32 s3, s0;
	s1 =	sshll.u32 s1, $0x11  }
0x33: {  	s0 =	sor.u32 s1, s0  }
0x34: {  	s0 =	sadd.s32 $0x8F2B, s0  }
0x35: {  	[sflag:s0] =	ssyncadd.remote.s32 $0x1  }
0x36: {  	_ =	sfence.sel $0xFFFF  }
0x37: {  	[dreg:$0x0] =	wrdreg $0xFFFFFFFF;
	(pc) =	sbr.abs _section_cstart, $3  }
0x38: {  	[dreg:$0x1] =	wrdreg $0xFFFFFFFF  }
0x39: {  	_ =	task.clear_ibuf [dreg:s7], $0x2FFFF;
	_ =	strace $0x9FFFFFFF  }
0x3a: {  	(tm) =	ssettm $0x7FFFFFFF  }
0x3b: {  	_ =	shalt  }
tec
execute0_lowered:
.L_overlay_start_1:
0x0: {  	(tag) =	ssettag $0x1  }
0x1: {  	s2 =	rddreg [dreg:$0x0]  }
0x2: {  	s0 =	stileid.u32;
	s4 =	rddreg [dreg:$0x1]  }
0x3: {  	s1 =	rddreg [dreg:$0x2];
	s5 =	srdreg.scid  }
0x4: {  	_ =	strace $0x80000047;
	s31 =	simm.s32 $0x2;
	s16 =	simm.s32 $0x0  }
0x5: {  	p0 =	por $0x0, $0x0;
	s10 =	simm.s32 $0x800;
	s15 =	simm.s32 $0x0  }
0x6: {  	s17 =	simm.s32 $0x0;
	s3 =	sshll.u32 s0, $0x5;
	s5 =	sshll.u32 s5, $0x4  }
0x7: {  	s14 =	simm.s32 $0x0;
	s3 =	sand.u32 $0x80, s3;
	s5 =	sand.u32 $0x10, s5  }
0x8: {  	s4 =	sadd.s32 $0x1A00, s4;
	s6 =	ssub.s32 $0x100, s3;
	s8 =	sor.u32 s0, s5  }
.Ltmp0:
0x9: {  	s5 =	sand.u32 $0x3, s0;
	s7 =	sshrl.u32 s6, $0x7;
	(pc) =	sbr.rel .LBB1_1-.Ltmp0, $4  }
0xa: {  	s12 =	smov.u32 s3;
	s9 =	sshrl.u32 s6, $0x8;
	s7 =	sand.u32 $0x1, s7  }
0xb: {  	s6 =	simm.s32 $0x1;
	s8 =	sshrl.u32 s8, $0x3;
	s7 =	sadd.s32 s9, s7  }
0xc: {  	s13 =	smov.u32 s5;
	[sflag:s6] =	ssyncpa.u1 $0x0;
	s7 =	sshll.u32 s7, $0x5  }
0xd: {  	s11 =	smov.u32 s8;
	[sflag:s31] =	ssyncpa.u1 $0x0;
	s9 =	sor.u32 $0x1, s7  }
.LBB1_4:
0xe: {  	v5 =	vld [tilespmem:s21+$0xFFFFFFD0];
	[tilespmem:s20+$0x2040 ss:$0x81] =	vst.msk $0xffff, v1  }
0xf: {  	v58 =	vld [tilespmem:s21+$0xFFFFFFE0];
	[tilespmem:s20+$0x2850 ss:$0x81] =	vst.msk $0xffff, v2  }
0x10: {  	s22 =	sshra.s32 s22, $0x2;
	v59 =	vld [tilespmem:s21+$0xFFFFFFF0];
	[tilespmem:s20+$0x3060 ss:$0x81] =	vst.msk $0xffff, v3  }
0x11: {  	v60 =	vld [tilespmem:s21+$0x0];
	[tilespmem:s20+$0x0 ss:$0x81] =	vst.msk $0xffff, v0;
	s19 =	sadd.s32 s22, s19  }
0x12: {  	v61 =	vld [tilespmem:s21+$0x10];
	[tilespmem:s19+$0x3870 ss:$0x81] =	vst.msk $0xffff, v4  }
0x13: {  	v62 =	vld [tilespmem:s21+$0x20];
	[tilespmem:s19+$0x810 ss:$0x81] =	vst.msk $0xffff, v5  }
0x14: {  	v63 =	vld [tilespmem:s21+$0xFFFFFFC0];
	[tilespmem:s19+$0x1020 ss:$0x81] =	vst.msk $0xffff, v58  }
0x15: {  	s17 =	sshll.u32 s17, $0x13;
	[tilespmem:s19+$0x1830 ss:$0x81] =	vst.msk $0xffff, v59  }
0x16: {  	s28 =	sand.u32 $0xF80, s15;
	s16 =	sshll.u32 s16, $0xC;
	s17 =	sadd.s32 s4, s17;
	[tilespmem:s19+$0x2040 ss:$0x81] =	vst.msk $0xffff, v60  }
0x17: {  	s29 =	sshrl.u32 s15, $0x3;
	s30 =	sand.u32 $0x7, s15;
	s17 =	sadd.s32 s28, s17;
	[tilespmem:s19+$0x2850 ss:$0x81] =	vst.msk $0xffff, v61  }
0x18: {  	s31 =	sand.u32 $0xF, s29;
	s15 =	sshll.u32 s30, $0x12;
	s16 =	sadd.s32 s16, s17;
	[tilespmem:s19+$0x3060 ss:$0x81] =	vst.msk $0xffff, v62  }
0x19: {  	s15 =	sor.u32 $0x400, s15;
	s16 =	sadd.s32 s31, s16;
	[tilespmem:s19+$0x0 ss:$0x81] =	vst.msk $0xffff, v63  }
0x1a: {  	[hbm4b:s16+s15] =	stream.strided.scatter [tilespmem:s18], [sflag:$0x2], $0x4000, s10, s15, $0x20;
	[tilespmem:$0x10100] =	vst v63  }
.LBB1_5:
0x1b: {  	s18 =	sadd.s32 $0x4, s11  }
0x1c: {  	s15 =	sadd.s32 $0x100, s12;
	s19 =	smov.u32 s12;
	p2 =	sgt.s32 s18, $0x7F  }
0x1d: {  	s19 =	smov.u32 @p2 s15  }
0x1e: {  	s21 =	smov.u32 s13;
	s15 =	sadd.s32 $0x4, s13;
	p3 =	sgt.s32 s19, $0xFF  }
0x1f: {  	s21 =	smov.u32 @p3 s15  }
0x20: {  	s18 =	smov.u32 @p2 s8;
	p2 =	sgt.s32 s21, $0x3  }
0x21: {  	p1 =	slt.u32 s14, $0x2;
	s21 =	smov.u32 @p2 s5;
	p2 =	sne.s32 s14, s9  }
.Ltmp1:
0x22: {  	s20 =	simm.s32 @!p1 $0x2;
	(pc) =	sbr.rel @!p2 .LBB1_6-.Ltmp1, $4  }
0x23: {  	s16 =	smov.u32 s11;
	s17 =	smov.u32 s13;
	_ =	swait.ge @!p1 [sflag:s20], $0x4000  }
0x24: {  	p0 =	por !p0, !p0;
	[sflag:s20] =	ssyncset.done @!p1 $0x0;
	s11 =	smov.u32 s18  }
0x25: {  	s19 =	smov.u32 @p3 s3;
	s15 =	smov.u32 s12;
	[sflag:s20] =	ssyncadd.s32 @!p1 $0xFFFFC000  }
0x26: {  	s12 =	smov.u32 s19;
	s14 =	sadd.s32 $0x1, s14;
	s13 =	smov.u32 s21  }
.LBB1_1:
0x27: {  	p1 =	sge.u32 s14, s7;
	s31 =	sadd.s32 $0xFFFFFFFF, s14  }
0x28: {  	s18 =	sxor.u32 @!p1 $0xFFFFFFFF, s14;
	s19 =	sshll.u32 @!p1 s13, $0x13;
	s20 =	sshll.u32 @!p1 s12, $0xB  }
0x29: {  	s21 =	sshll.u32 @!p1 s11, $0x4;
	s18 =	sshll.u32 @!p1 s18, $0xE;
	s19 =	sadd.s32 @!p1 s2, s19  }
0x2a: {  	s21 =	sand.u32 @!p1 $0x7F0, s21;
	s18 =	sand.u32 @!p1 $0x4000, s18;
	s19 =	sadd.s32 @!p1 s20, s19  }
0x2b: {  	s20 =	simm.s32 @!p1 $0x80;
	s19 =	sadd.s32 @!p1 s21, s19;
	s21 =	simm.s32 @!p1 $0x4000  }
0x2c: {  	[tilespmem:s18], [sflag:$0x1] =	stream.strided.gather @!p1 [hbm4b:s19+s20], $0x4000, s21, s20, $0x38;
	[tilespmem:$0x10100] =	vst v63  }
0x2d: {  	p1 =	sge.u32 s31, s7  }
.Ltmp2:
0x2e: {  	_ = 	snop;
	(pc) =	sbr.rel @p1 .LBB1_5-.Ltmp2, $1  }
0x2f: {  	_ =	sdelay $0x3  }
0x30: {  	s18 =	simm.s32 $0x1  }
0x31: {  	_ =	swait.ge [sflag:s6], $0x4000;
	s18 =	simm.s32 @!p0 $0x0  }
0x32: {  	[sflag:s6] =	ssyncset.done $0x0;
	s19 =	sshll.u32 s18, $0xE  }
0x33: {  	[sflag:s6] =	ssyncadd.s32 $0xFFFFC000;
	s21 =	sor.u32 $0x40, s19  }
0x34: {  	s18 =	smul.u32 $0x10200, s18;
	v0 =	vld [tilespmem:s21+$0x30]  }
0x35: {  	v3 =	vld [tilespmem:s21+$0xFFFFFFD0]  }
0x36: {  	s18 =	sshrl.u32 s18, $0x2;
	v4 =	vld [tilespmem:s21+$0xFFFFFFE0]  }
0x37: {  	v5 =	vld [tilespmem:s21+$0xFFFFFFF0];
	s19 =	sor.u32 $0x8000, s18  }
0x38: {  	s31 =	sand.u32 $0x1, s14;
	v1 =	vld [tilespmem:s21+$0x0];
	s20 =	sadd.s32 $0x0, s19  }
0x39: {  	v2 =	vld [tilespmem:s21+$0x10];
	s18 =	smul.u32 $0x10200, s31;
	[tilespmem:s20+$0x3870 ss:$0x81] =	vst.msk $0xffff, v0  }
0x3a: {  	[tilespmem:s20+$0x810 ss:$0x81] =	vst.msk $0xffff, v3;
	v3 =	vld [tilespmem:s21+$0x20]  }
0x3b: {  	s18 =	sshrl.u32 s18, $0x2;
	v0 =	vld [tilespmem:s21+$0xFFFFFFC0];
	[tilespmem:s20+$0x1020 ss:$0x81] =	vst.msk $0xffff, v4;
	s21 =	sadd.s32 $0x80, s21  }
0x3c: {  	s22 =	simm.s32 $0x4;
	s23 =	simm.s32 $0x8;
	s18 =	sor.u32 $0x8000, s18;
	[tilespmem:s20+$0x1830 ss:$0x81] =	vst.msk $0xffff, v5;
	v4 =	vld [tilespmem:s21+$0x30]  }
.LBB1_3:
0x3d: {  	p1 =	sne.s32 s23, $0x1FC;
	v5 =	vld [tilespmem:s21+$0xFFFFFFD0];
	[tilespmem:s20+$0x2040 ss:$0x81] =	vst.msk $0xffff, v1  }
0x3e: {  	v6 =	vld [tilespmem:s21+$0xFFFFFFE0];
	[tilespmem:s20+$0x2850 ss:$0x81] =	vst.msk $0xffff, v2  }
0x3f: {  	s24 =	sshra.s32 s22, $0x2;
	s22 =	smov.u32 s23;
	v7 =	vld [tilespmem:s21+$0xFFFFFFF0];
	[tilespmem:s20+$0x3060 ss:$0x81] =	vst.msk $0xffff, v3  }
.Ltmp3:
0x40: {  	v1 =	vld [tilespmem:s21+$0x0];
	[tilespmem:s20+$0x0 ss:$0x81] =	vst.msk $0xffff, v0;
	s20 =	sadd.s32 s24, s19;
	(pc) =	sbr.rel @p1 .LBB1_3-.Ltmp3, $4  }
0x41: {  	v2 =	vld [tilespmem:s21+$0x10];
	[tilespmem:s20+$0x3870 ss:$0x81] =	vst.msk $0xffff, v4  }
0x42: {  	[tilespmem:s20+$0x810 ss:$0x81] =	vst.msk $0xffff, v5;
	v3 =	vld [tilespmem:s21+$0x20]  }
0x43: {  	v0 =	vld [tilespmem:s21+$0xFFFFFFC0];
	[tilespmem:s20+$0x1020 ss:$0x81] =	vst.msk $0xffff, v6;
	s21 =	sadd.s32 $0x80, s21  }
0x44: {  	s23 =	sadd.s32 $0x4, s23;
	v4 =	vld [tilespmem:s21+$0x30];
	[tilespmem:s20+$0x1830 ss:$0x81] =	vst.msk $0xffff, v7  }
.Ltmp4:
0x45: {  	_ = 	snop;
	(pc) =	sbr.rel .LBB1_4-.Ltmp4, $1  }
0x46: {  	_ =	sdelay $0x3  }
.LBB1_6:
0x47: {  	_ =	sfence.sel $0x180000  }
0x48: {  	s2 =	simm.s32 $0x1;
	[bflag:$0x0] =	sbarrier.arrive $0xFFFF  }
0x49: {  	s31 =	simm.s32 $0x2;
	[sflag:s2] =	ssyncpa.u1 $0x1  }
0x4a: {  	[sflag:s31] =	ssyncpa.u1 $0x1  }
0x4b: {  	p0 =	sne.s32 s0, $0x0;
	_ =	strace $0x90000047  }
0x4c: {  	s0 =	sadd.s32 @!p0 $0x100000, s1;
	[bflag:$0x2] =	sbarrier.arrive $0xFFFF  }
0x4d: {  	[sflag:s0] =	ssyncadd.tile.s32 @!p0 $0x1;
	_ =	shalt  }
.Lfunc_end1:
_tile_overlayer_lowered:
.L_overlay_start_2:
0x4e: {  	(tag) =	ssettag $0x2  }
0x4f: {  	s0 =	rddreg [dreg:$0x0];
	s2 =	stileid.u32  }
0x50: {  	s1 =	rddreg [dreg:$0x1];
	p0 =	sne.s32 s2, $0x0  }
0x51: {  	s3 =	rddreg [dreg:$0x2];
	[bflag:$0x3] =	sbarrier.arrive $0xFFFF;
	s2 =	simm.s32 @!p0 $0x1C01  }
0x52: {  	[timem:s3], [sflag:s2] =	dma.local @!p0 [hbm:s0], s1  }
0x53: {  	s0 =	simm.s32 @!p0 $0x1  }
0x54: {  	_ =	swait.ge @!p0 [sflag:s0], s1  }
0x55: {  	s1 =	ssub.s32 @!p0 $0x0, s1;
	[sflag:s0] =	ssyncset.done @!p0 $0x0  }
0x56: {  	[sflag:s0] =	ssyncadd.s32 @!p0 s1  }
0x57: {  	[bflag:$0x3] =	sbarrier.arrive $0xFFFF  }
0x58: {  	_ =	shalt  }

</sc_bundles>
